<compile_context>
chip_gen: v7x
topology: tpu7x:2x2x1
jax: 0.10.2.dev20260603
libtpu: 0.0.44.dev20260713+nightly
codegen_flags: <defaults>
</compile_context>

<pallas_src>
import jax
import jax.numpy as jnp
from jax import lax
from jax.experimental import pallas as pl

_IOU_THR = 0.5
_B, _N = 4, 5000
_G = 4
_T = 128
_M = 40
_CW = 8
_MP = _M + _CW
_NP = _MP * _T


def _suppress_mat(cx1, cy1, cx2, cy2, ca, rx1, ry1, rx2, ry2, ra):
    xi1 = jnp.maximum(cx1, rx1)
    yi1 = jnp.maximum(cy1, ry1)
    xi2 = jnp.minimum(cx2, rx2)
    yi2 = jnp.minimum(cy2, ry2)
    w = jnp.maximum(xi2 - xi1, 0.0)
    h = jnp.maximum(yi2 - yi1, 0.0)
    inter = w * h
    union = ca + ra - inter
    s = (inter >= _IOU_THR * union) & (union > 0.0)
    return s.astype(jnp.float32)


def _nms_body(x1r, y1r, x2r, y2r, outr):
    it = lax.broadcasted_iota(jnp.int32, (_T, _T), 0)
    iu = lax.broadcasted_iota(jnp.int32, (_T, _T), 1)
    tri = (it < iu).astype(jnp.float32)

    outr[0] = jnp.ones((_G, _MP, _T), jnp.float32)

    def block_step(i, _):
        cols = []
        s_ii = []
        pre = []
        for b in range(_G):
            rx1 = x1r[0, b, pl.ds(i, 1), :]
            ry1 = y1r[0, b, pl.ds(i, 1), :]
            rx2 = x2r[0, b, pl.ds(i, 1), :]
            ry2 = y2r[0, b, pl.ds(i, 1), :]
            ra = (rx2 - rx1) * (ry2 - ry1)
            cx1 = jnp.transpose(rx1)
            cy1 = jnp.transpose(ry1)
            cx2 = jnp.transpose(rx2)
            cy2 = jnp.transpose(ry2)
            ca = (cx2 - cx1) * (cy2 - cy1)
            cols.append((cx1, cy1, cx2, cy2, ca))
            s_ii.append(_suppress_mat(cx1, cy1, cx2, cy2, ca,
                                      rx1, ry1, rx2, ry2, ra) * tri)
            pre.append(outr[0, b, pl.ds(i, 1), :])

        def fix_body(st):
            kbs, _ = st
            kbs2 = []
            changed = None
            for b in range(_G):
                cnt = jnp.dot(kbs[b], s_ii[b],
                              preferred_element_type=jnp.float32)
                kb2 = pre[b] * (cnt <= 0.0).astype(jnp.float32)
                ch = jnp.any(kb2 != kbs[b])
                changed = ch if changed is None else jnp.logical_or(changed, ch)
                kbs2.append(kb2)
            return tuple(kbs2), changed

        kbs, _ = lax.while_loop(lambda st: st[1], fix_body,
                                (tuple(pre), True))
        for b in range(_G):
            outr[0, b, pl.ds(i, 1), :] = kbs[b]

        def cross_body(c, _):
            j = i + 1 + c * _CW
            for b in range(_G):
                cx1, cy1, cx2, cy2, ca = cols[b]
                jx1 = x1r[0, b, pl.ds(j, _CW), :]
                jy1 = y1r[0, b, pl.ds(j, _CW), :]
                jx2 = x2r[0, b, pl.ds(j, _CW), :]
                jy2 = y2r[0, b, pl.ds(j, _CW), :]
                cnts = []
                for k in range(_CW):
                    rjx1 = jx1[k:k + 1, :]
                    rjy1 = jy1[k:k + 1, :]
                    rjx2 = jx2[k:k + 1, :]
                    rjy2 = jy2[k:k + 1, :]
                    rja = (rjx2 - rjx1) * (rjy2 - rjy1)
                    s_ij = _suppress_mat(cx1, cy1, cx2, cy2, ca,
                                         rjx1, rjy1, rjx2, rjy2, rja)
                    cnts.append(jnp.dot(kbs[b], s_ij,
                                        preferred_element_type=jnp.float32))
                ok = (jnp.concatenate(cnts, axis=0) <= 0.0).astype(jnp.float32)
                outr[0, b, pl.ds(j, _CW), :] *= ok
            return 0

        nc = (_M + _CW - 2 - i) // _CW
        return lax.fori_loop(0, nc, cross_body, 0)

    lax.fori_loop(0, _M, block_step, 0)


def _plane_specs():
    spec = pl.BlockSpec((1, _G, _MP, _T), lambda g: (g, 0, 0, 0))
    return [spec] * 4


def kernel(proposals, cls_scores):
    obj = cls_scores[:, :, 1]
    order = jnp.argsort(-obj, axis=1)
    sboxes = jnp.take_along_axis(proposals, order[:, :, None], axis=1)

    pad = jnp.zeros((_B, _NP - _N, 4), sboxes.dtype)
    sp = jnp.concatenate([sboxes, pad], axis=1)
    planes = [sp[:, :, k].reshape(_B // _G, _G, _MP, _T) for k in range(4)]

    keepf = pl.pallas_call(
        _nms_body,
        grid=(_B // _G,),
        in_specs=_plane_specs(),
        out_specs=pl.BlockSpec((1, _G, _MP, _T), lambda g: (g, 0, 0, 0)),
        out_shape=jax.ShapeDtypeStruct((_B // _G, _G, _MP, _T), jnp.float32),
    )(*planes)

    keep = keepf.reshape(_B, _NP)[:, :_N] > 0.5
    perm = jnp.argsort(jnp.logical_not(keep), axis=1, stable=True)
    keep_s = jnp.take_along_axis(keep, perm, axis=1)
    out = jnp.take_along_axis(sboxes, perm[:, :, None], axis=1)
    return out * keep_s[:, :, None].astype(sboxes.dtype)

# --- scband reference (transcript-rebuilt; emitter-appended) ---
"""Pipeline reference for scband-proposal-filter-2757369004237 (READ-ONLY COPY).

The authoritative reference and input builder live on the scoring server;
editing this copy changes nothing except your own understanding.
"""

import jax, jax.numpy as jnp
import numpy as np
from jax import lax

IOU_THRESHOLD = 0.5
MIN_SIZE = 16  # note: unused in the original torch forward as well
B, N = 4, 5000


def setup_inputs(seed: int = 0) -> dict:
    key = jax.random.key(seed)
    k1, k2 = jax.random.split(key)
    proposals = jax.random.uniform(k1, (B, N, 4), dtype=jnp.float32)
    cls_scores = jax.random.uniform(k2, (B, N, 2), dtype=jnp.float32)
    return {"proposals": proposals, "cls_scores": cls_scores}


def _nms_single(boxes, scores):
    # boxes: [N, 4], scores: [N, 2]
    obj = scores[:, 1]
    order = jnp.argsort(-obj)  # descending by objectness, matches torch.sort(descending=True)
    sboxes = jnp.take(boxes, order, axis=0)
    n = sboxes.shape[0]
    sb = lax.stop_gradient(sboxes)
    x1, y1, x2, y2 = sb[:, 0], sb[:, 1], sb[:, 2], sb[:, 3]
    areas = (x2 - x1) * (y2 - y1)
    idx = jnp.arange(n)

    def body(i, keep):
        # IoU of sorted box i vs all boxes (same math as torch _calculate_areas)
        xi1 = jnp.maximum(x1[i], x1)
        yi1 = jnp.maximum(y1[i], y1)
        xi2 = jnp.minimum(x2[i], x2)
        yi2 = jnp.minimum(y2[i], y2)
        inter = jnp.clip(xi2 - xi1, 0.0) * jnp.clip(yi2 - yi1, 0.0)
        union = areas[i] + areas - inter
        iou = inter / union
        # greedy suppression: if box i is still kept, suppress later boxes with iou >= thr
        suppress = (iou >= IOU_THRESHOLD) & (idx > i) & keep[i]
        return keep & jnp.logical_not(suppress)

    keep = lax.fori_loop(0, n, body, jnp.ones((n,), dtype=bool))
    # Torch returns kept boxes in descending-score order (variable length).
    # JAX equivalent: kept boxes moved to the front (stable), zero-padded to fixed N.
    perm = jnp.argsort(jnp.logical_not(keep), stable=True)
    kept_sorted = jnp.take(keep, perm, axis=0)
    out = jnp.take(sboxes, perm, axis=0) * kept_sorted[:, None].astype(sboxes.dtype)
    return out


def reference(proposals, cls_scores):
    # per-image NMS over the batch, like the python loop in torch forward
    return jax.vmap(_nms_single)(proposals, cls_scores)

if __name__ == "__main__":
    import jax
    _d = setup_inputs()
    print(jax.jit(kernel)(*tuple(_d.values())))

</pallas_src>

<mosaic_0001>
module attributes {stable_mosaic.version = 14 : i64} {
  func.func @_nms_body(%arg0: i32, %arg1: memref<1x4x48x128xf32, #tpu.memory_space<vmem>>, %arg2: memref<1x4x48x128xf32, #tpu.memory_space<vmem>>, %arg3: memref<1x4x48x128xf32, #tpu.memory_space<vmem>>, %arg4: memref<1x4x48x128xf32, #tpu.memory_space<vmem>>, %arg5: memref<1x4x48x128xf32, #tpu.memory_space<vmem>>) attributes {dimension_semantics = [#tpu.dimension_semantics<arbitrary>], iteration_bounds = array<i64: 1>, scalar_prefetch = 0 : i64, scratch_operands = 0 : i64, tpu.core_type = #tpu.core_type<tc>, window_params = [{transform_indices = @transform_0, window_bounds = array<i64: 1, 4, 48, 128>}, {transform_indices = @transform_1, window_bounds = array<i64: 1, 4, 48, 128>}, {transform_indices = @transform_2, window_bounds = array<i64: 1, 4, 48, 128>}, {transform_indices = @transform_3, window_bounds = array<i64: 1, 4, 48, 128>}, {transform_indices = @transform_4, window_bounds = array<i64: 1, 4, 48, 128>}]} {
    %iota3A = tpu.iota {dimensions = array<i32: 0>} : vector<128x128xi32>
    %iota3A_0 = tpu.iota {dimensions = array<i32: 1>} : vector<128x128xi32>
    %lt3A = arith.cmpi slt, %iota3A, %iota3A_0 : vector<128x128xi32>
    %convert_element_type3A = arith.extui %lt3A : vector<128x128xi1> to vector<128x128xi32>
    %convert_element_type3A_1 = arith.sitofp %convert_element_type3A : vector<128x128xi32> to vector<128x128xf32>
    %broadcast_in_dim3A = arith.constant 1.000000e+00 : f32
    %broadcast_in_dim3A_2 = vector.broadcast %broadcast_in_dim3A : f32 to vector<4x48x128xf32>
    %swap3A = arith.constant 0 : index
    %swap3A_3 = arith.constant 0 : index
    %swap3A_4 = arith.constant 0 : index
    %swap3A_5 = arith.constant 0 : index
    %swap3A_6 = vector.load %arg5[%swap3A, %swap3A_3, %swap3A_4, %swap3A_5] : memref<1x4x48x128xf32, #tpu.memory_space<vmem>>, vector<1x4x48x128xf32>
    %swap3A_7 = vector.shape_cast %swap3A_6 : vector<1x4x48x128xf32> to vector<4x48x128xf32>
    %swap3A_8 = vector.shape_cast %broadcast_in_dim3A_2 : vector<4x48x128xf32> to vector<1x4x48x128xf32>
    tpu.vector_store %arg5[%swap3A, %swap3A_3, %swap3A_4, %swap3A_5], %swap3A_8 {strides = array<i32>} : memref<1x4x48x128xf32, #tpu.memory_space<vmem>>, vector<1x4x48x128xf32>,
    %scan3A = arith.constant 0 : i32
    %scan3A_9 = arith.constant 40 : i32
    %scan3A_10 = arith.addi %scan3A, %scan3A_9 : i32
    %scan3A_11 = arith.constant 1 : i32
    scf.for %scan3A_13 = %scan3A to %scan3A_10 step %scan3A_11  : i32 {
      %get3A = arith.constant 0 : index
      %get3A_14 = arith.constant 0 : index
      %get3A_15 = arith.index_cast %scan3A_13 : i32 to index
      %get3A_16 = arith.constant 0 : index
      %get3A_17 = vector.load %arg1[%get3A, %get3A_14, %get3A_15, %get3A_16] : memref<1x4x48x128xf32, #tpu.memory_space<vmem>>, vector<1x1x1x128xf32>
      %get3A_18 = vector.shape_cast %get3A_17 : vector<1x1x1x128xf32> to vector<1x128xf32>
      %get3A_19 = arith.constant 0 : index
      %get3A_20 = arith.constant 0 : index
      %get3A_21 = arith.index_cast %scan3A_13 : i32 to index
      %get3A_22 = arith.constant 0 : index
      %get3A_23 = vector.load %arg2[%get3A_19, %get3A_20, %get3A_21, %get3A_22] : memref<1x4x48x128xf32, #tpu.memory_space<vmem>>, vector<1x1x1x128xf32>
      %get3A_24 = vector.shape_cast %get3A_23 : vector<1x1x1x128xf32> to vector<1x128xf32>
      %get3A_25 = arith.constant 0 : index
      %get3A_26 = arith.constant 0 : index
      %get3A_27 = arith.index_cast %scan3A_13 : i32 to index
      %get3A_28 = arith.constant 0 : index
      %get3A_29 = vector.load %arg3[%get3A_25, %get3A_26, %get3A_27, %get3A_28] : memref<1x4x48x128xf32, #tpu.memory_space<vmem>>, vector<1x1x1x128xf32>
      %get3A_30 = vector.shape_cast %get3A_29 : vector<1x1x1x128xf32> to vector<1x128xf32>
      %get3A_31 = arith.constant 0 : index
      %get3A_32 = arith.constant 0 : index
      %get3A_33 = arith.index_cast %scan3A_13 : i32 to index
      %get3A_34 = arith.constant 0 : index
      %get3A_35 = vector.load %arg4[%get3A_31, %get3A_32, %get3A_33, %get3A_34] : memref<1x4x48x128xf32, #tpu.memory_space<vmem>>, vector<1x1x1x128xf32>
      %get3A_36 = vector.shape_cast %get3A_35 : vector<1x1x1x128xf32> to vector<1x128xf32>
      %sub3A = arith.subf %get3A_30, %get3A_18 : vector<1x128xf32>
      %sub3A_37 = arith.subf %get3A_36, %get3A_24 : vector<1x128xf32>
      %mul3A = arith.mulf %sub3A, %sub3A_37 : vector<1x128xf32>
      %transpose3A = tpu.transpose %get3A_18, [1, 0] : vector<1x128xf32> -> vector<128x1xf32>
      %transpose3A_38 = tpu.transpose %get3A_24, [1, 0] : vector<1x128xf32> -> vector<128x1xf32>
      %transpose3A_39 = tpu.transpose %get3A_30, [1, 0] : vector<1x128xf32> -> vector<128x1xf32>
      %transpose3A_40 = tpu.transpose %get3A_36, [1, 0] : vector<1x128xf32> -> vector<128x1xf32>
      %sub3A_41 = arith.subf %transpose3A_39, %transpose3A : vector<128x1xf32>
      %sub3A_42 = arith.subf %transpose3A_40, %transpose3A_38 : vector<128x1xf32>
      %mul3A_43 = arith.mulf %sub3A_41, %sub3A_42 : vector<128x1xf32>
      %max3A = vector.broadcast %transpose3A : vector<128x1xf32> to vector<128x128xf32>
      %max3A_44 = vector.broadcast %get3A_18 : vector<1x128xf32> to vector<128x128xf32>
      %max3A_45 = arith.maximumf %max3A, %max3A_44 : vector<128x128xf32>
      %max3A_46 = vector.broadcast %transpose3A_38 : vector<128x1xf32> to vector<128x128xf32>
      %max3A_47 = vector.broadcast %get3A_24 : vector<1x128xf32> to vector<128x128xf32>
      %max3A_48 = arith.maximumf %max3A_46, %max3A_47 : vector<128x128xf32>
      %min3A = vector.broadcast %transpose3A_39 : vector<128x1xf32> to vector<128x128xf32>
      %min3A_49 = vector.broadcast %get3A_30 : vector<1x128xf32> to vector<128x128xf32>
      %min3A_50 = arith.minimumf %min3A, %min3A_49 : vector<128x128xf32>
      %min3A_51 = vector.broadcast %transpose3A_40 : vector<128x1xf32> to vector<128x128xf32>
      %min3A_52 = vector.broadcast %get3A_36 : vector<1x128xf32> to vector<128x128xf32>
      %min3A_53 = arith.minimumf %min3A_51, %min3A_52 : vector<128x128xf32>
      %sub3A_54 = arith.subf %min3A_50, %max3A_45 : vector<128x128xf32>
      %max3A_55 = arith.constant 0.000000e+00 : f32
      %max3A_56 = vector.broadcast %max3A_55 : f32 to vector<128x128xf32>
      %max3A_57 = arith.maximumf %sub3A_54, %max3A_56 : vector<128x128xf32>
      %sub3A_58 = arith.subf %min3A_53, %max3A_48 : vector<128x128xf32>
      %max3A_59 = arith.constant 0.000000e+00 : f32
      %max3A_60 = vector.broadcast %max3A_59 : f32 to vector<128x128xf32>
      %max3A_61 = arith.maximumf %sub3A_58, %max3A_60 : vector<128x128xf32>
      %mul3A_62 = arith.mulf %max3A_57, %max3A_61 : vector<128x128xf32>
      %add3A = vector.broadcast %mul3A_43 : vector<128x1xf32> to vector<128x128xf32>
      %add3A_63 = vector.broadcast %mul3A : vector<1x128xf32> to vector<128x128xf32>
      %add3A_64 = arith.addf %add3A, %add3A_63 : vector<128x128xf32>
      %sub3A_65 = arith.subf %add3A_64, %mul3A_62 : vector<128x128xf32>
      %mul3A_66 = arith.constant 5.000000e-01 : f32
      %mul3A_67 = vector.broadcast %mul3A_66 : f32 to vector<128x128xf32>
      %mul3A_68 = arith.mulf %mul3A_67, %sub3A_65 : vector<128x128xf32>
      %ge3A = arith.cmpf oge, %mul3A_62, %mul3A_68 : vector<128x128xf32>
      %gt3A = arith.constant 0.000000e+00 : f32
      %gt3A_69 = vector.broadcast %gt3A : f32 to vector<128x128xf32>
      %gt3A_70 = arith.cmpf ogt, %sub3A_65, %gt3A_69 : vector<128x128xf32>
      %and3A = arith.andi %ge3A, %gt3A_70 : vector<128x128xi1>
      %convert_element_type3A_71 = arith.extui %and3A : vector<128x128xi1> to vector<128x128xi32>
      %convert_element_type3A_72 = arith.sitofp %convert_element_type3A_71 : vector<128x128xi32> to vector<128x128xf32>
      %mul3A_73 = arith.mulf %convert_element_type3A_72, %convert_element_type3A_1 : vector<128x128xf32>
      %get3A_74 = arith.constant 0 : index
      %get3A_75 = arith.constant 0 : index
      %get3A_76 = arith.index_cast %scan3A_13 : i32 to index
      %get3A_77 = arith.constant 0 : index
      %get3A_78 = vector.load %arg5[%get3A_74, %get3A_75, %get3A_76, %get3A_77] : memref<1x4x48x128xf32, #tpu.memory_space<vmem>>, vector<1x1x1x128xf32>
      %get3A_79 = vector.shape_cast %get3A_78 : vector<1x1x1x128xf32> to vector<1x128xf32>
      %get3A_80 = arith.constant 0 : index
      %get3A_81 = arith.constant 1 : index
      %get3A_82 = arith.index_cast %scan3A_13 : i32 to index
      %get3A_83 = arith.constant 0 : index
      %get3A_84 = vector.load %arg1[%get3A_80, %get3A_81, %get3A_82, %get3A_83] : memref<1x4x48x128xf32, #tpu.memory_space<vmem>>, vector<1x1x1x128xf32>
      %get3A_85 = vector.shape_cast %get3A_84 : vector<1x1x1x128xf32> to vector<1x128xf32>
      %get3A_86 = arith.constant 0 : index
      %get3A_87 = arith.constant 1 : index
      %get3A_88 = arith.index_cast %scan3A_13 : i32 to index
      %get3A_89 = arith.constant 0 : index
      %get3A_90 = vector.load %arg2[%get3A_86, %get3A_87, %get3A_88, %get3A_89] : memref<1x4x48x128xf32, #tpu.memory_space<vmem>>, vector<1x1x1x128xf32>
      %get3A_91 = vector.shape_cast %get3A_90 : vector<1x1x1x128xf32> to vector<1x128xf32>
      %get3A_92 = arith.constant 0 : index
      %get3A_93 = arith.constant 1 : index
      %get3A_94 = arith.index_cast %scan3A_13 : i32 to index
      %get3A_95 = arith.constant 0 : index
      %get3A_96 = vector.load %arg3[%get3A_92, %get3A_93, %get3A_94, %get3A_95] : memref<1x4x48x128xf32, #tpu.memory_space<vmem>>, vector<1x1x1x128xf32>
      %get3A_97 = vector.shape_cast %get3A_96 : vector<1x1x1x128xf32> to vector<1x128xf32>
      %get3A_98 = arith.constant 0 : index
      %get3A_99 = arith.constant 1 : index
      %get3A_100 = arith.index_cast %scan3A_13 : i32 to index
      %get3A_101 = arith.constant 0 : index
      %get3A_102 = vector.load %arg4[%get3A_98, %get3A_99, %get3A_100, %get3A_101] : memref<1x4x48x128xf32, #tpu.memory_space<vmem>>, vector<1x1x1x128xf32>
      %get3A_103 = vector.shape_cast %get3A_102 : vector<1x1x1x128xf32> to vector<1x128xf32>
      %sub3A_104 = arith.subf %get3A_97, %get3A_85 : vector<1x128xf32>
      %sub3A_105 = arith.subf %get3A_103, %get3A_91 : vector<1x128xf32>
      %mul3A_106 = arith.mulf %sub3A_104, %sub3A_105 : vector<1x128xf32>
      %transpose3A_107 = tpu.transpose %get3A_85, [1, 0] : vector<1x128xf32> -> vector<128x1xf32>
      %transpose3A_108 = tpu.transpose %get3A_91, [1, 0] : vector<1x128xf32> -> vector<128x1xf32>
      %transpose3A_109 = tpu.transpose %get3A_97, [1, 0] : vector<1x128xf32> -> vector<128x1xf32>
      %transpose3A_110 = tpu.transpose %get3A_103, [1, 0] : vector<1x128xf32> -> vector<128x1xf32>
      %sub3A_111 = arith.subf %transpose3A_109, %transpose3A_107 : vector<128x1xf32>
      %sub3A_112 = arith.subf %transpose3A_110, %transpose3A_108 : vector<128x1xf32>
      %mul3A_113 = arith.mulf %sub3A_111, %sub3A_112 : vector<128x1xf32>
      %max3A_114 = vector.broadcast %transpose3A_107 : vector<128x1xf32> to vector<128x128xf32>
      %max3A_115 = vector.broadcast %get3A_85 : vector<1x128xf32> to vector<128x128xf32>
      %max3A_116 = arith.maximumf %max3A_114, %max3A_115 : vector<128x128xf32>
      %max3A_117 = vector.broadcast %transpose3A_108 : vector<128x1xf32> to vector<128x128xf32>
      %max3A_118 = vector.broadcast %get3A_91 : vector<1x128xf32> to vector<128x128xf32>
      %max3A_119 = arith.maximumf %max3A_117, %max3A_118 : vector<128x128xf32>
      %min3A_120 = vector.broadcast %transpose3A_109 : vector<128x1xf32> to vector<128x128xf32>
      %min3A_121 = vector.broadcast %get3A_97 : vector<1x128xf32> to vector<128x128xf32>
      %min3A_122 = arith.minimumf %min3A_120, %min3A_121 : vector<128x128xf32>
      %min3A_123 = vector.broadcast %transpose3A_110 : vector<128x1xf32> to vector<128x128xf32>
      %min3A_124 = vector.broadcast %get3A_103 : vector<1x128xf32> to vector<128x128xf32>
      %min3A_125 = arith.minimumf %min3A_123, %min3A_124 : vector<128x128xf32>
      %sub3A_126 = arith.subf %min3A_122, %max3A_116 : vector<128x128xf32>
      %max3A_127 = arith.constant 0.000000e+00 : f32
      %max3A_128 = vector.broadcast %max3A_127 : f32 to vector<128x128xf32>
      %max3A_129 = arith.maximumf %sub3A_126, %max3A_128 : vector<128x128xf32>
      %sub3A_130 = arith.subf %min3A_125, %max3A_119 : vector<128x128xf32>
      %max3A_131 = arith.constant 0.000000e+00 : f32
      %max3A_132 = vector.broadcast %max3A_131 : f32 to vector<128x128xf32>
      %max3A_133 = arith.maximumf %sub3A_130, %max3A_132 : vector<128x128xf32>
      %mul3A_134 = arith.mulf %max3A_129, %max3A_133 : vector<128x128xf32>
      %add3A_135 = vector.broadcast %mul3A_113 : vector<128x1xf32> to vector<128x128xf32>
      %add3A_136 = vector.broadcast %mul3A_106 : vector<1x128xf32> to vector<128x128xf32>
      %add3A_137 = arith.addf %add3A_135, %add3A_136 : vector<128x128xf32>
      %sub3A_138 = arith.subf %add3A_137, %mul3A_134 : vector<128x128xf32>
      %mul3A_139 = arith.constant 5.000000e-01 : f32
      %mul3A_140 = vector.broadcast %mul3A_139 : f32 to vector<128x128xf32>
      %mul3A_141 = arith.mulf %mul3A_140, %sub3A_138 : vector<128x128xf32>
      %ge3A_142 = arith.cmpf oge, %mul3A_134, %mul3A_141 : vector<128x128xf32>
      %gt3A_143 = arith.constant 0.000000e+00 : f32
      %gt3A_144 = vector.broadcast %gt3A_143 : f32 to vector<128x128xf32>
      %gt3A_145 = arith.cmpf ogt, %sub3A_138, %gt3A_144 : vector<128x128xf32>
      %and3A_146 = arith.andi %ge3A_142, %gt3A_145 : vector<128x128xi1>
      %convert_element_type3A_147 = arith.extui %and3A_146 : vector<128x128xi1> to vector<128x128xi32>
      %convert_element_type3A_148 = arith.sitofp %convert_element_type3A_147 : vector<128x128xi32> to vector<128x128xf32>
      %mul3A_149 = arith.mulf %convert_element_type3A_148, %convert_element_type3A_1 : vector<128x128xf32>
      %get3A_150 = arith.constant 0 : index
      %get3A_151 = arith.constant 1 : index
      %get3A_152 = arith.index_cast %scan3A_13 : i32 to index
      %get3A_153 = arith.constant 0 : index
      %get3A_154 = vector.load %arg5[%get3A_150, %get3A_151, %get3A_152, %get3A_153] : memref<1x4x48x128xf32, #tpu.memory_space<vmem>>, vector<1x1x1x128xf32>
      %get3A_155 = vector.shape_cast %get3A_154 : vector<1x1x1x128xf32> to vector<1x128xf32>
      %get3A_156 = arith.constant 0 : index
      %get3A_157 = arith.constant 2 : index
      %get3A_158 = arith.index_cast %scan3A_13 : i32 to index
      %get3A_159 = arith.constant 0 : index
      %get3A_160 = vector.load %arg1[%get3A_156, %get3A_157, %get3A_158, %get3A_159] : memref<1x4x48x128xf32, #tpu.memory_space<vmem>>, vector<1x1x1x128xf32>
      %get3A_161 = vector.shape_cast %get3A_160 : vector<1x1x1x128xf32> to vector<1x128xf32>
      %get3A_162 = arith.constant 0 : index
      %get3A_163 = arith.constant 2 : index
      %get3A_164 = arith.index_cast %scan3A_13 : i32 to index
      %get3A_165 = arith.constant 0 : index
      %get3A_166 = vector.load %arg2[%get3A_162, %get3A_163, %get3A_164, %get3A_165] : memref<1x4x48x128xf32, #tpu.memory_space<vmem>>, vector<1x1x1x128xf32>
      %get3A_167 = vector.shape_cast %get3A_166 : vector<1x1x1x128xf32> to vector<1x128xf32>
      %get3A_168 = arith.constant 0 : index
      %get3A_169 = arith.constant 2 : index
      %get3A_170 = arith.index_cast %scan3A_13 : i32 to index
      %get3A_171 = arith.constant 0 : index
      %get3A_172 = vector.load %arg3[%get3A_168, %get3A_169, %get3A_170, %get3A_171] : memref<1x4x48x128xf32, #tpu.memory_space<vmem>>, vector<1x1x1x128xf32>
      %get3A_173 = vector.shape_cast %get3A_172 : vector<1x1x1x128xf32> to vector<1x128xf32>
      %get3A_174 = arith.constant 0 : index
      %get3A_175 = arith.constant 2 : index
      %get3A_176 = arith.index_cast %scan3A_13 : i32 to index
      %get3A_177 = arith.constant 0 : index
      %get3A_178 = vector.load %arg4[%get3A_174, %get3A_175, %get3A_176, %get3A_177] : memref<1x4x48x128xf32, #tpu.memory_space<vmem>>, vector<1x1x1x128xf32>
      %get3A_179 = vector.shape_cast %get3A_178 : vector<1x1x1x128xf32> to vector<1x128xf32>
      %sub3A_180 = arith.subf %get3A_173, %get3A_161 : vector<1x128xf32>
      %sub3A_181 = arith.subf %get3A_179, %get3A_167 : vector<1x128xf32>
      %mul3A_182 = arith.mulf %sub3A_180, %sub3A_181 : vector<1x128xf32>
      %transpose3A_183 = tpu.transpose %get3A_161, [1, 0] : vector<1x128xf32> -> vector<128x1xf32>
      %transpose3A_184 = tpu.transpose %get3A_167, [1, 0] : vector<1x128xf32> -> vector<128x1xf32>
      %transpose3A_185 = tpu.transpose %get3A_173, [1, 0] : vector<1x128xf32> -> vector<128x1xf32>
      %transpose3A_186 = tpu.transpose %get3A_179, [1, 0] : vector<1x128xf32> -> vector<128x1xf32>
      %sub3A_187 = arith.subf %transpose3A_185, %transpose3A_183 : vector<128x1xf32>
      %sub3A_188 = arith.subf %transpose3A_186, %transpose3A_184 : vector<128x1xf32>
      %mul3A_189 = arith.mulf %sub3A_187, %sub3A_188 : vector<128x1xf32>
      %max3A_190 = vector.broadcast %transpose3A_183 : vector<128x1xf32> to vector<128x128xf32>
      %max3A_191 = vector.broadcast %get3A_161 : vector<1x128xf32> to vector<128x128xf32>
      %max3A_192 = arith.maximumf %max3A_190, %max3A_191 : vector<128x128xf32>
      %max3A_193 = vector.broadcast %transpose3A_184 : vector<128x1xf32> to vector<128x128xf32>
      %max3A_194 = vector.broadcast %get3A_167 : vector<1x128xf32> to vector<128x128xf32>
      %max3A_195 = arith.maximumf %max3A_193, %max3A_194 : vector<128x128xf32>
      %min3A_196 = vector.broadcast %transpose3A_185 : vector<128x1xf32> to vector<128x128xf32>
      %min3A_197 = vector.broadcast %get3A_173 : vector<1x128xf32> to vector<128x128xf32>
      %min3A_198 = arith.minimumf %min3A_196, %min3A_197 : vector<128x128xf32>
      %min3A_199 = vector.broadcast %transpose3A_186 : vector<128x1xf32> to vector<128x128xf32>
      %min3A_200 = vector.broadcast %get3A_179 : vector<1x128xf32> to vector<128x128xf32>
      %min3A_201 = arith.minimumf %min3A_199, %min3A_200 : vector<128x128xf32>
      %sub3A_202 = arith.subf %min3A_198, %max3A_192 : vector<128x128xf32>
      %max3A_203 = arith.constant 0.000000e+00 : f32
      %max3A_204 = vector.broadcast %max3A_203 : f32 to vector<128x128xf32>
      %max3A_205 = arith.maximumf %sub3A_202, %max3A_204 : vector<128x128xf32>
      %sub3A_206 = arith.subf %min3A_201, %max3A_195 : vector<128x128xf32>
      %max3A_207 = arith.constant 0.000000e+00 : f32
      %max3A_208 = vector.broadcast %max3A_207 : f32 to vector<128x128xf32>
      %max3A_209 = arith.maximumf %sub3A_206, %max3A_208 : vector<128x128xf32>
      %mul3A_210 = arith.mulf %max3A_205, %max3A_209 : vector<128x128xf32>
      %add3A_211 = vector.broadcast %mul3A_189 : vector<128x1xf32> to vector<128x128xf32>
      %add3A_212 = vector.broadcast %mul3A_182 : vector<1x128xf32> to vector<128x128xf32>
      %add3A_213 = arith.addf %add3A_211, %add3A_212 : vector<128x128xf32>
      %sub3A_214 = arith.subf %add3A_213, %mul3A_210 : vector<128x128xf32>
      %mul3A_215 = arith.constant 5.000000e-01 : f32
      %mul3A_216 = vector.broadcast %mul3A_215 : f32 to vector<128x128xf32>
      %mul3A_217 = arith.mulf %mul3A_216, %sub3A_214 : vector<128x128xf32>
      %ge3A_218 = arith.cmpf oge, %mul3A_210, %mul3A_217 : vector<128x128xf32>
      %gt3A_219 = arith.constant 0.000000e+00 : f32
      %gt3A_220 = vector.broadcast %gt3A_219 : f32 to vector<128x128xf32>
      %gt3A_221 = arith.cmpf ogt, %sub3A_214, %gt3A_220 : vector<128x128xf32>
      %and3A_222 = arith.andi %ge3A_218, %gt3A_221 : vector<128x128xi1>
      %convert_element_type3A_223 = arith.extui %and3A_222 : vector<128x128xi1> to vector<128x128xi32>
      %convert_element_type3A_224 = arith.sitofp %convert_element_type3A_223 : vector<128x128xi32> to vector<128x128xf32>
      %mul3A_225 = arith.mulf %convert_element_type3A_224, %convert_element_type3A_1 : vector<128x128xf32>
      %get3A_226 = arith.constant 0 : index
      %get3A_227 = arith.constant 2 : index
      %get3A_228 = arith.index_cast %scan3A_13 : i32 to index
      %get3A_229 = arith.constant 0 : index
      %get3A_230 = vector.load %arg5[%get3A_226, %get3A_227, %get3A_228, %get3A_229] : memref<1x4x48x128xf32, #tpu.memory_space<vmem>>, vector<1x1x1x128xf32>
      %get3A_231 = vector.shape_cast %get3A_230 : vector<1x1x1x128xf32> to vector<1x128xf32>
      %get3A_232 = arith.constant 0 : index
      %get3A_233 = arith.constant 3 : index
      %get3A_234 = arith.index_cast %scan3A_13 : i32 to index
      %get3A_235 = arith.constant 0 : index
      %get3A_236 = vector.load %arg1[%get3A_232, %get3A_233, %get3A_234, %get3A_235] : memref<1x4x48x128xf32, #tpu.memory_space<vmem>>, vector<1x1x1x128xf32>
      %get3A_237 = vector.shape_cast %get3A_236 : vector<1x1x1x128xf32> to vector<1x128xf32>
      %get3A_238 = arith.constant 0 : index
      %get3A_239 = arith.constant 3 : index
      %get3A_240 = arith.index_cast %scan3A_13 : i32 to index
      %get3A_241 = arith.constant 0 : index
      %get3A_242 = vector.load %arg2[%get3A_238, %get3A_239, %get3A_240, %get3A_241] : memref<1x4x48x128xf32, #tpu.memory_space<vmem>>, vector<1x1x1x128xf32>
      %get3A_243 = vector.shape_cast %get3A_242 : vector<1x1x1x128xf32> to vector<1x128xf32>
      %get3A_244 = arith.constant 0 : index
      %get3A_245 = arith.constant 3 : index
      %get3A_246 = arith.index_cast %scan3A_13 : i32 to index
      %get3A_247 = arith.constant 0 : index
      %get3A_248 = vector.load %arg3[%get3A_244, %get3A_245, %get3A_246, %get3A_247] : memref<1x4x48x128xf32, #tpu.memory_space<vmem>>, vector<1x1x1x128xf32>
      %get3A_249 = vector.shape_cast %get3A_248 : vector<1x1x1x128xf32> to vector<1x128xf32>
      %get3A_250 = arith.constant 0 : index
      %get3A_251 = arith.constant 3 : index
      %get3A_252 = arith.index_cast %scan3A_13 : i32 to index
      %get3A_253 = arith.constant 0 : index
      %get3A_254 = vector.load %arg4[%get3A_250, %get3A_251, %get3A_252, %get3A_253] : memref<1x4x48x128xf32, #tpu.memory_space<vmem>>, vector<1x1x1x128xf32>
      %get3A_255 = vector.shape_cast %get3A_254 : vector<1x1x1x128xf32> to vector<1x128xf32>
      %sub3A_256 = arith.subf %get3A_249, %get3A_237 : vector<1x128xf32>
      %sub3A_257 = arith.subf %get3A_255, %get3A_243 : vector<1x128xf32>
      %mul3A_258 = arith.mulf %sub3A_256, %sub3A_257 : vector<1x128xf32>
      %transpose3A_259 = tpu.transpose %get3A_237, [1, 0] : vector<1x128xf32> -> vector<128x1xf32>
      %transpose3A_260 = tpu.transpose %get3A_243, [1, 0] : vector<1x128xf32> -> vector<128x1xf32>
      %transpose3A_261 = tpu.transpose %get3A_249, [1, 0] : vector<1x128xf32> -> vector<128x1xf32>
      %transpose3A_262 = tpu.transpose %get3A_255, [1, 0] : vector<1x128xf32> -> vector<128x1xf32>
      %sub3A_263 = arith.subf %transpose3A_261, %transpose3A_259 : vector<128x1xf32>
      %sub3A_264 = arith.subf %transpose3A_262, %transpose3A_260 : vector<128x1xf32>
      %mul3A_265 = arith.mulf %sub3A_263, %sub3A_264 : vector<128x1xf32>
      %max3A_266 = vector.broadcast %transpose3A_259 : vector<128x1xf32> to vector<128x128xf32>
      %max3A_267 = vector.broadcast %get3A_237 : vector<1x128xf32> to vector<128x128xf32>
      %max3A_268 = arith.maximumf %max3A_266, %max3A_267 : vector<128x128xf32>
      %max3A_269 = vector.broadcast %transpose3A_260 : vector<128x1xf32> to vector<128x128xf32>
      %max3A_270 = vector.broadcast %get3A_243 : vector<1x128xf32> to vector<128x128xf32>
      %max3A_271 = arith.maximumf %max3A_269, %max3A_270 : vector<128x128xf32>
      %min3A_272 = vector.broadcast %transpose3A_261 : vector<128x1xf32> to vector<128x128xf32>
      %min3A_273 = vector.broadcast %get3A_249 : vector<1x128xf32> to vector<128x128xf32>
      %min3A_274 = arith.minimumf %min3A_272, %min3A_273 : vector<128x128xf32>
      %min3A_275 = vector.broadcast %transpose3A_262 : vector<128x1xf32> to vector<128x128xf32>
      %min3A_276 = vector.broadcast %get3A_255 : vector<1x128xf32> to vector<128x128xf32>
      %min3A_277 = arith.minimumf %min3A_275, %min3A_276 : vector<128x128xf32>
      %sub3A_278 = arith.subf %min3A_274, %max3A_268 : vector<128x128xf32>
      %max3A_279 = arith.constant 0.000000e+00 : f32
      %max3A_280 = vector.broadcast %max3A_279 : f32 to vector<128x128xf32>
      %max3A_281 = arith.maximumf %sub3A_278, %max3A_280 : vector<128x128xf32>
      %sub3A_282 = arith.subf %min3A_277, %max3A_271 : vector<128x128xf32>
      %max3A_283 = arith.constant 0.000000e+00 : f32
      %max3A_284 = vector.broadcast %max3A_283 : f32 to vector<128x128xf32>
      %max3A_285 = arith.maximumf %sub3A_282, %max3A_284 : vector<128x128xf32>
      %mul3A_286 = arith.mulf %max3A_281, %max3A_285 : vector<128x128xf32>
      %add3A_287 = vector.broadcast %mul3A_265 : vector<128x1xf32> to vector<128x128xf32>
      %add3A_288 = vector.broadcast %mul3A_258 : vector<1x128xf32> to vector<128x128xf32>
      %add3A_289 = arith.addf %add3A_287, %add3A_288 : vector<128x128xf32>
      %sub3A_290 = arith.subf %add3A_289, %mul3A_286 : vector<128x128xf32>
      %mul3A_291 = arith.constant 5.000000e-01 : f32
      %mul3A_292 = vector.broadcast %mul3A_291 : f32 to vector<128x128xf32>
      %mul3A_293 = arith.mulf %mul3A_292, %sub3A_290 : vector<128x128xf32>
      %ge3A_294 = arith.cmpf oge, %mul3A_286, %mul3A_293 : vector<128x128xf32>
      %gt3A_295 = arith.constant 0.000000e+00 : f32
      %gt3A_296 = vector.broadcast %gt3A_295 : f32 to vector<128x128xf32>
      %gt3A_297 = arith.cmpf ogt, %sub3A_290, %gt3A_296 : vector<128x128xf32>
      %and3A_298 = arith.andi %ge3A_294, %gt3A_297 : vector<128x128xi1>
      %convert_element_type3A_299 = arith.extui %and3A_298 : vector<128x128xi1> to vector<128x128xi32>
      %convert_element_type3A_300 = arith.sitofp %convert_element_type3A_299 : vector<128x128xi32> to vector<128x128xf32>
      %mul3A_301 = arith.mulf %convert_element_type3A_300, %convert_element_type3A_1 : vector<128x128xf32>
      %get3A_302 = arith.constant 0 : index
      %get3A_303 = arith.constant 3 : index
      %get3A_304 = arith.index_cast %scan3A_13 : i32 to index
      %get3A_305 = arith.constant 0 : index
      %get3A_306 = vector.load %arg5[%get3A_302, %get3A_303, %get3A_304, %get3A_305] : memref<1x4x48x128xf32, #tpu.memory_space<vmem>>, vector<1x1x1x128xf32>
      %get3A_307 = vector.shape_cast %get3A_306 : vector<1x1x1x128xf32> to vector<1x128xf32>
      %while3A = arith.constant true
      %while3A_308:5 = scf.while (%while3A_369 = %get3A_79, %while3A_370 = %get3A_155, %while3A_371 = %get3A_231, %while3A_372 = %get3A_307, %while3A_373 = %while3A) : (vector<1x128xf32>, vector<1x128xf32>, vector<1x128xf32>, vector<1x128xf32>, i1) -> (vector<1x128xf32>, vector<1x128xf32>, vector<1x128xf32>, vector<1x128xf32>, i1) {
        scf.condition(%while3A_373) %while3A_369, %while3A_370, %while3A_371, %while3A_372, %while3A_373 : vector<1x128xf32>, vector<1x128xf32>, vector<1x128xf32>, vector<1x128xf32>, i1
      } do {
      ^bb0(%while3A_369: vector<1x128xf32>, %while3A_370: vector<1x128xf32>, %while3A_371: vector<1x128xf32>, %while3A_372: vector<1x128xf32>, %while3A_373: i1):
        %dot_general3A = arith.constant dense<0.000000e+00> : vector<1x128xf32>
        %dot_general3A_374 = tpu.matmul %while3A_369, %mul3A_73, %dot_general3A {dimension_numbers = #tpu.dot_dimension_numbers<[1], [0], [0], [1], [0, 0, 1, 1], [], []>, transpose_lhs_hint = false} : vector<1x128xf32>, vector<128x128xf32>, vector<1x128xf32> -> vector<1x128xf32>
        %le3A = arith.constant 0.000000e+00 : f32
        %le3A_375 = vector.broadcast %le3A : f32 to vector<1x128xf32>
        %le3A_376 = arith.cmpf ole, %dot_general3A_374, %le3A_375 : vector<1x128xf32>
        %convert_element_type3A_377 = arith.extui %le3A_376 : vector<1x128xi1> to vector<1x128xi32>
        %convert_element_type3A_378 = arith.sitofp %convert_element_type3A_377 : vector<1x128xi32> to vector<1x128xf32>
        %mul3A_379 = arith.mulf %get3A_79, %convert_element_type3A_378 : vector<1x128xf32>
        %ne3A_380 = arith.cmpf one, %mul3A_379, %while3A_369 : vector<1x128xf32>
        %reduce_or3A = arith.constant 1.000000e+00 : f32
        %reduce_or3A_381 = arith.constant 0.000000e+00 : f32
        %reduce_or3A_382 = vector.broadcast %reduce_or3A : f32 to vector<1x128xf32>
        %reduce_or3A_383 = vector.broadcast %reduce_or3A_381 : f32 to vector<1x128xf32>
        %reduce_or3A_384 = arith.select %ne3A_380, %reduce_or3A_382, %reduce_or3A_383 : vector<1x128xi1>, vector<1x128xf32>
        %reduce_or3A_385 = vector.shape_cast %reduce_or3A_384 : vector<1x128xf32> to vector<1x1x128xf32>
        %reduce_or3A_386 = arith.constant dense<0xFF800000> : vector<1xf32>
        %reduce_or3A_387 = vector.multi_reduction <maximumf>, %reduce_or3A_385, %reduce_or3A_386 [1, 2] : vector<1x1x128xf32> to vector<1xf32>
        %reduce_or3A_388 = vector.shape_cast %reduce_or3A_387 : vector<1xf32> to vector<1x1x1xf32>
        %reduce_or3A_389 = vector.extract %reduce_or3A_388[0, 0, 0] : f32 from vector<1x1x1xf32>
        %reduce_or3A_390 = arith.constant 0.000000e+00 : f32
        %reduce_or3A_391 = arith.cmpf ogt, %reduce_or3A_389, %reduce_or3A_390 : f32
        %dot_general3A_392 = arith.constant dense<0.000000e+00> : vector<1x128xf32>
        %dot_general3A_393 = tpu.matmul %while3A_370, %mul3A_149, %dot_general3A_392 {dimension_numbers = #tpu.dot_dimension_numbers<[1], [0], [0], [1], [0, 0, 1, 1], [], []>, transpose_lhs_hint = false} : vector<1x128xf32>, vector<128x128xf32>, vector<1x128xf32> -> vector<1x128xf32>
        %le3A_394 = arith.constant 0.000000e+00 : f32
        %le3A_395 = vector.broadcast %le3A_394 : f32 to vector<1x128xf32>
        %le3A_396 = arith.cmpf ole, %dot_general3A_393, %le3A_395 : vector<1x128xf32>
        %convert_element_type3A_397 = arith.extui %le3A_396 : vector<1x128xi1> to vector<1x128xi32>
        %convert_element_type3A_398 = arith.sitofp %convert_element_type3A_397 : vector<1x128xi32> to vector<1x128xf32>
        %mul3A_399 = arith.mulf %get3A_155, %convert_element_type3A_398 : vector<1x128xf32>
        %ne3A_400 = arith.cmpf one, %mul3A_399, %while3A_370 : vector<1x128xf32>
        %reduce_or3A_401 = arith.constant 1.000000e+00 : f32
        %reduce_or3A_402 = arith.constant 0.000000e+00 : f32
        %reduce_or3A_403 = vector.broadcast %reduce_or3A_401 : f32 to vector<1x128xf32>
        %reduce_or3A_404 = vector.broadcast %reduce_or3A_402 : f32 to vector<1x128xf32>
        %reduce_or3A_405 = arith.select %ne3A_400, %reduce_or3A_403, %reduce_or3A_404 : vector<1x128xi1>, vector<1x128xf32>
        %reduce_or3A_406 = vector.shape_cast %reduce_or3A_405 : vector<1x128xf32> to vector<1x1x128xf32>
        %reduce_or3A_407 = arith.constant dense<0xFF800000> : vector<1xf32>
        %reduce_or3A_408 = vector.multi_reduction <maximumf>, %reduce_or3A_406, %reduce_or3A_407 [1, 2] : vector<1x1x128xf32> to vector<1xf32>
        %reduce_or3A_409 = vector.shape_cast %reduce_or3A_408 : vector<1xf32> to vector<1x1x1xf32>
        %reduce_or3A_410 = vector.extract %reduce_or3A_409[0, 0, 0] : f32 from vector<1x1x1xf32>
        %reduce_or3A_411 = arith.constant 0.000000e+00 : f32
        %reduce_or3A_412 = arith.cmpf ogt, %reduce_or3A_410, %reduce_or3A_411 : f32
        %or3A = arith.ori %reduce_or3A_391, %reduce_or3A_412 : i1
        %dot_general3A_413 = arith.constant dense<0.000000e+00> : vector<1x128xf32>
        %dot_general3A_414 = tpu.matmul %while3A_371, %mul3A_225, %dot_general3A_413 {dimension_numbers = #tpu.dot_dimension_numbers<[1], [0], [0], [1], [0, 0, 1, 1], [], []>, transpose_lhs_hint = false} : vector<1x128xf32>, vector<128x128xf32>, vector<1x128xf32> -> vector<1x128xf32>
        %le3A_415 = arith.constant 0.000000e+00 : f32
        %le3A_416 = vector.broadcast %le3A_415 : f32 to vector<1x128xf32>
        %le3A_417 = arith.cmpf ole, %dot_general3A_414, %le3A_416 : vector<1x128xf32>
        %convert_element_type3A_418 = arith.extui %le3A_417 : vector<1x128xi1> to vector<1x128xi32>
        %convert_element_type3A_419 = arith.sitofp %convert_element_type3A_418 : vector<1x128xi32> to vector<1x128xf32>
        %mul3A_420 = arith.mulf %get3A_231, %convert_element_type3A_419 : vector<1x128xf32>
        %ne3A_421 = arith.cmpf one, %mul3A_420, %while3A_371 : vector<1x128xf32>
        %reduce_or3A_422 = arith.constant 1.000000e+00 : f32
        %reduce_or3A_423 = arith.constant 0.000000e+00 : f32
        %reduce_or3A_424 = vector.broadcast %reduce_or3A_422 : f32 to vector<1x128xf32>
        %reduce_or3A_425 = vector.broadcast %reduce_or3A_423 : f32 to vector<1x128xf32>
        %reduce_or3A_426 = arith.select %ne3A_421, %reduce_or3A_424, %reduce_or3A_425 : vector<1x128xi1>, vector<1x128xf32>
        %reduce_or3A_427 = vector.shape_cast %reduce_or3A_426 : vector<1x128xf32> to vector<1x1x128xf32>
        %reduce_or3A_428 = arith.constant dense<0xFF800000> : vector<1xf32>
        %reduce_or3A_429 = vector.multi_reduction <maximumf>, %reduce_or3A_427, %reduce_or3A_428 [1, 2] : vector<1x1x128xf32> to vector<1xf32>
        %reduce_or3A_430 = vector.shape_cast %reduce_or3A_429 : vector<1xf32> to vector<1x1x1xf32>
        %reduce_or3A_431 = vector.extract %reduce_or3A_430[0, 0, 0] : f32 from vector<1x1x1xf32>
        %reduce_or3A_432 = arith.constant 0.000000e+00 : f32
        %reduce_or3A_433 = arith.cmpf ogt, %reduce_or3A_431, %reduce_or3A_432 : f32
        %or3A_434 = arith.ori %or3A, %reduce_or3A_433 : i1
        %dot_general3A_435 = arith.constant dense<0.000000e+00> : vector<1x128xf32>
        %dot_general3A_436 = tpu.matmul %while3A_372, %mul3A_301, %dot_general3A_435 {dimension_numbers = #tpu.dot_dimension_numbers<[1], [0], [0], [1], [0, 0, 1, 1], [], []>, transpose_lhs_hint = false} : vector<1x128xf32>, vector<128x128xf32>, vector<1x128xf32> -> vector<1x128xf32>
        %le3A_437 = arith.constant 0.000000e+00 : f32
        %le3A_438 = vector.broadcast %le3A_437 : f32 to vector<1x128xf32>
        %le3A_439 = arith.cmpf ole, %dot_general3A_436, %le3A_438 : vector<1x128xf32>
        %convert_element_type3A_440 = arith.extui %le3A_439 : vector<1x128xi1> to vector<1x128xi32>
        %convert_element_type3A_441 = arith.sitofp %convert_element_type3A_440 : vector<1x128xi32> to vector<1x128xf32>
        %mul3A_442 = arith.mulf %get3A_307, %convert_element_type3A_441 : vector<1x128xf32>
        %ne3A_443 = arith.cmpf one, %mul3A_442, %while3A_372 : vector<1x128xf32>
        %reduce_or3A_444 = arith.constant 1.000000e+00 : f32
        %reduce_or3A_445 = arith.constant 0.000000e+00 : f32
        %reduce_or3A_446 = vector.broadcast %reduce_or3A_444 : f32 to vector<1x128xf32>
        %reduce_or3A_447 = vector.broadcast %reduce_or3A_445 : f32 to vector<1x128xf32>
        %reduce_or3A_448 = arith.select %ne3A_443, %reduce_or3A_446, %reduce_or3A_447 : vector<1x128xi1>, vector<1x128xf32>
        %reduce_or3A_449 = vector.shape_cast %reduce_or3A_448 : vector<1x128xf32> to vector<1x1x128xf32>
        %reduce_or3A_450 = arith.constant dense<0xFF800000> : vector<1xf32>
        %reduce_or3A_451 = vector.multi_reduction <maximumf>, %reduce_or3A_449, %reduce_or3A_450 [1, 2] : vector<1x1x128xf32> to vector<1xf32>
        %reduce_or3A_452 = vector.shape_cast %reduce_or3A_451 : vector<1xf32> to vector<1x1x1xf32>
        %reduce_or3A_453 = vector.extract %reduce_or3A_452[0, 0, 0] : f32 from vector<1x1x1xf32>
        %reduce_or3A_454 = arith.constant 0.000000e+00 : f32
        %reduce_or3A_455 = arith.cmpf ogt, %reduce_or3A_453, %reduce_or3A_454 : f32
        %or3A_456 = arith.ori %or3A_434, %reduce_or3A_455 : i1
        scf.yield %mul3A_379, %mul3A_399, %mul3A_420, %mul3A_442, %or3A_456 : vector<1x128xf32>, vector<1x128xf32>, vector<1x128xf32>, vector<1x128xf32>, i1
      }
      %swap3A_309 = arith.constant 0 : index
      %swap3A_310 = arith.constant 0 : index
      %swap3A_311 = arith.index_cast %scan3A_13 : i32 to index
      %swap3A_312 = arith.constant 0 : index
      %swap3A_313 = vector.load %arg5[%swap3A_309, %swap3A_310, %swap3A_311, %swap3A_312] : memref<1x4x48x128xf32, #tpu.memory_space<vmem>>, vector<1x1x1x128xf32>
      %swap3A_314 = vector.shape_cast %swap3A_313 : vector<1x1x1x128xf32> to vector<1x128xf32>
      %swap3A_315 = vector.shape_cast %while3A_308#0 : vector<1x128xf32> to vector<1x1x1x128xf32>
      tpu.vector_store %arg5[%swap3A_309, %swap3A_310, %swap3A_311, %swap3A_312], %swap3A_315 {strides = array<i32>} : memref<1x4x48x128xf32, #tpu.memory_space<vmem>>, vector<1x1x1x128xf32>,
      %swap3A_316 = arith.constant 0 : index
      %swap3A_317 = arith.constant 1 : index
      %swap3A_318 = arith.index_cast %scan3A_13 : i32 to index
      %swap3A_319 = arith.constant 0 : index
      %swap3A_320 = vector.load %arg5[%swap3A_316, %swap3A_317, %swap3A_318, %swap3A_319] : memref<1x4x48x128xf32, #tpu.memory_space<vmem>>, vector<1x1x1x128xf32>
      %swap3A_321 = vector.shape_cast %swap3A_320 : vector<1x1x1x128xf32> to vector<1x128xf32>
      %swap3A_322 = vector.shape_cast %while3A_308#1 : vector<1x128xf32> to vector<1x1x1x128xf32>
      tpu.vector_store %arg5[%swap3A_316, %swap3A_317, %swap3A_318, %swap3A_319], %swap3A_322 {strides = array<i32>} : memref<1x4x48x128xf32, #tpu.memory_space<vmem>>, vector<1x1x1x128xf32>,
      %swap3A_323 = arith.constant 0 : index
      %swap3A_324 = arith.constant 2 : index
      %swap3A_325 = arith.index_cast %scan3A_13 : i32 to index
      %swap3A_326 = arith.constant 0 : index
      %swap3A_327 = vector.load %arg5[%swap3A_323, %swap3A_324, %swap3A_325, %swap3A_326] : memref<1x4x48x128xf32, #tpu.memory_space<vmem>>, vector<1x1x1x128xf32>
      %swap3A_328 = vector.shape_cast %swap3A_327 : vector<1x1x1x128xf32> to vector<1x128xf32>
      %swap3A_329 = vector.shape_cast %while3A_308#2 : vector<1x128xf32> to vector<1x1x1x128xf32>
      tpu.vector_store %arg5[%swap3A_323, %swap3A_324, %swap3A_325, %swap3A_326], %swap3A_329 {strides = array<i32>} : memref<1x4x48x128xf32, #tpu.memory_space<vmem>>, vector<1x1x1x128xf32>,
      %swap3A_330 = arith.constant 0 : index
      %swap3A_331 = arith.constant 3 : index
      %swap3A_332 = arith.index_cast %scan3A_13 : i32 to index
      %swap3A_333 = arith.constant 0 : index
      %swap3A_334 = vector.load %arg5[%swap3A_330, %swap3A_331, %swap3A_332, %swap3A_333] : memref<1x4x48x128xf32, #tpu.memory_space<vmem>>, vector<1x1x1x128xf32>
      %swap3A_335 = vector.shape_cast %swap3A_334 : vector<1x1x1x128xf32> to vector<1x128xf32>
      %swap3A_336 = vector.shape_cast %while3A_308#3 : vector<1x128xf32> to vector<1x1x1x128xf32>
      tpu.vector_store %arg5[%swap3A_330, %swap3A_331, %swap3A_332, %swap3A_333], %swap3A_336 {strides = array<i32>} : memref<1x4x48x128xf32, #tpu.memory_space<vmem>>, vector<1x1x1x128xf32>,
      %sub3A_337 = arith.constant 46 : i32
      %sub3A_338 = arith.subi %sub3A_337, %scan3A_13 : i32
      %jit3A = arith.constant 8 : i32
      %div3A = arith.divsi %sub3A_338, %jit3A : i32
      %sign3A = arith.constant 0 : i32
      %sign3A_339 = arith.cmpi sgt, %sub3A_338, %sign3A : i32
      %sign3A_340 = arith.extui %sign3A_339 : i1 to i32
      %sign3A_341 = arith.constant 0 : i32
      %sign3A_342 = arith.cmpi slt, %sub3A_338, %sign3A_341 : i32
      %sign3A_343 = arith.extui %sign3A_342 : i1 to i32
      %sign3A_344 = arith.subi %sign3A_340, %sign3A_343 : i32
      %sign3A_345 = arith.constant 0 : i32
      %sign3A_346 = arith.cmpi sgt, %jit3A, %sign3A_345 : i32
      %sign3A_347 = arith.extui %sign3A_346 : i1 to i32
      %sign3A_348 = arith.constant 0 : i32
      %sign3A_349 = arith.cmpi slt, %jit3A, %sign3A_348 : i32
      %sign3A_350 = arith.extui %sign3A_349 : i1 to i32
      %sign3A_351 = arith.subi %sign3A_347, %sign3A_350 : i32
      %ne3A = arith.cmpi ne, %sign3A_344, %sign3A_351 : i32
      %rem3A = arith.remsi %sub3A_338, %jit3A : i32
      %ne3A_352 = arith.constant 0 : i32
      %ne3A_353 = arith.cmpi ne, %rem3A, %ne3A_352 : i32
      %and3A_354 = arith.andi %ne3A, %ne3A_353 : i1
      %sub3A_355 = arith.constant 1 : i32
      %sub3A_356 = arith.subi %div3A, %sub3A_355 : i32
      %select_n3A = arith.select %and3A_354, %sub3A_356, %div3A : i32
      %while3A_357 = arith.constant 0 : i32
      %while3A_358 = arith.constant 0 : i32
      %while3A_359 = arith.subi %select_n3A, %while3A_357 : i32
      %while3A_360 = arith.addi %while3A_357, %while3A_359 : i32
      %while3A_361 = arith.constant 1 : i32
      %while3A_362 = arith.divsi %while3A_359, %while3A_361 : i32
      %while3A_363 = arith.muli %while3A_362, %while3A_361 : i32
      %while3A_364 = arith.addi %while3A_357, %while3A_363 : i32
      %while3A_365 = arith.constant 1 : i32
      %while3A_366 = scf.for %while3A_369 = %while3A_357 to %while3A_364 step %while3A_365 iter_args(%while3A_370 = %while3A_358) -> (i32)  : i32 {
        %add3A_371 = arith.constant 1 : i32
        %add3A_372 = arith.addi %scan3A_13, %add3A_371 : i32
        %mul3A_373 = arith.constant 8 : i32
        %mul3A_374 = arith.muli %while3A_369, %mul3A_373 : i32
        %add3A_375 = arith.addi %add3A_372, %mul3A_374 : i32
        %get3A_376 = arith.constant 0 : index
        %get3A_377 = arith.constant 0 : index
        %get3A_378 = arith.index_cast %add3A_375 : i32 to index
        %get3A_379 = arith.constant 0 : index
        %get3A_380 = vector.load %arg1[%get3A_376, %get3A_377, %get3A_378, %get3A_379] : memref<1x4x48x128xf32, #tpu.memory_space<vmem>>, vector<1x1x8x128xf32>
        %get3A_381 = vector.shape_cast %get3A_380 : vector<1x1x8x128xf32> to vector<8x128xf32>
        %get3A_382 = arith.constant 0 : index
        %get3A_383 = arith.constant 0 : index
        %get3A_384 = arith.index_cast %add3A_375 : i32 to index
        %get3A_385 = arith.constant 0 : index
        %get3A_386 = vector.load %arg2[%get3A_382, %get3A_383, %get3A_384, %get3A_385] : memref<1x4x48x128xf32, #tpu.memory_space<vmem>>, vector<1x1x8x128xf32>
        %get3A_387 = vector.shape_cast %get3A_386 : vector<1x1x8x128xf32> to vector<8x128xf32>
        %get3A_388 = arith.constant 0 : index
        %get3A_389 = arith.constant 0 : index
        %get3A_390 = arith.index_cast %add3A_375 : i32 to index
        %get3A_391 = arith.constant 0 : index
        %get3A_392 = vector.load %arg3[%get3A_388, %get3A_389, %get3A_390, %get3A_391] : memref<1x4x48x128xf32, #tpu.memory_space<vmem>>, vector<1x1x8x128xf32>
        %get3A_393 = vector.shape_cast %get3A_392 : vector<1x1x8x128xf32> to vector<8x128xf32>
        %get3A_394 = arith.constant 0 : index
        %get3A_395 = arith.constant 0 : index
        %get3A_396 = arith.index_cast %add3A_375 : i32 to index
        %get3A_397 = arith.constant 0 : index
        %get3A_398 = vector.load %arg4[%get3A_394, %get3A_395, %get3A_396, %get3A_397] : memref<1x4x48x128xf32, #tpu.memory_space<vmem>>, vector<1x1x8x128xf32>
        %get3A_399 = vector.shape_cast %get3A_398 : vector<1x1x8x128xf32> to vector<8x128xf32>
        %slice3A = vector.extract_strided_slice %get3A_381 {offsets = [0, 0], sizes = [1, 128], strides = [1, 1]} : vector<8x128xf32> to vector<1x128xf32>
        %slice3A_400 = vector.extract_strided_slice %get3A_387 {offsets = [0, 0], sizes = [1, 128], strides = [1, 1]} : vector<8x128xf32> to vector<1x128xf32>
        %slice3A_401 = vector.extract_strided_slice %get3A_393 {offsets = [0, 0], sizes = [1, 128], strides = [1, 1]} : vector<8x128xf32> to vector<1x128xf32>
        %slice3A_402 = vector.extract_strided_slice %get3A_399 {offsets = [0, 0], sizes = [1, 128], strides = [1, 1]} : vector<8x128xf32> to vector<1x128xf32>
        %sub3A_403 = arith.subf %slice3A_401, %slice3A : vector<1x128xf32>
        %sub3A_404 = arith.subf %slice3A_402, %slice3A_400 : vector<1x128xf32>
        %mul3A_405 = arith.mulf %sub3A_403, %sub3A_404 : vector<1x128xf32>
        %max3A_406 = vector.broadcast %transpose3A : vector<128x1xf32> to vector<128x128xf32>
        %max3A_407 = vector.broadcast %slice3A : vector<1x128xf32> to vector<128x128xf32>
        %max3A_408 = arith.maximumf %max3A_406, %max3A_407 : vector<128x128xf32>
        %max3A_409 = vector.broadcast %transpose3A_38 : vector<128x1xf32> to vector<128x128xf32>
        %max3A_410 = vector.broadcast %slice3A_400 : vector<1x128xf32> to vector<128x128xf32>
        %max3A_411 = arith.maximumf %max3A_409, %max3A_410 : vector<128x128xf32>
        %min3A_412 = vector.broadcast %transpose3A_39 : vector<128x1xf32> to vector<128x128xf32>
        %min3A_413 = vector.broadcast %slice3A_401 : vector<1x128xf32> to vector<128x128xf32>
        %min3A_414 = arith.minimumf %min3A_412, %min3A_413 : vector<128x128xf32>
        %min3A_415 = vector.broadcast %transpose3A_40 : vector<128x1xf32> to vector<128x128xf32>
        %min3A_416 = vector.broadcast %slice3A_402 : vector<1x128xf32> to vector<128x128xf32>
        %min3A_417 = arith.minimumf %min3A_415, %min3A_416 : vector<128x128xf32>
        %sub3A_418 = arith.subf %min3A_414, %max3A_408 : vector<128x128xf32>
        %max3A_419 = arith.constant 0.000000e+00 : f32
        %max3A_420 = vector.broadcast %max3A_419 : f32 to vector<128x128xf32>
        %max3A_421 = arith.maximumf %sub3A_418, %max3A_420 : vector<128x128xf32>
        %sub3A_422 = arith.subf %min3A_417, %max3A_411 : vector<128x128xf32>
        %max3A_423 = arith.constant 0.000000e+00 : f32
        %max3A_424 = vector.broadcast %max3A_423 : f32 to vector<128x128xf32>
        %max3A_425 = arith.maximumf %sub3A_422, %max3A_424 : vector<128x128xf32>
        %mul3A_426 = arith.mulf %max3A_421, %max3A_425 : vector<128x128xf32>
        %add3A_427 = vector.broadcast %mul3A_43 : vector<128x1xf32> to vector<128x128xf32>
        %add3A_428 = vector.broadcast %mul3A_405 : vector<1x128xf32> to vector<128x128xf32>
        %add3A_429 = arith.addf %add3A_427, %add3A_428 : vector<128x128xf32>
        %sub3A_430 = arith.subf %add3A_429, %mul3A_426 : vector<128x128xf32>
        %mul3A_431 = arith.constant 5.000000e-01 : f32
        %mul3A_432 = vector.broadcast %mul3A_431 : f32 to vector<128x128xf32>
        %mul3A_433 = arith.mulf %mul3A_432, %sub3A_430 : vector<128x128xf32>
        %ge3A_434 = arith.cmpf oge, %mul3A_426, %mul3A_433 : vector<128x128xf32>
        %gt3A_435 = arith.constant 0.000000e+00 : f32
        %gt3A_436 = vector.broadcast %gt3A_435 : f32 to vector<128x128xf32>
        %gt3A_437 = arith.cmpf ogt, %sub3A_430, %gt3A_436 : vector<128x128xf32>
        %and3A_438 = arith.andi %ge3A_434, %gt3A_437 : vector<128x128xi1>
        %convert_element_type3A_439 = arith.extui %and3A_438 : vector<128x128xi1> to vector<128x128xi32>
        %convert_element_type3A_440 = arith.sitofp %convert_element_type3A_439 : vector<128x128xi32> to vector<128x128xf32>
        %dot_general3A = arith.constant dense<0.000000e+00> : vector<1x128xf32>
        %dot_general3A_441 = tpu.matmul %while3A_308#0, %convert_element_type3A_440, %dot_general3A {dimension_numbers = #tpu.dot_dimension_numbers<[1], [0], [0], [1], [0, 0, 1, 1], [], []>, transpose_lhs_hint = false} : vector<1x128xf32>, vector<128x128xf32>, vector<1x128xf32> -> vector<1x128xf32>
        %slice3A_442 = vector.extract_strided_slice %get3A_381 {offsets = [1, 0], sizes = [1, 128], strides = [1, 1]} : vector<8x128xf32> to vector<1x128xf32>
        %slice3A_443 = vector.extract_strided_slice %get3A_387 {offsets = [1, 0], sizes = [1, 128], strides = [1, 1]} : vector<8x128xf32> to vector<1x128xf32>
        %slice3A_444 = vector.extract_strided_slice %get3A_393 {offsets = [1, 0], sizes = [1, 128], strides = [1, 1]} : vector<8x128xf32> to vector<1x128xf32>
        %slice3A_445 = vector.extract_strided_slice %get3A_399 {offsets = [1, 0], sizes = [1, 128], strides = [1, 1]} : vector<8x128xf32> to vector<1x128xf32>
        %sub3A_446 = arith.subf %slice3A_444, %slice3A_442 : vector<1x128xf32>
        %sub3A_447 = arith.subf %slice3A_445, %slice3A_443 : vector<1x128xf32>
        %mul3A_448 = arith.mulf %sub3A_446, %sub3A_447 : vector<1x128xf32>
        %max3A_449 = vector.broadcast %transpose3A : vector<128x1xf32> to vector<128x128xf32>
        %max3A_450 = vector.broadcast %slice3A_442 : vector<1x128xf32> to vector<128x128xf32>
        %max3A_451 = arith.maximumf %max3A_449, %max3A_450 : vector<128x128xf32>
        %max3A_452 = vector.broadcast %transpose3A_38 : vector<128x1xf32> to vector<128x128xf32>
        %max3A_453 = vector.broadcast %slice3A_443 : vector<1x128xf32> to vector<128x128xf32>
        %max3A_454 = arith.maximumf %max3A_452, %max3A_453 : vector<128x128xf32>
        %min3A_455 = vector.broadcast %transpose3A_39 : vector<128x1xf32> to vector<128x128xf32>
        %min3A_456 = vector.broadcast %slice3A_444 : vector<1x128xf32> to vector<128x128xf32>
        %min3A_457 = arith.minimumf %min3A_455, %min3A_456 : vector<128x128xf32>
        %min3A_458 = vector.broadcast %transpose3A_40 : vector<128x1xf32> to vector<128x128xf32>
        %min3A_459 = vector.broadcast %slice3A_445 : vector<1x128xf32> to vector<128x128xf32>
        %min3A_460 = arith.minimumf %min3A_458, %min3A_459 : vector<128x128xf32>
        %sub3A_461 = arith.subf %min3A_457, %max3A_451 : vector<128x128xf32>
        %max3A_462 = arith.constant 0.000000e+00 : f32
        %max3A_463 = vector.broadcast %max3A_462 : f32 to vector<128x128xf32>
        %max3A_464 = arith.maximumf %sub3A_461, %max3A_463 : vector<128x128xf32>
        %sub3A_465 = arith.subf %min3A_460, %max3A_454 : vector<128x128xf32>
        %max3A_466 = arith.constant 0.000000e+00 : f32
        %max3A_467 = vector.broadcast %max3A_466 : f32 to vector<128x128xf32>
        %max3A_468 = arith.maximumf %sub3A_465, %max3A_467 : vector<128x128xf32>
        %mul3A_469 = arith.mulf %max3A_464, %max3A_468 : vector<128x128xf32>
        %add3A_470 = vector.broadcast %mul3A_43 : vector<128x1xf32> to vector<128x128xf32>
        %add3A_471 = vector.broadcast %mul3A_448 : vector<1x128xf32> to vector<128x128xf32>
        %add3A_472 = arith.addf %add3A_470, %add3A_471 : vector<128x128xf32>
        %sub3A_473 = arith.subf %add3A_472, %mul3A_469 : vector<128x128xf32>
        %mul3A_474 = arith.constant 5.000000e-01 : f32
        %mul3A_475 = vector.broadcast %mul3A_474 : f32 to vector<128x128xf32>
        %mul3A_476 = arith.mulf %mul3A_475, %sub3A_473 : vector<128x128xf32>
        %ge3A_477 = arith.cmpf oge, %mul3A_469, %mul3A_476 : vector<128x128xf32>
        %gt3A_478 = arith.constant 0.000000e+00 : f32
        %gt3A_479 = vector.broadcast %gt3A_478 : f32 to vector<128x128xf32>
        %gt3A_480 = arith.cmpf ogt, %sub3A_473, %gt3A_479 : vector<128x128xf32>
        %and3A_481 = arith.andi %ge3A_477, %gt3A_480 : vector<128x128xi1>
        %convert_element_type3A_482 = arith.extui %and3A_481 : vector<128x128xi1> to vector<128x128xi32>
        %convert_element_type3A_483 = arith.sitofp %convert_element_type3A_482 : vector<128x128xi32> to vector<128x128xf32>
        %dot_general3A_484 = arith.constant dense<0.000000e+00> : vector<1x128xf32>
        %dot_general3A_485 = tpu.matmul %while3A_308#0, %convert_element_type3A_483, %dot_general3A_484 {dimension_numbers = #tpu.dot_dimension_numbers<[1], [0], [0], [1], [0, 0, 1, 1], [], []>, transpose_lhs_hint = false} : vector<1x128xf32>, vector<128x128xf32>, vector<1x128xf32> -> vector<1x128xf32>
        %slice3A_486 = vector.extract_strided_slice %get3A_381 {offsets = [2, 0], sizes = [1, 128], strides = [1, 1]} : vector<8x128xf32> to vector<1x128xf32>
        %slice3A_487 = vector.extract_strided_slice %get3A_387 {offsets = [2, 0], sizes = [1, 128], strides = [1, 1]} : vector<8x128xf32> to vector<1x128xf32>
        %slice3A_488 = vector.extract_strided_slice %get3A_393 {offsets = [2, 0], sizes = [1, 128], strides = [1, 1]} : vector<8x128xf32> to vector<1x128xf32>
        %slice3A_489 = vector.extract_strided_slice %get3A_399 {offsets = [2, 0], sizes = [1, 128], strides = [1, 1]} : vector<8x128xf32> to vector<1x128xf32>
        %sub3A_490 = arith.subf %slice3A_488, %slice3A_486 : vector<1x128xf32>
        %sub3A_491 = arith.subf %slice3A_489, %slice3A_487 : vector<1x128xf32>
        %mul3A_492 = arith.mulf %sub3A_490, %sub3A_491 : vector<1x128xf32>
        %max3A_493 = vector.broadcast %transpose3A : vector<128x1xf32> to vector<128x128xf32>
        %max3A_494 = vector.broadcast %slice3A_486 : vector<1x128xf32> to vector<128x128xf32>
        %max3A_495 = arith.maximumf %max3A_493, %max3A_494 : vector<128x128xf32>
        %max3A_496 = vector.broadcast %transpose3A_38 : vector<128x1xf32> to vector<128x128xf32>
        %max3A_497 = vector.broadcast %slice3A_487 : vector<1x128xf32> to vector<128x128xf32>
        %max3A_498 = arith.maximumf %max3A_496, %max3A_497 : vector<128x128xf32>
        %min3A_499 = vector.broadcast %transpose3A_39 : vector<128x1xf32> to vector<128x128xf32>
        %min3A_500 = vector.broadcast %slice3A_488 : vector<1x128xf32> to vector<128x128xf32>
        %min3A_501 = arith.minimumf %min3A_499, %min3A_500 : vector<128x128xf32>
        %min3A_502 = vector.broadcast %transpose3A_40 : vector<128x1xf32> to vector<128x128xf32>
        %min3A_503 = vector.broadcast %slice3A_489 : vector<1x128xf32> to vector<128x128xf32>
        %min3A_504 = arith.minimumf %min3A_502, %min3A_503 : vector<128x128xf32>
        %sub3A_505 = arith.subf %min3A_501, %max3A_495 : vector<128x128xf32>
        %max3A_506 = arith.constant 0.000000e+00 : f32
        %max3A_507 = vector.broadcast %max3A_506 : f32 to vector<128x128xf32>
        %max3A_508 = arith.maximumf %sub3A_505, %max3A_507 : vector<128x128xf32>
        %sub3A_509 = arith.subf %min3A_504, %max3A_498 : vector<128x128xf32>
        %max3A_510 = arith.constant 0.000000e+00 : f32
        %max3A_511 = vector.broadcast %max3A_510 : f32 to vector<128x128xf32>
        %max3A_512 = arith.maximumf %sub3A_509, %max3A_511 : vector<128x128xf32>
        %mul3A_513 = arith.mulf %max3A_508, %max3A_512 : vector<128x128xf32>
        %add3A_514 = vector.broadcast %mul3A_43 : vector<128x1xf32> to vector<128x128xf32>
        %add3A_515 = vector.broadcast %mul3A_492 : vector<1x128xf32> to vector<128x128xf32>
        %add3A_516 = arith.addf %add3A_514, %add3A_515 : vector<128x128xf32>
        %sub3A_517 = arith.subf %add3A_516, %mul3A_513 : vector<128x128xf32>
        %mul3A_518 = arith.constant 5.000000e-01 : f32
        %mul3A_519 = vector.broadcast %mul3A_518 : f32 to vector<128x128xf32>
        %mul3A_520 = arith.mulf %mul3A_519, %sub3A_517 : vector<128x128xf32>
        %ge3A_521 = arith.cmpf oge, %mul3A_513, %mul3A_520 : vector<128x128xf32>
        %gt3A_522 = arith.constant 0.000000e+00 : f32
        %gt3A_523 = vector.broadcast %gt3A_522 : f32 to vector<128x128xf32>
        %gt3A_524 = arith.cmpf ogt, %sub3A_517, %gt3A_523 : vector<128x128xf32>
        %and3A_525 = arith.andi %ge3A_521, %gt3A_524 : vector<128x128xi1>
        %convert_element_type3A_526 = arith.extui %and3A_525 : vector<128x128xi1> to vector<128x128xi32>
        %convert_element_type3A_527 = arith.sitofp %convert_element_type3A_526 : vector<128x128xi32> to vector<128x128xf32>
        %dot_general3A_528 = arith.constant dense<0.000000e+00> : vector<1x128xf32>
        %dot_general3A_529 = tpu.matmul %while3A_308#0, %convert_element_type3A_527, %dot_general3A_528 {dimension_numbers = #tpu.dot_dimension_numbers<[1], [0], [0], [1], [0, 0, 1, 1], [], []>, transpose_lhs_hint = false} : vector<1x128xf32>, vector<128x128xf32>, vector<1x128xf32> -> vector<1x128xf32>
        %slice3A_530 = vector.extract_strided_slice %get3A_381 {offsets = [3, 0], sizes = [1, 128], strides = [1, 1]} : vector<8x128xf32> to vector<1x128xf32>
        %slice3A_531 = vector.extract_strided_slice %get3A_387 {offsets = [3, 0], sizes = [1, 128], strides = [1, 1]} : vector<8x128xf32> to vector<1x128xf32>
        %slice3A_532 = vector.extract_strided_slice %get3A_393 {offsets = [3, 0], sizes = [1, 128], strides = [1, 1]} : vector<8x128xf32> to vector<1x128xf32>
        %slice3A_533 = vector.extract_strided_slice %get3A_399 {offsets = [3, 0], sizes = [1, 128], strides = [1, 1]} : vector<8x128xf32> to vector<1x128xf32>
        %sub3A_534 = arith.subf %slice3A_532, %slice3A_530 : vector<1x128xf32>
        %sub3A_535 = arith.subf %slice3A_533, %slice3A_531 : vector<1x128xf32>
        %mul3A_536 = arith.mulf %sub3A_534, %sub3A_535 : vector<1x128xf32>
        %max3A_537 = vector.broadcast %transpose3A : vector<128x1xf32> to vector<128x128xf32>
        %max3A_538 = vector.broadcast %slice3A_530 : vector<1x128xf32> to vector<128x128xf32>
        %max3A_539 = arith.maximumf %max3A_537, %max3A_538 : vector<128x128xf32>
        %max3A_540 = vector.broadcast %transpose3A_38 : vector<128x1xf32> to vector<128x128xf32>
        %max3A_541 = vector.broadcast %slice3A_531 : vector<1x128xf32> to vector<128x128xf32>
        %max3A_542 = arith.maximumf %max3A_540, %max3A_541 : vector<128x128xf32>
        %min3A_543 = vector.broadcast %transpose3A_39 : vector<128x1xf32> to vector<128x128xf32>
        %min3A_544 = vector.broadcast %slice3A_532 : vector<1x128xf32> to vector<128x128xf32>
        %min3A_545 = arith.minimumf %min3A_543, %min3A_544 : vector<128x128xf32>
        %min3A_546 = vector.broadcast %transpose3A_40 : vector<128x1xf32> to vector<128x128xf32>
        %min3A_547 = vector.broadcast %slice3A_533 : vector<1x128xf32> to vector<128x128xf32>
        %min3A_548 = arith.minimumf %min3A_546, %min3A_547 : vector<128x128xf32>
        %sub3A_549 = arith.subf %min3A_545, %max3A_539 : vector<128x128xf32>
        %max3A_550 = arith.constant 0.000000e+00 : f32
        %max3A_551 = vector.broadcast %max3A_550 : f32 to vector<128x128xf32>
        %max3A_552 = arith.maximumf %sub3A_549, %max3A_551 : vector<128x128xf32>
        %sub3A_553 = arith.subf %min3A_548, %max3A_542 : vector<128x128xf32>
        %max3A_554 = arith.constant 0.000000e+00 : f32
        %max3A_555 = vector.broadcast %max3A_554 : f32 to vector<128x128xf32>
        %max3A_556 = arith.maximumf %sub3A_553, %max3A_555 : vector<128x128xf32>
        %mul3A_557 = arith.mulf %max3A_552, %max3A_556 : vector<128x128xf32>
        %add3A_558 = vector.broadcast %mul3A_43 : vector<128x1xf32> to vector<128x128xf32>
        %add3A_559 = vector.broadcast %mul3A_536 : vector<1x128xf32> to vector<128x128xf32>
        %add3A_560 = arith.addf %add3A_558, %add3A_559 : vector<128x128xf32>
        %sub3A_561 = arith.subf %add3A_560, %mul3A_557 : vector<128x128xf32>
        %mul3A_562 = arith.constant 5.000000e-01 : f32
        %mul3A_563 = vector.broadcast %mul3A_562 : f32 to vector<128x128xf32>
        %mul3A_564 = arith.mulf %mul3A_563, %sub3A_561 : vector<128x128xf32>
        %ge3A_565 = arith.cmpf oge, %mul3A_557, %mul3A_564 : vector<128x128xf32>
        %gt3A_566 = arith.constant 0.000000e+00 : f32
        %gt3A_567 = vector.broadcast %gt3A_566 : f32 to vector<128x128xf32>
        %gt3A_568 = arith.cmpf ogt, %sub3A_561, %gt3A_567 : vector<128x128xf32>
        %and3A_569 = arith.andi %ge3A_565, %gt3A_568 : vector<128x128xi1>
        %convert_element_type3A_570 = arith.extui %and3A_569 : vector<128x128xi1> to vector<128x128xi32>
        %convert_element_type3A_571 = arith.sitofp %convert_element_type3A_570 : vector<128x128xi32> to vector<128x128xf32>
        %dot_general3A_572 = arith.constant dense<0.000000e+00> : vector<1x128xf32>
        %dot_general3A_573 = tpu.matmul %while3A_308#0, %convert_element_type3A_571, %dot_general3A_572 {dimension_numbers = #tpu.dot_dimension_numbers<[1], [0], [0], [1], [0, 0, 1, 1], [], []>, transpose_lhs_hint = false} : vector<1x128xf32>, vector<128x128xf32>, vector<1x128xf32> -> vector<1x128xf32>
        %slice3A_574 = vector.extract_strided_slice %get3A_381 {offsets = [4, 0], sizes = [1, 128], strides = [1, 1]} : vector<8x128xf32> to vector<1x128xf32>
        %slice3A_575 = vector.extract_strided_slice %get3A_387 {offsets = [4, 0], sizes = [1, 128], strides = [1, 1]} : vector<8x128xf32> to vector<1x128xf32>
        %slice3A_576 = vector.extract_strided_slice %get3A_393 {offsets = [4, 0], sizes = [1, 128], strides = [1, 1]} : vector<8x128xf32> to vector<1x128xf32>
        %slice3A_577 = vector.extract_strided_slice %get3A_399 {offsets = [4, 0], sizes = [1, 128], strides = [1, 1]} : vector<8x128xf32> to vector<1x128xf32>
        %sub3A_578 = arith.subf %slice3A_576, %slice3A_574 : vector<1x128xf32>
        %sub3A_579 = arith.subf %slice3A_577, %slice3A_575 : vector<1x128xf32>
        %mul3A_580 = arith.mulf %sub3A_578, %sub3A_579 : vector<1x128xf32>
        %max3A_581 = vector.broadcast %transpose3A : vector<128x1xf32> to vector<128x128xf32>
        %max3A_582 = vector.broadcast %slice3A_574 : vector<1x128xf32> to vector<128x128xf32>
        %max3A_583 = arith.maximumf %max3A_581, %max3A_582 : vector<128x128xf32>
        %max3A_584 = vector.broadcast %transpose3A_38 : vector<128x1xf32> to vector<128x128xf32>
        %max3A_585 = vector.broadcast %slice3A_575 : vector<1x128xf32> to vector<128x128xf32>
        %max3A_586 = arith.maximumf %max3A_584, %max3A_585 : vector<128x128xf32>
        %min3A_587 = vector.broadcast %transpose3A_39 : vector<128x1xf32> to vector<128x128xf32>
        %min3A_588 = vector.broadcast %slice3A_576 : vector<1x128xf32> to vector<128x128xf32>
        %min3A_589 = arith.minimumf %min3A_587, %min3A_588 : vector<128x128xf32>
        %min3A_590 = vector.broadcast %transpose3A_40 : vector<128x1xf32> to vector<128x128xf32>
        %min3A_591 = vector.broadcast %slice3A_577 : vector<1x128xf32> to vector<128x128xf32>
        %min3A_592 = arith.minimumf %min3A_590, %min3A_591 : vector<128x128xf32>
        %sub3A_593 = arith.subf %min3A_589, %max3A_583 : vector<128x128xf32>
        %max3A_594 = arith.constant 0.000000e+00 : f32
        %max3A_595 = vector.broadcast %max3A_594 : f32 to vector<128x128xf32>
        %max3A_596 = arith.maximumf %sub3A_593, %max3A_595 : vector<128x128xf32>
        %sub3A_597 = arith.subf %min3A_592, %max3A_586 : vector<128x128xf32>
        %max3A_598 = arith.constant 0.000000e+00 : f32
        %max3A_599 = vector.broadcast %max3A_598 : f32 to vector<128x128xf32>
        %max3A_600 = arith.maximumf %sub3A_597, %max3A_599 : vector<128x128xf32>
        %mul3A_601 = arith.mulf %max3A_596, %max3A_600 : vector<128x128xf32>
        %add3A_602 = vector.broadcast %mul3A_43 : vector<128x1xf32> to vector<128x128xf32>
        %add3A_603 = vector.broadcast %mul3A_580 : vector<1x128xf32> to vector<128x128xf32>
        %add3A_604 = arith.addf %add3A_602, %add3A_603 : vector<128x128xf32>
        %sub3A_605 = arith.subf %add3A_604, %mul3A_601 : vector<128x128xf32>
        %mul3A_606 = arith.constant 5.000000e-01 : f32
        %mul3A_607 = vector.broadcast %mul3A_606 : f32 to vector<128x128xf32>
        %mul3A_608 = arith.mulf %mul3A_607, %sub3A_605 : vector<128x128xf32>
        %ge3A_609 = arith.cmpf oge, %mul3A_601, %mul3A_608 : vector<128x128xf32>
        %gt3A_610 = arith.constant 0.000000e+00 : f32
        %gt3A_611 = vector.broadcast %gt3A_610 : f32 to vector<128x128xf32>
        %gt3A_612 = arith.cmpf ogt, %sub3A_605, %gt3A_611 : vector<128x128xf32>
        %and3A_613 = arith.andi %ge3A_609, %gt3A_612 : vector<128x128xi1>
        %convert_element_type3A_614 = arith.extui %and3A_613 : vector<128x128xi1> to vector<128x128xi32>
        %convert_element_type3A_615 = arith.sitofp %convert_element_type3A_614 : vector<128x128xi32> to vector<128x128xf32>
        %dot_general3A_616 = arith.constant dense<0.000000e+00> : vector<1x128xf32>
        %dot_general3A_617 = tpu.matmul %while3A_308#0, %convert_element_type3A_615, %dot_general3A_616 {dimension_numbers = #tpu.dot_dimension_numbers<[1], [0], [0], [1], [0, 0, 1, 1], [], []>, transpose_lhs_hint = false} : vector<1x128xf32>, vector<128x128xf32>, vector<1x128xf32> -> vector<1x128xf32>
        %slice3A_618 = vector.extract_strided_slice %get3A_381 {offsets = [5, 0], sizes = [1, 128], strides = [1, 1]} : vector<8x128xf32> to vector<1x128xf32>
        %slice3A_619 = vector.extract_strided_slice %get3A_387 {offsets = [5, 0], sizes = [1, 128], strides = [1, 1]} : vector<8x128xf32> to vector<1x128xf32>
        %slice3A_620 = vector.extract_strided_slice %get3A_393 {offsets = [5, 0], sizes = [1, 128], strides = [1, 1]} : vector<8x128xf32> to vector<1x128xf32>
        %slice3A_621 = vector.extract_strided_slice %get3A_399 {offsets = [5, 0], sizes = [1, 128], strides = [1, 1]} : vector<8x128xf32> to vector<1x128xf32>
        %sub3A_622 = arith.subf %slice3A_620, %slice3A_618 : vector<1x128xf32>
        %sub3A_623 = arith.subf %slice3A_621, %slice3A_619 : vector<1x128xf32>
        %mul3A_624 = arith.mulf %sub3A_622, %sub3A_623 : vector<1x128xf32>
        %max3A_625 = vector.broadcast %transpose3A : vector<128x1xf32> to vector<128x128xf32>
        %max3A_626 = vector.broadcast %slice3A_618 : vector<1x128xf32> to vector<128x128xf32>
        %max3A_627 = arith.maximumf %max3A_625, %max3A_626 : vector<128x128xf32>
        %max3A_628 = vector.broadcast %transpose3A_38 : vector<128x1xf32> to vector<128x128xf32>
        %max3A_629 = vector.broadcast %slice3A_619 : vector<1x128xf32> to vector<128x128xf32>
        %max3A_630 = arith.maximumf %max3A_628, %max3A_629 : vector<128x128xf32>
        %min3A_631 = vector.broadcast %transpose3A_39 : vector<128x1xf32> to vector<128x128xf32>
        %min3A_632 = vector.broadcast %slice3A_620 : vector<1x128xf32> to vector<128x128xf32>
        %min3A_633 = arith.minimumf %min3A_631, %min3A_632 : vector<128x128xf32>
        %min3A_634 = vector.broadcast %transpose3A_40 : vector<128x1xf32> to vector<128x128xf32>
        %min3A_635 = vector.broadcast %slice3A_621 : vector<1x128xf32> to vector<128x128xf32>
        %min3A_636 = arith.minimumf %min3A_634, %min3A_635 : vector<128x128xf32>
        %sub3A_637 = arith.subf %min3A_633, %max3A_627 : vector<128x128xf32>
        %max3A_638 = arith.constant 0.000000e+00 : f32
        %max3A_639 = vector.broadcast %max3A_638 : f32 to vector<128x128xf32>
        %max3A_640 = arith.maximumf %sub3A_637, %max3A_639 : vector<128x128xf32>
        %sub3A_641 = arith.subf %min3A_636, %max3A_630 : vector<128x128xf32>
        %max3A_642 = arith.constant 0.000000e+00 : f32
        %max3A_643 = vector.broadcast %max3A_642 : f32 to vector<128x128xf32>
        %max3A_644 = arith.maximumf %sub3A_641, %max3A_643 : vector<128x128xf32>
        %mul3A_645 = arith.mulf %max3A_640, %max3A_644 : vector<128x128xf32>
        %add3A_646 = vector.broadcast %mul3A_43 : vector<128x1xf32> to vector<128x128xf32>
        %add3A_647 = vector.broadcast %mul3A_624 : vector<1x128xf32> to vector<128x128xf32>
        %add3A_648 = arith.addf %add3A_646, %add3A_647 : vector<128x128xf32>
        %sub3A_649 = arith.subf %add3A_648, %mul3A_645 : vector<128x128xf32>
        %mul3A_650 = arith.constant 5.000000e-01 : f32
        %mul3A_651 = vector.broadcast %mul3A_650 : f32 to vector<128x128xf32>
        %mul3A_652 = arith.mulf %mul3A_651, %sub3A_649 : vector<128x128xf32>
        %ge3A_653 = arith.cmpf oge, %mul3A_645, %mul3A_652 : vector<128x128xf32>
        %gt3A_654 = arith.constant 0.000000e+00 : f32
        %gt3A_655 = vector.broadcast %gt3A_654 : f32 to vector<128x128xf32>
        %gt3A_656 = arith.cmpf ogt, %sub3A_649, %gt3A_655 : vector<128x128xf32>
        %and3A_657 = arith.andi %ge3A_653, %gt3A_656 : vector<128x128xi1>
        %convert_element_type3A_658 = arith.extui %and3A_657 : vector<128x128xi1> to vector<128x128xi32>
        %convert_element_type3A_659 = arith.sitofp %convert_element_type3A_658 : vector<128x128xi32> to vector<128x128xf32>
        %dot_general3A_660 = arith.constant dense<0.000000e+00> : vector<1x128xf32>
        %dot_general3A_661 = tpu.matmul %while3A_308#0, %convert_element_type3A_659, %dot_general3A_660 {dimension_numbers = #tpu.dot_dimension_numbers<[1], [0], [0], [1], [0, 0, 1, 1], [], []>, transpose_lhs_hint = false} : vector<1x128xf32>, vector<128x128xf32>, vector<1x128xf32> -> vector<1x128xf32>
        %slice3A_662 = vector.extract_strided_slice %get3A_381 {offsets = [6, 0], sizes = [1, 128], strides = [1, 1]} : vector<8x128xf32> to vector<1x128xf32>
        %slice3A_663 = vector.extract_strided_slice %get3A_387 {offsets = [6, 0], sizes = [1, 128], strides = [1, 1]} : vector<8x128xf32> to vector<1x128xf32>
        %slice3A_664 = vector.extract_strided_slice %get3A_393 {offsets = [6, 0], sizes = [1, 128], strides = [1, 1]} : vector<8x128xf32> to vector<1x128xf32>
        %slice3A_665 = vector.extract_strided_slice %get3A_399 {offsets = [6, 0], sizes = [1, 128], strides = [1, 1]} : vector<8x128xf32> to vector<1x128xf32>
        %sub3A_666 = arith.subf %slice3A_664, %slice3A_662 : vector<1x128xf32>
        %sub3A_667 = arith.subf %slice3A_665, %slice3A_663 : vector<1x128xf32>
        %mul3A_668 = arith.mulf %sub3A_666, %sub3A_667 : vector<1x128xf32>
        %max3A_669 = vector.broadcast %transpose3A : vector<128x1xf32> to vector<128x128xf32>
        %max3A_670 = vector.broadcast %slice3A_662 : vector<1x128xf32> to vector<128x128xf32>
        %max3A_671 = arith.maximumf %max3A_669, %max3A_670 : vector<128x128xf32>
        %max3A_672 = vector.broadcast %transpose3A_38 : vector<128x1xf32> to vector<128x128xf32>
        %max3A_673 = vector.broadcast %slice3A_663 : vector<1x128xf32> to vector<128x128xf32>
        %max3A_674 = arith.maximumf %max3A_672, %max3A_673 : vector<128x128xf32>
        %min3A_675 = vector.broadcast %transpose3A_39 : vector<128x1xf32> to vector<128x128xf32>
        %min3A_676 = vector.broadcast %slice3A_664 : vector<1x128xf32> to vector<128x128xf32>
        %min3A_677 = arith.minimumf %min3A_675, %min3A_676 : vector<128x128xf32>
        %min3A_678 = vector.broadcast %transpose3A_40 : vector<128x1xf32> to vector<128x128xf32>
        %min3A_679 = vector.broadcast %slice3A_665 : vector<1x128xf32> to vector<128x128xf32>
        %min3A_680 = arith.minimumf %min3A_678, %min3A_679 : vector<128x128xf32>
        %sub3A_681 = arith.subf %min3A_677, %max3A_671 : vector<128x128xf32>
        %max3A_682 = arith.constant 0.000000e+00 : f32
        %max3A_683 = vector.broadcast %max3A_682 : f32 to vector<128x128xf32>
        %max3A_684 = arith.maximumf %sub3A_681, %max3A_683 : vector<128x128xf32>
        %sub3A_685 = arith.subf %min3A_680, %max3A_674 : vector<128x128xf32>
        %max3A_686 = arith.constant 0.000000e+00 : f32
        %max3A_687 = vector.broadcast %max3A_686 : f32 to vector<128x128xf32>
        %max3A_688 = arith.maximumf %sub3A_685, %max3A_687 : vector<128x128xf32>
        %mul3A_689 = arith.mulf %max3A_684, %max3A_688 : vector<128x128xf32>
        %add3A_690 = vector.broadcast %mul3A_43 : vector<128x1xf32> to vector<128x128xf32>
        %add3A_691 = vector.broadcast %mul3A_668 : vector<1x128xf32> to vector<128x128xf32>
        %add3A_692 = arith.addf %add3A_690, %add3A_691 : vector<128x128xf32>
        %sub3A_693 = arith.subf %add3A_692, %mul3A_689 : vector<128x128xf32>
        %mul3A_694 = arith.constant 5.000000e-01 : f32
        %mul3A_695 = vector.broadcast %mul3A_694 : f32 to vector<128x128xf32>
        %mul3A_696 = arith.mulf %mul3A_695, %sub3A_693 : vector<128x128xf32>
        %ge3A_697 = arith.cmpf oge, %mul3A_689, %mul3A_696 : vector<128x128xf32>
        %gt3A_698 = arith.constant 0.000000e+00 : f32
        %gt3A_699 = vector.broadcast %gt3A_698 : f32 to vector<128x128xf32>
        %gt3A_700 = arith.cmpf ogt, %sub3A_693, %gt3A_699 : vector<128x128xf32>
        %and3A_701 = arith.andi %ge3A_697, %gt3A_700 : vector<128x128xi1>
        %convert_element_type3A_702 = arith.extui %and3A_701 : vector<128x128xi1> to vector<128x128xi32>
        %convert_element_type3A_703 = arith.sitofp %convert_element_type3A_702 : vector<128x128xi32> to vector<128x128xf32>
        %dot_general3A_704 = arith.constant dense<0.000000e+00> : vector<1x128xf32>
        %dot_general3A_705 = tpu.matmul %while3A_308#0, %convert_element_type3A_703, %dot_general3A_704 {dimension_numbers = #tpu.dot_dimension_numbers<[1], [0], [0], [1], [0, 0, 1, 1], [], []>, transpose_lhs_hint = false} : vector<1x128xf32>, vector<128x128xf32>, vector<1x128xf32> -> vector<1x128xf32>
        %slice3A_706 = vector.extract_strided_slice %get3A_381 {offsets = [7, 0], sizes = [1, 128], strides = [1, 1]} : vector<8x128xf32> to vector<1x128xf32>
        %slice3A_707 = vector.extract_strided_slice %get3A_387 {offsets = [7, 0], sizes = [1, 128], strides = [1, 1]} : vector<8x128xf32> to vector<1x128xf32>
        %slice3A_708 = vector.extract_strided_slice %get3A_393 {offsets = [7, 0], sizes = [1, 128], strides = [1, 1]} : vector<8x128xf32> to vector<1x128xf32>
        %slice3A_709 = vector.extract_strided_slice %get3A_399 {offsets = [7, 0], sizes = [1, 128], strides = [1, 1]} : vector<8x128xf32> to vector<1x128xf32>
        %sub3A_710 = arith.subf %slice3A_708, %slice3A_706 : vector<1x128xf32>
        %sub3A_711 = arith.subf %slice3A_709, %slice3A_707 : vector<1x128xf32>
        %mul3A_712 = arith.mulf %sub3A_710, %sub3A_711 : vector<1x128xf32>
        %max3A_713 = vector.broadcast %transpose3A : vector<128x1xf32> to vector<128x128xf32>
        %max3A_714 = vector.broadcast %slice3A_706 : vector<1x128xf32> to vector<128x128xf32>
        %max3A_715 = arith.maximumf %max3A_713, %max3A_714 : vector<128x128xf32>
        %max3A_716 = vector.broadcast %transpose3A_38 : vector<128x1xf32> to vector<128x128xf32>
        %max3A_717 = vector.broadcast %slice3A_707 : vector<1x128xf32> to vector<128x128xf32>
        %max3A_718 = arith.maximumf %max3A_716, %max3A_717 : vector<128x128xf32>
        %min3A_719 = vector.broadcast %transpose3A_39 : vector<128x1xf32> to vector<128x128xf32>
        %min3A_720 = vector.broadcast %slice3A_708 : vector<1x128xf32> to vector<128x128xf32>
        %min3A_721 = arith.minimumf %min3A_719, %min3A_720 : vector<128x128xf32>
        %min3A_722 = vector.broadcast %transpose3A_40 : vector<128x1xf32> to vector<128x128xf32>
        %min3A_723 = vector.broadcast %slice3A_709 : vector<1x128xf32> to vector<128x128xf32>
        %min3A_724 = arith.minimumf %min3A_722, %min3A_723 : vector<128x128xf32>
        %sub3A_725 = arith.subf %min3A_721, %max3A_715 : vector<128x128xf32>
        %max3A_726 = arith.constant 0.000000e+00 : f32
        %max3A_727 = vector.broadcast %max3A_726 : f32 to vector<128x128xf32>
        %max3A_728 = arith.maximumf %sub3A_725, %max3A_727 : vector<128x128xf32>
        %sub3A_729 = arith.subf %min3A_724, %max3A_718 : vector<128x128xf32>
        %max3A_730 = arith.constant 0.000000e+00 : f32
        %max3A_731 = vector.broadcast %max3A_730 : f32 to vector<128x128xf32>
        %max3A_732 = arith.maximumf %sub3A_729, %max3A_731 : vector<128x128xf32>
        %mul3A_733 = arith.mulf %max3A_728, %max3A_732 : vector<128x128xf32>
        %add3A_734 = vector.broadcast %mul3A_43 : vector<128x1xf32> to vector<128x128xf32>
        %add3A_735 = vector.broadcast %mul3A_712 : vector<1x128xf32> to vector<128x128xf32>
        %add3A_736 = arith.addf %add3A_734, %add3A_735 : vector<128x128xf32>
        %sub3A_737 = arith.subf %add3A_736, %mul3A_733 : vector<128x128xf32>
        %mul3A_738 = arith.constant 5.000000e-01 : f32
        %mul3A_739 = vector.broadcast %mul3A_738 : f32 to vector<128x128xf32>
        %mul3A_740 = arith.mulf %mul3A_739, %sub3A_737 : vector<128x128xf32>
        %ge3A_741 = arith.cmpf oge, %mul3A_733, %mul3A_740 : vector<128x128xf32>
        %gt3A_742 = arith.constant 0.000000e+00 : f32
        %gt3A_743 = vector.broadcast %gt3A_742 : f32 to vector<128x128xf32>
        %gt3A_744 = arith.cmpf ogt, %sub3A_737, %gt3A_743 : vector<128x128xf32>
        %and3A_745 = arith.andi %ge3A_741, %gt3A_744 : vector<128x128xi1>
        %convert_element_type3A_746 = arith.extui %and3A_745 : vector<128x128xi1> to vector<128x128xi32>
        %convert_element_type3A_747 = arith.sitofp %convert_element_type3A_746 : vector<128x128xi32> to vector<128x128xf32>
        %dot_general3A_748 = arith.constant dense<0.000000e+00> : vector<1x128xf32>
        %dot_general3A_749 = tpu.matmul %while3A_308#0, %convert_element_type3A_747, %dot_general3A_748 {dimension_numbers = #tpu.dot_dimension_numbers<[1], [0], [0], [1], [0, 0, 1, 1], [], []>, transpose_lhs_hint = false} : vector<1x128xf32>, vector<128x128xf32>, vector<1x128xf32> -> vector<1x128xf32>
        %concatenate3A = tpu.concatenate %dot_general3A_441, %dot_general3A_485, %dot_general3A_529, %dot_general3A_573, %dot_general3A_617, %dot_general3A_661, %dot_general3A_705, %dot_general3A_749 in 0 : vector<1x128xf32>, vector<1x128xf32>, vector<1x128xf32>, vector<1x128xf32>, vector<1x128xf32>, vector<1x128xf32>, vector<1x128xf32>, vector<1x128xf32> -> vector<8x128xf32>
        %le3A = arith.constant 0.000000e+00 : f32
        %le3A_750 = vector.broadcast %le3A : f32 to vector<8x128xf32>
        %le3A_751 = arith.cmpf ole, %concatenate3A, %le3A_750 : vector<8x128xf32>
        %convert_element_type3A_752 = arith.extui %le3A_751 : vector<8x128xi1> to vector<8x128xi32>
        %convert_element_type3A_753 = arith.sitofp %convert_element_type3A_752 : vector<8x128xi32> to vector<8x128xf32>
        %get3A_754 = arith.constant 0 : index
        %get3A_755 = arith.constant 0 : index
        %get3A_756 = arith.index_cast %add3A_375 : i32 to index
        %get3A_757 = arith.constant 0 : index
        %get3A_758 = vector.load %arg5[%get3A_754, %get3A_755, %get3A_756, %get3A_757] : memref<1x4x48x128xf32, #tpu.memory_space<vmem>>, vector<1x1x8x128xf32>
        %get3A_759 = vector.shape_cast %get3A_758 : vector<1x1x8x128xf32> to vector<8x128xf32>
        %mul3A_760 = arith.mulf %get3A_759, %convert_element_type3A_753 : vector<8x128xf32>
        %swap3A_761 = arith.constant 0 : index
        %swap3A_762 = arith.constant 0 : index
        %swap3A_763 = arith.index_cast %add3A_375 : i32 to index
        %swap3A_764 = arith.constant 0 : index
        %swap3A_765 = vector.load %arg5[%swap3A_761, %swap3A_762, %swap3A_763, %swap3A_764] : memref<1x4x48x128xf32, #tpu.memory_space<vmem>>, vector<1x1x8x128xf32>
        %swap3A_766 = vector.shape_cast %swap3A_765 : vector<1x1x8x128xf32> to vector<8x128xf32>
        %swap3A_767 = vector.shape_cast %mul3A_760 : vector<8x128xf32> to vector<1x1x8x128xf32>
        tpu.vector_store %arg5[%swap3A_761, %swap3A_762, %swap3A_763, %swap3A_764], %swap3A_767 {strides = array<i32>} : memref<1x4x48x128xf32, #tpu.memory_space<vmem>>, vector<1x1x8x128xf32>,
        %get3A_768 = arith.constant 0 : index
        %get3A_769 = arith.constant 1 : index
        %get3A_770 = arith.index_cast %add3A_375 : i32 to index
        %get3A_771 = arith.constant 0 : index
        %get3A_772 = vector.load %arg1[%get3A_768, %get3A_769, %get3A_770, %get3A_771] : memref<1x4x48x128xf32, #tpu.memory_space<vmem>>, vector<1x1x8x128xf32>
        %get3A_773 = vector.shape_cast %get3A_772 : vector<1x1x8x128xf32> to vector<8x128xf32>
        %get3A_774 = arith.constant 0 : index
        %get3A_775 = arith.constant 1 : index
        %get3A_776 = arith.index_cast %add3A_375 : i32 to index
        %get3A_777 = arith.constant 0 : index
        %get3A_778 = vector.load %arg2[%get3A_774, %get3A_775, %get3A_776, %get3A_777] : memref<1x4x48x128xf32, #tpu.memory_space<vmem>>, vector<1x1x8x128xf32>
        %get3A_779 = vector.shape_cast %get3A_778 : vector<1x1x8x128xf32> to vector<8x128xf32>
        %get3A_780 = arith.constant 0 : index
        %get3A_781 = arith.constant 1 : index
        %get3A_782 = arith.index_cast %add3A_375 : i32 to index
        %get3A_783 = arith.constant 0 : index
        %get3A_784 = vector.load %arg3[%get3A_780, %get3A_781, %get3A_782, %get3A_783] : memref<1x4x48x128xf32, #tpu.memory_space<vmem>>, vector<1x1x8x128xf32>
        %get3A_785 = vector.shape_cast %get3A_784 : vector<1x1x8x128xf32> to vector<8x128xf32>
        %get3A_786 = arith.constant 0 : index
        %get3A_787 = arith.constant 1 : index
        %get3A_788 = arith.index_cast %add3A_375 : i32 to index
        %get3A_789 = arith.constant 0 : index
        %get3A_790 = vector.load %arg4[%get3A_786, %get3A_787, %get3A_788, %get3A_789] : memref<1x4x48x128xf32, #tpu.memory_space<vmem>>, vector<1x1x8x128xf32>
        %get3A_791 = vector.shape_cast %get3A_790 : vector<1x1x8x128xf32> to vector<8x128xf32>
        %slice3A_792 = vector.extract_strided_slice %get3A_773 {offsets = [0, 0], sizes = [1, 128], strides = [1, 1]} : vector<8x128xf32> to vector<1x128xf32>
        %slice3A_793 = vector.extract_strided_slice %get3A_779 {offsets = [0, 0], sizes = [1, 128], strides = [1, 1]} : vector<8x128xf32> to vector<1x128xf32>
        %slice3A_794 = vector.extract_strided_slice %get3A_785 {offsets = [0, 0], sizes = [1, 128], strides = [1, 1]} : vector<8x128xf32> to vector<1x128xf32>
        %slice3A_795 = vector.extract_strided_slice %get3A_791 {offsets = [0, 0], sizes = [1, 128], strides = [1, 1]} : vector<8x128xf32> to vector<1x128xf32>
        %sub3A_796 = arith.subf %slice3A_794, %slice3A_792 : vector<1x128xf32>
        %sub3A_797 = arith.subf %slice3A_795, %slice3A_793 : vector<1x128xf32>
        %mul3A_798 = arith.mulf %sub3A_796, %sub3A_797 : vector<1x128xf32>
        %max3A_799 = vector.broadcast %transpose3A_107 : vector<128x1xf32> to vector<128x128xf32>
        %max3A_800 = vector.broadcast %slice3A_792 : vector<1x128xf32> to vector<128x128xf32>
        %max3A_801 = arith.maximumf %max3A_799, %max3A_800 : vector<128x128xf32>
        %max3A_802 = vector.broadcast %transpose3A_108 : vector<128x1xf32> to vector<128x128xf32>
        %max3A_803 = vector.broadcast %slice3A_793 : vector<1x128xf32> to vector<128x128xf32>
        %max3A_804 = arith.maximumf %max3A_802, %max3A_803 : vector<128x128xf32>
        %min3A_805 = vector.broadcast %transpose3A_109 : vector<128x1xf32> to vector<128x128xf32>
        %min3A_806 = vector.broadcast %slice3A_794 : vector<1x128xf32> to vector<128x128xf32>
        %min3A_807 = arith.minimumf %min3A_805, %min3A_806 : vector<128x128xf32>
        %min3A_808 = vector.broadcast %transpose3A_110 : vector<128x1xf32> to vector<128x128xf32>
        %min3A_809 = vector.broadcast %slice3A_795 : vector<1x128xf32> to vector<128x128xf32>
        %min3A_810 = arith.minimumf %min3A_808, %min3A_809 : vector<128x128xf32>
        %sub3A_811 = arith.subf %min3A_807, %max3A_801 : vector<128x128xf32>
        %max3A_812 = arith.constant 0.000000e+00 : f32
        %max3A_813 = vector.broadcast %max3A_812 : f32 to vector<128x128xf32>
        %max3A_814 = arith.maximumf %sub3A_811, %max3A_813 : vector<128x128xf32>
        %sub3A_815 = arith.subf %min3A_810, %max3A_804 : vector<128x128xf32>
        %max3A_816 = arith.constant 0.000000e+00 : f32
        %max3A_817 = vector.broadcast %max3A_816 : f32 to vector<128x128xf32>
        %max3A_818 = arith.maximumf %sub3A_815, %max3A_817 : vector<128x128xf32>
        %mul3A_819 = arith.mulf %max3A_814, %max3A_818 : vector<128x128xf32>
        %add3A_820 = vector.broadcast %mul3A_113 : vector<128x1xf32> to vector<128x128xf32>
        %add3A_821 = vector.broadcast %mul3A_798 : vector<1x128xf32> to vector<128x128xf32>
        %add3A_822 = arith.addf %add3A_820, %add3A_821 : vector<128x128xf32>
        %sub3A_823 = arith.subf %add3A_822, %mul3A_819 : vector<128x128xf32>
        %mul3A_824 = arith.constant 5.000000e-01 : f32
        %mul3A_825 = vector.broadcast %mul3A_824 : f32 to vector<128x128xf32>
        %mul3A_826 = arith.mulf %mul3A_825, %sub3A_823 : vector<128x128xf32>
        %ge3A_827 = arith.cmpf oge, %mul3A_819, %mul3A_826 : vector<128x128xf32>
        %gt3A_828 = arith.constant 0.000000e+00 : f32
        %gt3A_829 = vector.broadcast %gt3A_828 : f32 to vector<128x128xf32>
        %gt3A_830 = arith.cmpf ogt, %sub3A_823, %gt3A_829 : vector<128x128xf32>
        %and3A_831 = arith.andi %ge3A_827, %gt3A_830 : vector<128x128xi1>
        %convert_element_type3A_832 = arith.extui %and3A_831 : vector<128x128xi1> to vector<128x128xi32>
        %convert_element_type3A_833 = arith.sitofp %convert_element_type3A_832 : vector<128x128xi32> to vector<128x128xf32>
        %dot_general3A_834 = arith.constant dense<0.000000e+00> : vector<1x128xf32>
        %dot_general3A_835 = tpu.matmul %while3A_308#1, %convert_element_type3A_833, %dot_general3A_834 {dimension_numbers = #tpu.dot_dimension_numbers<[1], [0], [0], [1], [0, 0, 1, 1], [], []>, transpose_lhs_hint = false} : vector<1x128xf32>, vector<128x128xf32>, vector<1x128xf32> -> vector<1x128xf32>
        %slice3A_836 = vector.extract_strided_slice %get3A_773 {offsets = [1, 0], sizes = [1, 128], strides = [1, 1]} : vector<8x128xf32> to vector<1x128xf32>
        %slice3A_837 = vector.extract_strided_slice %get3A_779 {offsets = [1, 0], sizes = [1, 128], strides = [1, 1]} : vector<8x128xf32> to vector<1x128xf32>
        %slice3A_838 = vector.extract_strided_slice %get3A_785 {offsets = [1, 0], sizes = [1, 128], strides = [1, 1]} : vector<8x128xf32> to vector<1x128xf32>
        %slice3A_839 = vector.extract_strided_slice %get3A_791 {offsets = [1, 0], sizes = [1, 128], strides = [1, 1]} : vector<8x128xf32> to vector<1x128xf32>
        %sub3A_840 = arith.subf %slice3A_838, %slice3A_836 : vector<1x128xf32>
        %sub3A_841 = arith.subf %slice3A_839, %slice3A_837 : vector<1x128xf32>
        %mul3A_842 = arith.mulf %sub3A_840, %sub3A_841 : vector<1x128xf32>
        %max3A_843 = vector.broadcast %transpose3A_107 : vector<128x1xf32> to vector<128x128xf32>
        %max3A_844 = vector.broadcast %slice3A_836 : vector<1x128xf32> to vector<128x128xf32>
        %max3A_845 = arith.maximumf %max3A_843, %max3A_844 : vector<128x128xf32>
        %max3A_846 = vector.broadcast %transpose3A_108 : vector<128x1xf32> to vector<128x128xf32>
        %max3A_847 = vector.broadcast %slice3A_837 : vector<1x128xf32> to vector<128x128xf32>
        %max3A_848 = arith.maximumf %max3A_846, %max3A_847 : vector<128x128xf32>
        %min3A_849 = vector.broadcast %transpose3A_109 : vector<128x1xf32> to vector<128x128xf32>
        %min3A_850 = vector.broadcast %slice3A_838 : vector<1x128xf32> to vector<128x128xf32>
        %min3A_851 = arith.minimumf %min3A_849, %min3A_850 : vector<128x128xf32>
        %min3A_852 = vector.broadcast %transpose3A_110 : vector<128x1xf32> to vector<128x128xf32>
        %min3A_853 = vector.broadcast %slice3A_839 : vector<1x128xf32> to vector<128x128xf32>
        %min3A_854 = arith.minimumf %min3A_852, %min3A_853 : vector<128x128xf32>
        %sub3A_855 = arith.subf %min3A_851, %max3A_845 : vector<128x128xf32>
        %max3A_856 = arith.constant 0.000000e+00 : f32
        %max3A_857 = vector.broadcast %max3A_856 : f32 to vector<128x128xf32>
        %max3A_858 = arith.maximumf %sub3A_855, %max3A_857 : vector<128x128xf32>
        %sub3A_859 = arith.subf %min3A_854, %max3A_848 : vector<128x128xf32>
        %max3A_860 = arith.constant 0.000000e+00 : f32
        %max3A_861 = vector.broadcast %max3A_860 : f32 to vector<128x128xf32>
        %max3A_862 = arith.maximumf %sub3A_859, %max3A_861 : vector<128x128xf32>
        %mul3A_863 = arith.mulf %max3A_858, %max3A_862 : vector<128x128xf32>
        %add3A_864 = vector.broadcast %mul3A_113 : vector<128x1xf32> to vector<128x128xf32>
        %add3A_865 = vector.broadcast %mul3A_842 : vector<1x128xf32> to vector<128x128xf32>
        %add3A_866 = arith.addf %add3A_864, %add3A_865 : vector<128x128xf32>
        %sub3A_867 = arith.subf %add3A_866, %mul3A_863 : vector<128x128xf32>
        %mul3A_868 = arith.constant 5.000000e-01 : f32
        %mul3A_869 = vector.broadcast %mul3A_868 : f32 to vector<128x128xf32>
        %mul3A_870 = arith.mulf %mul3A_869, %sub3A_867 : vector<128x128xf32>
        %ge3A_871 = arith.cmpf oge, %mul3A_863, %mul3A_870 : vector<128x128xf32>
        %gt3A_872 = arith.constant 0.000000e+00 : f32
        %gt3A_873 = vector.broadcast %gt3A_872 : f32 to vector<128x128xf32>
        %gt3A_874 = arith.cmpf ogt, %sub3A_867, %gt3A_873 : vector<128x128xf32>
        %and3A_875 = arith.andi %ge3A_871, %gt3A_874 : vector<128x128xi1>
        %convert_element_type3A_876 = arith.extui %and3A_875 : vector<128x128xi1> to vector<128x128xi32>
        %convert_element_type3A_877 = arith.sitofp %convert_element_type3A_876 : vector<128x128xi32> to vector<128x128xf32>
        %dot_general3A_878 = arith.constant dense<0.000000e+00> : vector<1x128xf32>
        %dot_general3A_879 = tpu.matmul %while3A_308#1, %convert_element_type3A_877, %dot_general3A_878 {dimension_numbers = #tpu.dot_dimension_numbers<[1], [0], [0], [1], [0, 0, 1, 1], [], []>, transpose_lhs_hint = false} : vector<1x128xf32>, vector<128x128xf32>, vector<1x128xf32> -> vector<1x128xf32>
        %slice3A_880 = vector.extract_strided_slice %get3A_773 {offsets = [2, 0], sizes = [1, 128], strides = [1, 1]} : vector<8x128xf32> to vector<1x128xf32>
        %slice3A_881 = vector.extract_strided_slice %get3A_779 {offsets = [2, 0], sizes = [1, 128], strides = [1, 1]} : vector<8x128xf32> to vector<1x128xf32>
        %slice3A_882 = vector.extract_strided_slice %get3A_785 {offsets = [2, 0], sizes = [1, 128], strides = [1, 1]} : vector<8x128xf32> to vector<1x128xf32>
        %slice3A_883 = vector.extract_strided_slice %get3A_791 {offsets = [2, 0], sizes = [1, 128], strides = [1, 1]} : vector<8x128xf32> to vector<1x128xf32>
        %sub3A_884 = arith.subf %slice3A_882, %slice3A_880 : vector<1x128xf32>
        %sub3A_885 = arith.subf %slice3A_883, %slice3A_881 : vector<1x128xf32>
        %mul3A_886 = arith.mulf %sub3A_884, %sub3A_885 : vector<1x128xf32>
        %max3A_887 = vector.broadcast %transpose3A_107 : vector<128x1xf32> to vector<128x128xf32>
        %max3A_888 = vector.broadcast %slice3A_880 : vector<1x128xf32> to vector<128x128xf32>
        %max3A_889 = arith.maximumf %max3A_887, %max3A_888 : vector<128x128xf32>
        %max3A_890 = vector.broadcast %transpose3A_108 : vector<128x1xf32> to vector<128x128xf32>
        %max3A_891 = vector.broadcast %slice3A_881 : vector<1x128xf32> to vector<128x128xf32>
        %max3A_892 = arith.maximumf %max3A_890, %max3A_891 : vector<128x128xf32>
        %min3A_893 = vector.broadcast %transpose3A_109 : vector<128x1xf32> to vector<128x128xf32>
        %min3A_894 = vector.broadcast %slice3A_882 : vector<1x128xf32> to vector<128x128xf32>
        %min3A_895 = arith.minimumf %min3A_893, %min3A_894 : vector<128x128xf32>
        %min3A_896 = vector.broadcast %transpose3A_110 : vector<128x1xf32> to vector<128x128xf32>
        %min3A_897 = vector.broadcast %slice3A_883 : vector<1x128xf32> to vector<128x128xf32>
        %min3A_898 = arith.minimumf %min3A_896, %min3A_897 : vector<128x128xf32>
        %sub3A_899 = arith.subf %min3A_895, %max3A_889 : vector<128x128xf32>
        %max3A_900 = arith.constant 0.000000e+00 : f32
        %max3A_901 = vector.broadcast %max3A_900 : f32 to vector<128x128xf32>
        %max3A_902 = arith.maximumf %sub3A_899, %max3A_901 : vector<128x128xf32>
        %sub3A_903 = arith.subf %min3A_898, %max3A_892 : vector<128x128xf32>
        %max3A_904 = arith.constant 0.000000e+00 : f32
        %max3A_905 = vector.broadcast %max3A_904 : f32 to vector<128x128xf32>
        %max3A_906 = arith.maximumf %sub3A_903, %max3A_905 : vector<128x128xf32>
        %mul3A_907 = arith.mulf %max3A_902, %max3A_906 : vector<128x128xf32>
        %add3A_908 = vector.broadcast %mul3A_113 : vector<128x1xf32> to vector<128x128xf32>
        %add3A_909 = vector.broadcast %mul3A_886 : vector<1x128xf32> to vector<128x128xf32>
        %add3A_910 = arith.addf %add3A_908, %add3A_909 : vector<128x128xf32>
        %sub3A_911 = arith.subf %add3A_910, %mul3A_907 : vector<128x128xf32>
        %mul3A_912 = arith.constant 5.000000e-01 : f32
        %mul3A_913 = vector.broadcast %mul3A_912 : f32 to vector<128x128xf32>
        %mul3A_914 = arith.mulf %mul3A_913, %sub3A_911 : vector<128x128xf32>
        %ge3A_915 = arith.cmpf oge, %mul3A_907, %mul3A_914 : vector<128x128xf32>
        %gt3A_916 = arith.constant 0.000000e+00 : f32
        %gt3A_917 = vector.broadcast %gt3A_916 : f32 to vector<128x128xf32>
        %gt3A_918 = arith.cmpf ogt, %sub3A_911, %gt3A_917 : vector<128x128xf32>
        %and3A_919 = arith.andi %ge3A_915, %gt3A_918 : vector<128x128xi1>
        %convert_element_type3A_920 = arith.extui %and3A_919 : vector<128x128xi1> to vector<128x128xi32>
        %convert_element_type3A_921 = arith.sitofp %convert_element_type3A_920 : vector<128x128xi32> to vector<128x128xf32>
        %dot_general3A_922 = arith.constant dense<0.000000e+00> : vector<1x128xf32>
        %dot_general3A_923 = tpu.matmul %while3A_308#1, %convert_element_type3A_921, %dot_general3A_922 {dimension_numbers = #tpu.dot_dimension_numbers<[1], [0], [0], [1], [0, 0, 1, 1], [], []>, transpose_lhs_hint = false} : vector<1x128xf32>, vector<128x128xf32>, vector<1x128xf32> -> vector<1x128xf32>
        %slice3A_924 = vector.extract_strided_slice %get3A_773 {offsets = [3, 0], sizes = [1, 128], strides = [1, 1]} : vector<8x128xf32> to vector<1x128xf32>
        %slice3A_925 = vector.extract_strided_slice %get3A_779 {offsets = [3, 0], sizes = [1, 128], strides = [1, 1]} : vector<8x128xf32> to vector<1x128xf32>
        %slice3A_926 = vector.extract_strided_slice %get3A_785 {offsets = [3, 0], sizes = [1, 128], strides = [1, 1]} : vector<8x128xf32> to vector<1x128xf32>
        %slice3A_927 = vector.extract_strided_slice %get3A_791 {offsets = [3, 0], sizes = [1, 128], strides = [1, 1]} : vector<8x128xf32> to vector<1x128xf32>
        %sub3A_928 = arith.subf %slice3A_926, %slice3A_924 : vector<1x128xf32>
        %sub3A_929 = arith.subf %slice3A_927, %slice3A_925 : vector<1x128xf32>
        %mul3A_930 = arith.mulf %sub3A_928, %sub3A_929 : vector<1x128xf32>
        %max3A_931 = vector.broadcast %transpose3A_107 : vector<128x1xf32> to vector<128x128xf32>
        %max3A_932 = vector.broadcast %slice3A_924 : vector<1x128xf32> to vector<128x128xf32>
        %max3A_933 = arith.maximumf %max3A_931, %max3A_932 : vector<128x128xf32>
        %max3A_934 = vector.broadcast %transpose3A_108 : vector<128x1xf32> to vector<128x128xf32>
        %max3A_935 = vector.broadcast %slice3A_925 : vector<1x128xf32> to vector<128x128xf32>
        %max3A_936 = arith.maximumf %max3A_934, %max3A_935 : vector<128x128xf32>
        %min3A_937 = vector.broadcast %transpose3A_109 : vector<128x1xf32> to vector<128x128xf32>
        %min3A_938 = vector.broadcast %slice3A_926 : vector<1x128xf32> to vector<128x128xf32>
        %min3A_939 = arith.minimumf %min3A_937, %min3A_938 : vector<128x128xf32>
        %min3A_940 = vector.broadcast %transpose3A_110 : vector<128x1xf32> to vector<128x128xf32>
        %min3A_941 = vector.broadcast %slice3A_927 : vector<1x128xf32> to vector<128x128xf32>
        %min3A_942 = arith.minimumf %min3A_940, %min3A_941 : vector<128x128xf32>
        %sub3A_943 = arith.subf %min3A_939, %max3A_933 : vector<128x128xf32>
        %max3A_944 = arith.constant 0.000000e+00 : f32
        %max3A_945 = vector.broadcast %max3A_944 : f32 to vector<128x128xf32>
        %max3A_946 = arith.maximumf %sub3A_943, %max3A_945 : vector<128x128xf32>
        %sub3A_947 = arith.subf %min3A_942, %max3A_936 : vector<128x128xf32>
        %max3A_948 = arith.constant 0.000000e+00 : f32
        %max3A_949 = vector.broadcast %max3A_948 : f32 to vector<128x128xf32>
        %max3A_950 = arith.maximumf %sub3A_947, %max3A_949 : vector<128x128xf32>
        %mul3A_951 = arith.mulf %max3A_946, %max3A_950 : vector<128x128xf32>
        %add3A_952 = vector.broadcast %mul3A_113 : vector<128x1xf32> to vector<128x128xf32>
        %add3A_953 = vector.broadcast %mul3A_930 : vector<1x128xf32> to vector<128x128xf32>
        %add3A_954 = arith.addf %add3A_952, %add3A_953 : vector<128x128xf32>
        %sub3A_955 = arith.subf %add3A_954, %mul3A_951 : vector<128x128xf32>
        %mul3A_956 = arith.constant 5.000000e-01 : f32
        %mul3A_957 = vector.broadcast %mul3A_956 : f32 to vector<128x128xf32>
        %mul3A_958 = arith.mulf %mul3A_957, %sub3A_955 : vector<128x128xf32>
        %ge3A_959 = arith.cmpf oge, %mul3A_951, %mul3A_958 : vector<128x128xf32>
        %gt3A_960 = arith.constant 0.000000e+00 : f32
        %gt3A_961 = vector.broadcast %gt3A_960 : f32 to vector<128x128xf32>
        %gt3A_962 = arith.cmpf ogt, %sub3A_955, %gt3A_961 : vector<128x128xf32>
        %and3A_963 = arith.andi %ge3A_959, %gt3A_962 : vector<128x128xi1>
        %convert_element_type3A_964 = arith.extui %and3A_963 : vector<128x128xi1> to vector<128x128xi32>
        %convert_element_type3A_965 = arith.sitofp %convert_element_type3A_964 : vector<128x128xi32> to vector<128x128xf32>
        %dot_general3A_966 = arith.constant dense<0.000000e+00> : vector<1x128xf32>
        %dot_general3A_967 = tpu.matmul %while3A_308#1, %convert_element_type3A_965, %dot_general3A_966 {dimension_numbers = #tpu.dot_dimension_numbers<[1], [0], [0], [1], [0, 0, 1, 1], [], []>, transpose_lhs_hint = false} : vector<1x128xf32>, vector<128x128xf32>, vector<1x128xf32> -> vector<1x128xf32>
        %slice3A_968 = vector.extract_strided_slice %get3A_773 {offsets = [4, 0], sizes = [1, 128], strides = [1, 1]} : vector<8x128xf32> to vector<1x128xf32>
        %slice3A_969 = vector.extract_strided_slice %get3A_779 {offsets = [4, 0], sizes = [1, 128], strides = [1, 1]} : vector<8x128xf32> to vector<1x128xf32>
        %slice3A_970 = vector.extract_strided_slice %get3A_785 {offsets = [4, 0], sizes = [1, 128], strides = [1, 1]} : vector<8x128xf32> to vector<1x128xf32>
        %slice3A_971 = vector.extract_strided_slice %get3A_791 {offsets = [4, 0], sizes = [1, 128], strides = [1, 1]} : vector<8x128xf32> to vector<1x128xf32>
        %sub3A_972 = arith.subf %slice3A_970, %slice3A_968 : vector<1x128xf32>
        %sub3A_973 = arith.subf %slice3A_971, %slice3A_969 : vector<1x128xf32>
        %mul3A_974 = arith.mulf %sub3A_972, %sub3A_973 : vector<1x128xf32>
        %max3A_975 = vector.broadcast %transpose3A_107 : vector<128x1xf32> to vector<128x128xf32>
        %max3A_976 = vector.broadcast %slice3A_968 : vector<1x128xf32> to vector<128x128xf32>
        %max3A_977 = arith.maximumf %max3A_975, %max3A_976 : vector<128x128xf32>
        %max3A_978 = vector.broadcast %transpose3A_108 : vector<128x1xf32> to vector<128x128xf32>
        %max3A_979 = vector.broadcast %slice3A_969 : vector<1x128xf32> to vector<128x128xf32>
        %max3A_980 = arith.maximumf %max3A_978, %max3A_979 : vector<128x128xf32>
        %min3A_981 = vector.broadcast %transpose3A_109 : vector<128x1xf32> to vector<128x128xf32>
        %min3A_982 = vector.broadcast %slice3A_970 : vector<1x128xf32> to vector<128x128xf32>
        %min3A_983 = arith.minimumf %min3A_981, %min3A_982 : vector<128x128xf32>
        %min3A_984 = vector.broadcast %transpose3A_110 : vector<128x1xf32> to vector<128x128xf32>
        %min3A_985 = vector.broadcast %slice3A_971 : vector<1x128xf32> to vector<128x128xf32>
        %min3A_986 = arith.minimumf %min3A_984, %min3A_985 : vector<128x128xf32>
        %sub3A_987 = arith.subf %min3A_983, %max3A_977 : vector<128x128xf32>
        %max3A_988 = arith.constant 0.000000e+00 : f32
        %max3A_989 = vector.broadcast %max3A_988 : f32 to vector<128x128xf32>
        %max3A_990 = arith.maximumf %sub3A_987, %max3A_989 : vector<128x128xf32>
        %sub3A_991 = arith.subf %min3A_986, %max3A_980 : vector<128x128xf32>
        %max3A_992 = arith.constant 0.000000e+00 : f32
        %max3A_993 = vector.broadcast %max3A_992 : f32 to vector<128x128xf32>
        %max3A_994 = arith.maximumf %sub3A_991, %max3A_993 : vector<128x128xf32>
        %mul3A_995 = arith.mulf %max3A_990, %max3A_994 : vector<128x128xf32>
        %add3A_996 = vector.broadcast %mul3A_113 : vector<128x1xf32> to vector<128x128xf32>
        %add3A_997 = vector.broadcast %mul3A_974 : vector<1x128xf32> to vector<128x128xf32>
        %add3A_998 = arith.addf %add3A_996, %add3A_997 : vector<128x128xf32>
        %sub3A_999 = arith.subf %add3A_998, %mul3A_995 : vector<128x128xf32>
        %mul3A_1000 = arith.constant 5.000000e-01 : f32
        %mul3A_1001 = vector.broadcast %mul3A_1000 : f32 to vector<128x128xf32>
        %mul3A_1002 = arith.mulf %mul3A_1001, %sub3A_999 : vector<128x128xf32>
        %ge3A_1003 = arith.cmpf oge, %mul3A_995, %mul3A_1002 : vector<128x128xf32>
        %gt3A_1004 = arith.constant 0.000000e+00 : f32
        %gt3A_1005 = vector.broadcast %gt3A_1004 : f32 to vector<128x128xf32>
        %gt3A_1006 = arith.cmpf ogt, %sub3A_999, %gt3A_1005 : vector<128x128xf32>
        %and3A_1007 = arith.andi %ge3A_1003, %gt3A_1006 : vector<128x128xi1>
        %convert_element_type3A_1008 = arith.extui %and3A_1007 : vector<128x128xi1> to vector<128x128xi32>
        %convert_element_type3A_1009 = arith.sitofp %convert_element_type3A_1008 : vector<128x128xi32> to vector<128x128xf32>
        %dot_general3A_1010 = arith.constant dense<0.000000e+00> : vector<1x128xf32>
        %dot_general3A_1011 = tpu.matmul %while3A_308#1, %convert_element_type3A_1009, %dot_general3A_1010 {dimension_numbers = #tpu.dot_dimension_numbers<[1], [0], [0], [1], [0, 0, 1, 1], [], []>, transpose_lhs_hint = false} : vector<1x128xf32>, vector<128x128xf32>, vector<1x128xf32> -> vector<1x128xf32>
        %slice3A_1012 = vector.extract_strided_slice %get3A_773 {offsets = [5, 0], sizes = [1, 128], strides = [1, 1]} : vector<8x128xf32> to vector<1x128xf32>
        %slice3A_1013 = vector.extract_strided_slice %get3A_779 {offsets = [5, 0], sizes = [1, 128], strides = [1, 1]} : vector<8x128xf32> to vector<1x128xf32>
        %slice3A_1014 = vector.extract_strided_slice %get3A_785 {offsets = [5, 0], sizes = [1, 128], strides = [1, 1]} : vector<8x128xf32> to vector<1x128xf32>
        %slice3A_1015 = vector.extract_strided_slice %get3A_791 {offsets = [5, 0], sizes = [1, 128], strides = [1, 1]} : vector<8x128xf32> to vector<1x128xf32>
        %sub3A_1016 = arith.subf %slice3A_1014, %slice3A_1012 : vector<1x128xf32>
        %sub3A_1017 = arith.subf %slice3A_1015, %slice3A_1013 : vector<1x128xf32>
        %mul3A_1018 = arith.mulf %sub3A_1016, %sub3A_1017 : vector<1x128xf32>
        %max3A_1019 = vector.broadcast %transpose3A_107 : vector<128x1xf32> to vector<128x128xf32>
        %max3A_1020 = vector.broadcast %slice3A_1012 : vector<1x128xf32> to vector<128x128xf32>
        %max3A_1021 = arith.maximumf %max3A_1019, %max3A_1020 : vector<128x128xf32>
        %max3A_1022 = vector.broadcast %transpose3A_108 : vector<128x1xf32> to vector<128x128xf32>
        %max3A_1023 = vector.broadcast %slice3A_1013 : vector<1x128xf32> to vector<128x128xf32>
        %max3A_1024 = arith.maximumf %max3A_1022, %max3A_1023 : vector<128x128xf32>
        %min3A_1025 = vector.broadcast %transpose3A_109 : vector<128x1xf32> to vector<128x128xf32>
        %min3A_1026 = vector.broadcast %slice3A_1014 : vector<1x128xf32> to vector<128x128xf32>
        %min3A_1027 = arith.minimumf %min3A_1025, %min3A_1026 : vector<128x128xf32>
        %min3A_1028 = vector.broadcast %transpose3A_110 : vector<128x1xf32> to vector<128x128xf32>
        %min3A_1029 = vector.broadcast %slice3A_1015 : vector<1x128xf32> to vector<128x128xf32>
        %min3A_1030 = arith.minimumf %min3A_1028, %min3A_1029 : vector<128x128xf32>
        %sub3A_1031 = arith.subf %min3A_1027, %max3A_1021 : vector<128x128xf32>
        %max3A_1032 = arith.constant 0.000000e+00 : f32
        %max3A_1033 = vector.broadcast %max3A_1032 : f32 to vector<128x128xf32>
        %max3A_1034 = arith.maximumf %sub3A_1031, %max3A_1033 : vector<128x128xf32>
        %sub3A_1035 = arith.subf %min3A_1030, %max3A_1024 : vector<128x128xf32>
        %max3A_1036 = arith.constant 0.000000e+00 : f32
        %max3A_1037 = vector.broadcast %max3A_1036 : f32 to vector<128x128xf32>
        %max3A_1038 = arith.maximumf %sub3A_1035, %max3A_1037 : vector<128x128xf32>
        %mul3A_1039 = arith.mulf %max3A_1034, %max3A_1038 : vector<128x128xf32>
        %add3A_1040 = vector.broadcast %mul3A_113 : vector<128x1xf32> to vector<128x128xf32>
        %add3A_1041 = vector.broadcast %mul3A_1018 : vector<1x128xf32> to vector<128x128xf32>
        %add3A_1042 = arith.addf %add3A_1040, %add3A_1041 : vector<128x128xf32>
        %sub3A_1043 = arith.subf %add3A_1042, %mul3A_1039 : vector<128x128xf32>
        %mul3A_1044 = arith.constant 5.000000e-01 : f32
        %mul3A_1045 = vector.broadcast %mul3A_1044 : f32 to vector<128x128xf32>
        %mul3A_1046 = arith.mulf %mul3A_1045, %sub3A_1043 : vector<128x128xf32>
        %ge3A_1047 = arith.cmpf oge, %mul3A_1039, %mul3A_1046 : vector<128x128xf32>
        %gt3A_1048 = arith.constant 0.000000e+00 : f32
        %gt3A_1049 = vector.broadcast %gt3A_1048 : f32 to vector<128x128xf32>
        %gt3A_1050 = arith.cmpf ogt, %sub3A_1043, %gt3A_1049 : vector<128x128xf32>
        %and3A_1051 = arith.andi %ge3A_1047, %gt3A_1050 : vector<128x128xi1>
        %convert_element_type3A_1052 = arith.extui %and3A_1051 : vector<128x128xi1> to vector<128x128xi32>
        %convert_element_type3A_1053 = arith.sitofp %convert_element_type3A_1052 : vector<128x128xi32> to vector<128x128xf32>
        %dot_general3A_1054 = arith.constant dense<0.000000e+00> : vector<1x128xf32>
        %dot_general3A_1055 = tpu.matmul %while3A_308#1, %convert_element_type3A_1053, %dot_general3A_1054 {dimension_numbers = #tpu.dot_dimension_numbers<[1], [0], [0], [1], [0, 0, 1, 1], [], []>, transpose_lhs_hint = false} : vector<1x128xf32>, vector<128x128xf32>, vector<1x128xf32> -> vector<1x128xf32>
        %slice3A_1056 = vector.extract_strided_slice %get3A_773 {offsets = [6, 0], sizes = [1, 128], strides = [1, 1]} : vector<8x128xf32> to vector<1x128xf32>
        %slice3A_1057 = vector.extract_strided_slice %get3A_779 {offsets = [6, 0], sizes = [1, 128], strides = [1, 1]} : vector<8x128xf32> to vector<1x128xf32>
        %slice3A_1058 = vector.extract_strided_slice %get3A_785 {offsets = [6, 0], sizes = [1, 128], strides = [1, 1]} : vector<8x128xf32> to vector<1x128xf32>
        %slice3A_1059 = vector.extract_strided_slice %get3A_791 {offsets = [6, 0], sizes = [1, 128], strides = [1, 1]} : vector<8x128xf32> to vector<1x128xf32>
        %sub3A_1060 = arith.subf %slice3A_1058, %slice3A_1056 : vector<1x128xf32>
        %sub3A_1061 = arith.subf %slice3A_1059, %slice3A_1057 : vector<1x128xf32>
        %mul3A_1062 = arith.mulf %sub3A_1060, %sub3A_1061 : vector<1x128xf32>
        %max3A_1063 = vector.broadcast %transpose3A_107 : vector<128x1xf32> to vector<128x128xf32>
        %max3A_1064 = vector.broadcast %slice3A_1056 : vector<1x128xf32> to vector<128x128xf32>
        %max3A_1065 = arith.maximumf %max3A_1063, %max3A_1064 : vector<128x128xf32>
        %max3A_1066 = vector.broadcast %transpose3A_108 : vector<128x1xf32> to vector<128x128xf32>
        %max3A_1067 = vector.broadcast %slice3A_1057 : vector<1x128xf32> to vector<128x128xf32>
        %max3A_1068 = arith.maximumf %max3A_1066, %max3A_1067 : vector<128x128xf32>
        %min3A_1069 = vector.broadcast %transpose3A_109 : vector<128x1xf32> to vector<128x128xf32>
        %min3A_1070 = vector.broadcast %slice3A_1058 : vector<1x128xf32> to vector<128x128xf32>
        %min3A_1071 = arith.minimumf %min3A_1069, %min3A_1070 : vector<128x128xf32>
        %min3A_1072 = vector.broadcast %transpose3A_110 : vector<128x1xf32> to vector<128x128xf32>
        %min3A_1073 = vector.broadcast %slice3A_1059 : vector<1x128xf32> to vector<128x128xf32>
        %min3A_1074 = arith.minimumf %min3A_1072, %min3A_1073 : vector<128x128xf32>
        %sub3A_1075 = arith.subf %min3A_1071, %max3A_1065 : vector<128x128xf32>
        %max3A_1076 = arith.constant 0.000000e+00 : f32
        %max3A_1077 = vector.broadcast %max3A_1076 : f32 to vector<128x128xf32>
        %max3A_1078 = arith.maximumf %sub3A_1075, %max3A_1077 : vector<128x128xf32>
        %sub3A_1079 = arith.subf %min3A_1074, %max3A_1068 : vector<128x128xf32>
        %max3A_1080 = arith.constant 0.000000e+00 : f32
        %max3A_1081 = vector.broadcast %max3A_1080 : f32 to vector<128x128xf32>
        %max3A_1082 = arith.maximumf %sub3A_1079, %max3A_1081 : vector<128x128xf32>
        %mul3A_1083 = arith.mulf %max3A_1078, %max3A_1082 : vector<128x128xf32>
        %add3A_1084 = vector.broadcast %mul3A_113 : vector<128x1xf32> to vector<128x128xf32>
        %add3A_1085 = vector.broadcast %mul3A_1062 : vector<1x128xf32> to vector<128x128xf32>
        %add3A_1086 = arith.addf %add3A_1084, %add3A_1085 : vector<128x128xf32>
        %sub3A_1087 = arith.subf %add3A_1086, %mul3A_1083 : vector<128x128xf32>
        %mul3A_1088 = arith.constant 5.000000e-01 : f32
        %mul3A_1089 = vector.broadcast %mul3A_1088 : f32 to vector<128x128xf32>
        %mul3A_1090 = arith.mulf %mul3A_1089, %sub3A_1087 : vector<128x128xf32>
        %ge3A_1091 = arith.cmpf oge, %mul3A_1083, %mul3A_1090 : vector<128x128xf32>
        %gt3A_1092 = arith.constant 0.000000e+00 : f32
        %gt3A_1093 = vector.broadcast %gt3A_1092 : f32 to vector<128x128xf32>
        %gt3A_1094 = arith.cmpf ogt, %sub3A_1087, %gt3A_1093 : vector<128x128xf32>
        %and3A_1095 = arith.andi %ge3A_1091, %gt3A_1094 : vector<128x128xi1>
        %convert_element_type3A_1096 = arith.extui %and3A_1095 : vector<128x128xi1> to vector<128x128xi32>
        %convert_element_type3A_1097 = arith.sitofp %convert_element_type3A_1096 : vector<128x128xi32> to vector<128x128xf32>
        %dot_general3A_1098 = arith.constant dense<0.000000e+00> : vector<1x128xf32>
        %dot_general3A_1099 = tpu.matmul %while3A_308#1, %convert_element_type3A_1097, %dot_general3A_1098 {dimension_numbers = #tpu.dot_dimension_numbers<[1], [0], [0], [1], [0, 0, 1, 1], [], []>, transpose_lhs_hint = false} : vector<1x128xf32>, vector<128x128xf32>, vector<1x128xf32> -> vector<1x128xf32>
        %slice3A_1100 = vector.extract_strided_slice %get3A_773 {offsets = [7, 0], sizes = [1, 128], strides = [1, 1]} : vector<8x128xf32> to vector<1x128xf32>
        %slice3A_1101 = vector.extract_strided_slice %get3A_779 {offsets = [7, 0], sizes = [1, 128], strides = [1, 1]} : vector<8x128xf32> to vector<1x128xf32>
        %slice3A_1102 = vector.extract_strided_slice %get3A_785 {offsets = [7, 0], sizes = [1, 128], strides = [1, 1]} : vector<8x128xf32> to vector<1x128xf32>
        %slice3A_1103 = vector.extract_strided_slice %get3A_791 {offsets = [7, 0], sizes = [1, 128], strides = [1, 1]} : vector<8x128xf32> to vector<1x128xf32>
        %sub3A_1104 = arith.subf %slice3A_1102, %slice3A_1100 : vector<1x128xf32>
        %sub3A_1105 = arith.subf %slice3A_1103, %slice3A_1101 : vector<1x128xf32>
        %mul3A_1106 = arith.mulf %sub3A_1104, %sub3A_1105 : vector<1x128xf32>
        %max3A_1107 = vector.broadcast %transpose3A_107 : vector<128x1xf32> to vector<128x128xf32>
        %max3A_1108 = vector.broadcast %slice3A_1100 : vector<1x128xf32> to vector<128x128xf32>
        %max3A_1109 = arith.maximumf %max3A_1107, %max3A_1108 : vector<128x128xf32>
        %max3A_1110 = vector.broadcast %transpose3A_108 : vector<128x1xf32> to vector<128x128xf32>
        %max3A_1111 = vector.broadcast %slice3A_1101 : vector<1x128xf32> to vector<128x128xf32>
        %max3A_1112 = arith.maximumf %max3A_1110, %max3A_1111 : vector<128x128xf32>
        %min3A_1113 = vector.broadcast %transpose3A_109 : vector<128x1xf32> to vector<128x128xf32>
        %min3A_1114 = vector.broadcast %slice3A_1102 : vector<1x128xf32> to vector<128x128xf32>
        %min3A_1115 = arith.minimumf %min3A_1113, %min3A_1114 : vector<128x128xf32>
        %min3A_1116 = vector.broadcast %transpose3A_110 : vector<128x1xf32> to vector<128x128xf32>
        %min3A_1117 = vector.broadcast %slice3A_1103 : vector<1x128xf32> to vector<128x128xf32>
        %min3A_1118 = arith.minimumf %min3A_1116, %min3A_1117 : vector<128x128xf32>
        %sub3A_1119 = arith.subf %min3A_1115, %max3A_1109 : vector<128x128xf32>
        %max3A_1120 = arith.constant 0.000000e+00 : f32
        %max3A_1121 = vector.broadcast %max3A_1120 : f32 to vector<128x128xf32>
        %max3A_1122 = arith.maximumf %sub3A_1119, %max3A_1121 : vector<128x128xf32>
        %sub3A_1123 = arith.subf %min3A_1118, %max3A_1112 : vector<128x128xf32>
        %max3A_1124 = arith.constant 0.000000e+00 : f32
        %max3A_1125 = vector.broadcast %max3A_1124 : f32 to vector<128x128xf32>
        %max3A_1126 = arith.maximumf %sub3A_1123, %max3A_1125 : vector<128x128xf32>
        %mul3A_1127 = arith.mulf %max3A_1122, %max3A_1126 : vector<128x128xf32>
        %add3A_1128 = vector.broadcast %mul3A_113 : vector<128x1xf32> to vector<128x128xf32>
        %add3A_1129 = vector.broadcast %mul3A_1106 : vector<1x128xf32> to vector<128x128xf32>
        %add3A_1130 = arith.addf %add3A_1128, %add3A_1129 : vector<128x128xf32>
        %sub3A_1131 = arith.subf %add3A_1130, %mul3A_1127 : vector<128x128xf32>
        %mul3A_1132 = arith.constant 5.000000e-01 : f32
        %mul3A_1133 = vector.broadcast %mul3A_1132 : f32 to vector<128x128xf32>
        %mul3A_1134 = arith.mulf %mul3A_1133, %sub3A_1131 : vector<128x128xf32>
        %ge3A_1135 = arith.cmpf oge, %mul3A_1127, %mul3A_1134 : vector<128x128xf32>
        %gt3A_1136 = arith.constant 0.000000e+00 : f32
        %gt3A_1137 = vector.broadcast %gt3A_1136 : f32 to vector<128x128xf32>
        %gt3A_1138 = arith.cmpf ogt, %sub3A_1131, %gt3A_1137 : vector<128x128xf32>
        %and3A_1139 = arith.andi %ge3A_1135, %gt3A_1138 : vector<128x128xi1>
        %convert_element_type3A_1140 = arith.extui %and3A_1139 : vector<128x128xi1> to vector<128x128xi32>
        %convert_element_type3A_1141 = arith.sitofp %convert_element_type3A_1140 : vector<128x128xi32> to vector<128x128xf32>
        %dot_general3A_1142 = arith.constant dense<0.000000e+00> : vector<1x128xf32>
        %dot_general3A_1143 = tpu.matmul %while3A_308#1, %convert_element_type3A_1141, %dot_general3A_1142 {dimension_numbers = #tpu.dot_dimension_numbers<[1], [0], [0], [1], [0, 0, 1, 1], [], []>, transpose_lhs_hint = false} : vector<1x128xf32>, vector<128x128xf32>, vector<1x128xf32> -> vector<1x128xf32>
        %concatenate3A_1144 = tpu.concatenate %dot_general3A_835, %dot_general3A_879, %dot_general3A_923, %dot_general3A_967, %dot_general3A_1011, %dot_general3A_1055, %dot_general3A_1099, %dot_general3A_1143 in 0 : vector<1x128xf32>, vector<1x128xf32>, vector<1x128xf32>, vector<1x128xf32>, vector<1x128xf32>, vector<1x128xf32>, vector<1x128xf32>, vector<1x128xf32> -> vector<8x128xf32>
        %le3A_1145 = arith.constant 0.000000e+00 : f32
        %le3A_1146 = vector.broadcast %le3A_1145 : f32 to vector<8x128xf32>
        %le3A_1147 = arith.cmpf ole, %concatenate3A_1144, %le3A_1146 : vector<8x128xf32>
        %convert_element_type3A_1148 = arith.extui %le3A_1147 : vector<8x128xi1> to vector<8x128xi32>
        %convert_element_type3A_1149 = arith.sitofp %convert_element_type3A_1148 : vector<8x128xi32> to vector<8x128xf32>
        %get3A_1150 = arith.constant 0 : index
        %get3A_1151 = arith.constant 1 : index
        %get3A_1152 = arith.index_cast %add3A_375 : i32 to index
        %get3A_1153 = arith.constant 0 : index
        %get3A_1154 = vector.load %arg5[%get3A_1150, %get3A_1151, %get3A_1152, %get3A_1153] : memref<1x4x48x128xf32, #tpu.memory_space<vmem>>, vector<1x1x8x128xf32>
        %get3A_1155 = vector.shape_cast %get3A_1154 : vector<1x1x8x128xf32> to vector<8x128xf32>
        %mul3A_1156 = arith.mulf %get3A_1155, %convert_element_type3A_1149 : vector<8x128xf32>
        %swap3A_1157 = arith.constant 0 : index
        %swap3A_1158 = arith.constant 1 : index
        %swap3A_1159 = arith.index_cast %add3A_375 : i32 to index
        %swap3A_1160 = arith.constant 0 : index
        %swap3A_1161 = vector.load %arg5[%swap3A_1157, %swap3A_1158, %swap3A_1159, %swap3A_1160] : memref<1x4x48x128xf32, #tpu.memory_space<vmem>>, vector<1x1x8x128xf32>
        %swap3A_1162 = vector.shape_cast %swap3A_1161 : vector<1x1x8x128xf32> to vector<8x128xf32>
        %swap3A_1163 = vector.shape_cast %mul3A_1156 : vector<8x128xf32> to vector<1x1x8x128xf32>
        tpu.vector_store %arg5[%swap3A_1157, %swap3A_1158, %swap3A_1159, %swap3A_1160], %swap3A_1163 {strides = array<i32>} : memref<1x4x48x128xf32, #tpu.memory_space<vmem>>, vector<1x1x8x128xf32>,
        %get3A_1164 = arith.constant 0 : index
        %get3A_1165 = arith.constant 2 : index
        %get3A_1166 = arith.index_cast %add3A_375 : i32 to index
        %get3A_1167 = arith.constant 0 : index
        %get3A_1168 = vector.load %arg1[%get3A_1164, %get3A_1165, %get3A_1166, %get3A_1167] : memref<1x4x48x128xf32, #tpu.memory_space<vmem>>, vector<1x1x8x128xf32>
        %get3A_1169 = vector.shape_cast %get3A_1168 : vector<1x1x8x128xf32> to vector<8x128xf32>
        %get3A_1170 = arith.constant 0 : index
        %get3A_1171 = arith.constant 2 : index
        %get3A_1172 = arith.index_cast %add3A_375 : i32 to index
        %get3A_1173 = arith.constant 0 : index
        %get3A_1174 = vector.load %arg2[%get3A_1170, %get3A_1171, %get3A_1172, %get3A_1173] : memref<1x4x48x128xf32, #tpu.memory_space<vmem>>, vector<1x1x8x128xf32>
        %get3A_1175 = vector.shape_cast %get3A_1174 : vector<1x1x8x128xf32> to vector<8x128xf32>
        %get3A_1176 = arith.constant 0 : index
        %get3A_1177 = arith.constant 2 : index
        %get3A_1178 = arith.index_cast %add3A_375 : i32 to index
        %get3A_1179 = arith.constant 0 : index
        %get3A_1180 = vector.load %arg3[%get3A_1176, %get3A_1177, %get3A_1178, %get3A_1179] : memref<1x4x48x128xf32, #tpu.memory_space<vmem>>, vector<1x1x8x128xf32>
        %get3A_1181 = vector.shape_cast %get3A_1180 : vector<1x1x8x128xf32> to vector<8x128xf32>
        %get3A_1182 = arith.constant 0 : index
        %get3A_1183 = arith.constant 2 : index
        %get3A_1184 = arith.index_cast %add3A_375 : i32 to index
        %get3A_1185 = arith.constant 0 : index
        %get3A_1186 = vector.load %arg4[%get3A_1182, %get3A_1183, %get3A_1184, %get3A_1185] : memref<1x4x48x128xf32, #tpu.memory_space<vmem>>, vector<1x1x8x128xf32>
        %get3A_1187 = vector.shape_cast %get3A_1186 : vector<1x1x8x128xf32> to vector<8x128xf32>
        %slice3A_1188 = vector.extract_strided_slice %get3A_1169 {offsets = [0, 0], sizes = [1, 128], strides = [1, 1]} : vector<8x128xf32> to vector<1x128xf32>
        %slice3A_1189 = vector.extract_strided_slice %get3A_1175 {offsets = [0, 0], sizes = [1, 128], strides = [1, 1]} : vector<8x128xf32> to vector<1x128xf32>
        %slice3A_1190 = vector.extract_strided_slice %get3A_1181 {offsets = [0, 0], sizes = [1, 128], strides = [1, 1]} : vector<8x128xf32> to vector<1x128xf32>
        %slice3A_1191 = vector.extract_strided_slice %get3A_1187 {offsets = [0, 0], sizes = [1, 128], strides = [1, 1]} : vector<8x128xf32> to vector<1x128xf32>
        %sub3A_1192 = arith.subf %slice3A_1190, %slice3A_1188 : vector<1x128xf32>
        %sub3A_1193 = arith.subf %slice3A_1191, %slice3A_1189 : vector<1x128xf32>
        %mul3A_1194 = arith.mulf %sub3A_1192, %sub3A_1193 : vector<1x128xf32>
        %max3A_1195 = vector.broadcast %transpose3A_183 : vector<128x1xf32> to vector<128x128xf32>
        %max3A_1196 = vector.broadcast %slice3A_1188 : vector<1x128xf32> to vector<128x128xf32>
        %max3A_1197 = arith.maximumf %max3A_1195, %max3A_1196 : vector<128x128xf32>
        %max3A_1198 = vector.broadcast %transpose3A_184 : vector<128x1xf32> to vector<128x128xf32>
        %max3A_1199 = vector.broadcast %slice3A_1189 : vector<1x128xf32> to vector<128x128xf32>
        %max3A_1200 = arith.maximumf %max3A_1198, %max3A_1199 : vector<128x128xf32>
        %min3A_1201 = vector.broadcast %transpose3A_185 : vector<128x1xf32> to vector<128x128xf32>
        %min3A_1202 = vector.broadcast %slice3A_1190 : vector<1x128xf32> to vector<128x128xf32>
        %min3A_1203 = arith.minimumf %min3A_1201, %min3A_1202 : vector<128x128xf32>
        %min3A_1204 = vector.broadcast %transpose3A_186 : vector<128x1xf32> to vector<128x128xf32>
        %min3A_1205 = vector.broadcast %slice3A_1191 : vector<1x128xf32> to vector<128x128xf32>
        %min3A_1206 = arith.minimumf %min3A_1204, %min3A_1205 : vector<128x128xf32>
        %sub3A_1207 = arith.subf %min3A_1203, %max3A_1197 : vector<128x128xf32>
        %max3A_1208 = arith.constant 0.000000e+00 : f32
        %max3A_1209 = vector.broadcast %max3A_1208 : f32 to vector<128x128xf32>
        %max3A_1210 = arith.maximumf %sub3A_1207, %max3A_1209 : vector<128x128xf32>
        %sub3A_1211 = arith.subf %min3A_1206, %max3A_1200 : vector<128x128xf32>
        %max3A_1212 = arith.constant 0.000000e+00 : f32
        %max3A_1213 = vector.broadcast %max3A_1212 : f32 to vector<128x128xf32>
        %max3A_1214 = arith.maximumf %sub3A_1211, %max3A_1213 : vector<128x128xf32>
        %mul3A_1215 = arith.mulf %max3A_1210, %max3A_1214 : vector<128x128xf32>
        %add3A_1216 = vector.broadcast %mul3A_189 : vector<128x1xf32> to vector<128x128xf32>
        %add3A_1217 = vector.broadcast %mul3A_1194 : vector<1x128xf32> to vector<128x128xf32>
        %add3A_1218 = arith.addf %add3A_1216, %add3A_1217 : vector<128x128xf32>
        %sub3A_1219 = arith.subf %add3A_1218, %mul3A_1215 : vector<128x128xf32>
        %mul3A_1220 = arith.constant 5.000000e-01 : f32
        %mul3A_1221 = vector.broadcast %mul3A_1220 : f32 to vector<128x128xf32>
        %mul3A_1222 = arith.mulf %mul3A_1221, %sub3A_1219 : vector<128x128xf32>
        %ge3A_1223 = arith.cmpf oge, %mul3A_1215, %mul3A_1222 : vector<128x128xf32>
        %gt3A_1224 = arith.constant 0.000000e+00 : f32
        %gt3A_1225 = vector.broadcast %gt3A_1224 : f32 to vector<128x128xf32>
        %gt3A_1226 = arith.cmpf ogt, %sub3A_1219, %gt3A_1225 : vector<128x128xf32>
        %and3A_1227 = arith.andi %ge3A_1223, %gt3A_1226 : vector<128x128xi1>
        %convert_element_type3A_1228 = arith.extui %and3A_1227 : vector<128x128xi1> to vector<128x128xi32>
        %convert_element_type3A_1229 = arith.sitofp %convert_element_type3A_1228 : vector<128x128xi32> to vector<128x128xf32>
        %dot_general3A_1230 = arith.constant dense<0.000000e+00> : vector<1x128xf32>
        %dot_general3A_1231 = tpu.matmul %while3A_308#2, %convert_element_type3A_1229, %dot_general3A_1230 {dimension_numbers = #tpu.dot_dimension_numbers<[1], [0], [0], [1], [0, 0, 1, 1], [], []>, transpose_lhs_hint = false} : vector<1x128xf32>, vector<128x128xf32>, vector<1x128xf32> -> vector<1x128xf32>
        %slice3A_1232 = vector.extract_strided_slice %get3A_1169 {offsets = [1, 0], sizes = [1, 128], strides = [1, 1]} : vector<8x128xf32> to vector<1x128xf32>
        %slice3A_1233 = vector.extract_strided_slice %get3A_1175 {offsets = [1, 0], sizes = [1, 128], strides = [1, 1]} : vector<8x128xf32> to vector<1x128xf32>
        %slice3A_1234 = vector.extract_strided_slice %get3A_1181 {offsets = [1, 0], sizes = [1, 128], strides = [1, 1]} : vector<8x128xf32> to vector<1x128xf32>
        %slice3A_1235 = vector.extract_strided_slice %get3A_1187 {offsets = [1, 0], sizes = [1, 128], strides = [1, 1]} : vector<8x128xf32> to vector<1x128xf32>
        %sub3A_1236 = arith.subf %slice3A_1234, %slice3A_1232 : vector<1x128xf32>
        %sub3A_1237 = arith.subf %slice3A_1235, %slice3A_1233 : vector<1x128xf32>
        %mul3A_1238 = arith.mulf %sub3A_1236, %sub3A_1237 : vector<1x128xf32>
        %max3A_1239 = vector.broadcast %transpose3A_183 : vector<128x1xf32> to vector<128x128xf32>
        %max3A_1240 = vector.broadcast %slice3A_1232 : vector<1x128xf32> to vector<128x128xf32>
        %max3A_1241 = arith.maximumf %max3A_1239, %max3A_1240 : vector<128x128xf32>
        %max3A_1242 = vector.broadcast %transpose3A_184 : vector<128x1xf32> to vector<128x128xf32>
        %max3A_1243 = vector.broadcast %slice3A_1233 : vector<1x128xf32> to vector<128x128xf32>
        %max3A_1244 = arith.maximumf %max3A_1242, %max3A_1243 : vector<128x128xf32>
        %min3A_1245 = vector.broadcast %transpose3A_185 : vector<128x1xf32> to vector<128x128xf32>
        %min3A_1246 = vector.broadcast %slice3A_1234 : vector<1x128xf32> to vector<128x128xf32>
        %min3A_1247 = arith.minimumf %min3A_1245, %min3A_1246 : vector<128x128xf32>
        %min3A_1248 = vector.broadcast %transpose3A_186 : vector<128x1xf32> to vector<128x128xf32>
        %min3A_1249 = vector.broadcast %slice3A_1235 : vector<1x128xf32> to vector<128x128xf32>
        %min3A_1250 = arith.minimumf %min3A_1248, %min3A_1249 : vector<128x128xf32>
        %sub3A_1251 = arith.subf %min3A_1247, %max3A_1241 : vector<128x128xf32>
        %max3A_1252 = arith.constant 0.000000e+00 : f32
        %max3A_1253 = vector.broadcast %max3A_1252 : f32 to vector<128x128xf32>
        %max3A_1254 = arith.maximumf %sub3A_1251, %max3A_1253 : vector<128x128xf32>
        %sub3A_1255 = arith.subf %min3A_1250, %max3A_1244 : vector<128x128xf32>
        %max3A_1256 = arith.constant 0.000000e+00 : f32
        %max3A_1257 = vector.broadcast %max3A_1256 : f32 to vector<128x128xf32>
        %max3A_1258 = arith.maximumf %sub3A_1255, %max3A_1257 : vector<128x128xf32>
        %mul3A_1259 = arith.mulf %max3A_1254, %max3A_1258 : vector<128x128xf32>
        %add3A_1260 = vector.broadcast %mul3A_189 : vector<128x1xf32> to vector<128x128xf32>
        %add3A_1261 = vector.broadcast %mul3A_1238 : vector<1x128xf32> to vector<128x128xf32>
        %add3A_1262 = arith.addf %add3A_1260, %add3A_1261 : vector<128x128xf32>
        %sub3A_1263 = arith.subf %add3A_1262, %mul3A_1259 : vector<128x128xf32>
        %mul3A_1264 = arith.constant 5.000000e-01 : f32
        %mul3A_1265 = vector.broadcast %mul3A_1264 : f32 to vector<128x128xf32>
        %mul3A_1266 = arith.mulf %mul3A_1265, %sub3A_1263 : vector<128x128xf32>
        %ge3A_1267 = arith.cmpf oge, %mul3A_1259, %mul3A_1266 : vector<128x128xf32>
        %gt3A_1268 = arith.constant 0.000000e+00 : f32
        %gt3A_1269 = vector.broadcast %gt3A_1268 : f32 to vector<128x128xf32>
        %gt3A_1270 = arith.cmpf ogt, %sub3A_1263, %gt3A_1269 : vector<128x128xf32>
        %and3A_1271 = arith.andi %ge3A_1267, %gt3A_1270 : vector<128x128xi1>
        %convert_element_type3A_1272 = arith.extui %and3A_1271 : vector<128x128xi1> to vector<128x128xi32>
        %convert_element_type3A_1273 = arith.sitofp %convert_element_type3A_1272 : vector<128x128xi32> to vector<128x128xf32>
        %dot_general3A_1274 = arith.constant dense<0.000000e+00> : vector<1x128xf32>
        %dot_general3A_1275 = tpu.matmul %while3A_308#2, %convert_element_type3A_1273, %dot_general3A_1274 {dimension_numbers = #tpu.dot_dimension_numbers<[1], [0], [0], [1], [0, 0, 1, 1], [], []>, transpose_lhs_hint = false} : vector<1x128xf32>, vector<128x128xf32>, vector<1x128xf32> -> vector<1x128xf32>
        %slice3A_1276 = vector.extract_strided_slice %get3A_1169 {offsets = [2, 0], sizes = [1, 128], strides = [1, 1]} : vector<8x128xf32> to vector<1x128xf32>
        %slice3A_1277 = vector.extract_strided_slice %get3A_1175 {offsets = [2, 0], sizes = [1, 128], strides = [1, 1]} : vector<8x128xf32> to vector<1x128xf32>
        %slice3A_1278 = vector.extract_strided_slice %get3A_1181 {offsets = [2, 0], sizes = [1, 128], strides = [1, 1]} : vector<8x128xf32> to vector<1x128xf32>
        %slice3A_1279 = vector.extract_strided_slice %get3A_1187 {offsets = [2, 0], sizes = [1, 128], strides = [1, 1]} : vector<8x128xf32> to vector<1x128xf32>
        %sub3A_1280 = arith.subf %slice3A_1278, %slice3A_1276 : vector<1x128xf32>
        %sub3A_1281 = arith.subf %slice3A_1279, %slice3A_1277 : vector<1x128xf32>
        %mul3A_1282 = arith.mulf %sub3A_1280, %sub3A_1281 : vector<1x128xf32>
        %max3A_1283 = vector.broadcast %transpose3A_183 : vector<128x1xf32> to vector<128x128xf32>
        %max3A_1284 = vector.broadcast %slice3A_1276 : vector<1x128xf32> to vector<128x128xf32>
        %max3A_1285 = arith.maximumf %max3A_1283, %max3A_1284 : vector<128x128xf32>
        %max3A_1286 = vector.broadcast %transpose3A_184 : vector<128x1xf32> to vector<128x128xf32>
        %max3A_1287 = vector.broadcast %slice3A_1277 : vector<1x128xf32> to vector<128x128xf32>
        %max3A_1288 = arith.maximumf %max3A_1286, %max3A_1287 : vector<128x128xf32>
        %min3A_1289 = vector.broadcast %transpose3A_185 : vector<128x1xf32> to vector<128x128xf32>
        %min3A_1290 = vector.broadcast %slice3A_1278 : vector<1x128xf32> to vector<128x128xf32>
        %min3A_1291 = arith.minimumf %min3A_1289, %min3A_1290 : vector<128x128xf32>
        %min3A_1292 = vector.broadcast %transpose3A_186 : vector<128x1xf32> to vector<128x128xf32>
        %min3A_1293 = vector.broadcast %slice3A_1279 : vector<1x128xf32> to vector<128x128xf32>
        %min3A_1294 = arith.minimumf %min3A_1292, %min3A_1293 : vector<128x128xf32>
        %sub3A_1295 = arith.subf %min3A_1291, %max3A_1285 : vector<128x128xf32>
        %max3A_1296 = arith.constant 0.000000e+00 : f32
        %max3A_1297 = vector.broadcast %max3A_1296 : f32 to vector<128x128xf32>
        %max3A_1298 = arith.maximumf %sub3A_1295, %max3A_1297 : vector<128x128xf32>
        %sub3A_1299 = arith.subf %min3A_1294, %max3A_1288 : vector<128x128xf32>
        %max3A_1300 = arith.constant 0.000000e+00 : f32
        %max3A_1301 = vector.broadcast %max3A_1300 : f32 to vector<128x128xf32>
        %max3A_1302 = arith.maximumf %sub3A_1299, %max3A_1301 : vector<128x128xf32>
        %mul3A_1303 = arith.mulf %max3A_1298, %max3A_1302 : vector<128x128xf32>
        %add3A_1304 = vector.broadcast %mul3A_189 : vector<128x1xf32> to vector<128x128xf32>
        %add3A_1305 = vector.broadcast %mul3A_1282 : vector<1x128xf32> to vector<128x128xf32>
        %add3A_1306 = arith.addf %add3A_1304, %add3A_1305 : vector<128x128xf32>
        %sub3A_1307 = arith.subf %add3A_1306, %mul3A_1303 : vector<128x128xf32>
        %mul3A_1308 = arith.constant 5.000000e-01 : f32
        %mul3A_1309 = vector.broadcast %mul3A_1308 : f32 to vector<128x128xf32>
        %mul3A_1310 = arith.mulf %mul3A_1309, %sub3A_1307 : vector<128x128xf32>
        %ge3A_1311 = arith.cmpf oge, %mul3A_1303, %mul3A_1310 : vector<128x128xf32>
        %gt3A_1312 = arith.constant 0.000000e+00 : f32
        %gt3A_1313 = vector.broadcast %gt3A_1312 : f32 to vector<128x128xf32>
        %gt3A_1314 = arith.cmpf ogt, %sub3A_1307, %gt3A_1313 : vector<128x128xf32>
        %and3A_1315 = arith.andi %ge3A_1311, %gt3A_1314 : vector<128x128xi1>
        %convert_element_type3A_1316 = arith.extui %and3A_1315 : vector<128x128xi1> to vector<128x128xi32>
        %convert_element_type3A_1317 = arith.sitofp %convert_element_type3A_1316 : vector<128x128xi32> to vector<128x128xf32>
        %dot_general3A_1318 = arith.constant dense<0.000000e+00> : vector<1x128xf32>
        %dot_general3A_1319 = tpu.matmul %while3A_308#2, %convert_element_type3A_1317, %dot_general3A_1318 {dimension_numbers = #tpu.dot_dimension_numbers<[1], [0], [0], [1], [0, 0, 1, 1], [], []>, transpose_lhs_hint = false} : vector<1x128xf32>, vector<128x128xf32>, vector<1x128xf32> -> vector<1x128xf32>
        %slice3A_1320 = vector.extract_strided_slice %get3A_1169 {offsets = [3, 0], sizes = [1, 128], strides = [1, 1]} : vector<8x128xf32> to vector<1x128xf32>
        %slice3A_1321 = vector.extract_strided_slice %get3A_1175 {offsets = [3, 0], sizes = [1, 128], strides = [1, 1]} : vector<8x128xf32> to vector<1x128xf32>
        %slice3A_1322 = vector.extract_strided_slice %get3A_1181 {offsets = [3, 0], sizes = [1, 128], strides = [1, 1]} : vector<8x128xf32> to vector<1x128xf32>
        %slice3A_1323 = vector.extract_strided_slice %get3A_1187 {offsets = [3, 0], sizes = [1, 128], strides = [1, 1]} : vector<8x128xf32> to vector<1x128xf32>
        %sub3A_1324 = arith.subf %slice3A_1322, %slice3A_1320 : vector<1x128xf32>
        %sub3A_1325 = arith.subf %slice3A_1323, %slice3A_1321 : vector<1x128xf32>
        %mul3A_1326 = arith.mulf %sub3A_1324, %sub3A_1325 : vector<1x128xf32>
        %max3A_1327 = vector.broadcast %transpose3A_183 : vector<128x1xf32> to vector<128x128xf32>
        %max3A_1328 = vector.broadcast %slice3A_1320 : vector<1x128xf32> to vector<128x128xf32>
        %max3A_1329 = arith.maximumf %max3A_1327, %max3A_1328 : vector<128x128xf32>
        %max3A_1330 = vector.broadcast %transpose3A_184 : vector<128x1xf32> to vector<128x128xf32>
        %max3A_1331 = vector.broadcast %slice3A_1321 : vector<1x128xf32> to vector<128x128xf32>
        %max3A_1332 = arith.maximumf %max3A_1330, %max3A_1331 : vector<128x128xf32>
        %min3A_1333 = vector.broadcast %transpose3A_185 : vector<128x1xf32> to vector<128x128xf32>
        %min3A_1334 = vector.broadcast %slice3A_1322 : vector<1x128xf32> to vector<128x128xf32>
        %min3A_1335 = arith.minimumf %min3A_1333, %min3A_1334 : vector<128x128xf32>
        %min3A_1336 = vector.broadcast %transpose3A_186 : vector<128x1xf32> to vector<128x128xf32>
        %min3A_1337 = vector.broadcast %slice3A_1323 : vector<1x128xf32> to vector<128x128xf32>
        %min3A_1338 = arith.minimumf %min3A_1336, %min3A_1337 : vector<128x128xf32>
        %sub3A_1339 = arith.subf %min3A_1335, %max3A_1329 : vector<128x128xf32>
        %max3A_1340 = arith.constant 0.000000e+00 : f32
        %max3A_1341 = vector.broadcast %max3A_1340 : f32 to vector<128x128xf32>
        %max3A_1342 = arith.maximumf %sub3A_1339, %max3A_1341 : vector<128x128xf32>
        %sub3A_1343 = arith.subf %min3A_1338, %max3A_1332 : vector<128x128xf32>
        %max3A_1344 = arith.constant 0.000000e+00 : f32
        %max3A_1345 = vector.broadcast %max3A_1344 : f32 to vector<128x128xf32>
        %max3A_1346 = arith.maximumf %sub3A_1343, %max3A_1345 : vector<128x128xf32>
        %mul3A_1347 = arith.mulf %max3A_1342, %max3A_1346 : vector<128x128xf32>
        %add3A_1348 = vector.broadcast %mul3A_189 : vector<128x1xf32> to vector<128x128xf32>
        %add3A_1349 = vector.broadcast %mul3A_1326 : vector<1x128xf32> to vector<128x128xf32>
        %add3A_1350 = arith.addf %add3A_1348, %add3A_1349 : vector<128x128xf32>
        %sub3A_1351 = arith.subf %add3A_1350, %mul3A_1347 : vector<128x128xf32>
        %mul3A_1352 = arith.constant 5.000000e-01 : f32
        %mul3A_1353 = vector.broadcast %mul3A_1352 : f32 to vector<128x128xf32>
        %mul3A_1354 = arith.mulf %mul3A_1353, %sub3A_1351 : vector<128x128xf32>
        %ge3A_1355 = arith.cmpf oge, %mul3A_1347, %mul3A_1354 : vector<128x128xf32>
        %gt3A_1356 = arith.constant 0.000000e+00 : f32
        %gt3A_1357 = vector.broadcast %gt3A_1356 : f32 to vector<128x128xf32>
        %gt3A_1358 = arith.cmpf ogt, %sub3A_1351, %gt3A_1357 : vector<128x128xf32>
        %and3A_1359 = arith.andi %ge3A_1355, %gt3A_1358 : vector<128x128xi1>
        %convert_element_type3A_1360 = arith.extui %and3A_1359 : vector<128x128xi1> to vector<128x128xi32>
        %convert_element_type3A_1361 = arith.sitofp %convert_element_type3A_1360 : vector<128x128xi32> to vector<128x128xf32>
        %dot_general3A_1362 = arith.constant dense<0.000000e+00> : vector<1x128xf32>
        %dot_general3A_1363 = tpu.matmul %while3A_308#2, %convert_element_type3A_1361, %dot_general3A_1362 {dimension_numbers = #tpu.dot_dimension_numbers<[1], [0], [0], [1], [0, 0, 1, 1], [], []>, transpose_lhs_hint = false} : vector<1x128xf32>, vector<128x128xf32>, vector<1x128xf32> -> vector<1x128xf32>
        %slice3A_1364 = vector.extract_strided_slice %get3A_1169 {offsets = [4, 0], sizes = [1, 128], strides = [1, 1]} : vector<8x128xf32> to vector<1x128xf32>
        %slice3A_1365 = vector.extract_strided_slice %get3A_1175 {offsets = [4, 0], sizes = [1, 128], strides = [1, 1]} : vector<8x128xf32> to vector<1x128xf32>
        %slice3A_1366 = vector.extract_strided_slice %get3A_1181 {offsets = [4, 0], sizes = [1, 128], strides = [1, 1]} : vector<8x128xf32> to vector<1x128xf32>
        %slice3A_1367 = vector.extract_strided_slice %get3A_1187 {offsets = [4, 0], sizes = [1, 128], strides = [1, 1]} : vector<8x128xf32> to vector<1x128xf32>
        %sub3A_1368 = arith.subf %slice3A_1366, %slice3A_1364 : vector<1x128xf32>
        %sub3A_1369 = arith.subf %slice3A_1367, %slice3A_1365 : vector<1x128xf32>
        %mul3A_1370 = arith.mulf %sub3A_1368, %sub3A_1369 : vector<1x128xf32>
        %max3A_1371 = vector.broadcast %transpose3A_183 : vector<128x1xf32> to vector<128x128xf32>
        %max3A_1372 = vector.broadcast %slice3A_1364 : vector<1x128xf32> to vector<128x128xf32>
        %max3A_1373 = arith.maximumf %max3A_1371, %max3A_1372 : vector<128x128xf32>
        %max3A_1374 = vector.broadcast %transpose3A_184 : vector<128x1xf32> to vector<128x128xf32>
        %max3A_1375 = vector.broadcast %slice3A_1365 : vector<1x128xf32> to vector<128x128xf32>
        %max3A_1376 = arith.maximumf %max3A_1374, %max3A_1375 : vector<128x128xf32>
        %min3A_1377 = vector.broadcast %transpose3A_185 : vector<128x1xf32> to vector<128x128xf32>
        %min3A_1378 = vector.broadcast %slice3A_1366 : vector<1x128xf32> to vector<128x128xf32>
        %min3A_1379 = arith.minimumf %min3A_1377, %min3A_1378 : vector<128x128xf32>
        %min3A_1380 = vector.broadcast %transpose3A_186 : vector<128x1xf32> to vector<128x128xf32>
        %min3A_1381 = vector.broadcast %slice3A_1367 : vector<1x128xf32> to vector<128x128xf32>
        %min3A_1382 = arith.minimumf %min3A_1380, %min3A_1381 : vector<128x128xf32>
        %sub3A_1383 = arith.subf %min3A_1379, %max3A_1373 : vector<128x128xf32>
        %max3A_1384 = arith.constant 0.000000e+00 : f32
        %max3A_1385 = vector.broadcast %max3A_1384 : f32 to vector<128x128xf32>
        %max3A_1386 = arith.maximumf %sub3A_1383, %max3A_1385 : vector<128x128xf32>
        %sub3A_1387 = arith.subf %min3A_1382, %max3A_1376 : vector<128x128xf32>
        %max3A_1388 = arith.constant 0.000000e+00 : f32
        %max3A_1389 = vector.broadcast %max3A_1388 : f32 to vector<128x128xf32>
        %max3A_1390 = arith.maximumf %sub3A_1387, %max3A_1389 : vector<128x128xf32>
        %mul3A_1391 = arith.mulf %max3A_1386, %max3A_1390 : vector<128x128xf32>
        %add3A_1392 = vector.broadcast %mul3A_189 : vector<128x1xf32> to vector<128x128xf32>
        %add3A_1393 = vector.broadcast %mul3A_1370 : vector<1x128xf32> to vector<128x128xf32>
        %add3A_1394 = arith.addf %add3A_1392, %add3A_1393 : vector<128x128xf32>
        %sub3A_1395 = arith.subf %add3A_1394, %mul3A_1391 : vector<128x128xf32>
        %mul3A_1396 = arith.constant 5.000000e-01 : f32
        %mul3A_1397 = vector.broadcast %mul3A_1396 : f32 to vector<128x128xf32>
        %mul3A_1398 = arith.mulf %mul3A_1397, %sub3A_1395 : vector<128x128xf32>
        %ge3A_1399 = arith.cmpf oge, %mul3A_1391, %mul3A_1398 : vector<128x128xf32>
        %gt3A_1400 = arith.constant 0.000000e+00 : f32
        %gt3A_1401 = vector.broadcast %gt3A_1400 : f32 to vector<128x128xf32>
        %gt3A_1402 = arith.cmpf ogt, %sub3A_1395, %gt3A_1401 : vector<128x128xf32>
        %and3A_1403 = arith.andi %ge3A_1399, %gt3A_1402 : vector<128x128xi1>
        %convert_element_type3A_1404 = arith.extui %and3A_1403 : vector<128x128xi1> to vector<128x128xi32>
        %convert_element_type3A_1405 = arith.sitofp %convert_element_type3A_1404 : vector<128x128xi32> to vector<128x128xf32>
        %dot_general3A_1406 = arith.constant dense<0.000000e+00> : vector<1x128xf32>
        %dot_general3A_1407 = tpu.matmul %while3A_308#2, %convert_element_type3A_1405, %dot_general3A_1406 {dimension_numbers = #tpu.dot_dimension_numbers<[1], [0], [0], [1], [0, 0, 1, 1], [], []>, transpose_lhs_hint = false} : vector<1x128xf32>, vector<128x128xf32>, vector<1x128xf32> -> vector<1x128xf32>
        %slice3A_1408 = vector.extract_strided_slice %get3A_1169 {offsets = [5, 0], sizes = [1, 128], strides = [1, 1]} : vector<8x128xf32> to vector<1x128xf32>
        %slice3A_1409 = vector.extract_strided_slice %get3A_1175 {offsets = [5, 0], sizes = [1, 128], strides = [1, 1]} : vector<8x128xf32> to vector<1x128xf32>
        %slice3A_1410 = vector.extract_strided_slice %get3A_1181 {offsets = [5, 0], sizes = [1, 128], strides = [1, 1]} : vector<8x128xf32> to vector<1x128xf32>
        %slice3A_1411 = vector.extract_strided_slice %get3A_1187 {offsets = [5, 0], sizes = [1, 128], strides = [1, 1]} : vector<8x128xf32> to vector<1x128xf32>
        %sub3A_1412 = arith.subf %slice3A_1410, %slice3A_1408 : vector<1x128xf32>
        %sub3A_1413 = arith.subf %slice3A_1411, %slice3A_1409 : vector<1x128xf32>
        %mul3A_1414 = arith.mulf %sub3A_1412, %sub3A_1413 : vector<1x128xf32>
        %max3A_1415 = vector.broadcast %transpose3A_183 : vector<128x1xf32> to vector<128x128xf32>
        %max3A_1416 = vector.broadcast %slice3A_1408 : vector<1x128xf32> to vector<128x128xf32>
        %max3A_1417 = arith.maximumf %max3A_1415, %max3A_1416 : vector<128x128xf32>
        %max3A_1418 = vector.broadcast %transpose3A_184 : vector<128x1xf32> to vector<128x128xf32>
        %max3A_1419 = vector.broadcast %slice3A_1409 : vector<1x128xf32> to vector<128x128xf32>
        %max3A_1420 = arith.maximumf %max3A_1418, %max3A_1419 : vector<128x128xf32>
        %min3A_1421 = vector.broadcast %transpose3A_185 : vector<128x1xf32> to vector<128x128xf32>
        %min3A_1422 = vector.broadcast %slice3A_1410 : vector<1x128xf32> to vector<128x128xf32>
        %min3A_1423 = arith.minimumf %min3A_1421, %min3A_1422 : vector<128x128xf32>
        %min3A_1424 = vector.broadcast %transpose3A_186 : vector<128x1xf32> to vector<128x128xf32>
        %min3A_1425 = vector.broadcast %slice3A_1411 : vector<1x128xf32> to vector<128x128xf32>
        %min3A_1426 = arith.minimumf %min3A_1424, %min3A_1425 : vector<128x128xf32>
        %sub3A_1427 = arith.subf %min3A_1423, %max3A_1417 : vector<128x128xf32>
        %max3A_1428 = arith.constant 0.000000e+00 : f32
        %max3A_1429 = vector.broadcast %max3A_1428 : f32 to vector<128x128xf32>
        %max3A_1430 = arith.maximumf %sub3A_1427, %max3A_1429 : vector<128x128xf32>
        %sub3A_1431 = arith.subf %min3A_1426, %max3A_1420 : vector<128x128xf32>
        %max3A_1432 = arith.constant 0.000000e+00 : f32
        %max3A_1433 = vector.broadcast %max3A_1432 : f32 to vector<128x128xf32>
        %max3A_1434 = arith.maximumf %sub3A_1431, %max3A_1433 : vector<128x128xf32>
        %mul3A_1435 = arith.mulf %max3A_1430, %max3A_1434 : vector<128x128xf32>
        %add3A_1436 = vector.broadcast %mul3A_189 : vector<128x1xf32> to vector<128x128xf32>
        %add3A_1437 = vector.broadcast %mul3A_1414 : vector<1x128xf32> to vector<128x128xf32>
        %add3A_1438 = arith.addf %add3A_1436, %add3A_1437 : vector<128x128xf32>
        %sub3A_1439 = arith.subf %add3A_1438, %mul3A_1435 : vector<128x128xf32>
        %mul3A_1440 = arith.constant 5.000000e-01 : f32
        %mul3A_1441 = vector.broadcast %mul3A_1440 : f32 to vector<128x128xf32>
        %mul3A_1442 = arith.mulf %mul3A_1441, %sub3A_1439 : vector<128x128xf32>
        %ge3A_1443 = arith.cmpf oge, %mul3A_1435, %mul3A_1442 : vector<128x128xf32>
        %gt3A_1444 = arith.constant 0.000000e+00 : f32
        %gt3A_1445 = vector.broadcast %gt3A_1444 : f32 to vector<128x128xf32>
        %gt3A_1446 = arith.cmpf ogt, %sub3A_1439, %gt3A_1445 : vector<128x128xf32>
        %and3A_1447 = arith.andi %ge3A_1443, %gt3A_1446 : vector<128x128xi1>
        %convert_element_type3A_1448 = arith.extui %and3A_1447 : vector<128x128xi1> to vector<128x128xi32>
        %convert_element_type3A_1449 = arith.sitofp %convert_element_type3A_1448 : vector<128x128xi32> to vector<128x128xf32>
        %dot_general3A_1450 = arith.constant dense<0.000000e+00> : vector<1x128xf32>
        %dot_general3A_1451 = tpu.matmul %while3A_308#2, %convert_element_type3A_1449, %dot_general3A_1450 {dimension_numbers = #tpu.dot_dimension_numbers<[1], [0], [0], [1], [0, 0, 1, 1], [], []>, transpose_lhs_hint = false} : vector<1x128xf32>, vector<128x128xf32>, vector<1x128xf32> -> vector<1x128xf32>
        %slice3A_1452 = vector.extract_strided_slice %get3A_1169 {offsets = [6, 0], sizes = [1, 128], strides = [1, 1]} : vector<8x128xf32> to vector<1x128xf32>
        %slice3A_1453 = vector.extract_strided_slice %get3A_1175 {offsets = [6, 0], sizes = [1, 128], strides = [1, 1]} : vector<8x128xf32> to vector<1x128xf32>
        %slice3A_1454 = vector.extract_strided_slice %get3A_1181 {offsets = [6, 0], sizes = [1, 128], strides = [1, 1]} : vector<8x128xf32> to vector<1x128xf32>
        %slice3A_1455 = vector.extract_strided_slice %get3A_1187 {offsets = [6, 0], sizes = [1, 128], strides = [1, 1]} : vector<8x128xf32> to vector<1x128xf32>
        %sub3A_1456 = arith.subf %slice3A_1454, %slice3A_1452 : vector<1x128xf32>
        %sub3A_1457 = arith.subf %slice3A_1455, %slice3A_1453 : vector<1x128xf32>
        %mul3A_1458 = arith.mulf %sub3A_1456, %sub3A_1457 : vector<1x128xf32>
        %max3A_1459 = vector.broadcast %transpose3A_183 : vector<128x1xf32> to vector<128x128xf32>
        %max3A_1460 = vector.broadcast %slice3A_1452 : vector<1x128xf32> to vector<128x128xf32>
        %max3A_1461 = arith.maximumf %max3A_1459, %max3A_1460 : vector<128x128xf32>
        %max3A_1462 = vector.broadcast %transpose3A_184 : vector<128x1xf32> to vector<128x128xf32>
        %max3A_1463 = vector.broadcast %slice3A_1453 : vector<1x128xf32> to vector<128x128xf32>
        %max3A_1464 = arith.maximumf %max3A_1462, %max3A_1463 : vector<128x128xf32>
        %min3A_1465 = vector.broadcast %transpose3A_185 : vector<128x1xf32> to vector<128x128xf32>
        %min3A_1466 = vector.broadcast %slice3A_1454 : vector<1x128xf32> to vector<128x128xf32>
        %min3A_1467 = arith.minimumf %min3A_1465, %min3A_1466 : vector<128x128xf32>
        %min3A_1468 = vector.broadcast %transpose3A_186 : vector<128x1xf32> to vector<128x128xf32>
        %min3A_1469 = vector.broadcast %slice3A_1455 : vector<1x128xf32> to vector<128x128xf32>
        %min3A_1470 = arith.minimumf %min3A_1468, %min3A_1469 : vector<128x128xf32>
        %sub3A_1471 = arith.subf %min3A_1467, %max3A_1461 : vector<128x128xf32>
        %max3A_1472 = arith.constant 0.000000e+00 : f32
        %max3A_1473 = vector.broadcast %max3A_1472 : f32 to vector<128x128xf32>
        %max3A_1474 = arith.maximumf %sub3A_1471, %max3A_1473 : vector<128x128xf32>
        %sub3A_1475 = arith.subf %min3A_1470, %max3A_1464 : vector<128x128xf32>
        %max3A_1476 = arith.constant 0.000000e+00 : f32
        %max3A_1477 = vector.broadcast %max3A_1476 : f32 to vector<128x128xf32>
        %max3A_1478 = arith.maximumf %sub3A_1475, %max3A_1477 : vector<128x128xf32>
        %mul3A_1479 = arith.mulf %max3A_1474, %max3A_1478 : vector<128x128xf32>
        %add3A_1480 = vector.broadcast %mul3A_189 : vector<128x1xf32> to vector<128x128xf32>
        %add3A_1481 = vector.broadcast %mul3A_1458 : vector<1x128xf32> to vector<128x128xf32>
        %add3A_1482 = arith.addf %add3A_1480, %add3A_1481 : vector<128x128xf32>
        %sub3A_1483 = arith.subf %add3A_1482, %mul3A_1479 : vector<128x128xf32>
        %mul3A_1484 = arith.constant 5.000000e-01 : f32
        %mul3A_1485 = vector.broadcast %mul3A_1484 : f32 to vector<128x128xf32>
        %mul3A_1486 = arith.mulf %mul3A_1485, %sub3A_1483 : vector<128x128xf32>
        %ge3A_1487 = arith.cmpf oge, %mul3A_1479, %mul3A_1486 : vector<128x128xf32>
        %gt3A_1488 = arith.constant 0.000000e+00 : f32
        %gt3A_1489 = vector.broadcast %gt3A_1488 : f32 to vector<128x128xf32>
        %gt3A_1490 = arith.cmpf ogt, %sub3A_1483, %gt3A_1489 : vector<128x128xf32>
        %and3A_1491 = arith.andi %ge3A_1487, %gt3A_1490 : vector<128x128xi1>
        %convert_element_type3A_1492 = arith.extui %and3A_1491 : vector<128x128xi1> to vector<128x128xi32>
        %convert_element_type3A_1493 = arith.sitofp %convert_element_type3A_1492 : vector<128x128xi32> to vector<128x128xf32>
        %dot_general3A_1494 = arith.constant dense<0.000000e+00> : vector<1x128xf32>
        %dot_general3A_1495 = tpu.matmul %while3A_308#2, %convert_element_type3A_1493, %dot_general3A_1494 {dimension_numbers = #tpu.dot_dimension_numbers<[1], [0], [0], [1], [0, 0, 1, 1], [], []>, transpose_lhs_hint = false} : vector<1x128xf32>, vector<128x128xf32>, vector<1x128xf32> -> vector<1x128xf32>
        %slice3A_1496 = vector.extract_strided_slice %get3A_1169 {offsets = [7, 0], sizes = [1, 128], strides = [1, 1]} : vector<8x128xf32> to vector<1x128xf32>
        %slice3A_1497 = vector.extract_strided_slice %get3A_1175 {offsets = [7, 0], sizes = [1, 128], strides = [1, 1]} : vector<8x128xf32> to vector<1x128xf32>
        %slice3A_1498 = vector.extract_strided_slice %get3A_1181 {offsets = [7, 0], sizes = [1, 128], strides = [1, 1]} : vector<8x128xf32> to vector<1x128xf32>
        %slice3A_1499 = vector.extract_strided_slice %get3A_1187 {offsets = [7, 0], sizes = [1, 128], strides = [1, 1]} : vector<8x128xf32> to vector<1x128xf32>
        %sub3A_1500 = arith.subf %slice3A_1498, %slice3A_1496 : vector<1x128xf32>
        %sub3A_1501 = arith.subf %slice3A_1499, %slice3A_1497 : vector<1x128xf32>
        %mul3A_1502 = arith.mulf %sub3A_1500, %sub3A_1501 : vector<1x128xf32>
        %max3A_1503 = vector.broadcast %transpose3A_183 : vector<128x1xf32> to vector<128x128xf32>
        %max3A_1504 = vector.broadcast %slice3A_1496 : vector<1x128xf32> to vector<128x128xf32>
        %max3A_1505 = arith.maximumf %max3A_1503, %max3A_1504 : vector<128x128xf32>
        %max3A_1506 = vector.broadcast %transpose3A_184 : vector<128x1xf32> to vector<128x128xf32>
        %max3A_1507 = vector.broadcast %slice3A_1497 : vector<1x128xf32> to vector<128x128xf32>
        %max3A_1508 = arith.maximumf %max3A_1506, %max3A_1507 : vector<128x128xf32>
        %min3A_1509 = vector.broadcast %transpose3A_185 : vector<128x1xf32> to vector<128x128xf32>
        %min3A_1510 = vector.broadcast %slice3A_1498 : vector<1x128xf32> to vector<128x128xf32>
        %min3A_1511 = arith.minimumf %min3A_1509, %min3A_1510 : vector<128x128xf32>
        %min3A_1512 = vector.broadcast %transpose3A_186 : vector<128x1xf32> to vector<128x128xf32>
        %min3A_1513 = vector.broadcast %slice3A_1499 : vector<1x128xf32> to vector<128x128xf32>
        %min3A_1514 = arith.minimumf %min3A_1512, %min3A_1513 : vector<128x128xf32>
        %sub3A_1515 = arith.subf %min3A_1511, %max3A_1505 : vector<128x128xf32>
        %max3A_1516 = arith.constant 0.000000e+00 : f32
        %max3A_1517 = vector.broadcast %max3A_1516 : f32 to vector<128x128xf32>
        %max3A_1518 = arith.maximumf %sub3A_1515, %max3A_1517 : vector<128x128xf32>
        %sub3A_1519 = arith.subf %min3A_1514, %max3A_1508 : vector<128x128xf32>
        %max3A_1520 = arith.constant 0.000000e+00 : f32
        %max3A_1521 = vector.broadcast %max3A_1520 : f32 to vector<128x128xf32>
        %max3A_1522 = arith.maximumf %sub3A_1519, %max3A_1521 : vector<128x128xf32>
        %mul3A_1523 = arith.mulf %max3A_1518, %max3A_1522 : vector<128x128xf32>
        %add3A_1524 = vector.broadcast %mul3A_189 : vector<128x1xf32> to vector<128x128xf32>
        %add3A_1525 = vector.broadcast %mul3A_1502 : vector<1x128xf32> to vector<128x128xf32>
        %add3A_1526 = arith.addf %add3A_1524, %add3A_1525 : vector<128x128xf32>
        %sub3A_1527 = arith.subf %add3A_1526, %mul3A_1523 : vector<128x128xf32>
        %mul3A_1528 = arith.constant 5.000000e-01 : f32
        %mul3A_1529 = vector.broadcast %mul3A_1528 : f32 to vector<128x128xf32>
        %mul3A_1530 = arith.mulf %mul3A_1529, %sub3A_1527 : vector<128x128xf32>
        %ge3A_1531 = arith.cmpf oge, %mul3A_1523, %mul3A_1530 : vector<128x128xf32>
        %gt3A_1532 = arith.constant 0.000000e+00 : f32
        %gt3A_1533 = vector.broadcast %gt3A_1532 : f32 to vector<128x128xf32>
        %gt3A_1534 = arith.cmpf ogt, %sub3A_1527, %gt3A_1533 : vector<128x128xf32>
        %and3A_1535 = arith.andi %ge3A_1531, %gt3A_1534 : vector<128x128xi1>
        %convert_element_type3A_1536 = arith.extui %and3A_1535 : vector<128x128xi1> to vector<128x128xi32>
        %convert_element_type3A_1537 = arith.sitofp %convert_element_type3A_1536 : vector<128x128xi32> to vector<128x128xf32>
        %dot_general3A_1538 = arith.constant dense<0.000000e+00> : vector<1x128xf32>
        %dot_general3A_1539 = tpu.matmul %while3A_308#2, %convert_element_type3A_1537, %dot_general3A_1538 {dimension_numbers = #tpu.dot_dimension_numbers<[1], [0], [0], [1], [0, 0, 1, 1], [], []>, transpose_lhs_hint = false} : vector<1x128xf32>, vector<128x128xf32>, vector<1x128xf32> -> vector<1x128xf32>
        %concatenate3A_1540 = tpu.concatenate %dot_general3A_1231, %dot_general3A_1275, %dot_general3A_1319, %dot_general3A_1363, %dot_general3A_1407, %dot_general3A_1451, %dot_general3A_1495, %dot_general3A_1539 in 0 : vector<1x128xf32>, vector<1x128xf32>, vector<1x128xf32>, vector<1x128xf32>, vector<1x128xf32>, vector<1x128xf32>, vector<1x128xf32>, vector<1x128xf32> -> vector<8x128xf32>
        %le3A_1541 = arith.constant 0.000000e+00 : f32
        %le3A_1542 = vector.broadcast %le3A_1541 : f32 to vector<8x128xf32>
        %le3A_1543 = arith.cmpf ole, %concatenate3A_1540, %le3A_1542 : vector<8x128xf32>
        %convert_element_type3A_1544 = arith.extui %le3A_1543 : vector<8x128xi1> to vector<8x128xi32>
        %convert_element_type3A_1545 = arith.sitofp %convert_element_type3A_1544 : vector<8x128xi32> to vector<8x128xf32>
        %get3A_1546 = arith.constant 0 : index
        %get3A_1547 = arith.constant 2 : index
        %get3A_1548 = arith.index_cast %add3A_375 : i32 to index
        %get3A_1549 = arith.constant 0 : index
        %get3A_1550 = vector.load %arg5[%get3A_1546, %get3A_1547, %get3A_1548, %get3A_1549] : memref<1x4x48x128xf32, #tpu.memory_space<vmem>>, vector<1x1x8x128xf32>
        %get3A_1551 = vector.shape_cast %get3A_1550 : vector<1x1x8x128xf32> to vector<8x128xf32>
        %mul3A_1552 = arith.mulf %get3A_1551, %convert_element_type3A_1545 : vector<8x128xf32>
        %swap3A_1553 = arith.constant 0 : index
        %swap3A_1554 = arith.constant 2 : index
        %swap3A_1555 = arith.index_cast %add3A_375 : i32 to index
        %swap3A_1556 = arith.constant 0 : index
        %swap3A_1557 = vector.load %arg5[%swap3A_1553, %swap3A_1554, %swap3A_1555, %swap3A_1556] : memref<1x4x48x128xf32, #tpu.memory_space<vmem>>, vector<1x1x8x128xf32>
        %swap3A_1558 = vector.shape_cast %swap3A_1557 : vector<1x1x8x128xf32> to vector<8x128xf32>
        %swap3A_1559 = vector.shape_cast %mul3A_1552 : vector<8x128xf32> to vector<1x1x8x128xf32>
        tpu.vector_store %arg5[%swap3A_1553, %swap3A_1554, %swap3A_1555, %swap3A_1556], %swap3A_1559 {strides = array<i32>} : memref<1x4x48x128xf32, #tpu.memory_space<vmem>>, vector<1x1x8x128xf32>,
        %get3A_1560 = arith.constant 0 : index
        %get3A_1561 = arith.constant 3 : index
        %get3A_1562 = arith.index_cast %add3A_375 : i32 to index
        %get3A_1563 = arith.constant 0 : index
        %get3A_1564 = vector.load %arg1[%get3A_1560, %get3A_1561, %get3A_1562, %get3A_1563] : memref<1x4x48x128xf32, #tpu.memory_space<vmem>>, vector<1x1x8x128xf32>
        %get3A_1565 = vector.shape_cast %get3A_1564 : vector<1x1x8x128xf32> to vector<8x128xf32>
        %get3A_1566 = arith.constant 0 : index
        %get3A_1567 = arith.constant 3 : index
        %get3A_1568 = arith.index_cast %add3A_375 : i32 to index
        %get3A_1569 = arith.constant 0 : index
        %get3A_1570 = vector.load %arg2[%get3A_1566, %get3A_1567, %get3A_1568, %get3A_1569] : memref<1x4x48x128xf32, #tpu.memory_space<vmem>>, vector<1x1x8x128xf32>
        %get3A_1571 = vector.shape_cast %get3A_1570 : vector<1x1x8x128xf32> to vector<8x128xf32>
        %get3A_1572 = arith.constant 0 : index
        %get3A_1573 = arith.constant 3 : index
        %get3A_1574 = arith.index_cast %add3A_375 : i32 to index
        %get3A_1575 = arith.constant 0 : index
        %get3A_1576 = vector.load %arg3[%get3A_1572, %get3A_1573, %get3A_1574, %get3A_1575] : memref<1x4x48x128xf32, #tpu.memory_space<vmem>>, vector<1x1x8x128xf32>
        %get3A_1577 = vector.shape_cast %get3A_1576 : vector<1x1x8x128xf32> to vector<8x128xf32>
        %get3A_1578 = arith.constant 0 : index
        %get3A_1579 = arith.constant 3 : index
        %get3A_1580 = arith.index_cast %add3A_375 : i32 to index
        %get3A_1581 = arith.constant 0 : index
        %get3A_1582 = vector.load %arg4[%get3A_1578, %get3A_1579, %get3A_1580, %get3A_1581] : memref<1x4x48x128xf32, #tpu.memory_space<vmem>>, vector<1x1x8x128xf32>
        %get3A_1583 = vector.shape_cast %get3A_1582 : vector<1x1x8x128xf32> to vector<8x128xf32>
        %slice3A_1584 = vector.extract_strided_slice %get3A_1565 {offsets = [0, 0], sizes = [1, 128], strides = [1, 1]} : vector<8x128xf32> to vector<1x128xf32>
        %slice3A_1585 = vector.extract_strided_slice %get3A_1571 {offsets = [0, 0], sizes = [1, 128], strides = [1, 1]} : vector<8x128xf32> to vector<1x128xf32>
        %slice3A_1586 = vector.extract_strided_slice %get3A_1577 {offsets = [0, 0], sizes = [1, 128], strides = [1, 1]} : vector<8x128xf32> to vector<1x128xf32>
        %slice3A_1587 = vector.extract_strided_slice %get3A_1583 {offsets = [0, 0], sizes = [1, 128], strides = [1, 1]} : vector<8x128xf32> to vector<1x128xf32>
        %sub3A_1588 = arith.subf %slice3A_1586, %slice3A_1584 : vector<1x128xf32>
        %sub3A_1589 = arith.subf %slice3A_1587, %slice3A_1585 : vector<1x128xf32>
        %mul3A_1590 = arith.mulf %sub3A_1588, %sub3A_1589 : vector<1x128xf32>
        %max3A_1591 = vector.broadcast %transpose3A_259 : vector<128x1xf32> to vector<128x128xf32>
        %max3A_1592 = vector.broadcast %slice3A_1584 : vector<1x128xf32> to vector<128x128xf32>
        %max3A_1593 = arith.maximumf %max3A_1591, %max3A_1592 : vector<128x128xf32>
        %max3A_1594 = vector.broadcast %transpose3A_260 : vector<128x1xf32> to vector<128x128xf32>
        %max3A_1595 = vector.broadcast %slice3A_1585 : vector<1x128xf32> to vector<128x128xf32>
        %max3A_1596 = arith.maximumf %max3A_1594, %max3A_1595 : vector<128x128xf32>
        %min3A_1597 = vector.broadcast %transpose3A_261 : vector<128x1xf32> to vector<128x128xf32>
        %min3A_1598 = vector.broadcast %slice3A_1586 : vector<1x128xf32> to vector<128x128xf32>
        %min3A_1599 = arith.minimumf %min3A_1597, %min3A_1598 : vector<128x128xf32>
        %min3A_1600 = vector.broadcast %transpose3A_262 : vector<128x1xf32> to vector<128x128xf32>
        %min3A_1601 = vector.broadcast %slice3A_1587 : vector<1x128xf32> to vector<128x128xf32>
        %min3A_1602 = arith.minimumf %min3A_1600, %min3A_1601 : vector<128x128xf32>
        %sub3A_1603 = arith.subf %min3A_1599, %max3A_1593 : vector<128x128xf32>
        %max3A_1604 = arith.constant 0.000000e+00 : f32
        %max3A_1605 = vector.broadcast %max3A_1604 : f32 to vector<128x128xf32>
        %max3A_1606 = arith.maximumf %sub3A_1603, %max3A_1605 : vector<128x128xf32>
        %sub3A_1607 = arith.subf %min3A_1602, %max3A_1596 : vector<128x128xf32>
        %max3A_1608 = arith.constant 0.000000e+00 : f32
        %max3A_1609 = vector.broadcast %max3A_1608 : f32 to vector<128x128xf32>
        %max3A_1610 = arith.maximumf %sub3A_1607, %max3A_1609 : vector<128x128xf32>
        %mul3A_1611 = arith.mulf %max3A_1606, %max3A_1610 : vector<128x128xf32>
        %add3A_1612 = vector.broadcast %mul3A_265 : vector<128x1xf32> to vector<128x128xf32>
        %add3A_1613 = vector.broadcast %mul3A_1590 : vector<1x128xf32> to vector<128x128xf32>
        %add3A_1614 = arith.addf %add3A_1612, %add3A_1613 : vector<128x128xf32>
        %sub3A_1615 = arith.subf %add3A_1614, %mul3A_1611 : vector<128x128xf32>
        %mul3A_1616 = arith.constant 5.000000e-01 : f32
        %mul3A_1617 = vector.broadcast %mul3A_1616 : f32 to vector<128x128xf32>
        %mul3A_1618 = arith.mulf %mul3A_1617, %sub3A_1615 : vector<128x128xf32>
        %ge3A_1619 = arith.cmpf oge, %mul3A_1611, %mul3A_1618 : vector<128x128xf32>
        %gt3A_1620 = arith.constant 0.000000e+00 : f32
        %gt3A_1621 = vector.broadcast %gt3A_1620 : f32 to vector<128x128xf32>
        %gt3A_1622 = arith.cmpf ogt, %sub3A_1615, %gt3A_1621 : vector<128x128xf32>
        %and3A_1623 = arith.andi %ge3A_1619, %gt3A_1622 : vector<128x128xi1>
        %convert_element_type3A_1624 = arith.extui %and3A_1623 : vector<128x128xi1> to vector<128x128xi32>
        %convert_element_type3A_1625 = arith.sitofp %convert_element_type3A_1624 : vector<128x128xi32> to vector<128x128xf32>
        %dot_general3A_1626 = arith.constant dense<0.000000e+00> : vector<1x128xf32>
        %dot_general3A_1627 = tpu.matmul %while3A_308#3, %convert_element_type3A_1625, %dot_general3A_1626 {dimension_numbers = #tpu.dot_dimension_numbers<[1], [0], [0], [1], [0, 0, 1, 1], [], []>, transpose_lhs_hint = false} : vector<1x128xf32>, vector<128x128xf32>, vector<1x128xf32> -> vector<1x128xf32>
        %slice3A_1628 = vector.extract_strided_slice %get3A_1565 {offsets = [1, 0], sizes = [1, 128], strides = [1, 1]} : vector<8x128xf32> to vector<1x128xf32>
        %slice3A_1629 = vector.extract_strided_slice %get3A_1571 {offsets = [1, 0], sizes = [1, 128], strides = [1, 1]} : vector<8x128xf32> to vector<1x128xf32>
        %slice3A_1630 = vector.extract_strided_slice %get3A_1577 {offsets = [1, 0], sizes = [1, 128], strides = [1, 1]} : vector<8x128xf32> to vector<1x128xf32>
        %slice3A_1631 = vector.extract_strided_slice %get3A_1583 {offsets = [1, 0], sizes = [1, 128], strides = [1, 1]} : vector<8x128xf32> to vector<1x128xf32>
        %sub3A_1632 = arith.subf %slice3A_1630, %slice3A_1628 : vector<1x128xf32>
        %sub3A_1633 = arith.subf %slice3A_1631, %slice3A_1629 : vector<1x128xf32>
        %mul3A_1634 = arith.mulf %sub3A_1632, %sub3A_1633 : vector<1x128xf32>
        %max3A_1635 = vector.broadcast %transpose3A_259 : vector<128x1xf32> to vector<128x128xf32>
        %max3A_1636 = vector.broadcast %slice3A_1628 : vector<1x128xf32> to vector<128x128xf32>
        %max3A_1637 = arith.maximumf %max3A_1635, %max3A_1636 : vector<128x128xf32>
        %max3A_1638 = vector.broadcast %transpose3A_260 : vector<128x1xf32> to vector<128x128xf32>
        %max3A_1639 = vector.broadcast %slice3A_1629 : vector<1x128xf32> to vector<128x128xf32>
        %max3A_1640 = arith.maximumf %max3A_1638, %max3A_1639 : vector<128x128xf32>
        %min3A_1641 = vector.broadcast %transpose3A_261 : vector<128x1xf32> to vector<128x128xf32>
        %min3A_1642 = vector.broadcast %slice3A_1630 : vector<1x128xf32> to vector<128x128xf32>
        %min3A_1643 = arith.minimumf %min3A_1641, %min3A_1642 : vector<128x128xf32>
        %min3A_1644 = vector.broadcast %transpose3A_262 : vector<128x1xf32> to vector<128x128xf32>
        %min3A_1645 = vector.broadcast %slice3A_1631 : vector<1x128xf32> to vector<128x128xf32>
        %min3A_1646 = arith.minimumf %min3A_1644, %min3A_1645 : vector<128x128xf32>
        %sub3A_1647 = arith.subf %min3A_1643, %max3A_1637 : vector<128x128xf32>
        %max3A_1648 = arith.constant 0.000000e+00 : f32
        %max3A_1649 = vector.broadcast %max3A_1648 : f32 to vector<128x128xf32>
        %max3A_1650 = arith.maximumf %sub3A_1647, %max3A_1649 : vector<128x128xf32>
        %sub3A_1651 = arith.subf %min3A_1646, %max3A_1640 : vector<128x128xf32>
        %max3A_1652 = arith.constant 0.000000e+00 : f32
        %max3A_1653 = vector.broadcast %max3A_1652 : f32 to vector<128x128xf32>
        %max3A_1654 = arith.maximumf %sub3A_1651, %max3A_1653 : vector<128x128xf32>
        %mul3A_1655 = arith.mulf %max3A_1650, %max3A_1654 : vector<128x128xf32>
        %add3A_1656 = vector.broadcast %mul3A_265 : vector<128x1xf32> to vector<128x128xf32>
        %add3A_1657 = vector.broadcast %mul3A_1634 : vector<1x128xf32> to vector<128x128xf32>
        %add3A_1658 = arith.addf %add3A_1656, %add3A_1657 : vector<128x128xf32>
        %sub3A_1659 = arith.subf %add3A_1658, %mul3A_1655 : vector<128x128xf32>
        %mul3A_1660 = arith.constant 5.000000e-01 : f32
        %mul3A_1661 = vector.broadcast %mul3A_1660 : f32 to vector<128x128xf32>
        %mul3A_1662 = arith.mulf %mul3A_1661, %sub3A_1659 : vector<128x128xf32>
        %ge3A_1663 = arith.cmpf oge, %mul3A_1655, %mul3A_1662 : vector<128x128xf32>
        %gt3A_1664 = arith.constant 0.000000e+00 : f32
        %gt3A_1665 = vector.broadcast %gt3A_1664 : f32 to vector<128x128xf32>
        %gt3A_1666 = arith.cmpf ogt, %sub3A_1659, %gt3A_1665 : vector<128x128xf32>
        %and3A_1667 = arith.andi %ge3A_1663, %gt3A_1666 : vector<128x128xi1>
        %convert_element_type3A_1668 = arith.extui %and3A_1667 : vector<128x128xi1> to vector<128x128xi32>
        %convert_element_type3A_1669 = arith.sitofp %convert_element_type3A_1668 : vector<128x128xi32> to vector<128x128xf32>
        %dot_general3A_1670 = arith.constant dense<0.000000e+00> : vector<1x128xf32>
        %dot_general3A_1671 = tpu.matmul %while3A_308#3, %convert_element_type3A_1669, %dot_general3A_1670 {dimension_numbers = #tpu.dot_dimension_numbers<[1], [0], [0], [1], [0, 0, 1, 1], [], []>, transpose_lhs_hint = false} : vector<1x128xf32>, vector<128x128xf32>, vector<1x128xf32> -> vector<1x128xf32>
        %slice3A_1672 = vector.extract_strided_slice %get3A_1565 {offsets = [2, 0], sizes = [1, 128], strides = [1, 1]} : vector<8x128xf32> to vector<1x128xf32>
        %slice3A_1673 = vector.extract_strided_slice %get3A_1571 {offsets = [2, 0], sizes = [1, 128], strides = [1, 1]} : vector<8x128xf32> to vector<1x128xf32>
        %slice3A_1674 = vector.extract_strided_slice %get3A_1577 {offsets = [2, 0], sizes = [1, 128], strides = [1, 1]} : vector<8x128xf32> to vector<1x128xf32>
        %slice3A_1675 = vector.extract_strided_slice %get3A_1583 {offsets = [2, 0], sizes = [1, 128], strides = [1, 1]} : vector<8x128xf32> to vector<1x128xf32>
        %sub3A_1676 = arith.subf %slice3A_1674, %slice3A_1672 : vector<1x128xf32>
        %sub3A_1677 = arith.subf %slice3A_1675, %slice3A_1673 : vector<1x128xf32>
        %mul3A_1678 = arith.mulf %sub3A_1676, %sub3A_1677 : vector<1x128xf32>
        %max3A_1679 = vector.broadcast %transpose3A_259 : vector<128x1xf32> to vector<128x128xf32>
        %max3A_1680 = vector.broadcast %slice3A_1672 : vector<1x128xf32> to vector<128x128xf32>
        %max3A_1681 = arith.maximumf %max3A_1679, %max3A_1680 : vector<128x128xf32>
        %max3A_1682 = vector.broadcast %transpose3A_260 : vector<128x1xf32> to vector<128x128xf32>
        %max3A_1683 = vector.broadcast %slice3A_1673 : vector<1x128xf32> to vector<128x128xf32>
        %max3A_1684 = arith.maximumf %max3A_1682, %max3A_1683 : vector<128x128xf32>
        %min3A_1685 = vector.broadcast %transpose3A_261 : vector<128x1xf32> to vector<128x128xf32>
        %min3A_1686 = vector.broadcast %slice3A_1674 : vector<1x128xf32> to vector<128x128xf32>
        %min3A_1687 = arith.minimumf %min3A_1685, %min3A_1686 : vector<128x128xf32>
        %min3A_1688 = vector.broadcast %transpose3A_262 : vector<128x1xf32> to vector<128x128xf32>
        %min3A_1689 = vector.broadcast %slice3A_1675 : vector<1x128xf32> to vector<128x128xf32>
        %min3A_1690 = arith.minimumf %min3A_1688, %min3A_1689 : vector<128x128xf32>
        %sub3A_1691 = arith.subf %min3A_1687, %max3A_1681 : vector<128x128xf32>
        %max3A_1692 = arith.constant 0.000000e+00 : f32
        %max3A_1693 = vector.broadcast %max3A_1692 : f32 to vector<128x128xf32>
        %max3A_1694 = arith.maximumf %sub3A_1691, %max3A_1693 : vector<128x128xf32>
        %sub3A_1695 = arith.subf %min3A_1690, %max3A_1684 : vector<128x128xf32>
        %max3A_1696 = arith.constant 0.000000e+00 : f32
        %max3A_1697 = vector.broadcast %max3A_1696 : f32 to vector<128x128xf32>
        %max3A_1698 = arith.maximumf %sub3A_1695, %max3A_1697 : vector<128x128xf32>
        %mul3A_1699 = arith.mulf %max3A_1694, %max3A_1698 : vector<128x128xf32>
        %add3A_1700 = vector.broadcast %mul3A_265 : vector<128x1xf32> to vector<128x128xf32>
        %add3A_1701 = vector.broadcast %mul3A_1678 : vector<1x128xf32> to vector<128x128xf32>
        %add3A_1702 = arith.addf %add3A_1700, %add3A_1701 : vector<128x128xf32>
        %sub3A_1703 = arith.subf %add3A_1702, %mul3A_1699 : vector<128x128xf32>
        %mul3A_1704 = arith.constant 5.000000e-01 : f32
        %mul3A_1705 = vector.broadcast %mul3A_1704 : f32 to vector<128x128xf32>
        %mul3A_1706 = arith.mulf %mul3A_1705, %sub3A_1703 : vector<128x128xf32>
        %ge3A_1707 = arith.cmpf oge, %mul3A_1699, %mul3A_1706 : vector<128x128xf32>
        %gt3A_1708 = arith.constant 0.000000e+00 : f32
        %gt3A_1709 = vector.broadcast %gt3A_1708 : f32 to vector<128x128xf32>
        %gt3A_1710 = arith.cmpf ogt, %sub3A_1703, %gt3A_1709 : vector<128x128xf32>
        %and3A_1711 = arith.andi %ge3A_1707, %gt3A_1710 : vector<128x128xi1>
        %convert_element_type3A_1712 = arith.extui %and3A_1711 : vector<128x128xi1> to vector<128x128xi32>
        %convert_element_type3A_1713 = arith.sitofp %convert_element_type3A_1712 : vector<128x128xi32> to vector<128x128xf32>
        %dot_general3A_1714 = arith.constant dense<0.000000e+00> : vector<1x128xf32>
        %dot_general3A_1715 = tpu.matmul %while3A_308#3, %convert_element_type3A_1713, %dot_general3A_1714 {dimension_numbers = #tpu.dot_dimension_numbers<[1], [0], [0], [1], [0, 0, 1, 1], [], []>, transpose_lhs_hint = false} : vector<1x128xf32>, vector<128x128xf32>, vector<1x128xf32> -> vector<1x128xf32>
        %slice3A_1716 = vector.extract_strided_slice %get3A_1565 {offsets = [3, 0], sizes = [1, 128], strides = [1, 1]} : vector<8x128xf32> to vector<1x128xf32>
        %slice3A_1717 = vector.extract_strided_slice %get3A_1571 {offsets = [3, 0], sizes = [1, 128], strides = [1, 1]} : vector<8x128xf32> to vector<1x128xf32>
        %slice3A_1718 = vector.extract_strided_slice %get3A_1577 {offsets = [3, 0], sizes = [1, 128], strides = [1, 1]} : vector<8x128xf32> to vector<1x128xf32>
        %slice3A_1719 = vector.extract_strided_slice %get3A_1583 {offsets = [3, 0], sizes = [1, 128], strides = [1, 1]} : vector<8x128xf32> to vector<1x128xf32>
        %sub3A_1720 = arith.subf %slice3A_1718, %slice3A_1716 : vector<1x128xf32>
        %sub3A_1721 = arith.subf %slice3A_1719, %slice3A_1717 : vector<1x128xf32>
        %mul3A_1722 = arith.mulf %sub3A_1720, %sub3A_1721 : vector<1x128xf32>
        %max3A_1723 = vector.broadcast %transpose3A_259 : vector<128x1xf32> to vector<128x128xf32>
        %max3A_1724 = vector.broadcast %slice3A_1716 : vector<1x128xf32> to vector<128x128xf32>
        %max3A_1725 = arith.maximumf %max3A_1723, %max3A_1724 : vector<128x128xf32>
        %max3A_1726 = vector.broadcast %transpose3A_260 : vector<128x1xf32> to vector<128x128xf32>
        %max3A_1727 = vector.broadcast %slice3A_1717 : vector<1x128xf32> to vector<128x128xf32>
        %max3A_1728 = arith.maximumf %max3A_1726, %max3A_1727 : vector<128x128xf32>
        %min3A_1729 = vector.broadcast %transpose3A_261 : vector<128x1xf32> to vector<128x128xf32>
        %min3A_1730 = vector.broadcast %slice3A_1718 : vector<1x128xf32> to vector<128x128xf32>
        %min3A_1731 = arith.minimumf %min3A_1729, %min3A_1730 : vector<128x128xf32>
        %min3A_1732 = vector.broadcast %transpose3A_262 : vector<128x1xf32> to vector<128x128xf32>
        %min3A_1733 = vector.broadcast %slice3A_1719 : vector<1x128xf32> to vector<128x128xf32>
        %min3A_1734 = arith.minimumf %min3A_1732, %min3A_1733 : vector<128x128xf32>
        %sub3A_1735 = arith.subf %min3A_1731, %max3A_1725 : vector<128x128xf32>
        %max3A_1736 = arith.constant 0.000000e+00 : f32
        %max3A_1737 = vector.broadcast %max3A_1736 : f32 to vector<128x128xf32>
        %max3A_1738 = arith.maximumf %sub3A_1735, %max3A_1737 : vector<128x128xf32>
        %sub3A_1739 = arith.subf %min3A_1734, %max3A_1728 : vector<128x128xf32>
        %max3A_1740 = arith.constant 0.000000e+00 : f32
        %max3A_1741 = vector.broadcast %max3A_1740 : f32 to vector<128x128xf32>
        %max3A_1742 = arith.maximumf %sub3A_1739, %max3A_1741 : vector<128x128xf32>
        %mul3A_1743 = arith.mulf %max3A_1738, %max3A_1742 : vector<128x128xf32>
        %add3A_1744 = vector.broadcast %mul3A_265 : vector<128x1xf32> to vector<128x128xf32>
        %add3A_1745 = vector.broadcast %mul3A_1722 : vector<1x128xf32> to vector<128x128xf32>
        %add3A_1746 = arith.addf %add3A_1744, %add3A_1745 : vector<128x128xf32>
        %sub3A_1747 = arith.subf %add3A_1746, %mul3A_1743 : vector<128x128xf32>
        %mul3A_1748 = arith.constant 5.000000e-01 : f32
        %mul3A_1749 = vector.broadcast %mul3A_1748 : f32 to vector<128x128xf32>
        %mul3A_1750 = arith.mulf %mul3A_1749, %sub3A_1747 : vector<128x128xf32>
        %ge3A_1751 = arith.cmpf oge, %mul3A_1743, %mul3A_1750 : vector<128x128xf32>
        %gt3A_1752 = arith.constant 0.000000e+00 : f32
        %gt3A_1753 = vector.broadcast %gt3A_1752 : f32 to vector<128x128xf32>
        %gt3A_1754 = arith.cmpf ogt, %sub3A_1747, %gt3A_1753 : vector<128x128xf32>
        %and3A_1755 = arith.andi %ge3A_1751, %gt3A_1754 : vector<128x128xi1>
        %convert_element_type3A_1756 = arith.extui %and3A_1755 : vector<128x128xi1> to vector<128x128xi32>
        %convert_element_type3A_1757 = arith.sitofp %convert_element_type3A_1756 : vector<128x128xi32> to vector<128x128xf32>
        %dot_general3A_1758 = arith.constant dense<0.000000e+00> : vector<1x128xf32>
        %dot_general3A_1759 = tpu.matmul %while3A_308#3, %convert_element_type3A_1757, %dot_general3A_1758 {dimension_numbers = #tpu.dot_dimension_numbers<[1], [0], [0], [1], [0, 0, 1, 1], [], []>, transpose_lhs_hint = false} : vector<1x128xf32>, vector<128x128xf32>, vector<1x128xf32> -> vector<1x128xf32>
        %slice3A_1760 = vector.extract_strided_slice %get3A_1565 {offsets = [4, 0], sizes = [1, 128], strides = [1, 1]} : vector<8x128xf32> to vector<1x128xf32>
        %slice3A_1761 = vector.extract_strided_slice %get3A_1571 {offsets = [4, 0], sizes = [1, 128], strides = [1, 1]} : vector<8x128xf32> to vector<1x128xf32>
        %slice3A_1762 = vector.extract_strided_slice %get3A_1577 {offsets = [4, 0], sizes = [1, 128], strides = [1, 1]} : vector<8x128xf32> to vector<1x128xf32>
        %slice3A_1763 = vector.extract_strided_slice %get3A_1583 {offsets = [4, 0], sizes = [1, 128], strides = [1, 1]} : vector<8x128xf32> to vector<1x128xf32>
        %sub3A_1764 = arith.subf %slice3A_1762, %slice3A_1760 : vector<1x128xf32>
        %sub3A_1765 = arith.subf %slice3A_1763, %slice3A_1761 : vector<1x128xf32>
        %mul3A_1766 = arith.mulf %sub3A_1764, %sub3A_1765 : vector<1x128xf32>
        %max3A_1767 = vector.broadcast %transpose3A_259 : vector<128x1xf32> to vector<128x128xf32>
        %max3A_1768 = vector.broadcast %slice3A_1760 : vector<1x128xf32> to vector<128x128xf32>
        %max3A_1769 = arith.maximumf %max3A_1767, %max3A_1768 : vector<128x128xf32>
        %max3A_1770 = vector.broadcast %transpose3A_260 : vector<128x1xf32> to vector<128x128xf32>
        %max3A_1771 = vector.broadcast %slice3A_1761 : vector<1x128xf32> to vector<128x128xf32>
        %max3A_1772 = arith.maximumf %max3A_1770, %max3A_1771 : vector<128x128xf32>
        %min3A_1773 = vector.broadcast %transpose3A_261 : vector<128x1xf32> to vector<128x128xf32>
        %min3A_1774 = vector.broadcast %slice3A_1762 : vector<1x128xf32> to vector<128x128xf32>
        %min3A_1775 = arith.minimumf %min3A_1773, %min3A_1774 : vector<128x128xf32>
        %min3A_1776 = vector.broadcast %transpose3A_262 : vector<128x1xf32> to vector<128x128xf32>
        %min3A_1777 = vector.broadcast %slice3A_1763 : vector<1x128xf32> to vector<128x128xf32>
        %min3A_1778 = arith.minimumf %min3A_1776, %min3A_1777 : vector<128x128xf32>
        %sub3A_1779 = arith.subf %min3A_1775, %max3A_1769 : vector<128x128xf32>
        %max3A_1780 = arith.constant 0.000000e+00 : f32
        %max3A_1781 = vector.broadcast %max3A_1780 : f32 to vector<128x128xf32>
        %max3A_1782 = arith.maximumf %sub3A_1779, %max3A_1781 : vector<128x128xf32>
        %sub3A_1783 = arith.subf %min3A_1778, %max3A_1772 : vector<128x128xf32>
        %max3A_1784 = arith.constant 0.000000e+00 : f32
        %max3A_1785 = vector.broadcast %max3A_1784 : f32 to vector<128x128xf32>
        %max3A_1786 = arith.maximumf %sub3A_1783, %max3A_1785 : vector<128x128xf32>
        %mul3A_1787 = arith.mulf %max3A_1782, %max3A_1786 : vector<128x128xf32>
        %add3A_1788 = vector.broadcast %mul3A_265 : vector<128x1xf32> to vector<128x128xf32>
        %add3A_1789 = vector.broadcast %mul3A_1766 : vector<1x128xf32> to vector<128x128xf32>
        %add3A_1790 = arith.addf %add3A_1788, %add3A_1789 : vector<128x128xf32>
        %sub3A_1791 = arith.subf %add3A_1790, %mul3A_1787 : vector<128x128xf32>
        %mul3A_1792 = arith.constant 5.000000e-01 : f32
        %mul3A_1793 = vector.broadcast %mul3A_1792 : f32 to vector<128x128xf32>
        %mul3A_1794 = arith.mulf %mul3A_1793, %sub3A_1791 : vector<128x128xf32>
        %ge3A_1795 = arith.cmpf oge, %mul3A_1787, %mul3A_1794 : vector<128x128xf32>
        %gt3A_1796 = arith.constant 0.000000e+00 : f32
        %gt3A_1797 = vector.broadcast %gt3A_1796 : f32 to vector<128x128xf32>
        %gt3A_1798 = arith.cmpf ogt, %sub3A_1791, %gt3A_1797 : vector<128x128xf32>
        %and3A_1799 = arith.andi %ge3A_1795, %gt3A_1798 : vector<128x128xi1>
        %convert_element_type3A_1800 = arith.extui %and3A_1799 : vector<128x128xi1> to vector<128x128xi32>
        %convert_element_type3A_1801 = arith.sitofp %convert_element_type3A_1800 : vector<128x128xi32> to vector<128x128xf32>
        %dot_general3A_1802 = arith.constant dense<0.000000e+00> : vector<1x128xf32>
        %dot_general3A_1803 = tpu.matmul %while3A_308#3, %convert_element_type3A_1801, %dot_general3A_1802 {dimension_numbers = #tpu.dot_dimension_numbers<[1], [0], [0], [1], [0, 0, 1, 1], [], []>, transpose_lhs_hint = false} : vector<1x128xf32>, vector<128x128xf32>, vector<1x128xf32> -> vector<1x128xf32>
        %slice3A_1804 = vector.extract_strided_slice %get3A_1565 {offsets = [5, 0], sizes = [1, 128], strides = [1, 1]} : vector<8x128xf32> to vector<1x128xf32>
        %slice3A_1805 = vector.extract_strided_slice %get3A_1571 {offsets = [5, 0], sizes = [1, 128], strides = [1, 1]} : vector<8x128xf32> to vector<1x128xf32>
        %slice3A_1806 = vector.extract_strided_slice %get3A_1577 {offsets = [5, 0], sizes = [1, 128], strides = [1, 1]} : vector<8x128xf32> to vector<1x128xf32>
        %slice3A_1807 = vector.extract_strided_slice %get3A_1583 {offsets = [5, 0], sizes = [1, 128], strides = [1, 1]} : vector<8x128xf32> to vector<1x128xf32>
        %sub3A_1808 = arith.subf %slice3A_1806, %slice3A_1804 : vector<1x128xf32>
        %sub3A_1809 = arith.subf %slice3A_1807, %slice3A_1805 : vector<1x128xf32>
        %mul3A_1810 = arith.mulf %sub3A_1808, %sub3A_1809 : vector<1x128xf32>
        %max3A_1811 = vector.broadcast %transpose3A_259 : vector<128x1xf32> to vector<128x128xf32>
        %max3A_1812 = vector.broadcast %slice3A_1804 : vector<1x128xf32> to vector<128x128xf32>
        %max3A_1813 = arith.maximumf %max3A_1811, %max3A_1812 : vector<128x128xf32>
        %max3A_1814 = vector.broadcast %transpose3A_260 : vector<128x1xf32> to vector<128x128xf32>
        %max3A_1815 = vector.broadcast %slice3A_1805 : vector<1x128xf32> to vector<128x128xf32>
        %max3A_1816 = arith.maximumf %max3A_1814, %max3A_1815 : vector<128x128xf32>
        %min3A_1817 = vector.broadcast %transpose3A_261 : vector<128x1xf32> to vector<128x128xf32>
        %min3A_1818 = vector.broadcast %slice3A_1806 : vector<1x128xf32> to vector<128x128xf32>
        %min3A_1819 = arith.minimumf %min3A_1817, %min3A_1818 : vector<128x128xf32>
        %min3A_1820 = vector.broadcast %transpose3A_262 : vector<128x1xf32> to vector<128x128xf32>
        %min3A_1821 = vector.broadcast %slice3A_1807 : vector<1x128xf32> to vector<128x128xf32>
        %min3A_1822 = arith.minimumf %min3A_1820, %min3A_1821 : vector<128x128xf32>
        %sub3A_1823 = arith.subf %min3A_1819, %max3A_1813 : vector<128x128xf32>
        %max3A_1824 = arith.constant 0.000000e+00 : f32
        %max3A_1825 = vector.broadcast %max3A_1824 : f32 to vector<128x128xf32>
        %max3A_1826 = arith.maximumf %sub3A_1823, %max3A_1825 : vector<128x128xf32>
        %sub3A_1827 = arith.subf %min3A_1822, %max3A_1816 : vector<128x128xf32>
        %max3A_1828 = arith.constant 0.000000e+00 : f32
        %max3A_1829 = vector.broadcast %max3A_1828 : f32 to vector<128x128xf32>
        %max3A_1830 = arith.maximumf %sub3A_1827, %max3A_1829 : vector<128x128xf32>
        %mul3A_1831 = arith.mulf %max3A_1826, %max3A_1830 : vector<128x128xf32>
        %add3A_1832 = vector.broadcast %mul3A_265 : vector<128x1xf32> to vector<128x128xf32>
        %add3A_1833 = vector.broadcast %mul3A_1810 : vector<1x128xf32> to vector<128x128xf32>
        %add3A_1834 = arith.addf %add3A_1832, %add3A_1833 : vector<128x128xf32>
        %sub3A_1835 = arith.subf %add3A_1834, %mul3A_1831 : vector<128x128xf32>
        %mul3A_1836 = arith.constant 5.000000e-01 : f32
        %mul3A_1837 = vector.broadcast %mul3A_1836 : f32 to vector<128x128xf32>
        %mul3A_1838 = arith.mulf %mul3A_1837, %sub3A_1835 : vector<128x128xf32>
        %ge3A_1839 = arith.cmpf oge, %mul3A_1831, %mul3A_1838 : vector<128x128xf32>
        %gt3A_1840 = arith.constant 0.000000e+00 : f32
        %gt3A_1841 = vector.broadcast %gt3A_1840 : f32 to vector<128x128xf32>
        %gt3A_1842 = arith.cmpf ogt, %sub3A_1835, %gt3A_1841 : vector<128x128xf32>
        %and3A_1843 = arith.andi %ge3A_1839, %gt3A_1842 : vector<128x128xi1>
        %convert_element_type3A_1844 = arith.extui %and3A_1843 : vector<128x128xi1> to vector<128x128xi32>
        %convert_element_type3A_1845 = arith.sitofp %convert_element_type3A_1844 : vector<128x128xi32> to vector<128x128xf32>
        %dot_general3A_1846 = arith.constant dense<0.000000e+00> : vector<1x128xf32>
        %dot_general3A_1847 = tpu.matmul %while3A_308#3, %convert_element_type3A_1845, %dot_general3A_1846 {dimension_numbers = #tpu.dot_dimension_numbers<[1], [0], [0], [1], [0, 0, 1, 1], [], []>, transpose_lhs_hint = false} : vector<1x128xf32>, vector<128x128xf32>, vector<1x128xf32> -> vector<1x128xf32>
        %slice3A_1848 = vector.extract_strided_slice %get3A_1565 {offsets = [6, 0], sizes = [1, 128], strides = [1, 1]} : vector<8x128xf32> to vector<1x128xf32>
        %slice3A_1849 = vector.extract_strided_slice %get3A_1571 {offsets = [6, 0], sizes = [1, 128], strides = [1, 1]} : vector<8x128xf32> to vector<1x128xf32>
        %slice3A_1850 = vector.extract_strided_slice %get3A_1577 {offsets = [6, 0], sizes = [1, 128], strides = [1, 1]} : vector<8x128xf32> to vector<1x128xf32>
        %slice3A_1851 = vector.extract_strided_slice %get3A_1583 {offsets = [6, 0], sizes = [1, 128], strides = [1, 1]} : vector<8x128xf32> to vector<1x128xf32>
        %sub3A_1852 = arith.subf %slice3A_1850, %slice3A_1848 : vector<1x128xf32>
        %sub3A_1853 = arith.subf %slice3A_1851, %slice3A_1849 : vector<1x128xf32>
        %mul3A_1854 = arith.mulf %sub3A_1852, %sub3A_1853 : vector<1x128xf32>
        %max3A_1855 = vector.broadcast %transpose3A_259 : vector<128x1xf32> to vector<128x128xf32>
        %max3A_1856 = vector.broadcast %slice3A_1848 : vector<1x128xf32> to vector<128x128xf32>
        %max3A_1857 = arith.maximumf %max3A_1855, %max3A_1856 : vector<128x128xf32>
        %max3A_1858 = vector.broadcast %transpose3A_260 : vector<128x1xf32> to vector<128x128xf32>
        %max3A_1859 = vector.broadcast %slice3A_1849 : vector<1x128xf32> to vector<128x128xf32>
        %max3A_1860 = arith.maximumf %max3A_1858, %max3A_1859 : vector<128x128xf32>
        %min3A_1861 = vector.broadcast %transpose3A_261 : vector<128x1xf32> to vector<128x128xf32>
        %min3A_1862 = vector.broadcast %slice3A_1850 : vector<1x128xf32> to vector<128x128xf32>
        %min3A_1863 = arith.minimumf %min3A_1861, %min3A_1862 : vector<128x128xf32>
        %min3A_1864 = vector.broadcast %transpose3A_262 : vector<128x1xf32> to vector<128x128xf32>
        %min3A_1865 = vector.broadcast %slice3A_1851 : vector<1x128xf32> to vector<128x128xf32>
        %min3A_1866 = arith.minimumf %min3A_1864, %min3A_1865 : vector<128x128xf32>
        %sub3A_1867 = arith.subf %min3A_1863, %max3A_1857 : vector<128x128xf32>
        %max3A_1868 = arith.constant 0.000000e+00 : f32
        %max3A_1869 = vector.broadcast %max3A_1868 : f32 to vector<128x128xf32>
        %max3A_1870 = arith.maximumf %sub3A_1867, %max3A_1869 : vector<128x128xf32>
        %sub3A_1871 = arith.subf %min3A_1866, %max3A_1860 : vector<128x128xf32>
        %max3A_1872 = arith.constant 0.000000e+00 : f32
        %max3A_1873 = vector.broadcast %max3A_1872 : f32 to vector<128x128xf32>
        %max3A_1874 = arith.maximumf %sub3A_1871, %max3A_1873 : vector<128x128xf32>
        %mul3A_1875 = arith.mulf %max3A_1870, %max3A_1874 : vector<128x128xf32>
        %add3A_1876 = vector.broadcast %mul3A_265 : vector<128x1xf32> to vector<128x128xf32>
        %add3A_1877 = vector.broadcast %mul3A_1854 : vector<1x128xf32> to vector<128x128xf32>
        %add3A_1878 = arith.addf %add3A_1876, %add3A_1877 : vector<128x128xf32>
        %sub3A_1879 = arith.subf %add3A_1878, %mul3A_1875 : vector<128x128xf32>
        %mul3A_1880 = arith.constant 5.000000e-01 : f32
        %mul3A_1881 = vector.broadcast %mul3A_1880 : f32 to vector<128x128xf32>
        %mul3A_1882 = arith.mulf %mul3A_1881, %sub3A_1879 : vector<128x128xf32>
        %ge3A_1883 = arith.cmpf oge, %mul3A_1875, %mul3A_1882 : vector<128x128xf32>
        %gt3A_1884 = arith.constant 0.000000e+00 : f32
        %gt3A_1885 = vector.broadcast %gt3A_1884 : f32 to vector<128x128xf32>
        %gt3A_1886 = arith.cmpf ogt, %sub3A_1879, %gt3A_1885 : vector<128x128xf32>
        %and3A_1887 = arith.andi %ge3A_1883, %gt3A_1886 : vector<128x128xi1>
        %convert_element_type3A_1888 = arith.extui %and3A_1887 : vector<128x128xi1> to vector<128x128xi32>
        %convert_element_type3A_1889 = arith.sitofp %convert_element_type3A_1888 : vector<128x128xi32> to vector<128x128xf32>
        %dot_general3A_1890 = arith.constant dense<0.000000e+00> : vector<1x128xf32>
        %dot_general3A_1891 = tpu.matmul %while3A_308#3, %convert_element_type3A_1889, %dot_general3A_1890 {dimension_numbers = #tpu.dot_dimension_numbers<[1], [0], [0], [1], [0, 0, 1, 1], [], []>, transpose_lhs_hint = false} : vector<1x128xf32>, vector<128x128xf32>, vector<1x128xf32> -> vector<1x128xf32>
        %slice3A_1892 = vector.extract_strided_slice %get3A_1565 {offsets = [7, 0], sizes = [1, 128], strides = [1, 1]} : vector<8x128xf32> to vector<1x128xf32>
        %slice3A_1893 = vector.extract_strided_slice %get3A_1571 {offsets = [7, 0], sizes = [1, 128], strides = [1, 1]} : vector<8x128xf32> to vector<1x128xf32>
        %slice3A_1894 = vector.extract_strided_slice %get3A_1577 {offsets = [7, 0], sizes = [1, 128], strides = [1, 1]} : vector<8x128xf32> to vector<1x128xf32>
        %slice3A_1895 = vector.extract_strided_slice %get3A_1583 {offsets = [7, 0], sizes = [1, 128], strides = [1, 1]} : vector<8x128xf32> to vector<1x128xf32>
        %sub3A_1896 = arith.subf %slice3A_1894, %slice3A_1892 : vector<1x128xf32>
        %sub3A_1897 = arith.subf %slice3A_1895, %slice3A_1893 : vector<1x128xf32>
        %mul3A_1898 = arith.mulf %sub3A_1896, %sub3A_1897 : vector<1x128xf32>
        %max3A_1899 = vector.broadcast %transpose3A_259 : vector<128x1xf32> to vector<128x128xf32>
        %max3A_1900 = vector.broadcast %slice3A_1892 : vector<1x128xf32> to vector<128x128xf32>
        %max3A_1901 = arith.maximumf %max3A_1899, %max3A_1900 : vector<128x128xf32>
        %max3A_1902 = vector.broadcast %transpose3A_260 : vector<128x1xf32> to vector<128x128xf32>
        %max3A_1903 = vector.broadcast %slice3A_1893 : vector<1x128xf32> to vector<128x128xf32>
        %max3A_1904 = arith.maximumf %max3A_1902, %max3A_1903 : vector<128x128xf32>
        %min3A_1905 = vector.broadcast %transpose3A_261 : vector<128x1xf32> to vector<128x128xf32>
        %min3A_1906 = vector.broadcast %slice3A_1894 : vector<1x128xf32> to vector<128x128xf32>
        %min3A_1907 = arith.minimumf %min3A_1905, %min3A_1906 : vector<128x128xf32>
        %min3A_1908 = vector.broadcast %transpose3A_262 : vector<128x1xf32> to vector<128x128xf32>
        %min3A_1909 = vector.broadcast %slice3A_1895 : vector<1x128xf32> to vector<128x128xf32>
        %min3A_1910 = arith.minimumf %min3A_1908, %min3A_1909 : vector<128x128xf32>
        %sub3A_1911 = arith.subf %min3A_1907, %max3A_1901 : vector<128x128xf32>
        %max3A_1912 = arith.constant 0.000000e+00 : f32
        %max3A_1913 = vector.broadcast %max3A_1912 : f32 to vector<128x128xf32>
        %max3A_1914 = arith.maximumf %sub3A_1911, %max3A_1913 : vector<128x128xf32>
        %sub3A_1915 = arith.subf %min3A_1910, %max3A_1904 : vector<128x128xf32>
        %max3A_1916 = arith.constant 0.000000e+00 : f32
        %max3A_1917 = vector.broadcast %max3A_1916 : f32 to vector<128x128xf32>
        %max3A_1918 = arith.maximumf %sub3A_1915, %max3A_1917 : vector<128x128xf32>
        %mul3A_1919 = arith.mulf %max3A_1914, %max3A_1918 : vector<128x128xf32>
        %add3A_1920 = vector.broadcast %mul3A_265 : vector<128x1xf32> to vector<128x128xf32>
        %add3A_1921 = vector.broadcast %mul3A_1898 : vector<1x128xf32> to vector<128x128xf32>
        %add3A_1922 = arith.addf %add3A_1920, %add3A_1921 : vector<128x128xf32>
        %sub3A_1923 = arith.subf %add3A_1922, %mul3A_1919 : vector<128x128xf32>
        %mul3A_1924 = arith.constant 5.000000e-01 : f32
        %mul3A_1925 = vector.broadcast %mul3A_1924 : f32 to vector<128x128xf32>
        %mul3A_1926 = arith.mulf %mul3A_1925, %sub3A_1923 : vector<128x128xf32>
        %ge3A_1927 = arith.cmpf oge, %mul3A_1919, %mul3A_1926 : vector<128x128xf32>
        %gt3A_1928 = arith.constant 0.000000e+00 : f32
        %gt3A_1929 = vector.broadcast %gt3A_1928 : f32 to vector<128x128xf32>
        %gt3A_1930 = arith.cmpf ogt, %sub3A_1923, %gt3A_1929 : vector<128x128xf32>
        %and3A_1931 = arith.andi %ge3A_1927, %gt3A_1930 : vector<128x128xi1>
        %convert_element_type3A_1932 = arith.extui %and3A_1931 : vector<128x128xi1> to vector<128x128xi32>
        %convert_element_type3A_1933 = arith.sitofp %convert_element_type3A_1932 : vector<128x128xi32> to vector<128x128xf32>
        %dot_general3A_1934 = arith.constant dense<0.000000e+00> : vector<1x128xf32>
        %dot_general3A_1935 = tpu.matmul %while3A_308#3, %convert_element_type3A_1933, %dot_general3A_1934 {dimension_numbers = #tpu.dot_dimension_numbers<[1], [0], [0], [1], [0, 0, 1, 1], [], []>, transpose_lhs_hint = false} : vector<1x128xf32>, vector<128x128xf32>, vector<1x128xf32> -> vector<1x128xf32>
        %concatenate3A_1936 = tpu.concatenate %dot_general3A_1627, %dot_general3A_1671, %dot_general3A_1715, %dot_general3A_1759, %dot_general3A_1803, %dot_general3A_1847, %dot_general3A_1891, %dot_general3A_1935 in 0 : vector<1x128xf32>, vector<1x128xf32>, vector<1x128xf32>, vector<1x128xf32>, vector<1x128xf32>, vector<1x128xf32>, vector<1x128xf32>, vector<1x128xf32> -> vector<8x128xf32>
        %le3A_1937 = arith.constant 0.000000e+00 : f32
        %le3A_1938 = vector.broadcast %le3A_1937 : f32 to vector<8x128xf32>
        %le3A_1939 = arith.cmpf ole, %concatenate3A_1936, %le3A_1938 : vector<8x128xf32>
        %convert_element_type3A_1940 = arith.extui %le3A_1939 : vector<8x128xi1> to vector<8x128xi32>
        %convert_element_type3A_1941 = arith.sitofp %convert_element_type3A_1940 : vector<8x128xi32> to vector<8x128xf32>
        %get3A_1942 = arith.constant 0 : index
        %get3A_1943 = arith.constant 3 : index
        %get3A_1944 = arith.index_cast %add3A_375 : i32 to index
        %get3A_1945 = arith.constant 0 : index
        %get3A_1946 = vector.load %arg5[%get3A_1942, %get3A_1943, %get3A_1944, %get3A_1945] : memref<1x4x48x128xf32, #tpu.memory_space<vmem>>, vector<1x1x8x128xf32>
        %get3A_1947 = vector.shape_cast %get3A_1946 : vector<1x1x8x128xf32> to vector<8x128xf32>
        %mul3A_1948 = arith.mulf %get3A_1947, %convert_element_type3A_1941 : vector<8x128xf32>
        %swap3A_1949 = arith.constant 0 : index
        %swap3A_1950 = arith.constant 3 : index
        %swap3A_1951 = arith.index_cast %add3A_375 : i32 to index
        %swap3A_1952 = arith.constant 0 : index
        %swap3A_1953 = vector.load %arg5[%swap3A_1949, %swap3A_1950, %swap3A_1951, %swap3A_1952] : memref<1x4x48x128xf32, #tpu.memory_space<vmem>>, vector<1x1x8x128xf32>
        %swap3A_1954 = vector.shape_cast %swap3A_1953 : vector<1x1x8x128xf32> to vector<8x128xf32>
        %swap3A_1955 = vector.shape_cast %mul3A_1948 : vector<8x128xf32> to vector<1x1x8x128xf32>
        tpu.vector_store %arg5[%swap3A_1949, %swap3A_1950, %swap3A_1951, %swap3A_1952], %swap3A_1955 {strides = array<i32>} : memref<1x4x48x128xf32, #tpu.memory_space<vmem>>, vector<1x1x8x128xf32>,
        %while3A_1956 = arith.constant 0 : i32
        scf.yield %while3A_1956 : i32
      }
      %while3A_367 = arith.constant 1 : i32
      %while3A_368 = scf.for %while3A_369 = %while3A_364 to %while3A_360 step %while3A_367 iter_args(%while3A_370 = %while3A_366) -> (i32)  : i32 {
        %add3A_371 = arith.constant 1 : i32
        %add3A_372 = arith.addi %scan3A_13, %add3A_371 : i32
        %mul3A_373 = arith.constant 8 : i32
        %mul3A_374 = arith.muli %while3A_369, %mul3A_373 : i32
        %add3A_375 = arith.addi %add3A_372, %mul3A_374 : i32
        %get3A_376 = arith.constant 0 : index
        %get3A_377 = arith.constant 0 : index
        %get3A_378 = arith.index_cast %add3A_375 : i32 to index
        %get3A_379 = arith.constant 0 : index
        %get3A_380 = vector.load %arg1[%get3A_376, %get3A_377, %get3A_378, %get3A_379] : memref<1x4x48x128xf32, #tpu.memory_space<vmem>>, vector<1x1x8x128xf32>
        %get3A_381 = vector.shape_cast %get3A_380 : vector<1x1x8x128xf32> to vector<8x128xf32>
        %get3A_382 = arith.constant 0 : index
        %get3A_383 = arith.constant 0 : index
        %get3A_384 = arith.index_cast %add3A_375 : i32 to index
        %get3A_385 = arith.constant 0 : index
        %get3A_386 = vector.load %arg2[%get3A_382, %get3A_383, %get3A_384, %get3A_385] : memref<1x4x48x128xf32, #tpu.memory_space<vmem>>, vector<1x1x8x128xf32>
        %get3A_387 = vector.shape_cast %get3A_386 : vector<1x1x8x128xf32> to vector<8x128xf32>
        %get3A_388 = arith.constant 0 : index
        %get3A_389 = arith.constant 0 : index
        %get3A_390 = arith.index_cast %add3A_375 : i32 to index
        %get3A_391 = arith.constant 0 : index
        %get3A_392 = vector.load %arg3[%get3A_388, %get3A_389, %get3A_390, %get3A_391] : memref<1x4x48x128xf32, #tpu.memory_space<vmem>>, vector<1x1x8x128xf32>
        %get3A_393 = vector.shape_cast %get3A_392 : vector<1x1x8x128xf32> to vector<8x128xf32>
        %get3A_394 = arith.constant 0 : index
        %get3A_395 = arith.constant 0 : index
        %get3A_396 = arith.index_cast %add3A_375 : i32 to index
        %get3A_397 = arith.constant 0 : index
        %get3A_398 = vector.load %arg4[%get3A_394, %get3A_395, %get3A_396, %get3A_397] : memref<1x4x48x128xf32, #tpu.memory_space<vmem>>, vector<1x1x8x128xf32>
        %get3A_399 = vector.shape_cast %get3A_398 : vector<1x1x8x128xf32> to vector<8x128xf32>
        %slice3A = vector.extract_strided_slice %get3A_381 {offsets = [0, 0], sizes = [1, 128], strides = [1, 1]} : vector<8x128xf32> to vector<1x128xf32>
        %slice3A_400 = vector.extract_strided_slice %get3A_387 {offsets = [0, 0], sizes = [1, 128], strides = [1, 1]} : vector<8x128xf32> to vector<1x128xf32>
        %slice3A_401 = vector.extract_strided_slice %get3A_393 {offsets = [0, 0], sizes = [1, 128], strides = [1, 1]} : vector<8x128xf32> to vector<1x128xf32>
        %slice3A_402 = vector.extract_strided_slice %get3A_399 {offsets = [0, 0], sizes = [1, 128], strides = [1, 1]} : vector<8x128xf32> to vector<1x128xf32>
        %sub3A_403 = arith.subf %slice3A_401, %slice3A : vector<1x128xf32>
        %sub3A_404 = arith.subf %slice3A_402, %slice3A_400 : vector<1x128xf32>
        %mul3A_405 = arith.mulf %sub3A_403, %sub3A_404 : vector<1x128xf32>
        %max3A_406 = vector.broadcast %transpose3A : vector<128x1xf32> to vector<128x128xf32>
        %max3A_407 = vector.broadcast %slice3A : vector<1x128xf32> to vector<128x128xf32>
        %max3A_408 = arith.maximumf %max3A_406, %max3A_407 : vector<128x128xf32>
        %max3A_409 = vector.broadcast %transpose3A_38 : vector<128x1xf32> to vector<128x128xf32>
        %max3A_410 = vector.broadcast %slice3A_400 : vector<1x128xf32> to vector<128x128xf32>
        %max3A_411 = arith.maximumf %max3A_409, %max3A_410 : vector<128x128xf32>
        %min3A_412 = vector.broadcast %transpose3A_39 : vector<128x1xf32> to vector<128x128xf32>
        %min3A_413 = vector.broadcast %slice3A_401 : vector<1x128xf32> to vector<128x128xf32>
        %min3A_414 = arith.minimumf %min3A_412, %min3A_413 : vector<128x128xf32>
        %min3A_415 = vector.broadcast %transpose3A_40 : vector<128x1xf32> to vector<128x128xf32>
        %min3A_416 = vector.broadcast %slice3A_402 : vector<1x128xf32> to vector<128x128xf32>
        %min3A_417 = arith.minimumf %min3A_415, %min3A_416 : vector<128x128xf32>
        %sub3A_418 = arith.subf %min3A_414, %max3A_408 : vector<128x128xf32>
        %max3A_419 = arith.constant 0.000000e+00 : f32
        %max3A_420 = vector.broadcast %max3A_419 : f32 to vector<128x128xf32>
        %max3A_421 = arith.maximumf %sub3A_418, %max3A_420 : vector<128x128xf32>
        %sub3A_422 = arith.subf %min3A_417, %max3A_411 : vector<128x128xf32>
        %max3A_423 = arith.constant 0.000000e+00 : f32
        %max3A_424 = vector.broadcast %max3A_423 : f32 to vector<128x128xf32>
        %max3A_425 = arith.maximumf %sub3A_422, %max3A_424 : vector<128x128xf32>
        %mul3A_426 = arith.mulf %max3A_421, %max3A_425 : vector<128x128xf32>
        %add3A_427 = vector.broadcast %mul3A_43 : vector<128x1xf32> to vector<128x128xf32>
        %add3A_428 = vector.broadcast %mul3A_405 : vector<1x128xf32> to vector<128x128xf32>
        %add3A_429 = arith.addf %add3A_427, %add3A_428 : vector<128x128xf32>
        %sub3A_430 = arith.subf %add3A_429, %mul3A_426 : vector<128x128xf32>
        %mul3A_431 = arith.constant 5.000000e-01 : f32
        %mul3A_432 = vector.broadcast %mul3A_431 : f32 to vector<128x128xf32>
        %mul3A_433 = arith.mulf %mul3A_432, %sub3A_430 : vector<128x128xf32>
        %ge3A_434 = arith.cmpf oge, %mul3A_426, %mul3A_433 : vector<128x128xf32>
        %gt3A_435 = arith.constant 0.000000e+00 : f32
        %gt3A_436 = vector.broadcast %gt3A_435 : f32 to vector<128x128xf32>
        %gt3A_437 = arith.cmpf ogt, %sub3A_430, %gt3A_436 : vector<128x128xf32>
        %and3A_438 = arith.andi %ge3A_434, %gt3A_437 : vector<128x128xi1>
        %convert_element_type3A_439 = arith.extui %and3A_438 : vector<128x128xi1> to vector<128x128xi32>
        %convert_element_type3A_440 = arith.sitofp %convert_element_type3A_439 : vector<128x128xi32> to vector<128x128xf32>
        %dot_general3A = arith.constant dense<0.000000e+00> : vector<1x128xf32>
        %dot_general3A_441 = tpu.matmul %while3A_308#0, %convert_element_type3A_440, %dot_general3A {dimension_numbers = #tpu.dot_dimension_numbers<[1], [0], [0], [1], [0, 0, 1, 1], [], []>, transpose_lhs_hint = false} : vector<1x128xf32>, vector<128x128xf32>, vector<1x128xf32> -> vector<1x128xf32>
        %slice3A_442 = vector.extract_strided_slice %get3A_381 {offsets = [1, 0], sizes = [1, 128], strides = [1, 1]} : vector<8x128xf32> to vector<1x128xf32>
        %slice3A_443 = vector.extract_strided_slice %get3A_387 {offsets = [1, 0], sizes = [1, 128], strides = [1, 1]} : vector<8x128xf32> to vector<1x128xf32>
        %slice3A_444 = vector.extract_strided_slice %get3A_393 {offsets = [1, 0], sizes = [1, 128], strides = [1, 1]} : vector<8x128xf32> to vector<1x128xf32>
        %slice3A_445 = vector.extract_strided_slice %get3A_399 {offsets = [1, 0], sizes = [1, 128], strides = [1, 1]} : vector<8x128xf32> to vector<1x128xf32>
        %sub3A_446 = arith.subf %slice3A_444, %slice3A_442 : vector<1x128xf32>
        %sub3A_447 = arith.subf %slice3A_445, %slice3A_443 : vector<1x128xf32>
        %mul3A_448 = arith.mulf %sub3A_446, %sub3A_447 : vector<1x128xf32>
        %max3A_449 = vector.broadcast %transpose3A : vector<128x1xf32> to vector<128x128xf32>
        %max3A_450 = vector.broadcast %slice3A_442 : vector<1x128xf32> to vector<128x128xf32>
        %max3A_451 = arith.maximumf %max3A_449, %max3A_450 : vector<128x128xf32>
        %max3A_452 = vector.broadcast %transpose3A_38 : vector<128x1xf32> to vector<128x128xf32>
        %max3A_453 = vector.broadcast %slice3A_443 : vector<1x128xf32> to vector<128x128xf32>
        %max3A_454 = arith.maximumf %max3A_452, %max3A_453 : vector<128x128xf32>
        %min3A_455 = vector.broadcast %transpose3A_39 : vector<128x1xf32> to vector<128x128xf32>
        %min3A_456 = vector.broadcast %slice3A_444 : vector<1x128xf32> to vector<128x128xf32>
        %min3A_457 = arith.minimumf %min3A_455, %min3A_456 : vector<128x128xf32>
        %min3A_458 = vector.broadcast %transpose3A_40 : vector<128x1xf32> to vector<128x128xf32>
        %min3A_459 = vector.broadcast %slice3A_445 : vector<1x128xf32> to vector<128x128xf32>
        %min3A_460 = arith.minimumf %min3A_458, %min3A_459 : vector<128x128xf32>
        %sub3A_461 = arith.subf %min3A_457, %max3A_451 : vector<128x128xf32>
        %max3A_462 = arith.constant 0.000000e+00 : f32
        %max3A_463 = vector.broadcast %max3A_462 : f32 to vector<128x128xf32>
        %max3A_464 = arith.maximumf %sub3A_461, %max3A_463 : vector<128x128xf32>
        %sub3A_465 = arith.subf %min3A_460, %max3A_454 : vector<128x128xf32>
        %max3A_466 = arith.constant 0.000000e+00 : f32
        %max3A_467 = vector.broadcast %max3A_466 : f32 to vector<128x128xf32>
        %max3A_468 = arith.maximumf %sub3A_465, %max3A_467 : vector<128x128xf32>
        %mul3A_469 = arith.mulf %max3A_464, %max3A_468 : vector<128x128xf32>
        %add3A_470 = vector.broadcast %mul3A_43 : vector<128x1xf32> to vector<128x128xf32>
        %add3A_471 = vector.broadcast %mul3A_448 : vector<1x128xf32> to vector<128x128xf32>
        %add3A_472 = arith.addf %add3A_470, %add3A_471 : vector<128x128xf32>
        %sub3A_473 = arith.subf %add3A_472, %mul3A_469 : vector<128x128xf32>
        %mul3A_474 = arith.constant 5.000000e-01 : f32
        %mul3A_475 = vector.broadcast %mul3A_474 : f32 to vector<128x128xf32>
        %mul3A_476 = arith.mulf %mul3A_475, %sub3A_473 : vector<128x128xf32>
        %ge3A_477 = arith.cmpf oge, %mul3A_469, %mul3A_476 : vector<128x128xf32>
        %gt3A_478 = arith.constant 0.000000e+00 : f32
        %gt3A_479 = vector.broadcast %gt3A_478 : f32 to vector<128x128xf32>
        %gt3A_480 = arith.cmpf ogt, %sub3A_473, %gt3A_479 : vector<128x128xf32>
        %and3A_481 = arith.andi %ge3A_477, %gt3A_480 : vector<128x128xi1>
        %convert_element_type3A_482 = arith.extui %and3A_481 : vector<128x128xi1> to vector<128x128xi32>
        %convert_element_type3A_483 = arith.sitofp %convert_element_type3A_482 : vector<128x128xi32> to vector<128x128xf32>
        %dot_general3A_484 = arith.constant dense<0.000000e+00> : vector<1x128xf32>
        %dot_general3A_485 = tpu.matmul %while3A_308#0, %convert_element_type3A_483, %dot_general3A_484 {dimension_numbers = #tpu.dot_dimension_numbers<[1], [0], [0], [1], [0, 0, 1, 1], [], []>, transpose_lhs_hint = false} : vector<1x128xf32>, vector<128x128xf32>, vector<1x128xf32> -> vector<1x128xf32>
        %slice3A_486 = vector.extract_strided_slice %get3A_381 {offsets = [2, 0], sizes = [1, 128], strides = [1, 1]} : vector<8x128xf32> to vector<1x128xf32>
        %slice3A_487 = vector.extract_strided_slice %get3A_387 {offsets = [2, 0], sizes = [1, 128], strides = [1, 1]} : vector<8x128xf32> to vector<1x128xf32>
        %slice3A_488 = vector.extract_strided_slice %get3A_393 {offsets = [2, 0], sizes = [1, 128], strides = [1, 1]} : vector<8x128xf32> to vector<1x128xf32>
        %slice3A_489 = vector.extract_strided_slice %get3A_399 {offsets = [2, 0], sizes = [1, 128], strides = [1, 1]} : vector<8x128xf32> to vector<1x128xf32>
        %sub3A_490 = arith.subf %slice3A_488, %slice3A_486 : vector<1x128xf32>
        %sub3A_491 = arith.subf %slice3A_489, %slice3A_487 : vector<1x128xf32>
        %mul3A_492 = arith.mulf %sub3A_490, %sub3A_491 : vector<1x128xf32>
        %max3A_493 = vector.broadcast %transpose3A : vector<128x1xf32> to vector<128x128xf32>
        %max3A_494 = vector.broadcast %slice3A_486 : vector<1x128xf32> to vector<128x128xf32>
        %max3A_495 = arith.maximumf %max3A_493, %max3A_494 : vector<128x128xf32>
        %max3A_496 = vector.broadcast %transpose3A_38 : vector<128x1xf32> to vector<128x128xf32>
        %max3A_497 = vector.broadcast %slice3A_487 : vector<1x128xf32> to vector<128x128xf32>
        %max3A_498 = arith.maximumf %max3A_496, %max3A_497 : vector<128x128xf32>
        %min3A_499 = vector.broadcast %transpose3A_39 : vector<128x1xf32> to vector<128x128xf32>
        %min3A_500 = vector.broadcast %slice3A_488 : vector<1x128xf32> to vector<128x128xf32>
        %min3A_501 = arith.minimumf %min3A_499, %min3A_500 : vector<128x128xf32>
        %min3A_502 = vector.broadcast %transpose3A_40 : vector<128x1xf32> to vector<128x128xf32>
        %min3A_503 = vector.broadcast %slice3A_489 : vector<1x128xf32> to vector<128x128xf32>
        %min3A_504 = arith.minimumf %min3A_502, %min3A_503 : vector<128x128xf32>
        %sub3A_505 = arith.subf %min3A_501, %max3A_495 : vector<128x128xf32>
        %max3A_506 = arith.constant 0.000000e+00 : f32
        %max3A_507 = vector.broadcast %max3A_506 : f32 to vector<128x128xf32>
        %max3A_508 = arith.maximumf %sub3A_505, %max3A_507 : vector<128x128xf32>
        %sub3A_509 = arith.subf %min3A_504, %max3A_498 : vector<128x128xf32>
        %max3A_510 = arith.constant 0.000000e+00 : f32
        %max3A_511 = vector.broadcast %max3A_510 : f32 to vector<128x128xf32>
        %max3A_512 = arith.maximumf %sub3A_509, %max3A_511 : vector<128x128xf32>
        %mul3A_513 = arith.mulf %max3A_508, %max3A_512 : vector<128x128xf32>
        %add3A_514 = vector.broadcast %mul3A_43 : vector<128x1xf32> to vector<128x128xf32>
        %add3A_515 = vector.broadcast %mul3A_492 : vector<1x128xf32> to vector<128x128xf32>
        %add3A_516 = arith.addf %add3A_514, %add3A_515 : vector<128x128xf32>
        %sub3A_517 = arith.subf %add3A_516, %mul3A_513 : vector<128x128xf32>
        %mul3A_518 = arith.constant 5.000000e-01 : f32
        %mul3A_519 = vector.broadcast %mul3A_518 : f32 to vector<128x128xf32>
        %mul3A_520 = arith.mulf %mul3A_519, %sub3A_517 : vector<128x128xf32>
        %ge3A_521 = arith.cmpf oge, %mul3A_513, %mul3A_520 : vector<128x128xf32>
        %gt3A_522 = arith.constant 0.000000e+00 : f32
        %gt3A_523 = vector.broadcast %gt3A_522 : f32 to vector<128x128xf32>
        %gt3A_524 = arith.cmpf ogt, %sub3A_517, %gt3A_523 : vector<128x128xf32>
        %and3A_525 = arith.andi %ge3A_521, %gt3A_524 : vector<128x128xi1>
        %convert_element_type3A_526 = arith.extui %and3A_525 : vector<128x128xi1> to vector<128x128xi32>
        %convert_element_type3A_527 = arith.sitofp %convert_element_type3A_526 : vector<128x128xi32> to vector<128x128xf32>
        %dot_general3A_528 = arith.constant dense<0.000000e+00> : vector<1x128xf32>
        %dot_general3A_529 = tpu.matmul %while3A_308#0, %convert_element_type3A_527, %dot_general3A_528 {dimension_numbers = #tpu.dot_dimension_numbers<[1], [0], [0], [1], [0, 0, 1, 1], [], []>, transpose_lhs_hint = false} : vector<1x128xf32>, vector<128x128xf32>, vector<1x128xf32> -> vector<1x128xf32>
        %slice3A_530 = vector.extract_strided_slice %get3A_381 {offsets = [3, 0], sizes = [1, 128], strides = [1, 1]} : vector<8x128xf32> to vector<1x128xf32>
        %slice3A_531 = vector.extract_strided_slice %get3A_387 {offsets = [3, 0], sizes = [1, 128], strides = [1, 1]} : vector<8x128xf32> to vector<1x128xf32>
        %slice3A_532 = vector.extract_strided_slice %get3A_393 {offsets = [3, 0], sizes = [1, 128], strides = [1, 1]} : vector<8x128xf32> to vector<1x128xf32>
        %slice3A_533 = vector.extract_strided_slice %get3A_399 {offsets = [3, 0], sizes = [1, 128], strides = [1, 1]} : vector<8x128xf32> to vector<1x128xf32>
        %sub3A_534 = arith.subf %slice3A_532, %slice3A_530 : vector<1x128xf32>
        %sub3A_535 = arith.subf %slice3A_533, %slice3A_531 : vector<1x128xf32>
        %mul3A_536 = arith.mulf %sub3A_534, %sub3A_535 : vector<1x128xf32>
        %max3A_537 = vector.broadcast %transpose3A : vector<128x1xf32> to vector<128x128xf32>
        %max3A_538 = vector.broadcast %slice3A_530 : vector<1x128xf32> to vector<128x128xf32>
        %max3A_539 = arith.maximumf %max3A_537, %max3A_538 : vector<128x128xf32>
        %max3A_540 = vector.broadcast %transpose3A_38 : vector<128x1xf32> to vector<128x128xf32>
        %max3A_541 = vector.broadcast %slice3A_531 : vector<1x128xf32> to vector<128x128xf32>
        %max3A_542 = arith.maximumf %max3A_540, %max3A_541 : vector<128x128xf32>
        %min3A_543 = vector.broadcast %transpose3A_39 : vector<128x1xf32> to vector<128x128xf32>
        %min3A_544 = vector.broadcast %slice3A_532 : vector<1x128xf32> to vector<128x128xf32>
        %min3A_545 = arith.minimumf %min3A_543, %min3A_544 : vector<128x128xf32>
        %min3A_546 = vector.broadcast %transpose3A_40 : vector<128x1xf32> to vector<128x128xf32>
        %min3A_547 = vector.broadcast %slice3A_533 : vector<1x128xf32> to vector<128x128xf32>
        %min3A_548 = arith.minimumf %min3A_546, %min3A_547 : vector<128x128xf32>
        %sub3A_549 = arith.subf %min3A_545, %max3A_539 : vector<128x128xf32>
        %max3A_550 = arith.constant 0.000000e+00 : f32
        %max3A_551 = vector.broadcast %max3A_550 : f32 to vector<128x128xf32>
        %max3A_552 = arith.maximumf %sub3A_549, %max3A_551 : vector<128x128xf32>
        %sub3A_553 = arith.subf %min3A_548, %max3A_542 : vector<128x128xf32>
        %max3A_554 = arith.constant 0.000000e+00 : f32
        %max3A_555 = vector.broadcast %max3A_554 : f32 to vector<128x128xf32>
        %max3A_556 = arith.maximumf %sub3A_553, %max3A_555 : vector<128x128xf32>
        %mul3A_557 = arith.mulf %max3A_552, %max3A_556 : vector<128x128xf32>
        %add3A_558 = vector.broadcast %mul3A_43 : vector<128x1xf32> to vector<128x128xf32>
        %add3A_559 = vector.broadcast %mul3A_536 : vector<1x128xf32> to vector<128x128xf32>
        %add3A_560 = arith.addf %add3A_558, %add3A_559 : vector<128x128xf32>
        %sub3A_561 = arith.subf %add3A_560, %mul3A_557 : vector<128x128xf32>
        %mul3A_562 = arith.constant 5.000000e-01 : f32
        %mul3A_563 = vector.broadcast %mul3A_562 : f32 to vector<128x128xf32>
        %mul3A_564 = arith.mulf %mul3A_563, %sub3A_561 : vector<128x128xf32>
        %ge3A_565 = arith.cmpf oge, %mul3A_557, %mul3A_564 : vector<128x128xf32>
        %gt3A_566 = arith.constant 0.000000e+00 : f32
        %gt3A_567 = vector.broadcast %gt3A_566 : f32 to vector<128x128xf32>
        %gt3A_568 = arith.cmpf ogt, %sub3A_561, %gt3A_567 : vector<128x128xf32>
        %and3A_569 = arith.andi %ge3A_565, %gt3A_568 : vector<128x128xi1>
        %convert_element_type3A_570 = arith.extui %and3A_569 : vector<128x128xi1> to vector<128x128xi32>
        %convert_element_type3A_571 = arith.sitofp %convert_element_type3A_570 : vector<128x128xi32> to vector<128x128xf32>
        %dot_general3A_572 = arith.constant dense<0.000000e+00> : vector<1x128xf32>
        %dot_general3A_573 = tpu.matmul %while3A_308#0, %convert_element_type3A_571, %dot_general3A_572 {dimension_numbers = #tpu.dot_dimension_numbers<[1], [0], [0], [1], [0, 0, 1, 1], [], []>, transpose_lhs_hint = false} : vector<1x128xf32>, vector<128x128xf32>, vector<1x128xf32> -> vector<1x128xf32>
        %slice3A_574 = vector.extract_strided_slice %get3A_381 {offsets = [4, 0], sizes = [1, 128], strides = [1, 1]} : vector<8x128xf32> to vector<1x128xf32>
        %slice3A_575 = vector.extract_strided_slice %get3A_387 {offsets = [4, 0], sizes = [1, 128], strides = [1, 1]} : vector<8x128xf32> to vector<1x128xf32>
        %slice3A_576 = vector.extract_strided_slice %get3A_393 {offsets = [4, 0], sizes = [1, 128], strides = [1, 1]} : vector<8x128xf32> to vector<1x128xf32>
        %slice3A_577 = vector.extract_strided_slice %get3A_399 {offsets = [4, 0], sizes = [1, 128], strides = [1, 1]} : vector<8x128xf32> to vector<1x128xf32>
        %sub3A_578 = arith.subf %slice3A_576, %slice3A_574 : vector<1x128xf32>
        %sub3A_579 = arith.subf %slice3A_577, %slice3A_575 : vector<1x128xf32>
        %mul3A_580 = arith.mulf %sub3A_578, %sub3A_579 : vector<1x128xf32>
        %max3A_581 = vector.broadcast %transpose3A : vector<128x1xf32> to vector<128x128xf32>
        %max3A_582 = vector.broadcast %slice3A_574 : vector<1x128xf32> to vector<128x128xf32>
        %max3A_583 = arith.maximumf %max3A_581, %max3A_582 : vector<128x128xf32>
        %max3A_584 = vector.broadcast %transpose3A_38 : vector<128x1xf32> to vector<128x128xf32>
        %max3A_585 = vector.broadcast %slice3A_575 : vector<1x128xf32> to vector<128x128xf32>
        %max3A_586 = arith.maximumf %max3A_584, %max3A_585 : vector<128x128xf32>
        %min3A_587 = vector.broadcast %transpose3A_39 : vector<128x1xf32> to vector<128x128xf32>
        %min3A_588 = vector.broadcast %slice3A_576 : vector<1x128xf32> to vector<128x128xf32>
        %min3A_589 = arith.minimumf %min3A_587, %min3A_588 : vector<128x128xf32>
        %min3A_590 = vector.broadcast %transpose3A_40 : vector<128x1xf32> to vector<128x128xf32>
        %min3A_591 = vector.broadcast %slice3A_577 : vector<1x128xf32> to vector<128x128xf32>
        %min3A_592 = arith.minimumf %min3A_590, %min3A_591 : vector<128x128xf32>
        %sub3A_593 = arith.subf %min3A_589, %max3A_583 : vector<128x128xf32>
        %max3A_594 = arith.constant 0.000000e+00 : f32
        %max3A_595 = vector.broadcast %max3A_594 : f32 to vector<128x128xf32>
        %max3A_596 = arith.maximumf %sub3A_593, %max3A_595 : vector<128x128xf32>
        %sub3A_597 = arith.subf %min3A_592, %max3A_586 : vector<128x128xf32>
        %max3A_598 = arith.constant 0.000000e+00 : f32
        %max3A_599 = vector.broadcast %max3A_598 : f32 to vector<128x128xf32>
        %max3A_600 = arith.maximumf %sub3A_597, %max3A_599 : vector<128x128xf32>
        %mul3A_601 = arith.mulf %max3A_596, %max3A_600 : vector<128x128xf32>
        %add3A_602 = vector.broadcast %mul3A_43 : vector<128x1xf32> to vector<128x128xf32>
        %add3A_603 = vector.broadcast %mul3A_580 : vector<1x128xf32> to vector<128x128xf32>
        %add3A_604 = arith.addf %add3A_602, %add3A_603 : vector<128x128xf32>
        %sub3A_605 = arith.subf %add3A_604, %mul3A_601 : vector<128x128xf32>
        %mul3A_606 = arith.constant 5.000000e-01 : f32
        %mul3A_607 = vector.broadcast %mul3A_606 : f32 to vector<128x128xf32>
        %mul3A_608 = arith.mulf %mul3A_607, %sub3A_605 : vector<128x128xf32>
        %ge3A_609 = arith.cmpf oge, %mul3A_601, %mul3A_608 : vector<128x128xf32>
        %gt3A_610 = arith.constant 0.000000e+00 : f32
        %gt3A_611 = vector.broadcast %gt3A_610 : f32 to vector<128x128xf32>
        %gt3A_612 = arith.cmpf ogt, %sub3A_605, %gt3A_611 : vector<128x128xf32>
        %and3A_613 = arith.andi %ge3A_609, %gt3A_612 : vector<128x128xi1>
        %convert_element_type3A_614 = arith.extui %and3A_613 : vector<128x128xi1> to vector<128x128xi32>
        %convert_element_type3A_615 = arith.sitofp %convert_element_type3A_614 : vector<128x128xi32> to vector<128x128xf32>
        %dot_general3A_616 = arith.constant dense<0.000000e+00> : vector<1x128xf32>
        %dot_general3A_617 = tpu.matmul %while3A_308#0, %convert_element_type3A_615, %dot_general3A_616 {dimension_numbers = #tpu.dot_dimension_numbers<[1], [0], [0], [1], [0, 0, 1, 1], [], []>, transpose_lhs_hint = false} : vector<1x128xf32>, vector<128x128xf32>, vector<1x128xf32> -> vector<1x128xf32>
        %slice3A_618 = vector.extract_strided_slice %get3A_381 {offsets = [5, 0], sizes = [1, 128], strides = [1, 1]} : vector<8x128xf32> to vector<1x128xf32>
        %slice3A_619 = vector.extract_strided_slice %get3A_387 {offsets = [5, 0], sizes = [1, 128], strides = [1, 1]} : vector<8x128xf32> to vector<1x128xf32>
        %slice3A_620 = vector.extract_strided_slice %get3A_393 {offsets = [5, 0], sizes = [1, 128], strides = [1, 1]} : vector<8x128xf32> to vector<1x128xf32>
        %slice3A_621 = vector.extract_strided_slice %get3A_399 {offsets = [5, 0], sizes = [1, 128], strides = [1, 1]} : vector<8x128xf32> to vector<1x128xf32>
        %sub3A_622 = arith.subf %slice3A_620, %slice3A_618 : vector<1x128xf32>
        %sub3A_623 = arith.subf %slice3A_621, %slice3A_619 : vector<1x128xf32>
        %mul3A_624 = arith.mulf %sub3A_622, %sub3A_623 : vector<1x128xf32>
        %max3A_625 = vector.broadcast %transpose3A : vector<128x1xf32> to vector<128x128xf32>
        %max3A_626 = vector.broadcast %slice3A_618 : vector<1x128xf32> to vector<128x128xf32>
        %max3A_627 = arith.maximumf %max3A_625, %max3A_626 : vector<128x128xf32>
        %max3A_628 = vector.broadcast %transpose3A_38 : vector<128x1xf32> to vector<128x128xf32>
        %max3A_629 = vector.broadcast %slice3A_619 : vector<1x128xf32> to vector<128x128xf32>
        %max3A_630 = arith.maximumf %max3A_628, %max3A_629 : vector<128x128xf32>
        %min3A_631 = vector.broadcast %transpose3A_39 : vector<128x1xf32> to vector<128x128xf32>
        %min3A_632 = vector.broadcast %slice3A_620 : vector<1x128xf32> to vector<128x128xf32>
        %min3A_633 = arith.minimumf %min3A_631, %min3A_632 : vector<128x128xf32>
        %min3A_634 = vector.broadcast %transpose3A_40 : vector<128x1xf32> to vector<128x128xf32>
        %min3A_635 = vector.broadcast %slice3A_621 : vector<1x128xf32> to vector<128x128xf32>
        %min3A_636 = arith.minimumf %min3A_634, %min3A_635 : vector<128x128xf32>
        %sub3A_637 = arith.subf %min3A_633, %max3A_627 : vector<128x128xf32>
        %max3A_638 = arith.constant 0.000000e+00 : f32
        %max3A_639 = vector.broadcast %max3A_638 : f32 to vector<128x128xf32>
        %max3A_640 = arith.maximumf %sub3A_637, %max3A_639 : vector<128x128xf32>
        %sub3A_641 = arith.subf %min3A_636, %max3A_630 : vector<128x128xf32>
        %max3A_642 = arith.constant 0.000000e+00 : f32
        %max3A_643 = vector.broadcast %max3A_642 : f32 to vector<128x128xf32>
        %max3A_644 = arith.maximumf %sub3A_641, %max3A_643 : vector<128x128xf32>
        %mul3A_645 = arith.mulf %max3A_640, %max3A_644 : vector<128x128xf32>
        %add3A_646 = vector.broadcast %mul3A_43 : vector<128x1xf32> to vector<128x128xf32>
        %add3A_647 = vector.broadcast %mul3A_624 : vector<1x128xf32> to vector<128x128xf32>
        %add3A_648 = arith.addf %add3A_646, %add3A_647 : vector<128x128xf32>
        %sub3A_649 = arith.subf %add3A_648, %mul3A_645 : vector<128x128xf32>
        %mul3A_650 = arith.constant 5.000000e-01 : f32
        %mul3A_651 = vector.broadcast %mul3A_650 : f32 to vector<128x128xf32>
        %mul3A_652 = arith.mulf %mul3A_651, %sub3A_649 : vector<128x128xf32>
        %ge3A_653 = arith.cmpf oge, %mul3A_645, %mul3A_652 : vector<128x128xf32>
        %gt3A_654 = arith.constant 0.000000e+00 : f32
        %gt3A_655 = vector.broadcast %gt3A_654 : f32 to vector<128x128xf32>
        %gt3A_656 = arith.cmpf ogt, %sub3A_649, %gt3A_655 : vector<128x128xf32>
        %and3A_657 = arith.andi %ge3A_653, %gt3A_656 : vector<128x128xi1>
        %convert_element_type3A_658 = arith.extui %and3A_657 : vector<128x128xi1> to vector<128x128xi32>
        %convert_element_type3A_659 = arith.sitofp %convert_element_type3A_658 : vector<128x128xi32> to vector<128x128xf32>
        %dot_general3A_660 = arith.constant dense<0.000000e+00> : vector<1x128xf32>
        %dot_general3A_661 = tpu.matmul %while3A_308#0, %convert_element_type3A_659, %dot_general3A_660 {dimension_numbers = #tpu.dot_dimension_numbers<[1], [0], [0], [1], [0, 0, 1, 1], [], []>, transpose_lhs_hint = false} : vector<1x128xf32>, vector<128x128xf32>, vector<1x128xf32> -> vector<1x128xf32>
        %slice3A_662 = vector.extract_strided_slice %get3A_381 {offsets = [6, 0], sizes = [1, 128], strides = [1, 1]} : vector<8x128xf32> to vector<1x128xf32>
        %slice3A_663 = vector.extract_strided_slice %get3A_387 {offsets = [6, 0], sizes = [1, 128], strides = [1, 1]} : vector<8x128xf32> to vector<1x128xf32>
        %slice3A_664 = vector.extract_strided_slice %get3A_393 {offsets = [6, 0], sizes = [1, 128], strides = [1, 1]} : vector<8x128xf32> to vector<1x128xf32>
        %slice3A_665 = vector.extract_strided_slice %get3A_399 {offsets = [6, 0], sizes = [1, 128], strides = [1, 1]} : vector<8x128xf32> to vector<1x128xf32>
        %sub3A_666 = arith.subf %slice3A_664, %slice3A_662 : vector<1x128xf32>
        %sub3A_667 = arith.subf %slice3A_665, %slice3A_663 : vector<1x128xf32>
        %mul3A_668 = arith.mulf %sub3A_666, %sub3A_667 : vector<1x128xf32>
        %max3A_669 = vector.broadcast %transpose3A : vector<128x1xf32> to vector<128x128xf32>
        %max3A_670 = vector.broadcast %slice3A_662 : vector<1x128xf32> to vector<128x128xf32>
        %max3A_671 = arith.maximumf %max3A_669, %max3A_670 : vector<128x128xf32>
        %max3A_672 = vector.broadcast %transpose3A_38 : vector<128x1xf32> to vector<128x128xf32>
        %max3A_673 = vector.broadcast %slice3A_663 : vector<1x128xf32> to vector<128x128xf32>
        %max3A_674 = arith.maximumf %max3A_672, %max3A_673 : vector<128x128xf32>
        %min3A_675 = vector.broadcast %transpose3A_39 : vector<128x1xf32> to vector<128x128xf32>
        %min3A_676 = vector.broadcast %slice3A_664 : vector<1x128xf32> to vector<128x128xf32>
        %min3A_677 = arith.minimumf %min3A_675, %min3A_676 : vector<128x128xf32>
        %min3A_678 = vector.broadcast %transpose3A_40 : vector<128x1xf32> to vector<128x128xf32>
        %min3A_679 = vector.broadcast %slice3A_665 : vector<1x128xf32> to vector<128x128xf32>
        %min3A_680 = arith.minimumf %min3A_678, %min3A_679 : vector<128x128xf32>
        %sub3A_681 = arith.subf %min3A_677, %max3A_671 : vector<128x128xf32>
        %max3A_682 = arith.constant 0.000000e+00 : f32
        %max3A_683 = vector.broadcast %max3A_682 : f32 to vector<128x128xf32>
        %max3A_684 = arith.maximumf %sub3A_681, %max3A_683 : vector<128x128xf32>
        %sub3A_685 = arith.subf %min3A_680, %max3A_674 : vector<128x128xf32>
        %max3A_686 = arith.constant 0.000000e+00 : f32
        %max3A_687 = vector.broadcast %max3A_686 : f32 to vector<128x128xf32>
        %max3A_688 = arith.maximumf %sub3A_685, %max3A_687 : vector<128x128xf32>
        %mul3A_689 = arith.mulf %max3A_684, %max3A_688 : vector<128x128xf32>
        %add3A_690 = vector.broadcast %mul3A_43 : vector<128x1xf32> to vector<128x128xf32>
        %add3A_691 = vector.broadcast %mul3A_668 : vector<1x128xf32> to vector<128x128xf32>
        %add3A_692 = arith.addf %add3A_690, %add3A_691 : vector<128x128xf32>
        %sub3A_693 = arith.subf %add3A_692, %mul3A_689 : vector<128x128xf32>
        %mul3A_694 = arith.constant 5.000000e-01 : f32
        %mul3A_695 = vector.broadcast %mul3A_694 : f32 to vector<128x128xf32>
        %mul3A_696 = arith.mulf %mul3A_695, %sub3A_693 : vector<128x128xf32>
        %ge3A_697 = arith.cmpf oge, %mul3A_689, %mul3A_696 : vector<128x128xf32>
        %gt3A_698 = arith.constant 0.000000e+00 : f32
        %gt3A_699 = vector.broadcast %gt3A_698 : f32 to vector<128x128xf32>
        %gt3A_700 = arith.cmpf ogt, %sub3A_693, %gt3A_699 : vector<128x128xf32>
        %and3A_701 = arith.andi %ge3A_697, %gt3A_700 : vector<128x128xi1>
        %convert_element_type3A_702 = arith.extui %and3A_701 : vector<128x128xi1> to vector<128x128xi32>
        %convert_element_type3A_703 = arith.sitofp %convert_element_type3A_702 : vector<128x128xi32> to vector<128x128xf32>
        %dot_general3A_704 = arith.constant dense<0.000000e+00> : vector<1x128xf32>
        %dot_general3A_705 = tpu.matmul %while3A_308#0, %convert_element_type3A_703, %dot_general3A_704 {dimension_numbers = #tpu.dot_dimension_numbers<[1], [0], [0], [1], [0, 0, 1, 1], [], []>, transpose_lhs_hint = false} : vector<1x128xf32>, vector<128x128xf32>, vector<1x128xf32> -> vector<1x128xf32>
        %slice3A_706 = vector.extract_strided_slice %get3A_381 {offsets = [7, 0], sizes = [1, 128], strides = [1, 1]} : vector<8x128xf32> to vector<1x128xf32>
        %slice3A_707 = vector.extract_strided_slice %get3A_387 {offsets = [7, 0], sizes = [1, 128], strides = [1, 1]} : vector<8x128xf32> to vector<1x128xf32>
        %slice3A_708 = vector.extract_strided_slice %get3A_393 {offsets = [7, 0], sizes = [1, 128], strides = [1, 1]} : vector<8x128xf32> to vector<1x128xf32>
        %slice3A_709 = vector.extract_strided_slice %get3A_399 {offsets = [7, 0], sizes = [1, 128], strides = [1, 1]} : vector<8x128xf32> to vector<1x128xf32>
        %sub3A_710 = arith.subf %slice3A_708, %slice3A_706 : vector<1x128xf32>
        %sub3A_711 = arith.subf %slice3A_709, %slice3A_707 : vector<1x128xf32>
        %mul3A_712 = arith.mulf %sub3A_710, %sub3A_711 : vector<1x128xf32>
        %max3A_713 = vector.broadcast %transpose3A : vector<128x1xf32> to vector<128x128xf32>
        %max3A_714 = vector.broadcast %slice3A_706 : vector<1x128xf32> to vector<128x128xf32>
        %max3A_715 = arith.maximumf %max3A_713, %max3A_714 : vector<128x128xf32>
        %max3A_716 = vector.broadcast %transpose3A_38 : vector<128x1xf32> to vector<128x128xf32>
        %max3A_717 = vector.broadcast %slice3A_707 : vector<1x128xf32> to vector<128x128xf32>
        %max3A_718 = arith.maximumf %max3A_716, %max3A_717 : vector<128x128xf32>
        %min3A_719 = vector.broadcast %transpose3A_39 : vector<128x1xf32> to vector<128x128xf32>
        %min3A_720 = vector.broadcast %slice3A_708 : vector<1x128xf32> to vector<128x128xf32>
        %min3A_721 = arith.minimumf %min3A_719, %min3A_720 : vector<128x128xf32>
        %min3A_722 = vector.broadcast %transpose3A_40 : vector<128x1xf32> to vector<128x128xf32>
        %min3A_723 = vector.broadcast %slice3A_709 : vector<1x128xf32> to vector<128x128xf32>
        %min3A_724 = arith.minimumf %min3A_722, %min3A_723 : vector<128x128xf32>
        %sub3A_725 = arith.subf %min3A_721, %max3A_715 : vector<128x128xf32>
        %max3A_726 = arith.constant 0.000000e+00 : f32
        %max3A_727 = vector.broadcast %max3A_726 : f32 to vector<128x128xf32>
        %max3A_728 = arith.maximumf %sub3A_725, %max3A_727 : vector<128x128xf32>
        %sub3A_729 = arith.subf %min3A_724, %max3A_718 : vector<128x128xf32>
        %max3A_730 = arith.constant 0.000000e+00 : f32
        %max3A_731 = vector.broadcast %max3A_730 : f32 to vector<128x128xf32>
        %max3A_732 = arith.maximumf %sub3A_729, %max3A_731 : vector<128x128xf32>
        %mul3A_733 = arith.mulf %max3A_728, %max3A_732 : vector<128x128xf32>
        %add3A_734 = vector.broadcast %mul3A_43 : vector<128x1xf32> to vector<128x128xf32>
        %add3A_735 = vector.broadcast %mul3A_712 : vector<1x128xf32> to vector<128x128xf32>
        %add3A_736 = arith.addf %add3A_734, %add3A_735 : vector<128x128xf32>
        %sub3A_737 = arith.subf %add3A_736, %mul3A_733 : vector<128x128xf32>
        %mul3A_738 = arith.constant 5.000000e-01 : f32
        %mul3A_739 = vector.broadcast %mul3A_738 : f32 to vector<128x128xf32>
        %mul3A_740 = arith.mulf %mul3A_739, %sub3A_737 : vector<128x128xf32>
        %ge3A_741 = arith.cmpf oge, %mul3A_733, %mul3A_740 : vector<128x128xf32>
        %gt3A_742 = arith.constant 0.000000e+00 : f32
        %gt3A_743 = vector.broadcast %gt3A_742 : f32 to vector<128x128xf32>
        %gt3A_744 = arith.cmpf ogt, %sub3A_737, %gt3A_743 : vector<128x128xf32>
        %and3A_745 = arith.andi %ge3A_741, %gt3A_744 : vector<128x128xi1>
        %convert_element_type3A_746 = arith.extui %and3A_745 : vector<128x128xi1> to vector<128x128xi32>
        %convert_element_type3A_747 = arith.sitofp %convert_element_type3A_746 : vector<128x128xi32> to vector<128x128xf32>
        %dot_general3A_748 = arith.constant dense<0.000000e+00> : vector<1x128xf32>
        %dot_general3A_749 = tpu.matmul %while3A_308#0, %convert_element_type3A_747, %dot_general3A_748 {dimension_numbers = #tpu.dot_dimension_numbers<[1], [0], [0], [1], [0, 0, 1, 1], [], []>, transpose_lhs_hint = false} : vector<1x128xf32>, vector<128x128xf32>, vector<1x128xf32> -> vector<1x128xf32>
        %concatenate3A = tpu.concatenate %dot_general3A_441, %dot_general3A_485, %dot_general3A_529, %dot_general3A_573, %dot_general3A_617, %dot_general3A_661, %dot_general3A_705, %dot_general3A_749 in 0 : vector<1x128xf32>, vector<1x128xf32>, vector<1x128xf32>, vector<1x128xf32>, vector<1x128xf32>, vector<1x128xf32>, vector<1x128xf32>, vector<1x128xf32> -> vector<8x128xf32>
        %le3A = arith.constant 0.000000e+00 : f32
        %le3A_750 = vector.broadcast %le3A : f32 to vector<8x128xf32>
        %le3A_751 = arith.cmpf ole, %concatenate3A, %le3A_750 : vector<8x128xf32>
        %convert_element_type3A_752 = arith.extui %le3A_751 : vector<8x128xi1> to vector<8x128xi32>
        %convert_element_type3A_753 = arith.sitofp %convert_element_type3A_752 : vector<8x128xi32> to vector<8x128xf32>
        %get3A_754 = arith.constant 0 : index
        %get3A_755 = arith.constant 0 : index
        %get3A_756 = arith.index_cast %add3A_375 : i32 to index
        %get3A_757 = arith.constant 0 : index
        %get3A_758 = vector.load %arg5[%get3A_754, %get3A_755, %get3A_756, %get3A_757] : memref<1x4x48x128xf32, #tpu.memory_space<vmem>>, vector<1x1x8x128xf32>
        %get3A_759 = vector.shape_cast %get3A_758 : vector<1x1x8x128xf32> to vector<8x128xf32>
        %mul3A_760 = arith.mulf %get3A_759, %convert_element_type3A_753 : vector<8x128xf32>
        %swap3A_761 = arith.constant 0 : index
        %swap3A_762 = arith.constant 0 : index
        %swap3A_763 = arith.index_cast %add3A_375 : i32 to index
        %swap3A_764 = arith.constant 0 : index
        %swap3A_765 = vector.load %arg5[%swap3A_761, %swap3A_762, %swap3A_763, %swap3A_764] : memref<1x4x48x128xf32, #tpu.memory_space<vmem>>, vector<1x1x8x128xf32>
        %swap3A_766 = vector.shape_cast %swap3A_765 : vector<1x1x8x128xf32> to vector<8x128xf32>
        %swap3A_767 = vector.shape_cast %mul3A_760 : vector<8x128xf32> to vector<1x1x8x128xf32>
        tpu.vector_store %arg5[%swap3A_761, %swap3A_762, %swap3A_763, %swap3A_764], %swap3A_767 {strides = array<i32>} : memref<1x4x48x128xf32, #tpu.memory_space<vmem>>, vector<1x1x8x128xf32>,
        %get3A_768 = arith.constant 0 : index
        %get3A_769 = arith.constant 1 : index
        %get3A_770 = arith.index_cast %add3A_375 : i32 to index
        %get3A_771 = arith.constant 0 : index
        %get3A_772 = vector.load %arg1[%get3A_768, %get3A_769, %get3A_770, %get3A_771] : memref<1x4x48x128xf32, #tpu.memory_space<vmem>>, vector<1x1x8x128xf32>
        %get3A_773 = vector.shape_cast %get3A_772 : vector<1x1x8x128xf32> to vector<8x128xf32>
        %get3A_774 = arith.constant 0 : index
        %get3A_775 = arith.constant 1 : index
        %get3A_776 = arith.index_cast %add3A_375 : i32 to index
        %get3A_777 = arith.constant 0 : index
        %get3A_778 = vector.load %arg2[%get3A_774, %get3A_775, %get3A_776, %get3A_777] : memref<1x4x48x128xf32, #tpu.memory_space<vmem>>, vector<1x1x8x128xf32>
        %get3A_779 = vector.shape_cast %get3A_778 : vector<1x1x8x128xf32> to vector<8x128xf32>
        %get3A_780 = arith.constant 0 : index
        %get3A_781 = arith.constant 1 : index
        %get3A_782 = arith.index_cast %add3A_375 : i32 to index
        %get3A_783 = arith.constant 0 : index
        %get3A_784 = vector.load %arg3[%get3A_780, %get3A_781, %get3A_782, %get3A_783] : memref<1x4x48x128xf32, #tpu.memory_space<vmem>>, vector<1x1x8x128xf32>
        %get3A_785 = vector.shape_cast %get3A_784 : vector<1x1x8x128xf32> to vector<8x128xf32>
        %get3A_786 = arith.constant 0 : index
        %get3A_787 = arith.constant 1 : index
        %get3A_788 = arith.index_cast %add3A_375 : i32 to index
        %get3A_789 = arith.constant 0 : index
        %get3A_790 = vector.load %arg4[%get3A_786, %get3A_787, %get3A_788, %get3A_789] : memref<1x4x48x128xf32, #tpu.memory_space<vmem>>, vector<1x1x8x128xf32>
        %get3A_791 = vector.shape_cast %get3A_790 : vector<1x1x8x128xf32> to vector<8x128xf32>
        %slice3A_792 = vector.extract_strided_slice %get3A_773 {offsets = [0, 0], sizes = [1, 128], strides = [1, 1]} : vector<8x128xf32> to vector<1x128xf32>
        %slice3A_793 = vector.extract_strided_slice %get3A_779 {offsets = [0, 0], sizes = [1, 128], strides = [1, 1]} : vector<8x128xf32> to vector<1x128xf32>
        %slice3A_794 = vector.extract_strided_slice %get3A_785 {offsets = [0, 0], sizes = [1, 128], strides = [1, 1]} : vector<8x128xf32> to vector<1x128xf32>
        %slice3A_795 = vector.extract_strided_slice %get3A_791 {offsets = [0, 0], sizes = [1, 128], strides = [1, 1]} : vector<8x128xf32> to vector<1x128xf32>
        %sub3A_796 = arith.subf %slice3A_794, %slice3A_792 : vector<1x128xf32>
        %sub3A_797 = arith.subf %slice3A_795, %slice3A_793 : vector<1x128xf32>
        %mul3A_798 = arith.mulf %sub3A_796, %sub3A_797 : vector<1x128xf32>
        %max3A_799 = vector.broadcast %transpose3A_107 : vector<128x1xf32> to vector<128x128xf32>
        %max3A_800 = vector.broadcast %slice3A_792 : vector<1x128xf32> to vector<128x128xf32>
        %max3A_801 = arith.maximumf %max3A_799, %max3A_800 : vector<128x128xf32>
        %max3A_802 = vector.broadcast %transpose3A_108 : vector<128x1xf32> to vector<128x128xf32>
        %max3A_803 = vector.broadcast %slice3A_793 : vector<1x128xf32> to vector<128x128xf32>
        %max3A_804 = arith.maximumf %max3A_802, %max3A_803 : vector<128x128xf32>
        %min3A_805 = vector.broadcast %transpose3A_109 : vector<128x1xf32> to vector<128x128xf32>
        %min3A_806 = vector.broadcast %slice3A_794 : vector<1x128xf32> to vector<128x128xf32>
        %min3A_807 = arith.minimumf %min3A_805, %min3A_806 : vector<128x128xf32>
        %min3A_808 = vector.broadcast %transpose3A_110 : vector<128x1xf32> to vector<128x128xf32>
        %min3A_809 = vector.broadcast %slice3A_795 : vector<1x128xf32> to vector<128x128xf32>
        %min3A_810 = arith.minimumf %min3A_808, %min3A_809 : vector<128x128xf32>
        %sub3A_811 = arith.subf %min3A_807, %max3A_801 : vector<128x128xf32>
        %max3A_812 = arith.constant 0.000000e+00 : f32
        %max3A_813 = vector.broadcast %max3A_812 : f32 to vector<128x128xf32>
        %max3A_814 = arith.maximumf %sub3A_811, %max3A_813 : vector<128x128xf32>
        %sub3A_815 = arith.subf %min3A_810, %max3A_804 : vector<128x128xf32>
        %max3A_816 = arith.constant 0.000000e+00 : f32
        %max3A_817 = vector.broadcast %max3A_816 : f32 to vector<128x128xf32>
        %max3A_818 = arith.maximumf %sub3A_815, %max3A_817 : vector<128x128xf32>
        %mul3A_819 = arith.mulf %max3A_814, %max3A_818 : vector<128x128xf32>
        %add3A_820 = vector.broadcast %mul3A_113 : vector<128x1xf32> to vector<128x128xf32>
        %add3A_821 = vector.broadcast %mul3A_798 : vector<1x128xf32> to vector<128x128xf32>
        %add3A_822 = arith.addf %add3A_820, %add3A_821 : vector<128x128xf32>
        %sub3A_823 = arith.subf %add3A_822, %mul3A_819 : vector<128x128xf32>
        %mul3A_824 = arith.constant 5.000000e-01 : f32
        %mul3A_825 = vector.broadcast %mul3A_824 : f32 to vector<128x128xf32>
        %mul3A_826 = arith.mulf %mul3A_825, %sub3A_823 : vector<128x128xf32>
        %ge3A_827 = arith.cmpf oge, %mul3A_819, %mul3A_826 : vector<128x128xf32>
        %gt3A_828 = arith.constant 0.000000e+00 : f32
        %gt3A_829 = vector.broadcast %gt3A_828 : f32 to vector<128x128xf32>
        %gt3A_830 = arith.cmpf ogt, %sub3A_823, %gt3A_829 : vector<128x128xf32>
        %and3A_831 = arith.andi %ge3A_827, %gt3A_830 : vector<128x128xi1>
        %convert_element_type3A_832 = arith.extui %and3A_831 : vector<128x128xi1> to vector<128x128xi32>
        %convert_element_type3A_833 = arith.sitofp %convert_element_type3A_832 : vector<128x128xi32> to vector<128x128xf32>
        %dot_general3A_834 = arith.constant dense<0.000000e+00> : vector<1x128xf32>
        %dot_general3A_835 = tpu.matmul %while3A_308#1, %convert_element_type3A_833, %dot_general3A_834 {dimension_numbers = #tpu.dot_dimension_numbers<[1], [0], [0], [1], [0, 0, 1, 1], [], []>, transpose_lhs_hint = false} : vector<1x128xf32>, vector<128x128xf32>, vector<1x128xf32> -> vector<1x128xf32>
        %slice3A_836 = vector.extract_strided_slice %get3A_773 {offsets = [1, 0], sizes = [1, 128], strides = [1, 1]} : vector<8x128xf32> to vector<1x128xf32>
        %slice3A_837 = vector.extract_strided_slice %get3A_779 {offsets = [1, 0], sizes = [1, 128], strides = [1, 1]} : vector<8x128xf32> to vector<1x128xf32>
        %slice3A_838 = vector.extract_strided_slice %get3A_785 {offsets = [1, 0], sizes = [1, 128], strides = [1, 1]} : vector<8x128xf32> to vector<1x128xf32>
        %slice3A_839 = vector.extract_strided_slice %get3A_791 {offsets = [1, 0], sizes = [1, 128], strides = [1, 1]} : vector<8x128xf32> to vector<1x128xf32>
        %sub3A_840 = arith.subf %slice3A_838, %slice3A_836 : vector<1x128xf32>
        %sub3A_841 = arith.subf %slice3A_839, %slice3A_837 : vector<1x128xf32>
        %mul3A_842 = arith.mulf %sub3A_840, %sub3A_841 : vector<1x128xf32>
        %max3A_843 = vector.broadcast %transpose3A_107 : vector<128x1xf32> to vector<128x128xf32>
        %max3A_844 = vector.broadcast %slice3A_836 : vector<1x128xf32> to vector<128x128xf32>
        %max3A_845 = arith.maximumf %max3A_843, %max3A_844 : vector<128x128xf32>
        %max3A_846 = vector.broadcast %transpose3A_108 : vector<128x1xf32> to vector<128x128xf32>
        %max3A_847 = vector.broadcast %slice3A_837 : vector<1x128xf32> to vector<128x128xf32>
        %max3A_848 = arith.maximumf %max3A_846, %max3A_847 : vector<128x128xf32>
        %min3A_849 = vector.broadcast %transpose3A_109 : vector<128x1xf32> to vector<128x128xf32>
        %min3A_850 = vector.broadcast %slice3A_838 : vector<1x128xf32> to vector<128x128xf32>
        %min3A_851 = arith.minimumf %min3A_849, %min3A_850 : vector<128x128xf32>
        %min3A_852 = vector.broadcast %transpose3A_110 : vector<128x1xf32> to vector<128x128xf32>
        %min3A_853 = vector.broadcast %slice3A_839 : vector<1x128xf32> to vector<128x128xf32>
        %min3A_854 = arith.minimumf %min3A_852, %min3A_853 : vector<128x128xf32>
        %sub3A_855 = arith.subf %min3A_851, %max3A_845 : vector<128x128xf32>
        %max3A_856 = arith.constant 0.000000e+00 : f32
        %max3A_857 = vector.broadcast %max3A_856 : f32 to vector<128x128xf32>
        %max3A_858 = arith.maximumf %sub3A_855, %max3A_857 : vector<128x128xf32>
        %sub3A_859 = arith.subf %min3A_854, %max3A_848 : vector<128x128xf32>
        %max3A_860 = arith.constant 0.000000e+00 : f32
        %max3A_861 = vector.broadcast %max3A_860 : f32 to vector<128x128xf32>
        %max3A_862 = arith.maximumf %sub3A_859, %max3A_861 : vector<128x128xf32>
        %mul3A_863 = arith.mulf %max3A_858, %max3A_862 : vector<128x128xf32>
        %add3A_864 = vector.broadcast %mul3A_113 : vector<128x1xf32> to vector<128x128xf32>
        %add3A_865 = vector.broadcast %mul3A_842 : vector<1x128xf32> to vector<128x128xf32>
        %add3A_866 = arith.addf %add3A_864, %add3A_865 : vector<128x128xf32>
        %sub3A_867 = arith.subf %add3A_866, %mul3A_863 : vector<128x128xf32>
        %mul3A_868 = arith.constant 5.000000e-01 : f32
        %mul3A_869 = vector.broadcast %mul3A_868 : f32 to vector<128x128xf32>
        %mul3A_870 = arith.mulf %mul3A_869, %sub3A_867 : vector<128x128xf32>
        %ge3A_871 = arith.cmpf oge, %mul3A_863, %mul3A_870 : vector<128x128xf32>
        %gt3A_872 = arith.constant 0.000000e+00 : f32
        %gt3A_873 = vector.broadcast %gt3A_872 : f32 to vector<128x128xf32>
        %gt3A_874 = arith.cmpf ogt, %sub3A_867, %gt3A_873 : vector<128x128xf32>
        %and3A_875 = arith.andi %ge3A_871, %gt3A_874 : vector<128x128xi1>
        %convert_element_type3A_876 = arith.extui %and3A_875 : vector<128x128xi1> to vector<128x128xi32>
        %convert_element_type3A_877 = arith.sitofp %convert_element_type3A_876 : vector<128x128xi32> to vector<128x128xf32>
        %dot_general3A_878 = arith.constant dense<0.000000e+00> : vector<1x128xf32>
        %dot_general3A_879 = tpu.matmul %while3A_308#1, %convert_element_type3A_877, %dot_general3A_878 {dimension_numbers = #tpu.dot_dimension_numbers<[1], [0], [0], [1], [0, 0, 1, 1], [], []>, transpose_lhs_hint = false} : vector<1x128xf32>, vector<128x128xf32>, vector<1x128xf32> -> vector<1x128xf32>
        %slice3A_880 = vector.extract_strided_slice %get3A_773 {offsets = [2, 0], sizes = [1, 128], strides = [1, 1]} : vector<8x128xf32> to vector<1x128xf32>
        %slice3A_881 = vector.extract_strided_slice %get3A_779 {offsets = [2, 0], sizes = [1, 128], strides = [1, 1]} : vector<8x128xf32> to vector<1x128xf32>
        %slice3A_882 = vector.extract_strided_slice %get3A_785 {offsets = [2, 0], sizes = [1, 128], strides = [1, 1]} : vector<8x128xf32> to vector<1x128xf32>
        %slice3A_883 = vector.extract_strided_slice %get3A_791 {offsets = [2, 0], sizes = [1, 128], strides = [1, 1]} : vector<8x128xf32> to vector<1x128xf32>
        %sub3A_884 = arith.subf %slice3A_882, %slice3A_880 : vector<1x128xf32>
        %sub3A_885 = arith.subf %slice3A_883, %slice3A_881 : vector<1x128xf32>
        %mul3A_886 = arith.mulf %sub3A_884, %sub3A_885 : vector<1x128xf32>
        %max3A_887 = vector.broadcast %transpose3A_107 : vector<128x1xf32> to vector<128x128xf32>
        %max3A_888 = vector.broadcast %slice3A_880 : vector<1x128xf32> to vector<128x128xf32>
        %max3A_889 = arith.maximumf %max3A_887, %max3A_888 : vector<128x128xf32>
        %max3A_890 = vector.broadcast %transpose3A_108 : vector<128x1xf32> to vector<128x128xf32>
        %max3A_891 = vector.broadcast %slice3A_881 : vector<1x128xf32> to vector<128x128xf32>
        %max3A_892 = arith.maximumf %max3A_890, %max3A_891 : vector<128x128xf32>
        %min3A_893 = vector.broadcast %transpose3A_109 : vector<128x1xf32> to vector<128x128xf32>
        %min3A_894 = vector.broadcast %slice3A_882 : vector<1x128xf32> to vector<128x128xf32>
        %min3A_895 = arith.minimumf %min3A_893, %min3A_894 : vector<128x128xf32>
        %min3A_896 = vector.broadcast %transpose3A_110 : vector<128x1xf32> to vector<128x128xf32>
        %min3A_897 = vector.broadcast %slice3A_883 : vector<1x128xf32> to vector<128x128xf32>
        %min3A_898 = arith.minimumf %min3A_896, %min3A_897 : vector<128x128xf32>
        %sub3A_899 = arith.subf %min3A_895, %max3A_889 : vector<128x128xf32>
        %max3A_900 = arith.constant 0.000000e+00 : f32
        %max3A_901 = vector.broadcast %max3A_900 : f32 to vector<128x128xf32>
        %max3A_902 = arith.maximumf %sub3A_899, %max3A_901 : vector<128x128xf32>
        %sub3A_903 = arith.subf %min3A_898, %max3A_892 : vector<128x128xf32>
        %max3A_904 = arith.constant 0.000000e+00 : f32
        %max3A_905 = vector.broadcast %max3A_904 : f32 to vector<128x128xf32>
        %max3A_906 = arith.maximumf %sub3A_903, %max3A_905 : vector<128x128xf32>
        %mul3A_907 = arith.mulf %max3A_902, %max3A_906 : vector<128x128xf32>
        %add3A_908 = vector.broadcast %mul3A_113 : vector<128x1xf32> to vector<128x128xf32>
        %add3A_909 = vector.broadcast %mul3A_886 : vector<1x128xf32> to vector<128x128xf32>
        %add3A_910 = arith.addf %add3A_908, %add3A_909 : vector<128x128xf32>
        %sub3A_911 = arith.subf %add3A_910, %mul3A_907 : vector<128x128xf32>
        %mul3A_912 = arith.constant 5.000000e-01 : f32
        %mul3A_913 = vector.broadcast %mul3A_912 : f32 to vector<128x128xf32>
        %mul3A_914 = arith.mulf %mul3A_913, %sub3A_911 : vector<128x128xf32>
        %ge3A_915 = arith.cmpf oge, %mul3A_907, %mul3A_914 : vector<128x128xf32>
        %gt3A_916 = arith.constant 0.000000e+00 : f32
        %gt3A_917 = vector.broadcast %gt3A_916 : f32 to vector<128x128xf32>
        %gt3A_918 = arith.cmpf ogt, %sub3A_911, %gt3A_917 : vector<128x128xf32>
        %and3A_919 = arith.andi %ge3A_915, %gt3A_918 : vector<128x128xi1>
        %convert_element_type3A_920 = arith.extui %and3A_919 : vector<128x128xi1> to vector<128x128xi32>
        %convert_element_type3A_921 = arith.sitofp %convert_element_type3A_920 : vector<128x128xi32> to vector<128x128xf32>
        %dot_general3A_922 = arith.constant dense<0.000000e+00> : vector<1x128xf32>
        %dot_general3A_923 = tpu.matmul %while3A_308#1, %convert_element_type3A_921, %dot_general3A_922 {dimension_numbers = #tpu.dot_dimension_numbers<[1], [0], [0], [1], [0, 0, 1, 1], [], []>, transpose_lhs_hint = false} : vector<1x128xf32>, vector<128x128xf32>, vector<1x128xf32> -> vector<1x128xf32>
        %slice3A_924 = vector.extract_strided_slice %get3A_773 {offsets = [3, 0], sizes = [1, 128], strides = [1, 1]} : vector<8x128xf32> to vector<1x128xf32>
        %slice3A_925 = vector.extract_strided_slice %get3A_779 {offsets = [3, 0], sizes = [1, 128], strides = [1, 1]} : vector<8x128xf32> to vector<1x128xf32>
        %slice3A_926 = vector.extract_strided_slice %get3A_785 {offsets = [3, 0], sizes = [1, 128], strides = [1, 1]} : vector<8x128xf32> to vector<1x128xf32>
        %slice3A_927 = vector.extract_strided_slice %get3A_791 {offsets = [3, 0], sizes = [1, 128], strides = [1, 1]} : vector<8x128xf32> to vector<1x128xf32>
        %sub3A_928 = arith.subf %slice3A_926, %slice3A_924 : vector<1x128xf32>
        %sub3A_929 = arith.subf %slice3A_927, %slice3A_925 : vector<1x128xf32>
        %mul3A_930 = arith.mulf %sub3A_928, %sub3A_929 : vector<1x128xf32>
        %max3A_931 = vector.broadcast %transpose3A_107 : vector<128x1xf32> to vector<128x128xf32>
        %max3A_932 = vector.broadcast %slice3A_924 : vector<1x128xf32> to vector<128x128xf32>
        %max3A_933 = arith.maximumf %max3A_931, %max3A_932 : vector<128x128xf32>
        %max3A_934 = vector.broadcast %transpose3A_108 : vector<128x1xf32> to vector<128x128xf32>
        %max3A_935 = vector.broadcast %slice3A_925 : vector<1x128xf32> to vector<128x128xf32>
        %max3A_936 = arith.maximumf %max3A_934, %max3A_935 : vector<128x128xf32>
        %min3A_937 = vector.broadcast %transpose3A_109 : vector<128x1xf32> to vector<128x128xf32>
        %min3A_938 = vector.broadcast %slice3A_926 : vector<1x128xf32> to vector<128x128xf32>
        %min3A_939 = arith.minimumf %min3A_937, %min3A_938 : vector<128x128xf32>
        %min3A_940 = vector.broadcast %transpose3A_110 : vector<128x1xf32> to vector<128x128xf32>
        %min3A_941 = vector.broadcast %slice3A_927 : vector<1x128xf32> to vector<128x128xf32>
        %min3A_942 = arith.minimumf %min3A_940, %min3A_941 : vector<128x128xf32>
        %sub3A_943 = arith.subf %min3A_939, %max3A_933 : vector<128x128xf32>
        %max3A_944 = arith.constant 0.000000e+00 : f32
        %max3A_945 = vector.broadcast %max3A_944 : f32 to vector<128x128xf32>
        %max3A_946 = arith.maximumf %sub3A_943, %max3A_945 : vector<128x128xf32>
        %sub3A_947 = arith.subf %min3A_942, %max3A_936 : vector<128x128xf32>
        %max3A_948 = arith.constant 0.000000e+00 : f32
        %max3A_949 = vector.broadcast %max3A_948 : f32 to vector<128x128xf32>
        %max3A_950 = arith.maximumf %sub3A_947, %max3A_949 : vector<128x128xf32>
        %mul3A_951 = arith.mulf %max3A_946, %max3A_950 : vector<128x128xf32>
        %add3A_952 = vector.broadcast %mul3A_113 : vector<128x1xf32> to vector<128x128xf32>
        %add3A_953 = vector.broadcast %mul3A_930 : vector<1x128xf32> to vector<128x128xf32>
        %add3A_954 = arith.addf %add3A_952, %add3A_953 : vector<128x128xf32>
        %sub3A_955 = arith.subf %add3A_954, %mul3A_951 : vector<128x128xf32>
        %mul3A_956 = arith.constant 5.000000e-01 : f32
        %mul3A_957 = vector.broadcast %mul3A_956 : f32 to vector<128x128xf32>
        %mul3A_958 = arith.mulf %mul3A_957, %sub3A_955 : vector<128x128xf32>
        %ge3A_959 = arith.cmpf oge, %mul3A_951, %mul3A_958 : vector<128x128xf32>
        %gt3A_960 = arith.constant 0.000000e+00 : f32
        %gt3A_961 = vector.broadcast %gt3A_960 : f32 to vector<128x128xf32>
        %gt3A_962 = arith.cmpf ogt, %sub3A_955, %gt3A_961 : vector<128x128xf32>
        %and3A_963 = arith.andi %ge3A_959, %gt3A_962 : vector<128x128xi1>
        %convert_element_type3A_964 = arith.extui %and3A_963 : vector<128x128xi1> to vector<128x128xi32>
        %convert_element_type3A_965 = arith.sitofp %convert_element_type3A_964 : vector<128x128xi32> to vector<128x128xf32>
        %dot_general3A_966 = arith.constant dense<0.000000e+00> : vector<1x128xf32>
        %dot_general3A_967 = tpu.matmul %while3A_308#1, %convert_element_type3A_965, %dot_general3A_966 {dimension_numbers = #tpu.dot_dimension_numbers<[1], [0], [0], [1], [0, 0, 1, 1], [], []>, transpose_lhs_hint = false} : vector<1x128xf32>, vector<128x128xf32>, vector<1x128xf32> -> vector<1x128xf32>
        %slice3A_968 = vector.extract_strided_slice %get3A_773 {offsets = [4, 0], sizes = [1, 128], strides = [1, 1]} : vector<8x128xf32> to vector<1x128xf32>
        %slice3A_969 = vector.extract_strided_slice %get3A_779 {offsets = [4, 0], sizes = [1, 128], strides = [1, 1]} : vector<8x128xf32> to vector<1x128xf32>
        %slice3A_970 = vector.extract_strided_slice %get3A_785 {offsets = [4, 0], sizes = [1, 128], strides = [1, 1]} : vector<8x128xf32> to vector<1x128xf32>
        %slice3A_971 = vector.extract_strided_slice %get3A_791 {offsets = [4, 0], sizes = [1, 128], strides = [1, 1]} : vector<8x128xf32> to vector<1x128xf32>
        %sub3A_972 = arith.subf %slice3A_970, %slice3A_968 : vector<1x128xf32>
        %sub3A_973 = arith.subf %slice3A_971, %slice3A_969 : vector<1x128xf32>
        %mul3A_974 = arith.mulf %sub3A_972, %sub3A_973 : vector<1x128xf32>
        %max3A_975 = vector.broadcast %transpose3A_107 : vector<128x1xf32> to vector<128x128xf32>
        %max3A_976 = vector.broadcast %slice3A_968 : vector<1x128xf32> to vector<128x128xf32>
        %max3A_977 = arith.maximumf %max3A_975, %max3A_976 : vector<128x128xf32>
        %max3A_978 = vector.broadcast %transpose3A_108 : vector<128x1xf32> to vector<128x128xf32>
        %max3A_979 = vector.broadcast %slice3A_969 : vector<1x128xf32> to vector<128x128xf32>
        %max3A_980 = arith.maximumf %max3A_978, %max3A_979 : vector<128x128xf32>
        %min3A_981 = vector.broadcast %transpose3A_109 : vector<128x1xf32> to vector<128x128xf32>
        %min3A_982 = vector.broadcast %slice3A_970 : vector<1x128xf32> to vector<128x128xf32>
        %min3A_983 = arith.minimumf %min3A_981, %min3A_982 : vector<128x128xf32>
        %min3A_984 = vector.broadcast %transpose3A_110 : vector<128x1xf32> to vector<128x128xf32>
        %min3A_985 = vector.broadcast %slice3A_971 : vector<1x128xf32> to vector<128x128xf32>
        %min3A_986 = arith.minimumf %min3A_984, %min3A_985 : vector<128x128xf32>
        %sub3A_987 = arith.subf %min3A_983, %max3A_977 : vector<128x128xf32>
        %max3A_988 = arith.constant 0.000000e+00 : f32
        %max3A_989 = vector.broadcast %max3A_988 : f32 to vector<128x128xf32>
        %max3A_990 = arith.maximumf %sub3A_987, %max3A_989 : vector<128x128xf32>
        %sub3A_991 = arith.subf %min3A_986, %max3A_980 : vector<128x128xf32>
        %max3A_992 = arith.constant 0.000000e+00 : f32
        %max3A_993 = vector.broadcast %max3A_992 : f32 to vector<128x128xf32>
        %max3A_994 = arith.maximumf %sub3A_991, %max3A_993 : vector<128x128xf32>
        %mul3A_995 = arith.mulf %max3A_990, %max3A_994 : vector<128x128xf32>
        %add3A_996 = vector.broadcast %mul3A_113 : vector<128x1xf32> to vector<128x128xf32>
        %add3A_997 = vector.broadcast %mul3A_974 : vector<1x128xf32> to vector<128x128xf32>
        %add3A_998 = arith.addf %add3A_996, %add3A_997 : vector<128x128xf32>
        %sub3A_999 = arith.subf %add3A_998, %mul3A_995 : vector<128x128xf32>
        %mul3A_1000 = arith.constant 5.000000e-01 : f32
        %mul3A_1001 = vector.broadcast %mul3A_1000 : f32 to vector<128x128xf32>
        %mul3A_1002 = arith.mulf %mul3A_1001, %sub3A_999 : vector<128x128xf32>
        %ge3A_1003 = arith.cmpf oge, %mul3A_995, %mul3A_1002 : vector<128x128xf32>
        %gt3A_1004 = arith.constant 0.000000e+00 : f32
        %gt3A_1005 = vector.broadcast %gt3A_1004 : f32 to vector<128x128xf32>
        %gt3A_1006 = arith.cmpf ogt, %sub3A_999, %gt3A_1005 : vector<128x128xf32>
        %and3A_1007 = arith.andi %ge3A_1003, %gt3A_1006 : vector<128x128xi1>
        %convert_element_type3A_1008 = arith.extui %and3A_1007 : vector<128x128xi1> to vector<128x128xi32>
        %convert_element_type3A_1009 = arith.sitofp %convert_element_type3A_1008 : vector<128x128xi32> to vector<128x128xf32>
        %dot_general3A_1010 = arith.constant dense<0.000000e+00> : vector<1x128xf32>
        %dot_general3A_1011 = tpu.matmul %while3A_308#1, %convert_element_type3A_1009, %dot_general3A_1010 {dimension_numbers = #tpu.dot_dimension_numbers<[1], [0], [0], [1], [0, 0, 1, 1], [], []>, transpose_lhs_hint = false} : vector<1x128xf32>, vector<128x128xf32>, vector<1x128xf32> -> vector<1x128xf32>
        %slice3A_1012 = vector.extract_strided_slice %get3A_773 {offsets = [5, 0], sizes = [1, 128], strides = [1, 1]} : vector<8x128xf32> to vector<1x128xf32>
        %slice3A_1013 = vector.extract_strided_slice %get3A_779 {offsets = [5, 0], sizes = [1, 128], strides = [1, 1]} : vector<8x128xf32> to vector<1x128xf32>
        %slice3A_1014 = vector.extract_strided_slice %get3A_785 {offsets = [5, 0], sizes = [1, 128], strides = [1, 1]} : vector<8x128xf32> to vector<1x128xf32>
        %slice3A_1015 = vector.extract_strided_slice %get3A_791 {offsets = [5, 0], sizes = [1, 128], strides = [1, 1]} : vector<8x128xf32> to vector<1x128xf32>
        %sub3A_1016 = arith.subf %slice3A_1014, %slice3A_1012 : vector<1x128xf32>
        %sub3A_1017 = arith.subf %slice3A_1015, %slice3A_1013 : vector<1x128xf32>
        %mul3A_1018 = arith.mulf %sub3A_1016, %sub3A_1017 : vector<1x128xf32>
        %max3A_1019 = vector.broadcast %transpose3A_107 : vector<128x1xf32> to vector<128x128xf32>
        %max3A_1020 = vector.broadcast %slice3A_1012 : vector<1x128xf32> to vector<128x128xf32>
        %max3A_1021 = arith.maximumf %max3A_1019, %max3A_1020 : vector<128x128xf32>
        %max3A_1022 = vector.broadcast %transpose3A_108 : vector<128x1xf32> to vector<128x128xf32>
        %max3A_1023 = vector.broadcast %slice3A_1013 : vector<1x128xf32> to vector<128x128xf32>
        %max3A_1024 = arith.maximumf %max3A_1022, %max3A_1023 : vector<128x128xf32>
        %min3A_1025 = vector.broadcast %transpose3A_109 : vector<128x1xf32> to vector<128x128xf32>
        %min3A_1026 = vector.broadcast %slice3A_1014 : vector<1x128xf32> to vector<128x128xf32>
        %min3A_1027 = arith.minimumf %min3A_1025, %min3A_1026 : vector<128x128xf32>
        %min3A_1028 = vector.broadcast %transpose3A_110 : vector<128x1xf32> to vector<128x128xf32>
        %min3A_1029 = vector.broadcast %slice3A_1015 : vector<1x128xf32> to vector<128x128xf32>
        %min3A_1030 = arith.minimumf %min3A_1028, %min3A_1029 : vector<128x128xf32>
        %sub3A_1031 = arith.subf %min3A_1027, %max3A_1021 : vector<128x128xf32>
        %max3A_1032 = arith.constant 0.000000e+00 : f32
        %max3A_1033 = vector.broadcast %max3A_1032 : f32 to vector<128x128xf32>
        %max3A_1034 = arith.maximumf %sub3A_1031, %max3A_1033 : vector<128x128xf32>
        %sub3A_1035 = arith.subf %min3A_1030, %max3A_1024 : vector<128x128xf32>
        %max3A_1036 = arith.constant 0.000000e+00 : f32
        %max3A_1037 = vector.broadcast %max3A_1036 : f32 to vector<128x128xf32>
        %max3A_1038 = arith.maximumf %sub3A_1035, %max3A_1037 : vector<128x128xf32>
        %mul3A_1039 = arith.mulf %max3A_1034, %max3A_1038 : vector<128x128xf32>
        %add3A_1040 = vector.broadcast %mul3A_113 : vector<128x1xf32> to vector<128x128xf32>
        %add3A_1041 = vector.broadcast %mul3A_1018 : vector<1x128xf32> to vector<128x128xf32>
        %add3A_1042 = arith.addf %add3A_1040, %add3A_1041 : vector<128x128xf32>
        %sub3A_1043 = arith.subf %add3A_1042, %mul3A_1039 : vector<128x128xf32>
        %mul3A_1044 = arith.constant 5.000000e-01 : f32
        %mul3A_1045 = vector.broadcast %mul3A_1044 : f32 to vector<128x128xf32>
        %mul3A_1046 = arith.mulf %mul3A_1045, %sub3A_1043 : vector<128x128xf32>
        %ge3A_1047 = arith.cmpf oge, %mul3A_1039, %mul3A_1046 : vector<128x128xf32>
        %gt3A_1048 = arith.constant 0.000000e+00 : f32
        %gt3A_1049 = vector.broadcast %gt3A_1048 : f32 to vector<128x128xf32>
        %gt3A_1050 = arith.cmpf ogt, %sub3A_1043, %gt3A_1049 : vector<128x128xf32>
        %and3A_1051 = arith.andi %ge3A_1047, %gt3A_1050 : vector<128x128xi1>
        %convert_element_type3A_1052 = arith.extui %and3A_1051 : vector<128x128xi1> to vector<128x128xi32>
        %convert_element_type3A_1053 = arith.sitofp %convert_element_type3A_1052 : vector<128x128xi32> to vector<128x128xf32>
        %dot_general3A_1054 = arith.constant dense<0.000000e+00> : vector<1x128xf32>
        %dot_general3A_1055 = tpu.matmul %while3A_308#1, %convert_element_type3A_1053, %dot_general3A_1054 {dimension_numbers = #tpu.dot_dimension_numbers<[1], [0], [0], [1], [0, 0, 1, 1], [], []>, transpose_lhs_hint = false} : vector<1x128xf32>, vector<128x128xf32>, vector<1x128xf32> -> vector<1x128xf32>
        %slice3A_1056 = vector.extract_strided_slice %get3A_773 {offsets = [6, 0], sizes = [1, 128], strides = [1, 1]} : vector<8x128xf32> to vector<1x128xf32>
        %slice3A_1057 = vector.extract_strided_slice %get3A_779 {offsets = [6, 0], sizes = [1, 128], strides = [1, 1]} : vector<8x128xf32> to vector<1x128xf32>
        %slice3A_1058 = vector.extract_strided_slice %get3A_785 {offsets = [6, 0], sizes = [1, 128], strides = [1, 1]} : vector<8x128xf32> to vector<1x128xf32>
        %slice3A_1059 = vector.extract_strided_slice %get3A_791 {offsets = [6, 0], sizes = [1, 128], strides = [1, 1]} : vector<8x128xf32> to vector<1x128xf32>
        %sub3A_1060 = arith.subf %slice3A_1058, %slice3A_1056 : vector<1x128xf32>
        %sub3A_1061 = arith.subf %slice3A_1059, %slice3A_1057 : vector<1x128xf32>
        %mul3A_1062 = arith.mulf %sub3A_1060, %sub3A_1061 : vector<1x128xf32>
        %max3A_1063 = vector.broadcast %transpose3A_107 : vector<128x1xf32> to vector<128x128xf32>
        %max3A_1064 = vector.broadcast %slice3A_1056 : vector<1x128xf32> to vector<128x128xf32>
        %max3A_1065 = arith.maximumf %max3A_1063, %max3A_1064 : vector<128x128xf32>
        %max3A_1066 = vector.broadcast %transpose3A_108 : vector<128x1xf32> to vector<128x128xf32>
        %max3A_1067 = vector.broadcast %slice3A_1057 : vector<1x128xf32> to vector<128x128xf32>
        %max3A_1068 = arith.maximumf %max3A_1066, %max3A_1067 : vector<128x128xf32>
        %min3A_1069 = vector.broadcast %transpose3A_109 : vector<128x1xf32> to vector<128x128xf32>
        %min3A_1070 = vector.broadcast %slice3A_1058 : vector<1x128xf32> to vector<128x128xf32>
        %min3A_1071 = arith.minimumf %min3A_1069, %min3A_1070 : vector<128x128xf32>
        %min3A_1072 = vector.broadcast %transpose3A_110 : vector<128x1xf32> to vector<128x128xf32>
        %min3A_1073 = vector.broadcast %slice3A_1059 : vector<1x128xf32> to vector<128x128xf32>
        %min3A_1074 = arith.minimumf %min3A_1072, %min3A_1073 : vector<128x128xf32>
        %sub3A_1075 = arith.subf %min3A_1071, %max3A_1065 : vector<128x128xf32>
        %max3A_1076 = arith.constant 0.000000e+00 : f32
        %max3A_1077 = vector.broadcast %max3A_1076 : f32 to vector<128x128xf32>
        %max3A_1078 = arith.maximumf %sub3A_1075, %max3A_1077 : vector<128x128xf32>
        %sub3A_1079 = arith.subf %min3A_1074, %max3A_1068 : vector<128x128xf32>
        %max3A_1080 = arith.constant 0.000000e+00 : f32
        %max3A_1081 = vector.broadcast %max3A_1080 : f32 to vector<128x128xf32>
        %max3A_1082 = arith.maximumf %sub3A_1079, %max3A_1081 : vector<128x128xf32>
        %mul3A_1083 = arith.mulf %max3A_1078, %max3A_1082 : vector<128x128xf32>
        %add3A_1084 = vector.broadcast %mul3A_113 : vector<128x1xf32> to vector<128x128xf32>
        %add3A_1085 = vector.broadcast %mul3A_1062 : vector<1x128xf32> to vector<128x128xf32>
        %add3A_1086 = arith.addf %add3A_1084, %add3A_1085 : vector<128x128xf32>
        %sub3A_1087 = arith.subf %add3A_1086, %mul3A_1083 : vector<128x128xf32>
        %mul3A_1088 = arith.constant 5.000000e-01 : f32
        %mul3A_1089 = vector.broadcast %mul3A_1088 : f32 to vector<128x128xf32>
        %mul3A_1090 = arith.mulf %mul3A_1089, %sub3A_1087 : vector<128x128xf32>
        %ge3A_1091 = arith.cmpf oge, %mul3A_1083, %mul3A_1090 : vector<128x128xf32>
        %gt3A_1092 = arith.constant 0.000000e+00 : f32
        %gt3A_1093 = vector.broadcast %gt3A_1092 : f32 to vector<128x128xf32>
        %gt3A_1094 = arith.cmpf ogt, %sub3A_1087, %gt3A_1093 : vector<128x128xf32>
        %and3A_1095 = arith.andi %ge3A_1091, %gt3A_1094 : vector<128x128xi1>
        %convert_element_type3A_1096 = arith.extui %and3A_1095 : vector<128x128xi1> to vector<128x128xi32>
        %convert_element_type3A_1097 = arith.sitofp %convert_element_type3A_1096 : vector<128x128xi32> to vector<128x128xf32>
        %dot_general3A_1098 = arith.constant dense<0.000000e+00> : vector<1x128xf32>
        %dot_general3A_1099 = tpu.matmul %while3A_308#1, %convert_element_type3A_1097, %dot_general3A_1098 {dimension_numbers = #tpu.dot_dimension_numbers<[1], [0], [0], [1], [0, 0, 1, 1], [], []>, transpose_lhs_hint = false} : vector<1x128xf32>, vector<128x128xf32>, vector<1x128xf32> -> vector<1x128xf32>
        %slice3A_1100 = vector.extract_strided_slice %get3A_773 {offsets = [7, 0], sizes = [1, 128], strides = [1, 1]} : vector<8x128xf32> to vector<1x128xf32>
        %slice3A_1101 = vector.extract_strided_slice %get3A_779 {offsets = [7, 0], sizes = [1, 128], strides = [1, 1]} : vector<8x128xf32> to vector<1x128xf32>
        %slice3A_1102 = vector.extract_strided_slice %get3A_785 {offsets = [7, 0], sizes = [1, 128], strides = [1, 1]} : vector<8x128xf32> to vector<1x128xf32>
        %slice3A_1103 = vector.extract_strided_slice %get3A_791 {offsets = [7, 0], sizes = [1, 128], strides = [1, 1]} : vector<8x128xf32> to vector<1x128xf32>
        %sub3A_1104 = arith.subf %slice3A_1102, %slice3A_1100 : vector<1x128xf32>
        %sub3A_1105 = arith.subf %slice3A_1103, %slice3A_1101 : vector<1x128xf32>
        %mul3A_1106 = arith.mulf %sub3A_1104, %sub3A_1105 : vector<1x128xf32>
        %max3A_1107 = vector.broadcast %transpose3A_107 : vector<128x1xf32> to vector<128x128xf32>
        %max3A_1108 = vector.broadcast %slice3A_1100 : vector<1x128xf32> to vector<128x128xf32>
        %max3A_1109 = arith.maximumf %max3A_1107, %max3A_1108 : vector<128x128xf32>
        %max3A_1110 = vector.broadcast %transpose3A_108 : vector<128x1xf32> to vector<128x128xf32>
        %max3A_1111 = vector.broadcast %slice3A_1101 : vector<1x128xf32> to vector<128x128xf32>
        %max3A_1112 = arith.maximumf %max3A_1110, %max3A_1111 : vector<128x128xf32>
        %min3A_1113 = vector.broadcast %transpose3A_109 : vector<128x1xf32> to vector<128x128xf32>
        %min3A_1114 = vector.broadcast %slice3A_1102 : vector<1x128xf32> to vector<128x128xf32>
        %min3A_1115 = arith.minimumf %min3A_1113, %min3A_1114 : vector<128x128xf32>
        %min3A_1116 = vector.broadcast %transpose3A_110 : vector<128x1xf32> to vector<128x128xf32>
        %min3A_1117 = vector.broadcast %slice3A_1103 : vector<1x128xf32> to vector<128x128xf32>
        %min3A_1118 = arith.minimumf %min3A_1116, %min3A_1117 : vector<128x128xf32>
        %sub3A_1119 = arith.subf %min3A_1115, %max3A_1109 : vector<128x128xf32>
        %max3A_1120 = arith.constant 0.000000e+00 : f32
        %max3A_1121 = vector.broadcast %max3A_1120 : f32 to vector<128x128xf32>
        %max3A_1122 = arith.maximumf %sub3A_1119, %max3A_1121 : vector<128x128xf32>
        %sub3A_1123 = arith.subf %min3A_1118, %max3A_1112 : vector<128x128xf32>
        %max3A_1124 = arith.constant 0.000000e+00 : f32
        %max3A_1125 = vector.broadcast %max3A_1124 : f32 to vector<128x128xf32>
        %max3A_1126 = arith.maximumf %sub3A_1123, %max3A_1125 : vector<128x128xf32>
        %mul3A_1127 = arith.mulf %max3A_1122, %max3A_1126 : vector<128x128xf32>
        %add3A_1128 = vector.broadcast %mul3A_113 : vector<128x1xf32> to vector<128x128xf32>
        %add3A_1129 = vector.broadcast %mul3A_1106 : vector<1x128xf32> to vector<128x128xf32>
        %add3A_1130 = arith.addf %add3A_1128, %add3A_1129 : vector<128x128xf32>
        %sub3A_1131 = arith.subf %add3A_1130, %mul3A_1127 : vector<128x128xf32>
        %mul3A_1132 = arith.constant 5.000000e-01 : f32
        %mul3A_1133 = vector.broadcast %mul3A_1132 : f32 to vector<128x128xf32>
        %mul3A_1134 = arith.mulf %mul3A_1133, %sub3A_1131 : vector<128x128xf32>
        %ge3A_1135 = arith.cmpf oge, %mul3A_1127, %mul3A_1134 : vector<128x128xf32>
        %gt3A_1136 = arith.constant 0.000000e+00 : f32
        %gt3A_1137 = vector.broadcast %gt3A_1136 : f32 to vector<128x128xf32>
        %gt3A_1138 = arith.cmpf ogt, %sub3A_1131, %gt3A_1137 : vector<128x128xf32>
        %and3A_1139 = arith.andi %ge3A_1135, %gt3A_1138 : vector<128x128xi1>
        %convert_element_type3A_1140 = arith.extui %and3A_1139 : vector<128x128xi1> to vector<128x128xi32>
        %convert_element_type3A_1141 = arith.sitofp %convert_element_type3A_1140 : vector<128x128xi32> to vector<128x128xf32>
        %dot_general3A_1142 = arith.constant dense<0.000000e+00> : vector<1x128xf32>
        %dot_general3A_1143 = tpu.matmul %while3A_308#1, %convert_element_type3A_1141, %dot_general3A_1142 {dimension_numbers = #tpu.dot_dimension_numbers<[1], [0], [0], [1], [0, 0, 1, 1], [], []>, transpose_lhs_hint = false} : vector<1x128xf32>, vector<128x128xf32>, vector<1x128xf32> -> vector<1x128xf32>
        %concatenate3A_1144 = tpu.concatenate %dot_general3A_835, %dot_general3A_879, %dot_general3A_923, %dot_general3A_967, %dot_general3A_1011, %dot_general3A_1055, %dot_general3A_1099, %dot_general3A_1143 in 0 : vector<1x128xf32>, vector<1x128xf32>, vector<1x128xf32>, vector<1x128xf32>, vector<1x128xf32>, vector<1x128xf32>, vector<1x128xf32>, vector<1x128xf32> -> vector<8x128xf32>
        %le3A_1145 = arith.constant 0.000000e+00 : f32
        %le3A_1146 = vector.broadcast %le3A_1145 : f32 to vector<8x128xf32>
        %le3A_1147 = arith.cmpf ole, %concatenate3A_1144, %le3A_1146 : vector<8x128xf32>
        %convert_element_type3A_1148 = arith.extui %le3A_1147 : vector<8x128xi1> to vector<8x128xi32>
        %convert_element_type3A_1149 = arith.sitofp %convert_element_type3A_1148 : vector<8x128xi32> to vector<8x128xf32>
        %get3A_1150 = arith.constant 0 : index
        %get3A_1151 = arith.constant 1 : index
        %get3A_1152 = arith.index_cast %add3A_375 : i32 to index
        %get3A_1153 = arith.constant 0 : index
        %get3A_1154 = vector.load %arg5[%get3A_1150, %get3A_1151, %get3A_1152, %get3A_1153] : memref<1x4x48x128xf32, #tpu.memory_space<vmem>>, vector<1x1x8x128xf32>
        %get3A_1155 = vector.shape_cast %get3A_1154 : vector<1x1x8x128xf32> to vector<8x128xf32>
        %mul3A_1156 = arith.mulf %get3A_1155, %convert_element_type3A_1149 : vector<8x128xf32>
        %swap3A_1157 = arith.constant 0 : index
        %swap3A_1158 = arith.constant 1 : index
        %swap3A_1159 = arith.index_cast %add3A_375 : i32 to index
        %swap3A_1160 = arith.constant 0 : index
        %swap3A_1161 = vector.load %arg5[%swap3A_1157, %swap3A_1158, %swap3A_1159, %swap3A_1160] : memref<1x4x48x128xf32, #tpu.memory_space<vmem>>, vector<1x1x8x128xf32>
        %swap3A_1162 = vector.shape_cast %swap3A_1161 : vector<1x1x8x128xf32> to vector<8x128xf32>
        %swap3A_1163 = vector.shape_cast %mul3A_1156 : vector<8x128xf32> to vector<1x1x8x128xf32>
        tpu.vector_store %arg5[%swap3A_1157, %swap3A_1158, %swap3A_1159, %swap3A_1160], %swap3A_1163 {strides = array<i32>} : memref<1x4x48x128xf32, #tpu.memory_space<vmem>>, vector<1x1x8x128xf32>,
        %get3A_1164 = arith.constant 0 : index
        %get3A_1165 = arith.constant 2 : index
        %get3A_1166 = arith.index_cast %add3A_375 : i32 to index
        %get3A_1167 = arith.constant 0 : index
        %get3A_1168 = vector.load %arg1[%get3A_1164, %get3A_1165, %get3A_1166, %get3A_1167] : memref<1x4x48x128xf32, #tpu.memory_space<vmem>>, vector<1x1x8x128xf32>
        %get3A_1169 = vector.shape_cast %get3A_1168 : vector<1x1x8x128xf32> to vector<8x128xf32>
        %get3A_1170 = arith.constant 0 : index
        %get3A_1171 = arith.constant 2 : index
        %get3A_1172 = arith.index_cast %add3A_375 : i32 to index
        %get3A_1173 = arith.constant 0 : index
        %get3A_1174 = vector.load %arg2[%get3A_1170, %get3A_1171, %get3A_1172, %get3A_1173] : memref<1x4x48x128xf32, #tpu.memory_space<vmem>>, vector<1x1x8x128xf32>
        %get3A_1175 = vector.shape_cast %get3A_1174 : vector<1x1x8x128xf32> to vector<8x128xf32>
        %get3A_1176 = arith.constant 0 : index
        %get3A_1177 = arith.constant 2 : index
        %get3A_1178 = arith.index_cast %add3A_375 : i32 to index
        %get3A_1179 = arith.constant 0 : index
        %get3A_1180 = vector.load %arg3[%get3A_1176, %get3A_1177, %get3A_1178, %get3A_1179] : memref<1x4x48x128xf32, #tpu.memory_space<vmem>>, vector<1x1x8x128xf32>
        %get3A_1181 = vector.shape_cast %get3A_1180 : vector<1x1x8x128xf32> to vector<8x128xf32>
        %get3A_1182 = arith.constant 0 : index
        %get3A_1183 = arith.constant 2 : index
        %get3A_1184 = arith.index_cast %add3A_375 : i32 to index
        %get3A_1185 = arith.constant 0 : index
        %get3A_1186 = vector.load %arg4[%get3A_1182, %get3A_1183, %get3A_1184, %get3A_1185] : memref<1x4x48x128xf32, #tpu.memory_space<vmem>>, vector<1x1x8x128xf32>
        %get3A_1187 = vector.shape_cast %get3A_1186 : vector<1x1x8x128xf32> to vector<8x128xf32>
        %slice3A_1188 = vector.extract_strided_slice %get3A_1169 {offsets = [0, 0], sizes = [1, 128], strides = [1, 1]} : vector<8x128xf32> to vector<1x128xf32>
        %slice3A_1189 = vector.extract_strided_slice %get3A_1175 {offsets = [0, 0], sizes = [1, 128], strides = [1, 1]} : vector<8x128xf32> to vector<1x128xf32>
        %slice3A_1190 = vector.extract_strided_slice %get3A_1181 {offsets = [0, 0], sizes = [1, 128], strides = [1, 1]} : vector<8x128xf32> to vector<1x128xf32>
        %slice3A_1191 = vector.extract_strided_slice %get3A_1187 {offsets = [0, 0], sizes = [1, 128], strides = [1, 1]} : vector<8x128xf32> to vector<1x128xf32>
        %sub3A_1192 = arith.subf %slice3A_1190, %slice3A_1188 : vector<1x128xf32>
        %sub3A_1193 = arith.subf %slice3A_1191, %slice3A_1189 : vector<1x128xf32>
        %mul3A_1194 = arith.mulf %sub3A_1192, %sub3A_1193 : vector<1x128xf32>
        %max3A_1195 = vector.broadcast %transpose3A_183 : vector<128x1xf32> to vector<128x128xf32>
        %max3A_1196 = vector.broadcast %slice3A_1188 : vector<1x128xf32> to vector<128x128xf32>
        %max3A_1197 = arith.maximumf %max3A_1195, %max3A_1196 : vector<128x128xf32>
        %max3A_1198 = vector.broadcast %transpose3A_184 : vector<128x1xf32> to vector<128x128xf32>
        %max3A_1199 = vector.broadcast %slice3A_1189 : vector<1x128xf32> to vector<128x128xf32>
        %max3A_1200 = arith.maximumf %max3A_1198, %max3A_1199 : vector<128x128xf32>
        %min3A_1201 = vector.broadcast %transpose3A_185 : vector<128x1xf32> to vector<128x128xf32>
        %min3A_1202 = vector.broadcast %slice3A_1190 : vector<1x128xf32> to vector<128x128xf32>
        %min3A_1203 = arith.minimumf %min3A_1201, %min3A_1202 : vector<128x128xf32>
        %min3A_1204 = vector.broadcast %transpose3A_186 : vector<128x1xf32> to vector<128x128xf32>
        %min3A_1205 = vector.broadcast %slice3A_1191 : vector<1x128xf32> to vector<128x128xf32>
        %min3A_1206 = arith.minimumf %min3A_1204, %min3A_1205 : vector<128x128xf32>
        %sub3A_1207 = arith.subf %min3A_1203, %max3A_1197 : vector<128x128xf32>
        %max3A_1208 = arith.constant 0.000000e+00 : f32
        %max3A_1209 = vector.broadcast %max3A_1208 : f32 to vector<128x128xf32>
        %max3A_1210 = arith.maximumf %sub3A_1207, %max3A_1209 : vector<128x128xf32>
        %sub3A_1211 = arith.subf %min3A_1206, %max3A_1200 : vector<128x128xf32>
        %max3A_1212 = arith.constant 0.000000e+00 : f32
        %max3A_1213 = vector.broadcast %max3A_1212 : f32 to vector<128x128xf32>
        %max3A_1214 = arith.maximumf %sub3A_1211, %max3A_1213 : vector<128x128xf32>
        %mul3A_1215 = arith.mulf %max3A_1210, %max3A_1214 : vector<128x128xf32>
        %add3A_1216 = vector.broadcast %mul3A_189 : vector<128x1xf32> to vector<128x128xf32>
        %add3A_1217 = vector.broadcast %mul3A_1194 : vector<1x128xf32> to vector<128x128xf32>
        %add3A_1218 = arith.addf %add3A_1216, %add3A_1217 : vector<128x128xf32>
        %sub3A_1219 = arith.subf %add3A_1218, %mul3A_1215 : vector<128x128xf32>
        %mul3A_1220 = arith.constant 5.000000e-01 : f32
        %mul3A_1221 = vector.broadcast %mul3A_1220 : f32 to vector<128x128xf32>
        %mul3A_1222 = arith.mulf %mul3A_1221, %sub3A_1219 : vector<128x128xf32>
        %ge3A_1223 = arith.cmpf oge, %mul3A_1215, %mul3A_1222 : vector<128x128xf32>
        %gt3A_1224 = arith.constant 0.000000e+00 : f32
        %gt3A_1225 = vector.broadcast %gt3A_1224 : f32 to vector<128x128xf32>
        %gt3A_1226 = arith.cmpf ogt, %sub3A_1219, %gt3A_1225 : vector<128x128xf32>
        %and3A_1227 = arith.andi %ge3A_1223, %gt3A_1226 : vector<128x128xi1>
        %convert_element_type3A_1228 = arith.extui %and3A_1227 : vector<128x128xi1> to vector<128x128xi32>
        %convert_element_type3A_1229 = arith.sitofp %convert_element_type3A_1228 : vector<128x128xi32> to vector<128x128xf32>
        %dot_general3A_1230 = arith.constant dense<0.000000e+00> : vector<1x128xf32>
        %dot_general3A_1231 = tpu.matmul %while3A_308#2, %convert_element_type3A_1229, %dot_general3A_1230 {dimension_numbers = #tpu.dot_dimension_numbers<[1], [0], [0], [1], [0, 0, 1, 1], [], []>, transpose_lhs_hint = false} : vector<1x128xf32>, vector<128x128xf32>, vector<1x128xf32> -> vector<1x128xf32>
        %slice3A_1232 = vector.extract_strided_slice %get3A_1169 {offsets = [1, 0], sizes = [1, 128], strides = [1, 1]} : vector<8x128xf32> to vector<1x128xf32>
        %slice3A_1233 = vector.extract_strided_slice %get3A_1175 {offsets = [1, 0], sizes = [1, 128], strides = [1, 1]} : vector<8x128xf32> to vector<1x128xf32>
        %slice3A_1234 = vector.extract_strided_slice %get3A_1181 {offsets = [1, 0], sizes = [1, 128], strides = [1, 1]} : vector<8x128xf32> to vector<1x128xf32>
        %slice3A_1235 = vector.extract_strided_slice %get3A_1187 {offsets = [1, 0], sizes = [1, 128], strides = [1, 1]} : vector<8x128xf32> to vector<1x128xf32>
        %sub3A_1236 = arith.subf %slice3A_1234, %slice3A_1232 : vector<1x128xf32>
        %sub3A_1237 = arith.subf %slice3A_1235, %slice3A_1233 : vector<1x128xf32>
        %mul3A_1238 = arith.mulf %sub3A_1236, %sub3A_1237 : vector<1x128xf32>
        %max3A_1239 = vector.broadcast %transpose3A_183 : vector<128x1xf32> to vector<128x128xf32>
        %max3A_1240 = vector.broadcast %slice3A_1232 : vector<1x128xf32> to vector<128x128xf32>
        %max3A_1241 = arith.maximumf %max3A_1239, %max3A_1240 : vector<128x128xf32>
        %max3A_1242 = vector.broadcast %transpose3A_184 : vector<128x1xf32> to vector<128x128xf32>
        %max3A_1243 = vector.broadcast %slice3A_1233 : vector<1x128xf32> to vector<128x128xf32>
        %max3A_1244 = arith.maximumf %max3A_1242, %max3A_1243 : vector<128x128xf32>
        %min3A_1245 = vector.broadcast %transpose3A_185 : vector<128x1xf32> to vector<128x128xf32>
        %min3A_1246 = vector.broadcast %slice3A_1234 : vector<1x128xf32> to vector<128x128xf32>
        %min3A_1247 = arith.minimumf %min3A_1245, %min3A_1246 : vector<128x128xf32>
        %min3A_1248 = vector.broadcast %transpose3A_186 : vector<128x1xf32> to vector<128x128xf32>
        %min3A_1249 = vector.broadcast %slice3A_1235 : vector<1x128xf32> to vector<128x128xf32>
        %min3A_1250 = arith.minimumf %min3A_1248, %min3A_1249 : vector<128x128xf32>
        %sub3A_1251 = arith.subf %min3A_1247, %max3A_1241 : vector<128x128xf32>
        %max3A_1252 = arith.constant 0.000000e+00 : f32
        %max3A_1253 = vector.broadcast %max3A_1252 : f32 to vector<128x128xf32>
        %max3A_1254 = arith.maximumf %sub3A_1251, %max3A_1253 : vector<128x128xf32>
        %sub3A_1255 = arith.subf %min3A_1250, %max3A_1244 : vector<128x128xf32>
        %max3A_1256 = arith.constant 0.000000e+00 : f32
        %max3A_1257 = vector.broadcast %max3A_1256 : f32 to vector<128x128xf32>
        %max3A_1258 = arith.maximumf %sub3A_1255, %max3A_1257 : vector<128x128xf32>
        %mul3A_1259 = arith.mulf %max3A_1254, %max3A_1258 : vector<128x128xf32>
        %add3A_1260 = vector.broadcast %mul3A_189 : vector<128x1xf32> to vector<128x128xf32>
        %add3A_1261 = vector.broadcast %mul3A_1238 : vector<1x128xf32> to vector<128x128xf32>
        %add3A_1262 = arith.addf %add3A_1260, %add3A_1261 : vector<128x128xf32>
        %sub3A_1263 = arith.subf %add3A_1262, %mul3A_1259 : vector<128x128xf32>
        %mul3A_1264 = arith.constant 5.000000e-01 : f32
        %mul3A_1265 = vector.broadcast %mul3A_1264 : f32 to vector<128x128xf32>
        %mul3A_1266 = arith.mulf %mul3A_1265, %sub3A_1263 : vector<128x128xf32>
        %ge3A_1267 = arith.cmpf oge, %mul3A_1259, %mul3A_1266 : vector<128x128xf32>
        %gt3A_1268 = arith.constant 0.000000e+00 : f32
        %gt3A_1269 = vector.broadcast %gt3A_1268 : f32 to vector<128x128xf32>
        %gt3A_1270 = arith.cmpf ogt, %sub3A_1263, %gt3A_1269 : vector<128x128xf32>
        %and3A_1271 = arith.andi %ge3A_1267, %gt3A_1270 : vector<128x128xi1>
        %convert_element_type3A_1272 = arith.extui %and3A_1271 : vector<128x128xi1> to vector<128x128xi32>
        %convert_element_type3A_1273 = arith.sitofp %convert_element_type3A_1272 : vector<128x128xi32> to vector<128x128xf32>
        %dot_general3A_1274 = arith.constant dense<0.000000e+00> : vector<1x128xf32>
        %dot_general3A_1275 = tpu.matmul %while3A_308#2, %convert_element_type3A_1273, %dot_general3A_1274 {dimension_numbers = #tpu.dot_dimension_numbers<[1], [0], [0], [1], [0, 0, 1, 1], [], []>, transpose_lhs_hint = false} : vector<1x128xf32>, vector<128x128xf32>, vector<1x128xf32> -> vector<1x128xf32>
        %slice3A_1276 = vector.extract_strided_slice %get3A_1169 {offsets = [2, 0], sizes = [1, 128], strides = [1, 1]} : vector<8x128xf32> to vector<1x128xf32>
        %slice3A_1277 = vector.extract_strided_slice %get3A_1175 {offsets = [2, 0], sizes = [1, 128], strides = [1, 1]} : vector<8x128xf32> to vector<1x128xf32>
        %slice3A_1278 = vector.extract_strided_slice %get3A_1181 {offsets = [2, 0], sizes = [1, 128], strides = [1, 1]} : vector<8x128xf32> to vector<1x128xf32>
        %slice3A_1279 = vector.extract_strided_slice %get3A_1187 {offsets = [2, 0], sizes = [1, 128], strides = [1, 1]} : vector<8x128xf32> to vector<1x128xf32>
        %sub3A_1280 = arith.subf %slice3A_1278, %slice3A_1276 : vector<1x128xf32>
        %sub3A_1281 = arith.subf %slice3A_1279, %slice3A_1277 : vector<1x128xf32>
        %mul3A_1282 = arith.mulf %sub3A_1280, %sub3A_1281 : vector<1x128xf32>
        %max3A_1283 = vector.broadcast %transpose3A_183 : vector<128x1xf32> to vector<128x128xf32>
        %max3A_1284 = vector.broadcast %slice3A_1276 : vector<1x128xf32> to vector<128x128xf32>
        %max3A_1285 = arith.maximumf %max3A_1283, %max3A_1284 : vector<128x128xf32>
        %max3A_1286 = vector.broadcast %transpose3A_184 : vector<128x1xf32> to vector<128x128xf32>
        %max3A_1287 = vector.broadcast %slice3A_1277 : vector<1x128xf32> to vector<128x128xf32>
        %max3A_1288 = arith.maximumf %max3A_1286, %max3A_1287 : vector<128x128xf32>
        %min3A_1289 = vector.broadcast %transpose3A_185 : vector<128x1xf32> to vector<128x128xf32>
        %min3A_1290 = vector.broadcast %slice3A_1278 : vector<1x128xf32> to vector<128x128xf32>
        %min3A_1291 = arith.minimumf %min3A_1289, %min3A_1290 : vector<128x128xf32>
        %min3A_1292 = vector.broadcast %transpose3A_186 : vector<128x1xf32> to vector<128x128xf32>
        %min3A_1293 = vector.broadcast %slice3A_1279 : vector<1x128xf32> to vector<128x128xf32>
        %min3A_1294 = arith.minimumf %min3A_1292, %min3A_1293 : vector<128x128xf32>
        %sub3A_1295 = arith.subf %min3A_1291, %max3A_1285 : vector<128x128xf32>
        %max3A_1296 = arith.constant 0.000000e+00 : f32
        %max3A_1297 = vector.broadcast %max3A_1296 : f32 to vector<128x128xf32>
        %max3A_1298 = arith.maximumf %sub3A_1295, %max3A_1297 : vector<128x128xf32>
        %sub3A_1299 = arith.subf %min3A_1294, %max3A_1288 : vector<128x128xf32>
        %max3A_1300 = arith.constant 0.000000e+00 : f32
        %max3A_1301 = vector.broadcast %max3A_1300 : f32 to vector<128x128xf32>
        %max3A_1302 = arith.maximumf %sub3A_1299, %max3A_1301 : vector<128x128xf32>
        %mul3A_1303 = arith.mulf %max3A_1298, %max3A_1302 : vector<128x128xf32>
        %add3A_1304 = vector.broadcast %mul3A_189 : vector<128x1xf32> to vector<128x128xf32>
        %add3A_1305 = vector.broadcast %mul3A_1282 : vector<1x128xf32> to vector<128x128xf32>
        %add3A_1306 = arith.addf %add3A_1304, %add3A_1305 : vector<128x128xf32>
        %sub3A_1307 = arith.subf %add3A_1306, %mul3A_1303 : vector<128x128xf32>
        %mul3A_1308 = arith.constant 5.000000e-01 : f32
        %mul3A_1309 = vector.broadcast %mul3A_1308 : f32 to vector<128x128xf32>
        %mul3A_1310 = arith.mulf %mul3A_1309, %sub3A_1307 : vector<128x128xf32>
        %ge3A_1311 = arith.cmpf oge, %mul3A_1303, %mul3A_1310 : vector<128x128xf32>
        %gt3A_1312 = arith.constant 0.000000e+00 : f32
        %gt3A_1313 = vector.broadcast %gt3A_1312 : f32 to vector<128x128xf32>
        %gt3A_1314 = arith.cmpf ogt, %sub3A_1307, %gt3A_1313 : vector<128x128xf32>
        %and3A_1315 = arith.andi %ge3A_1311, %gt3A_1314 : vector<128x128xi1>
        %convert_element_type3A_1316 = arith.extui %and3A_1315 : vector<128x128xi1> to vector<128x128xi32>
        %convert_element_type3A_1317 = arith.sitofp %convert_element_type3A_1316 : vector<128x128xi32> to vector<128x128xf32>
        %dot_general3A_1318 = arith.constant dense<0.000000e+00> : vector<1x128xf32>
        %dot_general3A_1319 = tpu.matmul %while3A_308#2, %convert_element_type3A_1317, %dot_general3A_1318 {dimension_numbers = #tpu.dot_dimension_numbers<[1], [0], [0], [1], [0, 0, 1, 1], [], []>, transpose_lhs_hint = false} : vector<1x128xf32>, vector<128x128xf32>, vector<1x128xf32> -> vector<1x128xf32>
        %slice3A_1320 = vector.extract_strided_slice %get3A_1169 {offsets = [3, 0], sizes = [1, 128], strides = [1, 1]} : vector<8x128xf32> to vector<1x128xf32>
        %slice3A_1321 = vector.extract_strided_slice %get3A_1175 {offsets = [3, 0], sizes = [1, 128], strides = [1, 1]} : vector<8x128xf32> to vector<1x128xf32>
        %slice3A_1322 = vector.extract_strided_slice %get3A_1181 {offsets = [3, 0], sizes = [1, 128], strides = [1, 1]} : vector<8x128xf32> to vector<1x128xf32>
        %slice3A_1323 = vector.extract_strided_slice %get3A_1187 {offsets = [3, 0], sizes = [1, 128], strides = [1, 1]} : vector<8x128xf32> to vector<1x128xf32>
        %sub3A_1324 = arith.subf %slice3A_1322, %slice3A_1320 : vector<1x128xf32>
        %sub3A_1325 = arith.subf %slice3A_1323, %slice3A_1321 : vector<1x128xf32>
        %mul3A_1326 = arith.mulf %sub3A_1324, %sub3A_1325 : vector<1x128xf32>
        %max3A_1327 = vector.broadcast %transpose3A_183 : vector<128x1xf32> to vector<128x128xf32>
        %max3A_1328 = vector.broadcast %slice3A_1320 : vector<1x128xf32> to vector<128x128xf32>
        %max3A_1329 = arith.maximumf %max3A_1327, %max3A_1328 : vector<128x128xf32>
        %max3A_1330 = vector.broadcast %transpose3A_184 : vector<128x1xf32> to vector<128x128xf32>
        %max3A_1331 = vector.broadcast %slice3A_1321 : vector<1x128xf32> to vector<128x128xf32>
        %max3A_1332 = arith.maximumf %max3A_1330, %max3A_1331 : vector<128x128xf32>
        %min3A_1333 = vector.broadcast %transpose3A_185 : vector<128x1xf32> to vector<128x128xf32>
        %min3A_1334 = vector.broadcast %slice3A_1322 : vector<1x128xf32> to vector<128x128xf32>
        %min3A_1335 = arith.minimumf %min3A_1333, %min3A_1334 : vector<128x128xf32>
        %min3A_1336 = vector.broadcast %transpose3A_186 : vector<128x1xf32> to vector<128x128xf32>
        %min3A_1337 = vector.broadcast %slice3A_1323 : vector<1x128xf32> to vector<128x128xf32>
        %min3A_1338 = arith.minimumf %min3A_1336, %min3A_1337 : vector<128x128xf32>
        %sub3A_1339 = arith.subf %min3A_1335, %max3A_1329 : vector<128x128xf32>
        %max3A_1340 = arith.constant 0.000000e+00 : f32
        %max3A_1341 = vector.broadcast %max3A_1340 : f32 to vector<128x128xf32>
        %max3A_1342 = arith.maximumf %sub3A_1339, %max3A_1341 : vector<128x128xf32>
        %sub3A_1343 = arith.subf %min3A_1338, %max3A_1332 : vector<128x128xf32>
        %max3A_1344 = arith.constant 0.000000e+00 : f32
        %max3A_1345 = vector.broadcast %max3A_1344 : f32 to vector<128x128xf32>
        %max3A_1346 = arith.maximumf %sub3A_1343, %max3A_1345 : vector<128x128xf32>
        %mul3A_1347 = arith.mulf %max3A_1342, %max3A_1346 : vector<128x128xf32>
        %add3A_1348 = vector.broadcast %mul3A_189 : vector<128x1xf32> to vector<128x128xf32>
        %add3A_1349 = vector.broadcast %mul3A_1326 : vector<1x128xf32> to vector<128x128xf32>
        %add3A_1350 = arith.addf %add3A_1348, %add3A_1349 : vector<128x128xf32>
        %sub3A_1351 = arith.subf %add3A_1350, %mul3A_1347 : vector<128x128xf32>
        %mul3A_1352 = arith.constant 5.000000e-01 : f32
        %mul3A_1353 = vector.broadcast %mul3A_1352 : f32 to vector<128x128xf32>
        %mul3A_1354 = arith.mulf %mul3A_1353, %sub3A_1351 : vector<128x128xf32>
        %ge3A_1355 = arith.cmpf oge, %mul3A_1347, %mul3A_1354 : vector<128x128xf32>
        %gt3A_1356 = arith.constant 0.000000e+00 : f32
        %gt3A_1357 = vector.broadcast %gt3A_1356 : f32 to vector<128x128xf32>
        %gt3A_1358 = arith.cmpf ogt, %sub3A_1351, %gt3A_1357 : vector<128x128xf32>
        %and3A_1359 = arith.andi %ge3A_1355, %gt3A_1358 : vector<128x128xi1>
        %convert_element_type3A_1360 = arith.extui %and3A_1359 : vector<128x128xi1> to vector<128x128xi32>
        %convert_element_type3A_1361 = arith.sitofp %convert_element_type3A_1360 : vector<128x128xi32> to vector<128x128xf32>
        %dot_general3A_1362 = arith.constant dense<0.000000e+00> : vector<1x128xf32>
        %dot_general3A_1363 = tpu.matmul %while3A_308#2, %convert_element_type3A_1361, %dot_general3A_1362 {dimension_numbers = #tpu.dot_dimension_numbers<[1], [0], [0], [1], [0, 0, 1, 1], [], []>, transpose_lhs_hint = false} : vector<1x128xf32>, vector<128x128xf32>, vector<1x128xf32> -> vector<1x128xf32>
        %slice3A_1364 = vector.extract_strided_slice %get3A_1169 {offsets = [4, 0], sizes = [1, 128], strides = [1, 1]} : vector<8x128xf32> to vector<1x128xf32>
        %slice3A_1365 = vector.extract_strided_slice %get3A_1175 {offsets = [4, 0], sizes = [1, 128], strides = [1, 1]} : vector<8x128xf32> to vector<1x128xf32>
        %slice3A_1366 = vector.extract_strided_slice %get3A_1181 {offsets = [4, 0], sizes = [1, 128], strides = [1, 1]} : vector<8x128xf32> to vector<1x128xf32>
        %slice3A_1367 = vector.extract_strided_slice %get3A_1187 {offsets = [4, 0], sizes = [1, 128], strides = [1, 1]} : vector<8x128xf32> to vector<1x128xf32>
        %sub3A_1368 = arith.subf %slice3A_1366, %slice3A_1364 : vector<1x128xf32>
        %sub3A_1369 = arith.subf %slice3A_1367, %slice3A_1365 : vector<1x128xf32>
        %mul3A_1370 = arith.mulf %sub3A_1368, %sub3A_1369 : vector<1x128xf32>
        %max3A_1371 = vector.broadcast %transpose3A_183 : vector<128x1xf32> to vector<128x128xf32>
        %max3A_1372 = vector.broadcast %slice3A_1364 : vector<1x128xf32> to vector<128x128xf32>
        %max3A_1373 = arith.maximumf %max3A_1371, %max3A_1372 : vector<128x128xf32>
        %max3A_1374 = vector.broadcast %transpose3A_184 : vector<128x1xf32> to vector<128x128xf32>
        %max3A_1375 = vector.broadcast %slice3A_1365 : vector<1x128xf32> to vector<128x128xf32>
        %max3A_1376 = arith.maximumf %max3A_1374, %max3A_1375 : vector<128x128xf32>
        %min3A_1377 = vector.broadcast %transpose3A_185 : vector<128x1xf32> to vector<128x128xf32>
        %min3A_1378 = vector.broadcast %slice3A_1366 : vector<1x128xf32> to vector<128x128xf32>
        %min3A_1379 = arith.minimumf %min3A_1377, %min3A_1378 : vector<128x128xf32>
        %min3A_1380 = vector.broadcast %transpose3A_186 : vector<128x1xf32> to vector<128x128xf32>
        %min3A_1381 = vector.broadcast %slice3A_1367 : vector<1x128xf32> to vector<128x128xf32>
        %min3A_1382 = arith.minimumf %min3A_1380, %min3A_1381 : vector<128x128xf32>
        %sub3A_1383 = arith.subf %min3A_1379, %max3A_1373 : vector<128x128xf32>
        %max3A_1384 = arith.constant 0.000000e+00 : f32
        %max3A_1385 = vector.broadcast %max3A_1384 : f32 to vector<128x128xf32>
        %max3A_1386 = arith.maximumf %sub3A_1383, %max3A_1385 : vector<128x128xf32>
        %sub3A_1387 = arith.subf %min3A_1382, %max3A_1376 : vector<128x128xf32>
        %max3A_1388 = arith.constant 0.000000e+00 : f32
        %max3A_1389 = vector.broadcast %max3A_1388 : f32 to vector<128x128xf32>
        %max3A_1390 = arith.maximumf %sub3A_1387, %max3A_1389 : vector<128x128xf32>
        %mul3A_1391 = arith.mulf %max3A_1386, %max3A_1390 : vector<128x128xf32>
        %add3A_1392 = vector.broadcast %mul3A_189 : vector<128x1xf32> to vector<128x128xf32>
        %add3A_1393 = vector.broadcast %mul3A_1370 : vector<1x128xf32> to vector<128x128xf32>
        %add3A_1394 = arith.addf %add3A_1392, %add3A_1393 : vector<128x128xf32>
        %sub3A_1395 = arith.subf %add3A_1394, %mul3A_1391 : vector<128x128xf32>
        %mul3A_1396 = arith.constant 5.000000e-01 : f32
        %mul3A_1397 = vector.broadcast %mul3A_1396 : f32 to vector<128x128xf32>
        %mul3A_1398 = arith.mulf %mul3A_1397, %sub3A_1395 : vector<128x128xf32>
        %ge3A_1399 = arith.cmpf oge, %mul3A_1391, %mul3A_1398 : vector<128x128xf32>
        %gt3A_1400 = arith.constant 0.000000e+00 : f32
        %gt3A_1401 = vector.broadcast %gt3A_1400 : f32 to vector<128x128xf32>
        %gt3A_1402 = arith.cmpf ogt, %sub3A_1395, %gt3A_1401 : vector<128x128xf32>
        %and3A_1403 = arith.andi %ge3A_1399, %gt3A_1402 : vector<128x128xi1>
        %convert_element_type3A_1404 = arith.extui %and3A_1403 : vector<128x128xi1> to vector<128x128xi32>
        %convert_element_type3A_1405 = arith.sitofp %convert_element_type3A_1404 : vector<128x128xi32> to vector<128x128xf32>
        %dot_general3A_1406 = arith.constant dense<0.000000e+00> : vector<1x128xf32>
        %dot_general3A_1407 = tpu.matmul %while3A_308#2, %convert_element_type3A_1405, %dot_general3A_1406 {dimension_numbers = #tpu.dot_dimension_numbers<[1], [0], [0], [1], [0, 0, 1, 1], [], []>, transpose_lhs_hint = false} : vector<1x128xf32>, vector<128x128xf32>, vector<1x128xf32> -> vector<1x128xf32>
        %slice3A_1408 = vector.extract_strided_slice %get3A_1169 {offsets = [5, 0], sizes = [1, 128], strides = [1, 1]} : vector<8x128xf32> to vector<1x128xf32>
        %slice3A_1409 = vector.extract_strided_slice %get3A_1175 {offsets = [5, 0], sizes = [1, 128], strides = [1, 1]} : vector<8x128xf32> to vector<1x128xf32>
        %slice3A_1410 = vector.extract_strided_slice %get3A_1181 {offsets = [5, 0], sizes = [1, 128], strides = [1, 1]} : vector<8x128xf32> to vector<1x128xf32>
        %slice3A_1411 = vector.extract_strided_slice %get3A_1187 {offsets = [5, 0], sizes = [1, 128], strides = [1, 1]} : vector<8x128xf32> to vector<1x128xf32>
        %sub3A_1412 = arith.subf %slice3A_1410, %slice3A_1408 : vector<1x128xf32>
        %sub3A_1413 = arith.subf %slice3A_1411, %slice3A_1409 : vector<1x128xf32>
        %mul3A_1414 = arith.mulf %sub3A_1412, %sub3A_1413 : vector<1x128xf32>
        %max3A_1415 = vector.broadcast %transpose3A_183 : vector<128x1xf32> to vector<128x128xf32>
        %max3A_1416 = vector.broadcast %slice3A_1408 : vector<1x128xf32> to vector<128x128xf32>
        %max3A_1417 = arith.maximumf %max3A_1415, %max3A_1416 : vector<128x128xf32>
        %max3A_1418 = vector.broadcast %transpose3A_184 : vector<128x1xf32> to vector<128x128xf32>
        %max3A_1419 = vector.broadcast %slice3A_1409 : vector<1x128xf32> to vector<128x128xf32>
        %max3A_1420 = arith.maximumf %max3A_1418, %max3A_1419 : vector<128x128xf32>
        %min3A_1421 = vector.broadcast %transpose3A_185 : vector<128x1xf32> to vector<128x128xf32>
        %min3A_1422 = vector.broadcast %slice3A_1410 : vector<1x128xf32> to vector<128x128xf32>
        %min3A_1423 = arith.minimumf %min3A_1421, %min3A_1422 : vector<128x128xf32>
        %min3A_1424 = vector.broadcast %transpose3A_186 : vector<128x1xf32> to vector<128x128xf32>
        %min3A_1425 = vector.broadcast %slice3A_1411 : vector<1x128xf32> to vector<128x128xf32>
        %min3A_1426 = arith.minimumf %min3A_1424, %min3A_1425 : vector<128x128xf32>
        %sub3A_1427 = arith.subf %min3A_1423, %max3A_1417 : vector<128x128xf32>
        %max3A_1428 = arith.constant 0.000000e+00 : f32
        %max3A_1429 = vector.broadcast %max3A_1428 : f32 to vector<128x128xf32>
        %max3A_1430 = arith.maximumf %sub3A_1427, %max3A_1429 : vector<128x128xf32>
        %sub3A_1431 = arith.subf %min3A_1426, %max3A_1420 : vector<128x128xf32>
        %max3A_1432 = arith.constant 0.000000e+00 : f32
        %max3A_1433 = vector.broadcast %max3A_1432 : f32 to vector<128x128xf32>
        %max3A_1434 = arith.maximumf %sub3A_1431, %max3A_1433 : vector<128x128xf32>
        %mul3A_1435 = arith.mulf %max3A_1430, %max3A_1434 : vector<128x128xf32>
        %add3A_1436 = vector.broadcast %mul3A_189 : vector<128x1xf32> to vector<128x128xf32>
        %add3A_1437 = vector.broadcast %mul3A_1414 : vector<1x128xf32> to vector<128x128xf32>
        %add3A_1438 = arith.addf %add3A_1436, %add3A_1437 : vector<128x128xf32>
        %sub3A_1439 = arith.subf %add3A_1438, %mul3A_1435 : vector<128x128xf32>
        %mul3A_1440 = arith.constant 5.000000e-01 : f32
        %mul3A_1441 = vector.broadcast %mul3A_1440 : f32 to vector<128x128xf32>
        %mul3A_1442 = arith.mulf %mul3A_1441, %sub3A_1439 : vector<128x128xf32>
        %ge3A_1443 = arith.cmpf oge, %mul3A_1435, %mul3A_1442 : vector<128x128xf32>
        %gt3A_1444 = arith.constant 0.000000e+00 : f32
        %gt3A_1445 = vector.broadcast %gt3A_1444 : f32 to vector<128x128xf32>
        %gt3A_1446 = arith.cmpf ogt, %sub3A_1439, %gt3A_1445 : vector<128x128xf32>
        %and3A_1447 = arith.andi %ge3A_1443, %gt3A_1446 : vector<128x128xi1>
        %convert_element_type3A_1448 = arith.extui %and3A_1447 : vector<128x128xi1> to vector<128x128xi32>
        %convert_element_type3A_1449 = arith.sitofp %convert_element_type3A_1448 : vector<128x128xi32> to vector<128x128xf32>
        %dot_general3A_1450 = arith.constant dense<0.000000e+00> : vector<1x128xf32>
        %dot_general3A_1451 = tpu.matmul %while3A_308#2, %convert_element_type3A_1449, %dot_general3A_1450 {dimension_numbers = #tpu.dot_dimension_numbers<[1], [0], [0], [1], [0, 0, 1, 1], [], []>, transpose_lhs_hint = false} : vector<1x128xf32>, vector<128x128xf32>, vector<1x128xf32> -> vector<1x128xf32>
        %slice3A_1452 = vector.extract_strided_slice %get3A_1169 {offsets = [6, 0], sizes = [1, 128], strides = [1, 1]} : vector<8x128xf32> to vector<1x128xf32>
        %slice3A_1453 = vector.extract_strided_slice %get3A_1175 {offsets = [6, 0], sizes = [1, 128], strides = [1, 1]} : vector<8x128xf32> to vector<1x128xf32>
        %slice3A_1454 = vector.extract_strided_slice %get3A_1181 {offsets = [6, 0], sizes = [1, 128], strides = [1, 1]} : vector<8x128xf32> to vector<1x128xf32>
        %slice3A_1455 = vector.extract_strided_slice %get3A_1187 {offsets = [6, 0], sizes = [1, 128], strides = [1, 1]} : vector<8x128xf32> to vector<1x128xf32>
        %sub3A_1456 = arith.subf %slice3A_1454, %slice3A_1452 : vector<1x128xf32>
        %sub3A_1457 = arith.subf %slice3A_1455, %slice3A_1453 : vector<1x128xf32>
        %mul3A_1458 = arith.mulf %sub3A_1456, %sub3A_1457 : vector<1x128xf32>
        %max3A_1459 = vector.broadcast %transpose3A_183 : vector<128x1xf32> to vector<128x128xf32>
        %max3A_1460 = vector.broadcast %slice3A_1452 : vector<1x128xf32> to vector<128x128xf32>
        %max3A_1461 = arith.maximumf %max3A_1459, %max3A_1460 : vector<128x128xf32>
        %max3A_1462 = vector.broadcast %transpose3A_184 : vector<128x1xf32> to vector<128x128xf32>
        %max3A_1463 = vector.broadcast %slice3A_1453 : vector<1x128xf32> to vector<128x128xf32>
        %max3A_1464 = arith.maximumf %max3A_1462, %max3A_1463 : vector<128x128xf32>
        %min3A_1465 = vector.broadcast %transpose3A_185 : vector<128x1xf32> to vector<128x128xf32>
        %min3A_1466 = vector.broadcast %slice3A_1454 : vector<1x128xf32> to vector<128x128xf32>
        %min3A_1467 = arith.minimumf %min3A_1465, %min3A_1466 : vector<128x128xf32>
        %min3A_1468 = vector.broadcast %transpose3A_186 : vector<128x1xf32> to vector<128x128xf32>
        %min3A_1469 = vector.broadcast %slice3A_1455 : vector<1x128xf32> to vector<128x128xf32>
        %min3A_1470 = arith.minimumf %min3A_1468, %min3A_1469 : vector<128x128xf32>
        %sub3A_1471 = arith.subf %min3A_1467, %max3A_1461 : vector<128x128xf32>
        %max3A_1472 = arith.constant 0.000000e+00 : f32
        %max3A_1473 = vector.broadcast %max3A_1472 : f32 to vector<128x128xf32>
        %max3A_1474 = arith.maximumf %sub3A_1471, %max3A_1473 : vector<128x128xf32>
        %sub3A_1475 = arith.subf %min3A_1470, %max3A_1464 : vector<128x128xf32>
        %max3A_1476 = arith.constant 0.000000e+00 : f32
        %max3A_1477 = vector.broadcast %max3A_1476 : f32 to vector<128x128xf32>
        %max3A_1478 = arith.maximumf %sub3A_1475, %max3A_1477 : vector<128x128xf32>
        %mul3A_1479 = arith.mulf %max3A_1474, %max3A_1478 : vector<128x128xf32>
        %add3A_1480 = vector.broadcast %mul3A_189 : vector<128x1xf32> to vector<128x128xf32>
        %add3A_1481 = vector.broadcast %mul3A_1458 : vector<1x128xf32> to vector<128x128xf32>
        %add3A_1482 = arith.addf %add3A_1480, %add3A_1481 : vector<128x128xf32>
        %sub3A_1483 = arith.subf %add3A_1482, %mul3A_1479 : vector<128x128xf32>
        %mul3A_1484 = arith.constant 5.000000e-01 : f32
        %mul3A_1485 = vector.broadcast %mul3A_1484 : f32 to vector<128x128xf32>
        %mul3A_1486 = arith.mulf %mul3A_1485, %sub3A_1483 : vector<128x128xf32>
        %ge3A_1487 = arith.cmpf oge, %mul3A_1479, %mul3A_1486 : vector<128x128xf32>
        %gt3A_1488 = arith.constant 0.000000e+00 : f32
        %gt3A_1489 = vector.broadcast %gt3A_1488 : f32 to vector<128x128xf32>
        %gt3A_1490 = arith.cmpf ogt, %sub3A_1483, %gt3A_1489 : vector<128x128xf32>
        %and3A_1491 = arith.andi %ge3A_1487, %gt3A_1490 : vector<128x128xi1>
        %convert_element_type3A_1492 = arith.extui %and3A_1491 : vector<128x128xi1> to vector<128x128xi32>
        %convert_element_type3A_1493 = arith.sitofp %convert_element_type3A_1492 : vector<128x128xi32> to vector<128x128xf32>
        %dot_general3A_1494 = arith.constant dense<0.000000e+00> : vector<1x128xf32>
        %dot_general3A_1495 = tpu.matmul %while3A_308#2, %convert_element_type3A_1493, %dot_general3A_1494 {dimension_numbers = #tpu.dot_dimension_numbers<[1], [0], [0], [1], [0, 0, 1, 1], [], []>, transpose_lhs_hint = false} : vector<1x128xf32>, vector<128x128xf32>, vector<1x128xf32> -> vector<1x128xf32>
        %slice3A_1496 = vector.extract_strided_slice %get3A_1169 {offsets = [7, 0], sizes = [1, 128], strides = [1, 1]} : vector<8x128xf32> to vector<1x128xf32>
        %slice3A_1497 = vector.extract_strided_slice %get3A_1175 {offsets = [7, 0], sizes = [1, 128], strides = [1, 1]} : vector<8x128xf32> to vector<1x128xf32>
        %slice3A_1498 = vector.extract_strided_slice %get3A_1181 {offsets = [7, 0], sizes = [1, 128], strides = [1, 1]} : vector<8x128xf32> to vector<1x128xf32>
        %slice3A_1499 = vector.extract_strided_slice %get3A_1187 {offsets = [7, 0], sizes = [1, 128], strides = [1, 1]} : vector<8x128xf32> to vector<1x128xf32>
        %sub3A_1500 = arith.subf %slice3A_1498, %slice3A_1496 : vector<1x128xf32>
        %sub3A_1501 = arith.subf %slice3A_1499, %slice3A_1497 : vector<1x128xf32>
        %mul3A_1502 = arith.mulf %sub3A_1500, %sub3A_1501 : vector<1x128xf32>
        %max3A_1503 = vector.broadcast %transpose3A_183 : vector<128x1xf32> to vector<128x128xf32>
        %max3A_1504 = vector.broadcast %slice3A_1496 : vector<1x128xf32> to vector<128x128xf32>
        %max3A_1505 = arith.maximumf %max3A_1503, %max3A_1504 : vector<128x128xf32>
        %max3A_1506 = vector.broadcast %transpose3A_184 : vector<128x1xf32> to vector<128x128xf32>
        %max3A_1507 = vector.broadcast %slice3A_1497 : vector<1x128xf32> to vector<128x128xf32>
        %max3A_1508 = arith.maximumf %max3A_1506, %max3A_1507 : vector<128x128xf32>
        %min3A_1509 = vector.broadcast %transpose3A_185 : vector<128x1xf32> to vector<128x128xf32>
        %min3A_1510 = vector.broadcast %slice3A_1498 : vector<1x128xf32> to vector<128x128xf32>
        %min3A_1511 = arith.minimumf %min3A_1509, %min3A_1510 : vector<128x128xf32>
        %min3A_1512 = vector.broadcast %transpose3A_186 : vector<128x1xf32> to vector<128x128xf32>
        %min3A_1513 = vector.broadcast %slice3A_1499 : vector<1x128xf32> to vector<128x128xf32>
        %min3A_1514 = arith.minimumf %min3A_1512, %min3A_1513 : vector<128x128xf32>
        %sub3A_1515 = arith.subf %min3A_1511, %max3A_1505 : vector<128x128xf32>
        %max3A_1516 = arith.constant 0.000000e+00 : f32
        %max3A_1517 = vector.broadcast %max3A_1516 : f32 to vector<128x128xf32>
        %max3A_1518 = arith.maximumf %sub3A_1515, %max3A_1517 : vector<128x128xf32>
        %sub3A_1519 = arith.subf %min3A_1514, %max3A_1508 : vector<128x128xf32>
        %max3A_1520 = arith.constant 0.000000e+00 : f32
        %max3A_1521 = vector.broadcast %max3A_1520 : f32 to vector<128x128xf32>
        %max3A_1522 = arith.maximumf %sub3A_1519, %max3A_1521 : vector<128x128xf32>
        %mul3A_1523 = arith.mulf %max3A_1518, %max3A_1522 : vector<128x128xf32>
        %add3A_1524 = vector.broadcast %mul3A_189 : vector<128x1xf32> to vector<128x128xf32>
        %add3A_1525 = vector.broadcast %mul3A_1502 : vector<1x128xf32> to vector<128x128xf32>
        %add3A_1526 = arith.addf %add3A_1524, %add3A_1525 : vector<128x128xf32>
        %sub3A_1527 = arith.subf %add3A_1526, %mul3A_1523 : vector<128x128xf32>
        %mul3A_1528 = arith.constant 5.000000e-01 : f32
        %mul3A_1529 = vector.broadcast %mul3A_1528 : f32 to vector<128x128xf32>
        %mul3A_1530 = arith.mulf %mul3A_1529, %sub3A_1527 : vector<128x128xf32>
        %ge3A_1531 = arith.cmpf oge, %mul3A_1523, %mul3A_1530 : vector<128x128xf32>
        %gt3A_1532 = arith.constant 0.000000e+00 : f32
        %gt3A_1533 = vector.broadcast %gt3A_1532 : f32 to vector<128x128xf32>
        %gt3A_1534 = arith.cmpf ogt, %sub3A_1527, %gt3A_1533 : vector<128x128xf32>
        %and3A_1535 = arith.andi %ge3A_1531, %gt3A_1534 : vector<128x128xi1>
        %convert_element_type3A_1536 = arith.extui %and3A_1535 : vector<128x128xi1> to vector<128x128xi32>
        %convert_element_type3A_1537 = arith.sitofp %convert_element_type3A_1536 : vector<128x128xi32> to vector<128x128xf32>
        %dot_general3A_1538 = arith.constant dense<0.000000e+00> : vector<1x128xf32>
        %dot_general3A_1539 = tpu.matmul %while3A_308#2, %convert_element_type3A_1537, %dot_general3A_1538 {dimension_numbers = #tpu.dot_dimension_numbers<[1], [0], [0], [1], [0, 0, 1, 1], [], []>, transpose_lhs_hint = false} : vector<1x128xf32>, vector<128x128xf32>, vector<1x128xf32> -> vector<1x128xf32>
        %concatenate3A_1540 = tpu.concatenate %dot_general3A_1231, %dot_general3A_1275, %dot_general3A_1319, %dot_general3A_1363, %dot_general3A_1407, %dot_general3A_1451, %dot_general3A_1495, %dot_general3A_1539 in 0 : vector<1x128xf32>, vector<1x128xf32>, vector<1x128xf32>, vector<1x128xf32>, vector<1x128xf32>, vector<1x128xf32>, vector<1x128xf32>, vector<1x128xf32> -> vector<8x128xf32>
        %le3A_1541 = arith.constant 0.000000e+00 : f32
        %le3A_1542 = vector.broadcast %le3A_1541 : f32 to vector<8x128xf32>
        %le3A_1543 = arith.cmpf ole, %concatenate3A_1540, %le3A_1542 : vector<8x128xf32>
        %convert_element_type3A_1544 = arith.extui %le3A_1543 : vector<8x128xi1> to vector<8x128xi32>
        %convert_element_type3A_1545 = arith.sitofp %convert_element_type3A_1544 : vector<8x128xi32> to vector<8x128xf32>
        %get3A_1546 = arith.constant 0 : index
        %get3A_1547 = arith.constant 2 : index
        %get3A_1548 = arith.index_cast %add3A_375 : i32 to index
        %get3A_1549 = arith.constant 0 : index
        %get3A_1550 = vector.load %arg5[%get3A_1546, %get3A_1547, %get3A_1548, %get3A_1549] : memref<1x4x48x128xf32, #tpu.memory_space<vmem>>, vector<1x1x8x128xf32>
        %get3A_1551 = vector.shape_cast %get3A_1550 : vector<1x1x8x128xf32> to vector<8x128xf32>
        %mul3A_1552 = arith.mulf %get3A_1551, %convert_element_type3A_1545 : vector<8x128xf32>
        %swap3A_1553 = arith.constant 0 : index
        %swap3A_1554 = arith.constant 2 : index
        %swap3A_1555 = arith.index_cast %add3A_375 : i32 to index
        %swap3A_1556 = arith.constant 0 : index
        %swap3A_1557 = vector.load %arg5[%swap3A_1553, %swap3A_1554, %swap3A_1555, %swap3A_1556] : memref<1x4x48x128xf32, #tpu.memory_space<vmem>>, vector<1x1x8x128xf32>
        %swap3A_1558 = vector.shape_cast %swap3A_1557 : vector<1x1x8x128xf32> to vector<8x128xf32>
        %swap3A_1559 = vector.shape_cast %mul3A_1552 : vector<8x128xf32> to vector<1x1x8x128xf32>
        tpu.vector_store %arg5[%swap3A_1553, %swap3A_1554, %swap3A_1555, %swap3A_1556], %swap3A_1559 {strides = array<i32>} : memref<1x4x48x128xf32, #tpu.memory_space<vmem>>, vector<1x1x8x128xf32>,
        %get3A_1560 = arith.constant 0 : index
        %get3A_1561 = arith.constant 3 : index
        %get3A_1562 = arith.index_cast %add3A_375 : i32 to index
        %get3A_1563 = arith.constant 0 : index
        %get3A_1564 = vector.load %arg1[%get3A_1560, %get3A_1561, %get3A_1562, %get3A_1563] : memref<1x4x48x128xf32, #tpu.memory_space<vmem>>, vector<1x1x8x128xf32>
        %get3A_1565 = vector.shape_cast %get3A_1564 : vector<1x1x8x128xf32> to vector<8x128xf32>
        %get3A_1566 = arith.constant 0 : index
        %get3A_1567 = arith.constant 3 : index
        %get3A_1568 = arith.index_cast %add3A_375 : i32 to index
        %get3A_1569 = arith.constant 0 : index
        %get3A_1570 = vector.load %arg2[%get3A_1566, %get3A_1567, %get3A_1568, %get3A_1569] : memref<1x4x48x128xf32, #tpu.memory_space<vmem>>, vector<1x1x8x128xf32>
        %get3A_1571 = vector.shape_cast %get3A_1570 : vector<1x1x8x128xf32> to vector<8x128xf32>
        %get3A_1572 = arith.constant 0 : index
        %get3A_1573 = arith.constant 3 : index
        %get3A_1574 = arith.index_cast %add3A_375 : i32 to index
        %get3A_1575 = arith.constant 0 : index
        %get3A_1576 = vector.load %arg3[%get3A_1572, %get3A_1573, %get3A_1574, %get3A_1575] : memref<1x4x48x128xf32, #tpu.memory_space<vmem>>, vector<1x1x8x128xf32>
        %get3A_1577 = vector.shape_cast %get3A_1576 : vector<1x1x8x128xf32> to vector<8x128xf32>
        %get3A_1578 = arith.constant 0 : index
        %get3A_1579 = arith.constant 3 : index
        %get3A_1580 = arith.index_cast %add3A_375 : i32 to index
        %get3A_1581 = arith.constant 0 : index
        %get3A_1582 = vector.load %arg4[%get3A_1578, %get3A_1579, %get3A_1580, %get3A_1581] : memref<1x4x48x128xf32, #tpu.memory_space<vmem>>, vector<1x1x8x128xf32>
        %get3A_1583 = vector.shape_cast %get3A_1582 : vector<1x1x8x128xf32> to vector<8x128xf32>
        %slice3A_1584 = vector.extract_strided_slice %get3A_1565 {offsets = [0, 0], sizes = [1, 128], strides = [1, 1]} : vector<8x128xf32> to vector<1x128xf32>
        %slice3A_1585 = vector.extract_strided_slice %get3A_1571 {offsets = [0, 0], sizes = [1, 128], strides = [1, 1]} : vector<8x128xf32> to vector<1x128xf32>
        %slice3A_1586 = vector.extract_strided_slice %get3A_1577 {offsets = [0, 0], sizes = [1, 128], strides = [1, 1]} : vector<8x128xf32> to vector<1x128xf32>
        %slice3A_1587 = vector.extract_strided_slice %get3A_1583 {offsets = [0, 0], sizes = [1, 128], strides = [1, 1]} : vector<8x128xf32> to vector<1x128xf32>
        %sub3A_1588 = arith.subf %slice3A_1586, %slice3A_1584 : vector<1x128xf32>
        %sub3A_1589 = arith.subf %slice3A_1587, %slice3A_1585 : vector<1x128xf32>
        %mul3A_1590 = arith.mulf %sub3A_1588, %sub3A_1589 : vector<1x128xf32>
        %max3A_1591 = vector.broadcast %transpose3A_259 : vector<128x1xf32> to vector<128x128xf32>
        %max3A_1592 = vector.broadcast %slice3A_1584 : vector<1x128xf32> to vector<128x128xf32>
        %max3A_1593 = arith.maximumf %max3A_1591, %max3A_1592 : vector<128x128xf32>
        %max3A_1594 = vector.broadcast %transpose3A_260 : vector<128x1xf32> to vector<128x128xf32>
        %max3A_1595 = vector.broadcast %slice3A_1585 : vector<1x128xf32> to vector<128x128xf32>
        %max3A_1596 = arith.maximumf %max3A_1594, %max3A_1595 : vector<128x128xf32>
        %min3A_1597 = vector.broadcast %transpose3A_261 : vector<128x1xf32> to vector<128x128xf32>
        %min3A_1598 = vector.broadcast %slice3A_1586 : vector<1x128xf32> to vector<128x128xf32>
        %min3A_1599 = arith.minimumf %min3A_1597, %min3A_1598 : vector<128x128xf32>
        %min3A_1600 = vector.broadcast %transpose3A_262 : vector<128x1xf32> to vector<128x128xf32>
        %min3A_1601 = vector.broadcast %slice3A_1587 : vector<1x128xf32> to vector<128x128xf32>
        %min3A_1602 = arith.minimumf %min3A_1600, %min3A_1601 : vector<128x128xf32>
        %sub3A_1603 = arith.subf %min3A_1599, %max3A_1593 : vector<128x128xf32>
        %max3A_1604 = arith.constant 0.000000e+00 : f32
        %max3A_1605 = vector.broadcast %max3A_1604 : f32 to vector<128x128xf32>
        %max3A_1606 = arith.maximumf %sub3A_1603, %max3A_1605 : vector<128x128xf32>
        %sub3A_1607 = arith.subf %min3A_1602, %max3A_1596 : vector<128x128xf32>
        %max3A_1608 = arith.constant 0.000000e+00 : f32
        %max3A_1609 = vector.broadcast %max3A_1608 : f32 to vector<128x128xf32>
        %max3A_1610 = arith.maximumf %sub3A_1607, %max3A_1609 : vector<128x128xf32>
        %mul3A_1611 = arith.mulf %max3A_1606, %max3A_1610 : vector<128x128xf32>
        %add3A_1612 = vector.broadcast %mul3A_265 : vector<128x1xf32> to vector<128x128xf32>
        %add3A_1613 = vector.broadcast %mul3A_1590 : vector<1x128xf32> to vector<128x128xf32>
        %add3A_1614 = arith.addf %add3A_1612, %add3A_1613 : vector<128x128xf32>
        %sub3A_1615 = arith.subf %add3A_1614, %mul3A_1611 : vector<128x128xf32>
        %mul3A_1616 = arith.constant 5.000000e-01 : f32
        %mul3A_1617 = vector.broadcast %mul3A_1616 : f32 to vector<128x128xf32>
        %mul3A_1618 = arith.mulf %mul3A_1617, %sub3A_1615 : vector<128x128xf32>
        %ge3A_1619 = arith.cmpf oge, %mul3A_1611, %mul3A_1618 : vector<128x128xf32>
        %gt3A_1620 = arith.constant 0.000000e+00 : f32
        %gt3A_1621 = vector.broadcast %gt3A_1620 : f32 to vector<128x128xf32>
        %gt3A_1622 = arith.cmpf ogt, %sub3A_1615, %gt3A_1621 : vector<128x128xf32>
        %and3A_1623 = arith.andi %ge3A_1619, %gt3A_1622 : vector<128x128xi1>
        %convert_element_type3A_1624 = arith.extui %and3A_1623 : vector<128x128xi1> to vector<128x128xi32>
        %convert_element_type3A_1625 = arith.sitofp %convert_element_type3A_1624 : vector<128x128xi32> to vector<128x128xf32>
        %dot_general3A_1626 = arith.constant dense<0.000000e+00> : vector<1x128xf32>
        %dot_general3A_1627 = tpu.matmul %while3A_308#3, %convert_element_type3A_1625, %dot_general3A_1626 {dimension_numbers = #tpu.dot_dimension_numbers<[1], [0], [0], [1], [0, 0, 1, 1], [], []>, transpose_lhs_hint = false} : vector<1x128xf32>, vector<128x128xf32>, vector<1x128xf32> -> vector<1x128xf32>
        %slice3A_1628 = vector.extract_strided_slice %get3A_1565 {offsets = [1, 0], sizes = [1, 128], strides = [1, 1]} : vector<8x128xf32> to vector<1x128xf32>
        %slice3A_1629 = vector.extract_strided_slice %get3A_1571 {offsets = [1, 0], sizes = [1, 128], strides = [1, 1]} : vector<8x128xf32> to vector<1x128xf32>
        %slice3A_1630 = vector.extract_strided_slice %get3A_1577 {offsets = [1, 0], sizes = [1, 128], strides = [1, 1]} : vector<8x128xf32> to vector<1x128xf32>
        %slice3A_1631 = vector.extract_strided_slice %get3A_1583 {offsets = [1, 0], sizes = [1, 128], strides = [1, 1]} : vector<8x128xf32> to vector<1x128xf32>
        %sub3A_1632 = arith.subf %slice3A_1630, %slice3A_1628 : vector<1x128xf32>
        %sub3A_1633 = arith.subf %slice3A_1631, %slice3A_1629 : vector<1x128xf32>
        %mul3A_1634 = arith.mulf %sub3A_1632, %sub3A_1633 : vector<1x128xf32>
        %max3A_1635 = vector.broadcast %transpose3A_259 : vector<128x1xf32> to vector<128x128xf32>
        %max3A_1636 = vector.broadcast %slice3A_1628 : vector<1x128xf32> to vector<128x128xf32>
        %max3A_1637 = arith.maximumf %max3A_1635, %max3A_1636 : vector<128x128xf32>
        %max3A_1638 = vector.broadcast %transpose3A_260 : vector<128x1xf32> to vector<128x128xf32>
        %max3A_1639 = vector.broadcast %slice3A_1629 : vector<1x128xf32> to vector<128x128xf32>
        %max3A_1640 = arith.maximumf %max3A_1638, %max3A_1639 : vector<128x128xf32>
        %min3A_1641 = vector.broadcast %transpose3A_261 : vector<128x1xf32> to vector<128x128xf32>
        %min3A_1642 = vector.broadcast %slice3A_1630 : vector<1x128xf32> to vector<128x128xf32>
        %min3A_1643 = arith.minimumf %min3A_1641, %min3A_1642 : vector<128x128xf32>
        %min3A_1644 = vector.broadcast %transpose3A_262 : vector<128x1xf32> to vector<128x128xf32>
        %min3A_1645 = vector.broadcast %slice3A_1631 : vector<1x128xf32> to vector<128x128xf32>
        %min3A_1646 = arith.minimumf %min3A_1644, %min3A_1645 : vector<128x128xf32>
        %sub3A_1647 = arith.subf %min3A_1643, %max3A_1637 : vector<128x128xf32>
        %max3A_1648 = arith.constant 0.000000e+00 : f32
        %max3A_1649 = vector.broadcast %max3A_1648 : f32 to vector<128x128xf32>
        %max3A_1650 = arith.maximumf %sub3A_1647, %max3A_1649 : vector<128x128xf32>
        %sub3A_1651 = arith.subf %min3A_1646, %max3A_1640 : vector<128x128xf32>
        %max3A_1652 = arith.constant 0.000000e+00 : f32
        %max3A_1653 = vector.broadcast %max3A_1652 : f32 to vector<128x128xf32>
        %max3A_1654 = arith.maximumf %sub3A_1651, %max3A_1653 : vector<128x128xf32>
        %mul3A_1655 = arith.mulf %max3A_1650, %max3A_1654 : vector<128x128xf32>
        %add3A_1656 = vector.broadcast %mul3A_265 : vector<128x1xf32> to vector<128x128xf32>
        %add3A_1657 = vector.broadcast %mul3A_1634 : vector<1x128xf32> to vector<128x128xf32>
        %add3A_1658 = arith.addf %add3A_1656, %add3A_1657 : vector<128x128xf32>
        %sub3A_1659 = arith.subf %add3A_1658, %mul3A_1655 : vector<128x128xf32>
        %mul3A_1660 = arith.constant 5.000000e-01 : f32
        %mul3A_1661 = vector.broadcast %mul3A_1660 : f32 to vector<128x128xf32>
        %mul3A_1662 = arith.mulf %mul3A_1661, %sub3A_1659 : vector<128x128xf32>
        %ge3A_1663 = arith.cmpf oge, %mul3A_1655, %mul3A_1662 : vector<128x128xf32>
        %gt3A_1664 = arith.constant 0.000000e+00 : f32
        %gt3A_1665 = vector.broadcast %gt3A_1664 : f32 to vector<128x128xf32>
        %gt3A_1666 = arith.cmpf ogt, %sub3A_1659, %gt3A_1665 : vector<128x128xf32>
        %and3A_1667 = arith.andi %ge3A_1663, %gt3A_1666 : vector<128x128xi1>
        %convert_element_type3A_1668 = arith.extui %and3A_1667 : vector<128x128xi1> to vector<128x128xi32>
        %convert_element_type3A_1669 = arith.sitofp %convert_element_type3A_1668 : vector<128x128xi32> to vector<128x128xf32>
        %dot_general3A_1670 = arith.constant dense<0.000000e+00> : vector<1x128xf32>
        %dot_general3A_1671 = tpu.matmul %while3A_308#3, %convert_element_type3A_1669, %dot_general3A_1670 {dimension_numbers = #tpu.dot_dimension_numbers<[1], [0], [0], [1], [0, 0, 1, 1], [], []>, transpose_lhs_hint = false} : vector<1x128xf32>, vector<128x128xf32>, vector<1x128xf32> -> vector<1x128xf32>
        %slice3A_1672 = vector.extract_strided_slice %get3A_1565 {offsets = [2, 0], sizes = [1, 128], strides = [1, 1]} : vector<8x128xf32> to vector<1x128xf32>
        %slice3A_1673 = vector.extract_strided_slice %get3A_1571 {offsets = [2, 0], sizes = [1, 128], strides = [1, 1]} : vector<8x128xf32> to vector<1x128xf32>
        %slice3A_1674 = vector.extract_strided_slice %get3A_1577 {offsets = [2, 0], sizes = [1, 128], strides = [1, 1]} : vector<8x128xf32> to vector<1x128xf32>
        %slice3A_1675 = vector.extract_strided_slice %get3A_1583 {offsets = [2, 0], sizes = [1, 128], strides = [1, 1]} : vector<8x128xf32> to vector<1x128xf32>
        %sub3A_1676 = arith.subf %slice3A_1674, %slice3A_1672 : vector<1x128xf32>
        %sub3A_1677 = arith.subf %slice3A_1675, %slice3A_1673 : vector<1x128xf32>
        %mul3A_1678 = arith.mulf %sub3A_1676, %sub3A_1677 : vector<1x128xf32>
        %max3A_1679 = vector.broadcast %transpose3A_259 : vector<128x1xf32> to vector<128x128xf32>
        %max3A_1680 = vector.broadcast %slice3A_1672 : vector<1x128xf32> to vector<128x128xf32>
        %max3A_1681 = arith.maximumf %max3A_1679, %max3A_1680 : vector<128x128xf32>
        %max3A_1682 = vector.broadcast %transpose3A_260 : vector<128x1xf32> to vector<128x128xf32>
        %max3A_1683 = vector.broadcast %slice3A_1673 : vector<1x128xf32> to vector<128x128xf32>
        %max3A_1684 = arith.maximumf %max3A_1682, %max3A_1683 : vector<128x128xf32>
        %min3A_1685 = vector.broadcast %transpose3A_261 : vector<128x1xf32> to vector<128x128xf32>
        %min3A_1686 = vector.broadcast %slice3A_1674 : vector<1x128xf32> to vector<128x128xf32>
        %min3A_1687 = arith.minimumf %min3A_1685, %min3A_1686 : vector<128x128xf32>
        %min3A_1688 = vector.broadcast %transpose3A_262 : vector<128x1xf32> to vector<128x128xf32>
        %min3A_1689 = vector.broadcast %slice3A_1675 : vector<1x128xf32> to vector<128x128xf32>
        %min3A_1690 = arith.minimumf %min3A_1688, %min3A_1689 : vector<128x128xf32>
        %sub3A_1691 = arith.subf %min3A_1687, %max3A_1681 : vector<128x128xf32>
        %max3A_1692 = arith.constant 0.000000e+00 : f32
        %max3A_1693 = vector.broadcast %max3A_1692 : f32 to vector<128x128xf32>
        %max3A_1694 = arith.maximumf %sub3A_1691, %max3A_1693 : vector<128x128xf32>
        %sub3A_1695 = arith.subf %min3A_1690, %max3A_1684 : vector<128x128xf32>
        %max3A_1696 = arith.constant 0.000000e+00 : f32
        %max3A_1697 = vector.broadcast %max3A_1696 : f32 to vector<128x128xf32>
        %max3A_1698 = arith.maximumf %sub3A_1695, %max3A_1697 : vector<128x128xf32>
        %mul3A_1699 = arith.mulf %max3A_1694, %max3A_1698 : vector<128x128xf32>
        %add3A_1700 = vector.broadcast %mul3A_265 : vector<128x1xf32> to vector<128x128xf32>
        %add3A_1701 = vector.broadcast %mul3A_1678 : vector<1x128xf32> to vector<128x128xf32>
        %add3A_1702 = arith.addf %add3A_1700, %add3A_1701 : vector<128x128xf32>
        %sub3A_1703 = arith.subf %add3A_1702, %mul3A_1699 : vector<128x128xf32>
        %mul3A_1704 = arith.constant 5.000000e-01 : f32
        %mul3A_1705 = vector.broadcast %mul3A_1704 : f32 to vector<128x128xf32>
        %mul3A_1706 = arith.mulf %mul3A_1705, %sub3A_1703 : vector<128x128xf32>
        %ge3A_1707 = arith.cmpf oge, %mul3A_1699, %mul3A_1706 : vector<128x128xf32>
        %gt3A_1708 = arith.constant 0.000000e+00 : f32
        %gt3A_1709 = vector.broadcast %gt3A_1708 : f32 to vector<128x128xf32>
        %gt3A_1710 = arith.cmpf ogt, %sub3A_1703, %gt3A_1709 : vector<128x128xf32>
        %and3A_1711 = arith.andi %ge3A_1707, %gt3A_1710 : vector<128x128xi1>
        %convert_element_type3A_1712 = arith.extui %and3A_1711 : vector<128x128xi1> to vector<128x128xi32>
        %convert_element_type3A_1713 = arith.sitofp %convert_element_type3A_1712 : vector<128x128xi32> to vector<128x128xf32>
        %dot_general3A_1714 = arith.constant dense<0.000000e+00> : vector<1x128xf32>
        %dot_general3A_1715 = tpu.matmul %while3A_308#3, %convert_element_type3A_1713, %dot_general3A_1714 {dimension_numbers = #tpu.dot_dimension_numbers<[1], [0], [0], [1], [0, 0, 1, 1], [], []>, transpose_lhs_hint = false} : vector<1x128xf32>, vector<128x128xf32>, vector<1x128xf32> -> vector<1x128xf32>
        %slice3A_1716 = vector.extract_strided_slice %get3A_1565 {offsets = [3, 0], sizes = [1, 128], strides = [1, 1]} : vector<8x128xf32> to vector<1x128xf32>
        %slice3A_1717 = vector.extract_strided_slice %get3A_1571 {offsets = [3, 0], sizes = [1, 128], strides = [1, 1]} : vector<8x128xf32> to vector<1x128xf32>
        %slice3A_1718 = vector.extract_strided_slice %get3A_1577 {offsets = [3, 0], sizes = [1, 128], strides = [1, 1]} : vector<8x128xf32> to vector<1x128xf32>
        %slice3A_1719 = vector.extract_strided_slice %get3A_1583 {offsets = [3, 0], sizes = [1, 128], strides = [1, 1]} : vector<8x128xf32> to vector<1x128xf32>
        %sub3A_1720 = arith.subf %slice3A_1718, %slice3A_1716 : vector<1x128xf32>
        %sub3A_1721 = arith.subf %slice3A_1719, %slice3A_1717 : vector<1x128xf32>
        %mul3A_1722 = arith.mulf %sub3A_1720, %sub3A_1721 : vector<1x128xf32>
        %max3A_1723 = vector.broadcast %transpose3A_259 : vector<128x1xf32> to vector<128x128xf32>
        %max3A_1724 = vector.broadcast %slice3A_1716 : vector<1x128xf32> to vector<128x128xf32>
        %max3A_1725 = arith.maximumf %max3A_1723, %max3A_1724 : vector<128x128xf32>
        %max3A_1726 = vector.broadcast %transpose3A_260 : vector<128x1xf32> to vector<128x128xf32>
        %max3A_1727 = vector.broadcast %slice3A_1717 : vector<1x128xf32> to vector<128x128xf32>
        %max3A_1728 = arith.maximumf %max3A_1726, %max3A_1727 : vector<128x128xf32>
        %min3A_1729 = vector.broadcast %transpose3A_261 : vector<128x1xf32> to vector<128x128xf32>
        %min3A_1730 = vector.broadcast %slice3A_1718 : vector<1x128xf32> to vector<128x128xf32>
        %min3A_1731 = arith.minimumf %min3A_1729, %min3A_1730 : vector<128x128xf32>
        %min3A_1732 = vector.broadcast %transpose3A_262 : vector<128x1xf32> to vector<128x128xf32>
        %min3A_1733 = vector.broadcast %slice3A_1719 : vector<1x128xf32> to vector<128x128xf32>
        %min3A_1734 = arith.minimumf %min3A_1732, %min3A_1733 : vector<128x128xf32>
        %sub3A_1735 = arith.subf %min3A_1731, %max3A_1725 : vector<128x128xf32>
        %max3A_1736 = arith.constant 0.000000e+00 : f32
        %max3A_1737 = vector.broadcast %max3A_1736 : f32 to vector<128x128xf32>
        %max3A_1738 = arith.maximumf %sub3A_1735, %max3A_1737 : vector<128x128xf32>
        %sub3A_1739 = arith.subf %min3A_1734, %max3A_1728 : vector<128x128xf32>
        %max3A_1740 = arith.constant 0.000000e+00 : f32
        %max3A_1741 = vector.broadcast %max3A_1740 : f32 to vector<128x128xf32>
        %max3A_1742 = arith.maximumf %sub3A_1739, %max3A_1741 : vector<128x128xf32>
        %mul3A_1743 = arith.mulf %max3A_1738, %max3A_1742 : vector<128x128xf32>
        %add3A_1744 = vector.broadcast %mul3A_265 : vector<128x1xf32> to vector<128x128xf32>
        %add3A_1745 = vector.broadcast %mul3A_1722 : vector<1x128xf32> to vector<128x128xf32>
        %add3A_1746 = arith.addf %add3A_1744, %add3A_1745 : vector<128x128xf32>
        %sub3A_1747 = arith.subf %add3A_1746, %mul3A_1743 : vector<128x128xf32>
        %mul3A_1748 = arith.constant 5.000000e-01 : f32
        %mul3A_1749 = vector.broadcast %mul3A_1748 : f32 to vector<128x128xf32>
        %mul3A_1750 = arith.mulf %mul3A_1749, %sub3A_1747 : vector<128x128xf32>
        %ge3A_1751 = arith.cmpf oge, %mul3A_1743, %mul3A_1750 : vector<128x128xf32>
        %gt3A_1752 = arith.constant 0.000000e+00 : f32
        %gt3A_1753 = vector.broadcast %gt3A_1752 : f32 to vector<128x128xf32>
        %gt3A_1754 = arith.cmpf ogt, %sub3A_1747, %gt3A_1753 : vector<128x128xf32>
        %and3A_1755 = arith.andi %ge3A_1751, %gt3A_1754 : vector<128x128xi1>
        %convert_element_type3A_1756 = arith.extui %and3A_1755 : vector<128x128xi1> to vector<128x128xi32>
        %convert_element_type3A_1757 = arith.sitofp %convert_element_type3A_1756 : vector<128x128xi32> to vector<128x128xf32>
        %dot_general3A_1758 = arith.constant dense<0.000000e+00> : vector<1x128xf32>
        %dot_general3A_1759 = tpu.matmul %while3A_308#3, %convert_element_type3A_1757, %dot_general3A_1758 {dimension_numbers = #tpu.dot_dimension_numbers<[1], [0], [0], [1], [0, 0, 1, 1], [], []>, transpose_lhs_hint = false} : vector<1x128xf32>, vector<128x128xf32>, vector<1x128xf32> -> vector<1x128xf32>
        %slice3A_1760 = vector.extract_strided_slice %get3A_1565 {offsets = [4, 0], sizes = [1, 128], strides = [1, 1]} : vector<8x128xf32> to vector<1x128xf32>
        %slice3A_1761 = vector.extract_strided_slice %get3A_1571 {offsets = [4, 0], sizes = [1, 128], strides = [1, 1]} : vector<8x128xf32> to vector<1x128xf32>
        %slice3A_1762 = vector.extract_strided_slice %get3A_1577 {offsets = [4, 0], sizes = [1, 128], strides = [1, 1]} : vector<8x128xf32> to vector<1x128xf32>
        %slice3A_1763 = vector.extract_strided_slice %get3A_1583 {offsets = [4, 0], sizes = [1, 128], strides = [1, 1]} : vector<8x128xf32> to vector<1x128xf32>
        %sub3A_1764 = arith.subf %slice3A_1762, %slice3A_1760 : vector<1x128xf32>
        %sub3A_1765 = arith.subf %slice3A_1763, %slice3A_1761 : vector<1x128xf32>
        %mul3A_1766 = arith.mulf %sub3A_1764, %sub3A_1765 : vector<1x128xf32>
        %max3A_1767 = vector.broadcast %transpose3A_259 : vector<128x1xf32> to vector<128x128xf32>
        %max3A_1768 = vector.broadcast %slice3A_1760 : vector<1x128xf32> to vector<128x128xf32>
        %max3A_1769 = arith.maximumf %max3A_1767, %max3A_1768 : vector<128x128xf32>
        %max3A_1770 = vector.broadcast %transpose3A_260 : vector<128x1xf32> to vector<128x128xf32>
        %max3A_1771 = vector.broadcast %slice3A_1761 : vector<1x128xf32> to vector<128x128xf32>
        %max3A_1772 = arith.maximumf %max3A_1770, %max3A_1771 : vector<128x128xf32>
        %min3A_1773 = vector.broadcast %transpose3A_261 : vector<128x1xf32> to vector<128x128xf32>
        %min3A_1774 = vector.broadcast %slice3A_1762 : vector<1x128xf32> to vector<128x128xf32>
        %min3A_1775 = arith.minimumf %min3A_1773, %min3A_1774 : vector<128x128xf32>
        %min3A_1776 = vector.broadcast %transpose3A_262 : vector<128x1xf32> to vector<128x128xf32>
        %min3A_1777 = vector.broadcast %slice3A_1763 : vector<1x128xf32> to vector<128x128xf32>
        %min3A_1778 = arith.minimumf %min3A_1776, %min3A_1777 : vector<128x128xf32>
        %sub3A_1779 = arith.subf %min3A_1775, %max3A_1769 : vector<128x128xf32>
        %max3A_1780 = arith.constant 0.000000e+00 : f32
        %max3A_1781 = vector.broadcast %max3A_1780 : f32 to vector<128x128xf32>
        %max3A_1782 = arith.maximumf %sub3A_1779, %max3A_1781 : vector<128x128xf32>
        %sub3A_1783 = arith.subf %min3A_1778, %max3A_1772 : vector<128x128xf32>
        %max3A_1784 = arith.constant 0.000000e+00 : f32
        %max3A_1785 = vector.broadcast %max3A_1784 : f32 to vector<128x128xf32>
        %max3A_1786 = arith.maximumf %sub3A_1783, %max3A_1785 : vector<128x128xf32>
        %mul3A_1787 = arith.mulf %max3A_1782, %max3A_1786 : vector<128x128xf32>
        %add3A_1788 = vector.broadcast %mul3A_265 : vector<128x1xf32> to vector<128x128xf32>
        %add3A_1789 = vector.broadcast %mul3A_1766 : vector<1x128xf32> to vector<128x128xf32>
        %add3A_1790 = arith.addf %add3A_1788, %add3A_1789 : vector<128x128xf32>
        %sub3A_1791 = arith.subf %add3A_1790, %mul3A_1787 : vector<128x128xf32>
        %mul3A_1792 = arith.constant 5.000000e-01 : f32
        %mul3A_1793 = vector.broadcast %mul3A_1792 : f32 to vector<128x128xf32>
        %mul3A_1794 = arith.mulf %mul3A_1793, %sub3A_1791 : vector<128x128xf32>
        %ge3A_1795 = arith.cmpf oge, %mul3A_1787, %mul3A_1794 : vector<128x128xf32>
        %gt3A_1796 = arith.constant 0.000000e+00 : f32
        %gt3A_1797 = vector.broadcast %gt3A_1796 : f32 to vector<128x128xf32>
        %gt3A_1798 = arith.cmpf ogt, %sub3A_1791, %gt3A_1797 : vector<128x128xf32>
        %and3A_1799 = arith.andi %ge3A_1795, %gt3A_1798 : vector<128x128xi1>
        %convert_element_type3A_1800 = arith.extui %and3A_1799 : vector<128x128xi1> to vector<128x128xi32>
        %convert_element_type3A_1801 = arith.sitofp %convert_element_type3A_1800 : vector<128x128xi32> to vector<128x128xf32>
        %dot_general3A_1802 = arith.constant dense<0.000000e+00> : vector<1x128xf32>
        %dot_general3A_1803 = tpu.matmul %while3A_308#3, %convert_element_type3A_1801, %dot_general3A_1802 {dimension_numbers = #tpu.dot_dimension_numbers<[1], [0], [0], [1], [0, 0, 1, 1], [], []>, transpose_lhs_hint = false} : vector<1x128xf32>, vector<128x128xf32>, vector<1x128xf32> -> vector<1x128xf32>
        %slice3A_1804 = vector.extract_strided_slice %get3A_1565 {offsets = [5, 0], sizes = [1, 128], strides = [1, 1]} : vector<8x128xf32> to vector<1x128xf32>
        %slice3A_1805 = vector.extract_strided_slice %get3A_1571 {offsets = [5, 0], sizes = [1, 128], strides = [1, 1]} : vector<8x128xf32> to vector<1x128xf32>
        %slice3A_1806 = vector.extract_strided_slice %get3A_1577 {offsets = [5, 0], sizes = [1, 128], strides = [1, 1]} : vector<8x128xf32> to vector<1x128xf32>
        %slice3A_1807 = vector.extract_strided_slice %get3A_1583 {offsets = [5, 0], sizes = [1, 128], strides = [1, 1]} : vector<8x128xf32> to vector<1x128xf32>
        %sub3A_1808 = arith.subf %slice3A_1806, %slice3A_1804 : vector<1x128xf32>
        %sub3A_1809 = arith.subf %slice3A_1807, %slice3A_1805 : vector<1x128xf32>
        %mul3A_1810 = arith.mulf %sub3A_1808, %sub3A_1809 : vector<1x128xf32>
        %max3A_1811 = vector.broadcast %transpose3A_259 : vector<128x1xf32> to vector<128x128xf32>
        %max3A_1812 = vector.broadcast %slice3A_1804 : vector<1x128xf32> to vector<128x128xf32>
        %max3A_1813 = arith.maximumf %max3A_1811, %max3A_1812 : vector<128x128xf32>
        %max3A_1814 = vector.broadcast %transpose3A_260 : vector<128x1xf32> to vector<128x128xf32>
        %max3A_1815 = vector.broadcast %slice3A_1805 : vector<1x128xf32> to vector<128x128xf32>
        %max3A_1816 = arith.maximumf %max3A_1814, %max3A_1815 : vector<128x128xf32>
        %min3A_1817 = vector.broadcast %transpose3A_261 : vector<128x1xf32> to vector<128x128xf32>
        %min3A_1818 = vector.broadcast %slice3A_1806 : vector<1x128xf32> to vector<128x128xf32>
        %min3A_1819 = arith.minimumf %min3A_1817, %min3A_1818 : vector<128x128xf32>
        %min3A_1820 = vector.broadcast %transpose3A_262 : vector<128x1xf32> to vector<128x128xf32>
        %min3A_1821 = vector.broadcast %slice3A_1807 : vector<1x128xf32> to vector<128x128xf32>
        %min3A_1822 = arith.minimumf %min3A_1820, %min3A_1821 : vector<128x128xf32>
        %sub3A_1823 = arith.subf %min3A_1819, %max3A_1813 : vector<128x128xf32>
        %max3A_1824 = arith.constant 0.000000e+00 : f32
        %max3A_1825 = vector.broadcast %max3A_1824 : f32 to vector<128x128xf32>
        %max3A_1826 = arith.maximumf %sub3A_1823, %max3A_1825 : vector<128x128xf32>
        %sub3A_1827 = arith.subf %min3A_1822, %max3A_1816 : vector<128x128xf32>
        %max3A_1828 = arith.constant 0.000000e+00 : f32
        %max3A_1829 = vector.broadcast %max3A_1828 : f32 to vector<128x128xf32>
        %max3A_1830 = arith.maximumf %sub3A_1827, %max3A_1829 : vector<128x128xf32>
        %mul3A_1831 = arith.mulf %max3A_1826, %max3A_1830 : vector<128x128xf32>
        %add3A_1832 = vector.broadcast %mul3A_265 : vector<128x1xf32> to vector<128x128xf32>
        %add3A_1833 = vector.broadcast %mul3A_1810 : vector<1x128xf32> to vector<128x128xf32>
        %add3A_1834 = arith.addf %add3A_1832, %add3A_1833 : vector<128x128xf32>
        %sub3A_1835 = arith.subf %add3A_1834, %mul3A_1831 : vector<128x128xf32>
        %mul3A_1836 = arith.constant 5.000000e-01 : f32
        %mul3A_1837 = vector.broadcast %mul3A_1836 : f32 to vector<128x128xf32>
        %mul3A_1838 = arith.mulf %mul3A_1837, %sub3A_1835 : vector<128x128xf32>
        %ge3A_1839 = arith.cmpf oge, %mul3A_1831, %mul3A_1838 : vector<128x128xf32>
        %gt3A_1840 = arith.constant 0.000000e+00 : f32
        %gt3A_1841 = vector.broadcast %gt3A_1840 : f32 to vector<128x128xf32>
        %gt3A_1842 = arith.cmpf ogt, %sub3A_1835, %gt3A_1841 : vector<128x128xf32>
        %and3A_1843 = arith.andi %ge3A_1839, %gt3A_1842 : vector<128x128xi1>
        %convert_element_type3A_1844 = arith.extui %and3A_1843 : vector<128x128xi1> to vector<128x128xi32>
        %convert_element_type3A_1845 = arith.sitofp %convert_element_type3A_1844 : vector<128x128xi32> to vector<128x128xf32>
        %dot_general3A_1846 = arith.constant dense<0.000000e+00> : vector<1x128xf32>
        %dot_general3A_1847 = tpu.matmul %while3A_308#3, %convert_element_type3A_1845, %dot_general3A_1846 {dimension_numbers = #tpu.dot_dimension_numbers<[1], [0], [0], [1], [0, 0, 1, 1], [], []>, transpose_lhs_hint = false} : vector<1x128xf32>, vector<128x128xf32>, vector<1x128xf32> -> vector<1x128xf32>
        %slice3A_1848 = vector.extract_strided_slice %get3A_1565 {offsets = [6, 0], sizes = [1, 128], strides = [1, 1]} : vector<8x128xf32> to vector<1x128xf32>
        %slice3A_1849 = vector.extract_strided_slice %get3A_1571 {offsets = [6, 0], sizes = [1, 128], strides = [1, 1]} : vector<8x128xf32> to vector<1x128xf32>
        %slice3A_1850 = vector.extract_strided_slice %get3A_1577 {offsets = [6, 0], sizes = [1, 128], strides = [1, 1]} : vector<8x128xf32> to vector<1x128xf32>
        %slice3A_1851 = vector.extract_strided_slice %get3A_1583 {offsets = [6, 0], sizes = [1, 128], strides = [1, 1]} : vector<8x128xf32> to vector<1x128xf32>
        %sub3A_1852 = arith.subf %slice3A_1850, %slice3A_1848 : vector<1x128xf32>
        %sub3A_1853 = arith.subf %slice3A_1851, %slice3A_1849 : vector<1x128xf32>
        %mul3A_1854 = arith.mulf %sub3A_1852, %sub3A_1853 : vector<1x128xf32>
        %max3A_1855 = vector.broadcast %transpose3A_259 : vector<128x1xf32> to vector<128x128xf32>
        %max3A_1856 = vector.broadcast %slice3A_1848 : vector<1x128xf32> to vector<128x128xf32>
        %max3A_1857 = arith.maximumf %max3A_1855, %max3A_1856 : vector<128x128xf32>
        %max3A_1858 = vector.broadcast %transpose3A_260 : vector<128x1xf32> to vector<128x128xf32>
        %max3A_1859 = vector.broadcast %slice3A_1849 : vector<1x128xf32> to vector<128x128xf32>
        %max3A_1860 = arith.maximumf %max3A_1858, %max3A_1859 : vector<128x128xf32>
        %min3A_1861 = vector.broadcast %transpose3A_261 : vector<128x1xf32> to vector<128x128xf32>
        %min3A_1862 = vector.broadcast %slice3A_1850 : vector<1x128xf32> to vector<128x128xf32>
        %min3A_1863 = arith.minimumf %min3A_1861, %min3A_1862 : vector<128x128xf32>
        %min3A_1864 = vector.broadcast %transpose3A_262 : vector<128x1xf32> to vector<128x128xf32>
        %min3A_1865 = vector.broadcast %slice3A_1851 : vector<1x128xf32> to vector<128x128xf32>
        %min3A_1866 = arith.minimumf %min3A_1864, %min3A_1865 : vector<128x128xf32>
        %sub3A_1867 = arith.subf %min3A_1863, %max3A_1857 : vector<128x128xf32>
        %max3A_1868 = arith.constant 0.000000e+00 : f32
        %max3A_1869 = vector.broadcast %max3A_1868 : f32 to vector<128x128xf32>
        %max3A_1870 = arith.maximumf %sub3A_1867, %max3A_1869 : vector<128x128xf32>
        %sub3A_1871 = arith.subf %min3A_1866, %max3A_1860 : vector<128x128xf32>
        %max3A_1872 = arith.constant 0.000000e+00 : f32
        %max3A_1873 = vector.broadcast %max3A_1872 : f32 to vector<128x128xf32>
        %max3A_1874 = arith.maximumf %sub3A_1871, %max3A_1873 : vector<128x128xf32>
        %mul3A_1875 = arith.mulf %max3A_1870, %max3A_1874 : vector<128x128xf32>
        %add3A_1876 = vector.broadcast %mul3A_265 : vector<128x1xf32> to vector<128x128xf32>
        %add3A_1877 = vector.broadcast %mul3A_1854 : vector<1x128xf32> to vector<128x128xf32>
        %add3A_1878 = arith.addf %add3A_1876, %add3A_1877 : vector<128x128xf32>
        %sub3A_1879 = arith.subf %add3A_1878, %mul3A_1875 : vector<128x128xf32>
        %mul3A_1880 = arith.constant 5.000000e-01 : f32
        %mul3A_1881 = vector.broadcast %mul3A_1880 : f32 to vector<128x128xf32>
        %mul3A_1882 = arith.mulf %mul3A_1881, %sub3A_1879 : vector<128x128xf32>
        %ge3A_1883 = arith.cmpf oge, %mul3A_1875, %mul3A_1882 : vector<128x128xf32>
        %gt3A_1884 = arith.constant 0.000000e+00 : f32
        %gt3A_1885 = vector.broadcast %gt3A_1884 : f32 to vector<128x128xf32>
        %gt3A_1886 = arith.cmpf ogt, %sub3A_1879, %gt3A_1885 : vector<128x128xf32>
        %and3A_1887 = arith.andi %ge3A_1883, %gt3A_1886 : vector<128x128xi1>
        %convert_element_type3A_1888 = arith.extui %and3A_1887 : vector<128x128xi1> to vector<128x128xi32>
        %convert_element_type3A_1889 = arith.sitofp %convert_element_type3A_1888 : vector<128x128xi32> to vector<128x128xf32>
        %dot_general3A_1890 = arith.constant dense<0.000000e+00> : vector<1x128xf32>
        %dot_general3A_1891 = tpu.matmul %while3A_308#3, %convert_element_type3A_1889, %dot_general3A_1890 {dimension_numbers = #tpu.dot_dimension_numbers<[1], [0], [0], [1], [0, 0, 1, 1], [], []>, transpose_lhs_hint = false} : vector<1x128xf32>, vector<128x128xf32>, vector<1x128xf32> -> vector<1x128xf32>
        %slice3A_1892 = vector.extract_strided_slice %get3A_1565 {offsets = [7, 0], sizes = [1, 128], strides = [1, 1]} : vector<8x128xf32> to vector<1x128xf32>
        %slice3A_1893 = vector.extract_strided_slice %get3A_1571 {offsets = [7, 0], sizes = [1, 128], strides = [1, 1]} : vector<8x128xf32> to vector<1x128xf32>
        %slice3A_1894 = vector.extract_strided_slice %get3A_1577 {offsets = [7, 0], sizes = [1, 128], strides = [1, 1]} : vector<8x128xf32> to vector<1x128xf32>
        %slice3A_1895 = vector.extract_strided_slice %get3A_1583 {offsets = [7, 0], sizes = [1, 128], strides = [1, 1]} : vector<8x128xf32> to vector<1x128xf32>
        %sub3A_1896 = arith.subf %slice3A_1894, %slice3A_1892 : vector<1x128xf32>
        %sub3A_1897 = arith.subf %slice3A_1895, %slice3A_1893 : vector<1x128xf32>
        %mul3A_1898 = arith.mulf %sub3A_1896, %sub3A_1897 : vector<1x128xf32>
        %max3A_1899 = vector.broadcast %transpose3A_259 : vector<128x1xf32> to vector<128x128xf32>
        %max3A_1900 = vector.broadcast %slice3A_1892 : vector<1x128xf32> to vector<128x128xf32>
        %max3A_1901 = arith.maximumf %max3A_1899, %max3A_1900 : vector<128x128xf32>
        %max3A_1902 = vector.broadcast %transpose3A_260 : vector<128x1xf32> to vector<128x128xf32>
        %max3A_1903 = vector.broadcast %slice3A_1893 : vector<1x128xf32> to vector<128x128xf32>
        %max3A_1904 = arith.maximumf %max3A_1902, %max3A_1903 : vector<128x128xf32>
        %min3A_1905 = vector.broadcast %transpose3A_261 : vector<128x1xf32> to vector<128x128xf32>
        %min3A_1906 = vector.broadcast %slice3A_1894 : vector<1x128xf32> to vector<128x128xf32>
        %min3A_1907 = arith.minimumf %min3A_1905, %min3A_1906 : vector<128x128xf32>
        %min3A_1908 = vector.broadcast %transpose3A_262 : vector<128x1xf32> to vector<128x128xf32>
        %min3A_1909 = vector.broadcast %slice3A_1895 : vector<1x128xf32> to vector<128x128xf32>
        %min3A_1910 = arith.minimumf %min3A_1908, %min3A_1909 : vector<128x128xf32>
        %sub3A_1911 = arith.subf %min3A_1907, %max3A_1901 : vector<128x128xf32>
        %max3A_1912 = arith.constant 0.000000e+00 : f32
        %max3A_1913 = vector.broadcast %max3A_1912 : f32 to vector<128x128xf32>
        %max3A_1914 = arith.maximumf %sub3A_1911, %max3A_1913 : vector<128x128xf32>
        %sub3A_1915 = arith.subf %min3A_1910, %max3A_1904 : vector<128x128xf32>
        %max3A_1916 = arith.constant 0.000000e+00 : f32
        %max3A_1917 = vector.broadcast %max3A_1916 : f32 to vector<128x128xf32>
        %max3A_1918 = arith.maximumf %sub3A_1915, %max3A_1917 : vector<128x128xf32>
        %mul3A_1919 = arith.mulf %max3A_1914, %max3A_1918 : vector<128x128xf32>
        %add3A_1920 = vector.broadcast %mul3A_265 : vector<128x1xf32> to vector<128x128xf32>
        %add3A_1921 = vector.broadcast %mul3A_1898 : vector<1x128xf32> to vector<128x128xf32>
        %add3A_1922 = arith.addf %add3A_1920, %add3A_1921 : vector<128x128xf32>
        %sub3A_1923 = arith.subf %add3A_1922, %mul3A_1919 : vector<128x128xf32>
        %mul3A_1924 = arith.constant 5.000000e-01 : f32
        %mul3A_1925 = vector.broadcast %mul3A_1924 : f32 to vector<128x128xf32>
        %mul3A_1926 = arith.mulf %mul3A_1925, %sub3A_1923 : vector<128x128xf32>
        %ge3A_1927 = arith.cmpf oge, %mul3A_1919, %mul3A_1926 : vector<128x128xf32>
        %gt3A_1928 = arith.constant 0.000000e+00 : f32
        %gt3A_1929 = vector.broadcast %gt3A_1928 : f32 to vector<128x128xf32>
        %gt3A_1930 = arith.cmpf ogt, %sub3A_1923, %gt3A_1929 : vector<128x128xf32>
        %and3A_1931 = arith.andi %ge3A_1927, %gt3A_1930 : vector<128x128xi1>
        %convert_element_type3A_1932 = arith.extui %and3A_1931 : vector<128x128xi1> to vector<128x128xi32>
        %convert_element_type3A_1933 = arith.sitofp %convert_element_type3A_1932 : vector<128x128xi32> to vector<128x128xf32>
        %dot_general3A_1934 = arith.constant dense<0.000000e+00> : vector<1x128xf32>
        %dot_general3A_1935 = tpu.matmul %while3A_308#3, %convert_element_type3A_1933, %dot_general3A_1934 {dimension_numbers = #tpu.dot_dimension_numbers<[1], [0], [0], [1], [0, 0, 1, 1], [], []>, transpose_lhs_hint = false} : vector<1x128xf32>, vector<128x128xf32>, vector<1x128xf32> -> vector<1x128xf32>
        %concatenate3A_1936 = tpu.concatenate %dot_general3A_1627, %dot_general3A_1671, %dot_general3A_1715, %dot_general3A_1759, %dot_general3A_1803, %dot_general3A_1847, %dot_general3A_1891, %dot_general3A_1935 in 0 : vector<1x128xf32>, vector<1x128xf32>, vector<1x128xf32>, vector<1x128xf32>, vector<1x128xf32>, vector<1x128xf32>, vector<1x128xf32>, vector<1x128xf32> -> vector<8x128xf32>
        %le3A_1937 = arith.constant 0.000000e+00 : f32
        %le3A_1938 = vector.broadcast %le3A_1937 : f32 to vector<8x128xf32>
        %le3A_1939 = arith.cmpf ole, %concatenate3A_1936, %le3A_1938 : vector<8x128xf32>
        %convert_element_type3A_1940 = arith.extui %le3A_1939 : vector<8x128xi1> to vector<8x128xi32>
        %convert_element_type3A_1941 = arith.sitofp %convert_element_type3A_1940 : vector<8x128xi32> to vector<8x128xf32>
        %get3A_1942 = arith.constant 0 : index
        %get3A_1943 = arith.constant 3 : index
        %get3A_1944 = arith.index_cast %add3A_375 : i32 to index
        %get3A_1945 = arith.constant 0 : index
        %get3A_1946 = vector.load %arg5[%get3A_1942, %get3A_1943, %get3A_1944, %get3A_1945] : memref<1x4x48x128xf32, #tpu.memory_space<vmem>>, vector<1x1x8x128xf32>
        %get3A_1947 = vector.shape_cast %get3A_1946 : vector<1x1x8x128xf32> to vector<8x128xf32>
        %mul3A_1948 = arith.mulf %get3A_1947, %convert_element_type3A_1941 : vector<8x128xf32>
        %swap3A_1949 = arith.constant 0 : index
        %swap3A_1950 = arith.constant 3 : index
        %swap3A_1951 = arith.index_cast %add3A_375 : i32 to index
        %swap3A_1952 = arith.constant 0 : index
        %swap3A_1953 = vector.load %arg5[%swap3A_1949, %swap3A_1950, %swap3A_1951, %swap3A_1952] : memref<1x4x48x128xf32, #tpu.memory_space<vmem>>, vector<1x1x8x128xf32>
        %swap3A_1954 = vector.shape_cast %swap3A_1953 : vector<1x1x8x128xf32> to vector<8x128xf32>
        %swap3A_1955 = vector.shape_cast %mul3A_1948 : vector<8x128xf32> to vector<1x1x8x128xf32>
        tpu.vector_store %arg5[%swap3A_1949, %swap3A_1950, %swap3A_1951, %swap3A_1952], %swap3A_1955 {strides = array<i32>} : memref<1x4x48x128xf32, #tpu.memory_space<vmem>>, vector<1x1x8x128xf32>,
        %while3A_1956 = arith.constant 0 : i32
        scf.yield %while3A_1956 : i32
      }
    }
    %scan3A_12 = arith.constant 40 : i32
    return
  }
  func.func @transform_0(%arg0: i32) -> (i32, i32, i32, i32) {
    %c0_i32 = arith.constant 0 : i32
    %c0_i32_0 = arith.constant 0 : i32
    %c0_i32_1 = arith.constant 0 : i32
    %c0_i32_2 = arith.constant 0 : i32
    return %arg0, %c0_i32, %c0_i32_0, %c0_i32_1 : i32, i32, i32, i32
  }
  func.func @transform_1(%arg0: i32) -> (i32, i32, i32, i32) {
    %c0_i32 = arith.constant 0 : i32
    %c0_i32_0 = arith.constant 0 : i32
    %c0_i32_1 = arith.constant 0 : i32
    %c0_i32_2 = arith.constant 0 : i32
    return %arg0, %c0_i32, %c0_i32_0, %c0_i32_1 : i32, i32, i32, i32
  }
  func.func @transform_2(%arg0: i32) -> (i32, i32, i32, i32) {
    %c0_i32 = arith.constant 0 : i32
    %c0_i32_0 = arith.constant 0 : i32
    %c0_i32_1 = arith.constant 0 : i32
    %c0_i32_2 = arith.constant 0 : i32
    return %arg0, %c0_i32, %c0_i32_0, %c0_i32_1 : i32, i32, i32, i32
  }
  func.func @transform_3(%arg0: i32) -> (i32, i32, i32, i32) {
    %c0_i32 = arith.constant 0 : i32
    %c0_i32_0 = arith.constant 0 : i32
    %c0_i32_1 = arith.constant 0 : i32
    %c0_i32_2 = arith.constant 0 : i32
    return %arg0, %c0_i32, %c0_i32_0, %c0_i32_1 : i32, i32, i32, i32
  }
  func.func @transform_4(%arg0: i32) -> (i32, i32, i32, i32) {
    %c0_i32 = arith.constant 0 : i32
    %c0_i32_0 = arith.constant 0 : i32
    %c0_i32_1 = arith.constant 0 : i32
    %c0_i32_2 = arith.constant 0 : i32
    return %arg0, %c0_i32, %c0_i32_0, %c0_i32_1 : i32, i32, i32, i32
  }
}

</mosaic_0001>

<sc_bundles>
// kernel: gather_offload_async_start.1
scs
__scs_entry_jumppad:
0x0: {  	(pc) =	sbr.rel $0x88, $3  }
0x1: {  	(tag) =	ssettag $0x0;
	lr =	simm.s32 $0x1  }
0x2: {  	[smem:$0x3F9F] =	sst lr;
	_ =	strace $0xD0000000  }
0x3: {  	_ = 	snop  }
0x4: {  	_ = 	snop  }
0x5: {  	_ = 	snop  }
0x6: {  	_ = 	snop  }
0x7: {  	_ = 	snop  }
__scs_overlays_trampoline_lowered:
0x8: {  	[smem:$0x3FAE] =	sst s0  }
0x9: {  	[smem:$0x3FAF] =	sst s1  }
0xa: {  	[smem:$0x3FB0] =	sst s2  }
0xb: {  	[smem:$0x3FB1] =	sst s3  }
0xc: {  	[smem:$0x3FB2] =	sst s4  }
0xd: {  	[smem:$0x3FB3] =	sst s5  }
0xe: {  	[smem:$0x3FB4] =	sst s6  }
0xf: {  	[smem:$0x3FB5] =	sst s7  }
0x10: {  	[smem:$0x3FB6] =	sst s8  }
0x11: {  	[smem:$0x3FB7] =	sst s9;
	s0 =	simm.s32 @!p0 $0x0  }
0x12: {  	s1 =	sld [smem:$0x3F9D];
	s0 =	simm.s32 @p0 $0x1  }
0x13: {  	[smem:$0x3FB8] =	sst s0;
	s0 =	simm.s32 @!p1 $0x0  }
0x14: {  	s2 =	sld [smem:$0x3F9C];
	s0 =	simm.s32 @p1 $0x1  }
0x15: {  	[smem:$0x3FB9] =	sst s0;
	s0 =	simm.s32 @!p2 $0x0  }
0x16: {  	s3 =	sld [smem:$0x3FDB];
	s0 =	simm.s32 @p2 $0x1  }
0x17: {  	s4 =	simm.s32 $0x1BF5;
	[smem:$0x3FBB] =	sst s0  }
0x18: {  	s0 =	sld [smem:$0x3F9E];
	_ =	swait.ge [sflag:s4], $0x0  }
0x19: {  	s7 =	sld [smem:$0x3F9F]  }
0x1a: {  	s8 =	sadd.s32 $0xFFFFE003, lr  }
0x1b: {  	s9 =	sadd.s32 $0xFFFFFEF7, lr;
	s5 =	simm.s32 $0xFFFFFFFF;
	p2 =	slt.u32 s8, $0xFFFFF086  }
0x1c: {  	p1 =	slt.u32 s9, $0xF7A;
	s5 =	simm.s32 @!p2 $0x0  }
0x1d: {  	s5 =	simm.s32 @p1 $0x1;
	p0 =	seq.s32 s7, s2  }
0x1e: {  	s7 =	smul.u32 @!p0 $0xF7A, s2;
	p2 =	seq.s32 @!p0 s5, $0x0  }
0x1f: {  	s9 =	smul.u32 $0xF7A, s1;
	s8 =	simm.s32 @!p0 $0x1BF5;
	p2 =	por !p2, p0  }
0x20: {  	[sflag:s8] =	ssyncset.s32 @!p0 $0xFFFFF086;
	s6 =	sadd.s32 @!p0 s3, s7;
	s7 =	simm.s32 @!p0 $0x108  }
0x21: {  	s3 =	sadd.s32 s3, s9;
	s6 =	sadd.s32 @!p0 $0x88, s6;
	s7 =	simm.s32 @p2 $0x1082  }
0x22: {  	[simem:s7], [sflag:s8] =	dma.local @!p0 [hbm:s6], $0xF7A  }
0x23: {  	s9 =	sor.u32 $0xD0000000, s2;
	s6 =	simm.s32 $0x108;
	_ =	swait.ge @!p0 [sflag:s8], $0x0  }
0x24: {  	s3 =	sadd.s32 $0x88, s3;
	s6 =	simm.s32 @!p1 $0x1082;
	[sflag:s4] =	ssyncset.s32 $0xFFFFF086  }
0x25: {  	[simem:s6], [sflag:s4] =	dma.local [hbm:s3], $0xF7A  }
0x26: {  	[smem:$0x3F9F] =	sst s1;
	(tag) =	ssettag s2;
	_ =	strace s9  }
0x27: {  	s1 =	sld [smem:$0x3FAF]  }
0x28: {  	s2 =	sld [smem:$0x3FB0]  }
0x29: {  	s4 =	sld [smem:$0x3FB2]  }
0x2a: {  	p0 =	seq.s32 s5, $0x0;
	s5 =	sld [smem:$0x3FB3]  }
0x2b: {  	s6 =	sld [smem:$0x3FB4]  }
0x2c: {  	s7 =	sld [smem:$0x3FB5]  }
0x2d: {  	s3 =	simm.s32 $0x108;
	s8 =	sld [smem:$0x3FB6]  }
0x2e: {  	s3 =	simm.s32 @!p0 $0x1082;
	s9 =	sld [smem:$0x3FB7]  }
0x2f: {  	lr =	sadd.s32 s0, s3;
	s0 =	sld [smem:$0x3FAE]  }
0x30: {  	s3 =	sld [smem:$0x3FB1]  }
0x31: {  	[smem:$0x3FBA] =	sst s10  }
0x32: {  	s10 =	sld [smem:$0x3FB8];
	_ =	sdelay $0x3  }
0x33: {  	p0 =	seq.s32 s10, $0x1;
	s10 =	sld [smem:$0x3FBA];
	_ =	sdelay $0x3  }
0x34: {  	[smem:$0x3FBA] =	sst s10  }
0x35: {  	s10 =	sld [smem:$0x3FB9];
	_ =	sdelay $0x3  }
0x36: {  	p1 =	seq.s32 s10, $0x1;
	s10 =	sld [smem:$0x3FBA];
	_ =	sdelay $0x3  }
0x37: {  	[smem:$0x3FBA] =	sst s10  }
0x38: {  	s10 =	sld [smem:$0x3FBB]  }
0x39: {  	_ = 	snop;
	(pc) =	sbr.ind lr, $3  }
0x3a: {  	_ = 	snop  }
0x3b: {  	_ = 	snop  }
0x3c: {  	p2 =	seq.s32 s10, $0x1;
	s10 =	sld [smem:$0x3FBA]  }
0x3d: {  	_ =	shalt  }
0x3e: {  	_ =	shalt  }
0x3f: {  	_ =	shalt  }
0x40: {  	_ =	shalt  }
0x41: {  	_ =	shalt  }
0x42: {  	_ =	shalt  }
0x43: {  	_ =	shalt  }
0x44: {  	_ =	shalt  }
0x45: {  	_ =	shalt  }
0x46: {  	_ =	shalt  }
0x47: {  	_ =	shalt  }
0x48: {  	_ =	shalt  }
0x49: {  	_ =	shalt  }
0x4a: {  	_ =	shalt  }
0x4b: {  	_ =	shalt  }
0x4c: {  	_ =	shalt  }
0x4d: {  	_ =	shalt  }
0x4e: {  	_ =	shalt  }
0x4f: {  	_ =	shalt  }
0x50: {  	_ =	shalt  }
0x51: {  	_ =	shalt  }
0x52: {  	_ =	shalt  }
0x53: {  	_ =	shalt  }
0x54: {  	_ =	shalt  }
0x55: {  	_ =	shalt  }
0x56: {  	_ =	shalt  }
0x57: {  	_ =	shalt  }
0x58: {  	_ =	shalt  }
0x59: {  	_ =	shalt  }
0x5a: {  	_ =	shalt  }
0x5b: {  	_ =	shalt  }
0x5c: {  	_ =	shalt  }
0x5d: {  	_ =	shalt  }
0x5e: {  	_ =	shalt  }
0x5f: {  	_ =	shalt  }
0x60: {  	_ =	shalt  }
0x61: {  	_ =	shalt  }
0x62: {  	_ =	shalt  }
0x63: {  	_ =	shalt  }
0x64: {  	_ =	shalt  }
0x65: {  	_ =	shalt  }
0x66: {  	_ =	shalt  }
0x67: {  	_ =	shalt  }
0x68: {  	_ =	shalt  }
0x69: {  	_ =	shalt  }
0x6a: {  	_ =	shalt  }
0x6b: {  	_ =	shalt  }
0x6c: {  	_ =	shalt  }
0x6d: {  	_ =	shalt  }
0x6e: {  	_ =	shalt  }
0x6f: {  	_ =	shalt  }
0x70: {  	_ =	shalt  }
0x71: {  	_ =	shalt  }
0x72: {  	_ =	shalt  }
0x73: {  	_ =	shalt  }
0x74: {  	_ =	shalt  }
0x75: {  	_ =	shalt  }
0x76: {  	_ =	shalt  }
0x77: {  	_ =	shalt  }
0x78: {  	_ =	shalt  }
0x79: {  	_ =	shalt  }
0x7a: {  	_ =	shalt  }
0x7b: {  	_ =	shalt  }
0x7c: {  	_ =	shalt  }
0x7d: {  	_ =	shalt  }
0x7e: {  	_ =	shalt  }
0x7f: {  	_ =	shalt  }
0x80: {  	_ =	shalt  }
0x81: {  	_ =	shalt  }
0x82: {  	_ =	shalt  }
0x83: {  	_ =	shalt  }
0x84: {  	_ =	shalt  }
0x85: {  	_ =	shalt  }
0x86: {  	_ =	shalt  }
0x87: {  	_ =	shalt  }
.Lfunc_end0:
.L_simem_size_0:
called_computation.1_lowered:
.L_overlay_start_0:
0x88: {  	s2 =	sld [smem:$0x3FD9]  }
0x89: {  	s3 =	sld [smem:$0x3FFE];
	_ =	sdelay $0x1  }
0x8a: {  	s1 =	srdreg.scid  }
0x8b: {  	s0 =	sand.u32 $0x1, s1  }
0x8c: {  	s17 =	sshll.u32 s0, $0xA;
	s2 =	sadd.s32 s3, s2  }
0x8d: {  	s2 =	sadd.s32 s2, s17  }
0x8e: {  	[smem:$0x3FC6] =	sst s2  }
0x8f: {  	_ = 	snop  }
0x90: {  	s2 =	sld [smem:$0x3FD0];
	(tm) =	ssettm $0x1  }
0x91: {  	s18 =	sld [smem:$0x3FFB];
	_ =	sdelay $0x3  }
0x92: {  	_ =	strace s18  }
0x93: {  	s3 =	sld [smem:$0x3FFC];
	_ =	sdelay $0x3  }
0x94: {  	_ =	strace s3  }
0x95: {  	s3 =	sld [smem:$0x3FFD];
	_ =	sdelay $0x3  }
0x96: {  	_ =	strace s3  }
0x97: {  	_ =	strace $0x8FFFFFFF  }
0x98: {  	s19 =	sld [smem:$0x3FDB];
	_ =	sdelay $0x1  }
0x99: {  	s4 =	simm.s32 $_scs_section_size  }
0x9a: {  	s5 =	simm.s32 $_size__tile_overlayer_lowered;
	s6 =	simm.s32 $_tile_overlayer_lowered  }
0x9b: {  	s22 =	simm.s32 $0x1BFF;
	s21 =	sshll.u32 s6, $0x1;
	s3 =	sadd.s32 s4, s19  }
0x9c: {  	s7 =	simm.s32 $0x0;
	s20 =	sshll.u32 s5, $0x1;
	s5 =	sadd.s32 s21, s3  }
0x9d: {  	[timem:s7], [sflag:s22] =	dma.local [hbm:s5], s20  }
0x9e: {  	_ =	swait.ge [sflag:s22], s20  }
0x9f: {  	s4 =	ssub.s32 $0x0, s20;
	[sflag:s22] =	ssyncset.done $0x0  }
0xa0: {  	[sflag:s22] =	ssyncadd.s32 s4;
	_ =	sdelay $0x1  }
0xa1: {  	s23 =	simm.s32 $0x1B8B  }
0xa2: {  	_ =	swait.ge [sflag:s23], $0x1  }
0xa3: {  	[sflag:s23] =	ssyncset.done $0x0  }
0xa4: {  	s25 =	simm.s32 $0x1B8E;
	s24 =	sld [smem:$0x3FFE];
	[sflag:s23] =	ssyncadd.s32 $0xFFFFFFFF  }
0xa5: {  	s26 =	simm.s32 $execute0_lowered;
	[smem:$0x3FD2] =	sst s25  }
0xa6: {  	s5 =	sshll.u32 s26, $0x1;
	_ =	strace $0x80000046;
	[dreg:$0x1] =	wrdreg $0xFFFFFFFF  }
0xa7: {  	s28 =	simm.s32 $_size_execute0_lowered;
	s3 =	sadd.s32 s3, s5;
	[dreg:$0x0] =	wrdreg $0x0  }
0xa8: {  	s5 =	sshll.u32 s28, $0x1;
	[dreg:$0x2] =	wrdreg s3  }
0xa9: {  	[dreg:$0x3] =	wrdreg s5  }
0xaa: {  	[dreg:$0x4] =	wrdreg $0xC0  }
0xab: {  	_ =	task [dreg:s7], $0x5FFFF  }
0xac: {  	[dreg:$0x1] =	wrdreg $0xFFFFFFFF  }
0xad: {  	[dreg:$0x0] =	wrdreg $0x60  }
0xae: {  	[dreg:$0x2] =	wrdreg s24  }
0xaf: {  	[dreg:$0x3] =	wrdreg s2  }
0xb0: {  	[dreg:$0x4] =	wrdreg $0x9  }
0xb1: {  	_ =	task.clear_ibuf [dreg:s7], $0x5FFFF;
	_ =	strace $0x90000046  }
0xb2: {  	s29 =	simm.s32 $0x9;
	_ =	strace $0x80000048  }
0xb3: {  	_ =	swait.ge [sflag:s29], $0x1  }
0xb4: {  	[sflag:s29] =	ssyncadd.s32 $0xFFFFFFFF  }
0xb5: {  	_ =	strace $0x90000048  }
0xb6: {  	_ =	sfence  }
0xb7: {  	s30 =	sld [smem:$0x0];
	_ =	sdelay $0x2  }
0xb8: {  	s31 =	sshll.u32 s1, $0xD;
	s1 =	sshrl.u32 s1, $0x2  }
0xb9: {  	s3 =	sand.u32 $0x4000, s31;
	s1 =	sadd.s32 s1, s30  }
0xba: {  	s0 =	sor.u32 s3, s0;
	s1 =	sshll.u32 s1, $0x11  }
0xbb: {  	s0 =	sor.u32 s1, s0  }
0xbc: {  	s0 =	sadd.s32 $0x8F2B, s0  }
0xbd: {  	[sflag:s0] =	ssyncadd.remote.s32 $0x1  }
0xbe: {  	_ =	sfence.sel $0xFFFF  }
0xbf: {  	[dreg:$0x0] =	wrdreg $0xFFFFFFFF;
	(pc) =	sbr.abs _section_cstart, $3  }
0xc0: {  	[dreg:$0x1] =	wrdreg $0xFFFFFFFF  }
0xc1: {  	_ =	task.clear_ibuf [dreg:s7], $0x2FFFF;
	_ =	strace $0x9FFFFFFF  }
0xc2: {  	(tm) =	ssettm $0x7FFFFFFF  }
0xc3: {  	_ =	shalt  }
tec
execute0_lowered:
.L_overlay_start_1:
0x0: {  	(tag) =	ssettag $0x1  }
0x1: {  	s0 =	srdreg.scid  }
0x2: {  	s1 =	sshll.u32 s0, $0x4  }
0x3: {  	s0 =	stileid.u32;
	s1 =	sand.u32 $0x10, s1  }
0x4: {  	s2 =	sor.u32 s0, s1  }
0x5: {  	s1 =	smin.u32 s2, $0x12  }
0x6: {  	s1 =	sadd.s32 s2, s1  }
0x7: {  	p0 =	slt.u32 s2, $0x12;
	s2 =	simm.s32 $0x320;
	s1 =	smul.u32 $0x190, s1  }
0x8: {  	s2 =	simm.s32 @!p0 $0x190  }
0x9: {  	s2 =	sadd.s32 s2, s1  }
0xa: {  	s3 =	smin.u32 s2, $0x4E20  }
0xb: {  	s7 =	ssub.s32 s3, s1  }
0xc: {  	p0 =	sgt.s32 s7, $0x0  }
0xd: {  	s7 =	simm.s32 @!p0 $0x0  }
0xe: {  	s31 =	sand.u32 $0xFFF0, s7  }
0xf: {  	s2 =	sshrl.u32 s31, $0x4  }
0x10: {  	s4 =	rddreg [dreg:$0x0];
	s2 =	smul.u32 $0xA3E, s2  }
0x11: {  	s5 =	rddreg [dreg:$0x1]  }
0x12: {  	s6 =	simm.s32 $0x1;
	s10 =	simm.s32 $0x3;
	s8 =	sshrl.u32 s2, $0x10  }
0x13: {  	s13 =	simm.s32 $0x0;
	s12 =	simm.s32 $0x0;
	s9 =	smul.u32 $0x190, s8  }
.Ltmp0:
0x14: {  	s11 =	smov.u32 s1;
	s2 =	rddreg [dreg:$0x2];
	(pc) =	sbr.rel .LBB2_1-.Ltmp0, $4  }
0x15: {  	_ =	strace $0x80000047;
	p0 =	sne.s32 s7, s9;
	s9 =	simm.s32 $0x1  }
0x16: {  	[sflag:s6] =	ssyncpa.u1 $0x0;
	s7 =	simm.s32 $0x2;
	s9 =	simm.s32 @!p0 $0x0  }
0x17: {  	[sflag:s7] =	ssyncpa.u1 $0x0;
	p0 =	por $0x0, $0x0;
	s8 =	sadd.s32 s8, s9  }
0x18: {  	vm0 =	vmmov $0xff;
	vm1 =	vcmask $0x3F20;
	s9 =	sadd.s32 $0x4E200, s4;
	[sflag:s10] =	ssyncpa.u1 $0x0;
	s10 =	sadd.s32 $0x1, s8  }
.LBB2_6:
0x19: {  	[hbm:s17] =	stream.linear.scatter [tilespmem:s14], [sflag:$0x3], $0x400, $0x38;
	[tilespmem:$0x19320] =	vst v63  }
.LBB2_7:
0x1a: {  	s13 =	sadd.s32 $0x190, s11  }
0x1b: {  	s15 =	smov.u32 s1;
	p2 =	slt.s32 s13, s3  }
0x1c: {  	s15 =	smov.u32 @p2 s13;
	p2 =	sne.s32 s12, s10  }
.Ltmp1:
0x1d: {  	p1 =	slt.u32 s12, $0x2;
	(pc) =	sbr.rel @!p2 .LBB2_8-.Ltmp1, $4  }
0x1e: {  	s14 =	simm.s32 @!p1 $0x3  }
0x1f: {  	s16 =	sadd.s32 $0x1, s12;
	_ =	swait.ge @!p1 [sflag:s14], $0xC800  }
0x20: {  	p0 =	por !p0, !p0;
	s13 =	smov.u32 s11;
	[sflag:s14] =	ssyncset.done @!p1 $0x0  }
0x21: {  	s12 =	smov.u32 s16;
	s11 =	smov.u32 s15;
	[sflag:s14] =	ssyncadd.s32 @!p1 $0xFFFF3800  }
.LBB2_1:
0x22: {  	p1 =	sge.u32 s12, s8  }
0x23: {  	s14 =	sxor.u32 @!p1 $0xFFFFFFFF, s12  }
0x24: {  	s14 =	sand.u32 @!p1 $0x1, s14  }
0x25: {  	s14 =	smul.u32 @!p1 $0x640, s14  }
0x26: {  	s31 =	sadd.s32 $0xFFFFFFFF, s12;
	s15 =	sshrl.u32 @!p1 s11, $0x3  }
0x27: {  	s16 =	sand.u32 @!p1 $0x7, s11;
	s15 =	sadd.s32 @!p1 s5, s15;
	s14 =	sshrl.u32 @!p1 s14, $0x2  }
0x28: {  	[tilespmem:s14], [sflag:$0x2] =	stream.linear.gather @!p1 [hbm4b:s15+s16], $0x190, $0x38;
	[tilespmem:$0x19320] =	vst v63  }
0x29: {  	p1 =	sge.u32 s31, s8  }
.Ltmp2:
0x2a: {  	_ = 	snop;
	(pc) =	sbr.rel @p1 .LBB2_7-.Ltmp2, $1  }
0x2b: {  	_ =	sdelay $0x3  }
0x2c: {  	s14 =	simm.s32 $0x1  }
0x2d: {  	s14 =	simm.s32 @!p0 $0x0  }
0x2e: {  	s15 =	smul.u32 $0x640, s14  }
0x2f: {  	_ =	swait.ge [sflag:s7], $0x190  }
0x30: {  	[sflag:s7] =	ssyncset.done $0x0;
	s16 =	sshrl.u32 s15, $0x2  }
0x31: {  	[sflag:s7] =	ssyncadd.s32 $0xFFFFFE70;
	s15 =	sadd.s32 $0x0, s16  }
0x32: {  	v0 =	vld.msk [tilespmem:s15+$0x0 ss:$0x1], $0xffff;
	_ =	sdelay $0x4  }
0x33: {  	v1 =	vand.u32 $0x3, v0;
	v2 =	vshll.u32 v0, $0x5  }
0x34: {  	vm2 =	veq.s32 v0, $0x80000000;
	v0 =	vmul.u32 $0x9C400, v1;
	v1 =	vand.u32 $0xFFF80, v2  }
0x35: {  	v1 =	vsel vm2, $0xFFFFFF80, v1  }
0x36: {  	v0 =	vsel vm2, $0xFFF63C00, v0;
	v2 =	vand.u32 $0xFFFFFC00, v1  }
0x37: {  	v1 =	vand.u32 $0x380, v1;
	v0 =	vadd.s32 v0, v2  }
0x38: {  	v0 =	vor.u32 v1, v0  }
0x39: {  	v0 =	vshrl.u32 v0, $0x3  }
0x3a: {  	s14 =	smul.u32 $0x32000, s14;
	_ =	sdelay $0x1  }
0x3b: {  	s14 =	sshrl.u32 s14, $0x2  }
0x3c: {  	s14 =	sor.u32 $0x320, s14  }
0x3d: {  	[tilespmem:s14], [sflag:$0x1] =	stream.indirect_vreg.gather [hbm:s4], $0x80, v0, vm0, $0x38;
	[tilespmem:$0x19320] =	vst v63  }
0x3e: {  	s17 =	sadd.s32 $0x10, s16;
	s15 =	sadd.s32 $0x400, s14  }
0x3f: {  	[tilespmem:s15], [sflag:$0x1] =	stream.indirect_vreg.gather [hbm:s4], $0x80, v0, vm1, $0x38;
	[tilespmem:$0x19320] =	vst v63  }
0x40: {  	s18 =	simm.s32 $0x80;
	v0 =	vld.msk [tilespmem:s17+$0x0 ss:$0x1], $0xffff;
	s17 =	smov.u32 s14  }
.LBB2_3:
0x41: {  	p1 =	sne.s32 s18, $0x600;
	_ =	sdelay $0x4  }
0x42: {  	v1 =	vand.u32 $0x3, v0;
	v2 =	vshll.u32 v0, $0x5  }
0x43: {  	vm2 =	veq.s32 v0, $0x80000000;
	v0 =	vmul.u32 $0x9C400, v1;
	v1 =	vand.u32 $0xFFF80, v2  }
0x44: {  	v1 =	vsel vm2, $0xFFFFFF80, v1  }
0x45: {  	v0 =	vsel vm2, $0xFFF63C00, v0;
	v2 =	vand.u32 $0xFFFFFC00, v1  }
0x46: {  	v1 =	vand.u32 $0x380, v1;
	v0 =	vadd.s32 v0, v2  }
0x47: {  	v0 =	vor.u32 v1, v0  }
0x48: {  	v0 =	vshrl.u32 v0, $0x3;
	_ =	sdelay $0x3  }
.Ltmp3:
0x49: {  	s19 =	sshra.s32 s18, $0x2;
	s17 =	sadd.s32 $0x800, s17;
	(pc) =	sbr.rel @p1 .LBB2_3-.Ltmp3, $4  }
0x4a: {  	[tilespmem:s17], [sflag:$0x1] =	stream.indirect_vreg.gather [hbm:s4], $0x80, v0, vm0, $0x38;
	[tilespmem:$0x19320] =	vst v63  }
0x4b: {  	s19 =	sadd.s32 s19, s16;
	s20 =	sadd.s32 $0x400, s17  }
0x4c: {  	[tilespmem:s20], [sflag:$0x1] =	stream.indirect_vreg.gather [hbm:s4], $0x80, v0, vm1, $0x38;
	[tilespmem:$0x19320] =	vst v63  }
0x4d: {  	s18 =	sadd.s32 $0x40, s18;
	v0 =	vld.msk [tilespmem:s19+$0x0 ss:$0x1], $0xffff  }
0x4e: {  	_ =	sdelay $0x3  }
0x4f: {  	v1 =	vand.u32 $0x3, v0;
	v2 =	vshll.u32 v0, $0x5  }
0x50: {  	vm2 =	veq.s32 v0, $0x80000000;
	v61 =	vmul.u32 $0x9C400, v1;
	v62 =	vand.u32 $0xFFF80, v2  }
0x51: {  	v1 =	vsel vm2, $0xFFFFFF80, v62  }
0x52: {  	v0 =	vsel vm2, $0xFFF63C00, v61;
	v63 =	vand.u32 $0xFFFFFC00, v1  }
0x53: {  	v1 =	vand.u32 $0x380, v1;
	v0 =	vadd.s32 v0, v63  }
0x54: {  	v0 =	vor.u32 v1, v0  }
0x55: {  	v0 =	vshrl.u32 v0, $0x3;
	_ =	sdelay $0x3  }
0x56: {  	s16 =	sadd.s32 $0x800, s17  }
0x57: {  	[tilespmem:s16], [sflag:$0x1] =	stream.indirect_vreg.gather [hbm:s4], $0x80, v0, vm0, $0x38;
	[tilespmem:$0x19320] =	vst v63  }
0x58: {  	s16 =	sadd.s32 $0x400, s16  }
0x59: {  	[tilespmem:s16], [sflag:$0x1] =	stream.indirect_vreg.gather [hbm:s4], $0x80, v0, vm1, $0x38;
	[tilespmem:$0x19320] =	vst v63  }
0x5a: {  	s13 =	sshll.u32 s13, $0x4;
	_ =	swait.ge [sflag:s6], $0xC800  }
0x5b: {  	s13 =	sadd.s32 s13, s9;
	[sflag:s6] =	ssyncset.done $0x0  }
0x5c: {  	s17 =	sadd.s32 $0x0, s13;
	s16 =	simm.s32 $0x80;
	[sflag:s6] =	ssyncadd.s32 $0xFFFF3800  }
.LBB2_5:
0x5d: {  	[hbm:s17] =	stream.linear.scatter [tilespmem:s14], [sflag:$0x3], $0x400, $0x38;
	[tilespmem:$0x19320] =	vst v63  }
0x5e: {  	s17 =	smov.u32 s16;
	s14 =	smov.u32 s15;
	p1 =	sne.s32 s16, $0x1880  }
.Ltmp4:
0x5f: {  	s16 =	sadd.s32 $0x80, s16;
	(pc) =	sbr.rel @p1 .LBB2_5-.Ltmp4, $2  }
0x60: {  	_ =	sdelay $0x2  }
0x61: {  	s15 =	sadd.s32 $0x400, s15;
	s17 =	sadd.s32 s17, s13  }
.Ltmp5:
0x62: {  	_ = 	snop;
	(pc) =	sbr.rel .LBB2_6-.Ltmp5, $1  }
0x63: {  	_ =	sdelay $0x3  }
.LBB2_8:
0x64: {  	_ =	sfence.sel $0x180000  }
0x65: {  	s1 =	simm.s32 $0x2;
	[bflag:$0x0] =	sbarrier.arrive $0xFFFF  }
0x66: {  	s30 =	simm.s32 $0x3;
	[sflag:s1] =	ssyncpa.u1 $0x1  }
0x67: {  	s31 =	simm.s32 $0x1;
	[sflag:s30] =	ssyncpa.u1 $0x1  }
0x68: {  	[sflag:s31] =	ssyncpa.u1 $0x1  }
0x69: {  	p0 =	sne.s32 s0, $0x0;
	_ =	strace $0x90000047  }
0x6a: {  	s0 =	sadd.s32 @!p0 $0x100000, s2;
	[bflag:$0x2] =	sbarrier.arrive $0xFFFF  }
0x6b: {  	[sflag:s0] =	ssyncadd.tile.s32 @!p0 $0x1;
	_ =	shalt  }
.Lfunc_end2:
_tile_overlayer_lowered:
.L_overlay_start_2:
0x6c: {  	(tag) =	ssettag $0x2  }
0x6d: {  	s0 =	rddreg [dreg:$0x0];
	s2 =	stileid.u32  }
0x6e: {  	s1 =	rddreg [dreg:$0x1];
	p0 =	sne.s32 s2, $0x0  }
0x6f: {  	s3 =	rddreg [dreg:$0x2];
	[bflag:$0x3] =	sbarrier.arrive $0xFFFF;
	s2 =	simm.s32 @!p0 $0x1C01  }
0x70: {  	[timem:s3], [sflag:s2] =	dma.local @!p0 [hbm:s0], s1  }
0x71: {  	s0 =	simm.s32 @!p0 $0x1  }
0x72: {  	_ =	swait.ge @!p0 [sflag:s0], s1  }
0x73: {  	s1 =	ssub.s32 @!p0 $0x0, s1;
	[sflag:s0] =	ssyncset.done @!p0 $0x0  }
0x74: {  	[sflag:s0] =	ssyncadd.s32 @!p0 s1  }
0x75: {  	[bflag:$0x3] =	sbarrier.arrive $0xFFFF  }
0x76: {  	_ =	shalt  }

// kernel: gather_offload_async_start.2
scs
__scs_entry_jumppad:
0x0: {  	(pc) =	sbr.rel $0x88, $3  }
0x1: {  	(tag) =	ssettag $0x0;
	lr =	simm.s32 $0x1  }
0x2: {  	[smem:$0x3F9F] =	sst lr;
	_ =	strace $0xD0000000  }
0x3: {  	_ = 	snop  }
0x4: {  	_ = 	snop  }
0x5: {  	_ = 	snop  }
0x6: {  	_ = 	snop  }
0x7: {  	_ = 	snop  }
__scs_overlays_trampoline_lowered:
0x8: {  	[smem:$0x3FAE] =	sst s0  }
0x9: {  	[smem:$0x3FAF] =	sst s1  }
0xa: {  	[smem:$0x3FB0] =	sst s2  }
0xb: {  	[smem:$0x3FB1] =	sst s3  }
0xc: {  	[smem:$0x3FB2] =	sst s4  }
0xd: {  	[smem:$0x3FB3] =	sst s5  }
0xe: {  	[smem:$0x3FB4] =	sst s6  }
0xf: {  	[smem:$0x3FB5] =	sst s7  }
0x10: {  	[smem:$0x3FB6] =	sst s8  }
0x11: {  	[smem:$0x3FB7] =	sst s9;
	s0 =	simm.s32 @!p0 $0x0  }
0x12: {  	s1 =	sld [smem:$0x3F9D];
	s0 =	simm.s32 @p0 $0x1  }
0x13: {  	[smem:$0x3FB8] =	sst s0;
	s0 =	simm.s32 @!p1 $0x0  }
0x14: {  	s2 =	sld [smem:$0x3F9C];
	s0 =	simm.s32 @p1 $0x1  }
0x15: {  	[smem:$0x3FB9] =	sst s0;
	s0 =	simm.s32 @!p2 $0x0  }
0x16: {  	s3 =	sld [smem:$0x3FDB];
	s0 =	simm.s32 @p2 $0x1  }
0x17: {  	s4 =	simm.s32 $0x1BF5;
	[smem:$0x3FBB] =	sst s0  }
0x18: {  	s0 =	sld [smem:$0x3F9E];
	_ =	swait.ge [sflag:s4], $0x0  }
0x19: {  	s7 =	sld [smem:$0x3F9F]  }
0x1a: {  	s8 =	sadd.s32 $0xFFFFE003, lr  }
0x1b: {  	s9 =	sadd.s32 $0xFFFFFEF7, lr;
	s5 =	simm.s32 $0xFFFFFFFF;
	p2 =	slt.u32 s8, $0xFFFFF086  }
0x1c: {  	p1 =	slt.u32 s9, $0xF7A;
	s5 =	simm.s32 @!p2 $0x0  }
0x1d: {  	s5 =	simm.s32 @p1 $0x1;
	p0 =	seq.s32 s7, s2  }
0x1e: {  	s7 =	smul.u32 @!p0 $0xF7A, s2;
	p2 =	seq.s32 @!p0 s5, $0x0  }
0x1f: {  	s9 =	smul.u32 $0xF7A, s1;
	s8 =	simm.s32 @!p0 $0x1BF5;
	p2 =	por !p2, p0  }
0x20: {  	[sflag:s8] =	ssyncset.s32 @!p0 $0xFFFFF086;
	s6 =	sadd.s32 @!p0 s3, s7;
	s7 =	simm.s32 @!p0 $0x108  }
0x21: {  	s3 =	sadd.s32 s3, s9;
	s6 =	sadd.s32 @!p0 $0x88, s6;
	s7 =	simm.s32 @p2 $0x1082  }
0x22: {  	[simem:s7], [sflag:s8] =	dma.local @!p0 [hbm:s6], $0xF7A  }
0x23: {  	s9 =	sor.u32 $0xD0000000, s2;
	s6 =	simm.s32 $0x108;
	_ =	swait.ge @!p0 [sflag:s8], $0x0  }
0x24: {  	s3 =	sadd.s32 $0x88, s3;
	s6 =	simm.s32 @!p1 $0x1082;
	[sflag:s4] =	ssyncset.s32 $0xFFFFF086  }
0x25: {  	[simem:s6], [sflag:s4] =	dma.local [hbm:s3], $0xF7A  }
0x26: {  	[smem:$0x3F9F] =	sst s1;
	(tag) =	ssettag s2;
	_ =	strace s9  }
0x27: {  	s1 =	sld [smem:$0x3FAF]  }
0x28: {  	s2 =	sld [smem:$0x3FB0]  }
0x29: {  	s4 =	sld [smem:$0x3FB2]  }
0x2a: {  	p0 =	seq.s32 s5, $0x0;
	s5 =	sld [smem:$0x3FB3]  }
0x2b: {  	s6 =	sld [smem:$0x3FB4]  }
0x2c: {  	s7 =	sld [smem:$0x3FB5]  }
0x2d: {  	s3 =	simm.s32 $0x108;
	s8 =	sld [smem:$0x3FB6]  }
0x2e: {  	s3 =	simm.s32 @!p0 $0x1082;
	s9 =	sld [smem:$0x3FB7]  }
0x2f: {  	lr =	sadd.s32 s0, s3;
	s0 =	sld [smem:$0x3FAE]  }
0x30: {  	s3 =	sld [smem:$0x3FB1]  }
0x31: {  	[smem:$0x3FBA] =	sst s10  }
0x32: {  	s10 =	sld [smem:$0x3FB8];
	_ =	sdelay $0x3  }
0x33: {  	p0 =	seq.s32 s10, $0x1;
	s10 =	sld [smem:$0x3FBA];
	_ =	sdelay $0x3  }
0x34: {  	[smem:$0x3FBA] =	sst s10  }
0x35: {  	s10 =	sld [smem:$0x3FB9];
	_ =	sdelay $0x3  }
0x36: {  	p1 =	seq.s32 s10, $0x1;
	s10 =	sld [smem:$0x3FBA];
	_ =	sdelay $0x3  }
0x37: {  	[smem:$0x3FBA] =	sst s10  }
0x38: {  	s10 =	sld [smem:$0x3FBB]  }
0x39: {  	_ = 	snop;
	(pc) =	sbr.ind lr, $3  }
0x3a: {  	_ = 	snop  }
0x3b: {  	_ = 	snop  }
0x3c: {  	p2 =	seq.s32 s10, $0x1;
	s10 =	sld [smem:$0x3FBA]  }
0x3d: {  	_ =	shalt  }
0x3e: {  	_ =	shalt  }
0x3f: {  	_ =	shalt  }
0x40: {  	_ =	shalt  }
0x41: {  	_ =	shalt  }
0x42: {  	_ =	shalt  }
0x43: {  	_ =	shalt  }
0x44: {  	_ =	shalt  }
0x45: {  	_ =	shalt  }
0x46: {  	_ =	shalt  }
0x47: {  	_ =	shalt  }
0x48: {  	_ =	shalt  }
0x49: {  	_ =	shalt  }
0x4a: {  	_ =	shalt  }
0x4b: {  	_ =	shalt  }
0x4c: {  	_ =	shalt  }
0x4d: {  	_ =	shalt  }
0x4e: {  	_ =	shalt  }
0x4f: {  	_ =	shalt  }
0x50: {  	_ =	shalt  }
0x51: {  	_ =	shalt  }
0x52: {  	_ =	shalt  }
0x53: {  	_ =	shalt  }
0x54: {  	_ =	shalt  }
0x55: {  	_ =	shalt  }
0x56: {  	_ =	shalt  }
0x57: {  	_ =	shalt  }
0x58: {  	_ =	shalt  }
0x59: {  	_ =	shalt  }
0x5a: {  	_ =	shalt  }
0x5b: {  	_ =	shalt  }
0x5c: {  	_ =	shalt  }
0x5d: {  	_ =	shalt  }
0x5e: {  	_ =	shalt  }
0x5f: {  	_ =	shalt  }
0x60: {  	_ =	shalt  }
0x61: {  	_ =	shalt  }
0x62: {  	_ =	shalt  }
0x63: {  	_ =	shalt  }
0x64: {  	_ =	shalt  }
0x65: {  	_ =	shalt  }
0x66: {  	_ =	shalt  }
0x67: {  	_ =	shalt  }
0x68: {  	_ =	shalt  }
0x69: {  	_ =	shalt  }
0x6a: {  	_ =	shalt  }
0x6b: {  	_ =	shalt  }
0x6c: {  	_ =	shalt  }
0x6d: {  	_ =	shalt  }
0x6e: {  	_ =	shalt  }
0x6f: {  	_ =	shalt  }
0x70: {  	_ =	shalt  }
0x71: {  	_ =	shalt  }
0x72: {  	_ =	shalt  }
0x73: {  	_ =	shalt  }
0x74: {  	_ =	shalt  }
0x75: {  	_ =	shalt  }
0x76: {  	_ =	shalt  }
0x77: {  	_ =	shalt  }
0x78: {  	_ =	shalt  }
0x79: {  	_ =	shalt  }
0x7a: {  	_ =	shalt  }
0x7b: {  	_ =	shalt  }
0x7c: {  	_ =	shalt  }
0x7d: {  	_ =	shalt  }
0x7e: {  	_ =	shalt  }
0x7f: {  	_ =	shalt  }
0x80: {  	_ =	shalt  }
0x81: {  	_ =	shalt  }
0x82: {  	_ =	shalt  }
0x83: {  	_ =	shalt  }
0x84: {  	_ =	shalt  }
0x85: {  	_ =	shalt  }
0x86: {  	_ =	shalt  }
0x87: {  	_ =	shalt  }
.Lfunc_end0:
.L_simem_size_0:
called_computation.2_lowered:
.L_overlay_start_0:
0x88: {  	s2 =	sld [smem:$0x3FD9]  }
0x89: {  	s3 =	sld [smem:$0x3FFE];
	_ =	sdelay $0x1  }
0x8a: {  	s1 =	srdreg.scid  }
0x8b: {  	s0 =	sand.u32 $0x1, s1  }
0x8c: {  	s17 =	sshll.u32 s0, $0xA;
	s2 =	sadd.s32 s3, s2  }
0x8d: {  	s2 =	sadd.s32 s2, s17  }
0x8e: {  	[smem:$0x3FC6] =	sst s2  }
0x8f: {  	_ = 	snop  }
0x90: {  	s2 =	sld [smem:$0x3FD0];
	(tm) =	ssettm $0x1  }
0x91: {  	s18 =	sld [smem:$0x3FFB];
	_ =	sdelay $0x3  }
0x92: {  	_ =	strace s18  }
0x93: {  	s3 =	sld [smem:$0x3FFC];
	_ =	sdelay $0x3  }
0x94: {  	_ =	strace s3  }
0x95: {  	s3 =	sld [smem:$0x3FFD];
	_ =	sdelay $0x3  }
0x96: {  	_ =	strace s3  }
0x97: {  	_ =	strace $0x8FFFFFFF  }
0x98: {  	s19 =	sld [smem:$0x3FDB];
	_ =	sdelay $0x1  }
0x99: {  	s4 =	simm.s32 $_scs_section_size  }
0x9a: {  	s5 =	simm.s32 $_size__tile_overlayer_lowered;
	s6 =	simm.s32 $_tile_overlayer_lowered  }
0x9b: {  	s22 =	simm.s32 $0x1BFF;
	s21 =	sshll.u32 s6, $0x1;
	s3 =	sadd.s32 s4, s19  }
0x9c: {  	s7 =	simm.s32 $0x0;
	s20 =	sshll.u32 s5, $0x1;
	s5 =	sadd.s32 s21, s3  }
0x9d: {  	[timem:s7], [sflag:s22] =	dma.local [hbm:s5], s20  }
0x9e: {  	_ =	swait.ge [sflag:s22], s20  }
0x9f: {  	s4 =	ssub.s32 $0x0, s20;
	[sflag:s22] =	ssyncset.done $0x0  }
0xa0: {  	[sflag:s22] =	ssyncadd.s32 s4;
	_ =	sdelay $0x1  }
0xa1: {  	s23 =	simm.s32 $0x1B8B  }
0xa2: {  	_ =	swait.ge [sflag:s23], $0x1  }
0xa3: {  	[sflag:s23] =	ssyncset.done $0x0  }
0xa4: {  	s25 =	simm.s32 $0x1B8E;
	s24 =	sld [smem:$0x3FFE];
	[sflag:s23] =	ssyncadd.s32 $0xFFFFFFFF  }
0xa5: {  	s26 =	simm.s32 $execute0_lowered;
	[smem:$0x3FD2] =	sst s25  }
0xa6: {  	s5 =	sshll.u32 s26, $0x1;
	_ =	strace $0x8000004C;
	[dreg:$0x1] =	wrdreg $0xFFFFFFFF  }
0xa7: {  	s28 =	simm.s32 $_size_execute0_lowered;
	s3 =	sadd.s32 s3, s5;
	[dreg:$0x0] =	wrdreg $0x0  }
0xa8: {  	s5 =	sshll.u32 s28, $0x1;
	[dreg:$0x2] =	wrdreg s3  }
0xa9: {  	[dreg:$0x3] =	wrdreg s5  }
0xaa: {  	[dreg:$0x4] =	wrdreg $0xC0  }
0xab: {  	_ =	task [dreg:s7], $0x5FFFF  }
0xac: {  	[dreg:$0x1] =	wrdreg $0xFFFFFFFF  }
0xad: {  	[dreg:$0x0] =	wrdreg $0x60  }
0xae: {  	[dreg:$0x2] =	wrdreg s24  }
0xaf: {  	[dreg:$0x3] =	wrdreg s2  }
0xb0: {  	[dreg:$0x4] =	wrdreg $0x9  }
0xb1: {  	_ =	task.clear_ibuf [dreg:s7], $0x5FFFF;
	_ =	strace $0x9000004C  }
0xb2: {  	s29 =	simm.s32 $0x9;
	_ =	strace $0x8000004E  }
0xb3: {  	_ =	swait.ge [sflag:s29], $0x1  }
0xb4: {  	[sflag:s29] =	ssyncadd.s32 $0xFFFFFFFF  }
0xb5: {  	_ =	strace $0x9000004E  }
0xb6: {  	_ =	sfence  }
0xb7: {  	s30 =	sld [smem:$0x0];
	_ =	sdelay $0x2  }
0xb8: {  	s31 =	sshll.u32 s1, $0xD;
	s1 =	sshrl.u32 s1, $0x2  }
0xb9: {  	s3 =	sand.u32 $0x4000, s31;
	s1 =	sadd.s32 s1, s30  }
0xba: {  	s0 =	sor.u32 s3, s0;
	s1 =	sshll.u32 s1, $0x11  }
0xbb: {  	s0 =	sor.u32 s1, s0  }
0xbc: {  	s0 =	sadd.s32 $0x8F2B, s0  }
0xbd: {  	[sflag:s0] =	ssyncadd.remote.s32 $0x1  }
0xbe: {  	_ =	sfence.sel $0xFFFF  }
0xbf: {  	[dreg:$0x0] =	wrdreg $0xFFFFFFFF;
	(pc) =	sbr.abs _section_cstart, $3  }
0xc0: {  	[dreg:$0x1] =	wrdreg $0xFFFFFFFF  }
0xc1: {  	_ =	task.clear_ibuf [dreg:s7], $0x2FFFF;
	_ =	strace $0x9FFFFFFF  }
0xc2: {  	(tm) =	ssettm $0x7FFFFFFF  }
0xc3: {  	_ =	shalt  }
tec
execute0_lowered:
.L_overlay_start_1:
0x0: {  	(tag) =	ssettag $0x1  }
0x1: {  	s0 =	srdreg.scid  }
0x2: {  	s1 =	sshll.u32 s0, $0x4  }
0x3: {  	s0 =	stileid.u32;
	s1 =	sand.u32 $0x10, s1  }
0x4: {  	s2 =	sor.u32 s0, s1  }
0x5: {  	s1 =	smin.u32 s2, $0x12  }
0x6: {  	s1 =	sadd.s32 s2, s1  }
0x7: {  	p0 =	slt.u32 s2, $0x12;
	s2 =	simm.s32 $0x320;
	s1 =	smul.u32 $0x190, s1  }
0x8: {  	s2 =	simm.s32 @!p0 $0x190  }
0x9: {  	s2 =	sadd.s32 s2, s1  }
0xa: {  	s3 =	smin.u32 s2, $0x4E20  }
0xb: {  	s7 =	ssub.s32 s3, s1  }
0xc: {  	p0 =	sgt.s32 s7, $0x0  }
0xd: {  	s7 =	simm.s32 @!p0 $0x0  }
0xe: {  	s31 =	sand.u32 $0xFFF0, s7  }
0xf: {  	s2 =	sshrl.u32 s31, $0x4  }
0x10: {  	s4 =	rddreg [dreg:$0x0];
	s2 =	smul.u32 $0xA3E, s2  }
0x11: {  	s5 =	rddreg [dreg:$0x1]  }
0x12: {  	s6 =	simm.s32 $0x1;
	s10 =	simm.s32 $0x3;
	s8 =	sshrl.u32 s2, $0x10  }
0x13: {  	s13 =	simm.s32 $0x0;
	s12 =	simm.s32 $0x0;
	s9 =	smul.u32 $0x190, s8  }
.Ltmp0:
0x14: {  	s11 =	smov.u32 s1;
	s2 =	rddreg [dreg:$0x2];
	(pc) =	sbr.rel .LBB2_1-.Ltmp0, $4  }
0x15: {  	_ =	strace $0x8000004D;
	p0 =	sne.s32 s7, s9;
	s9 =	simm.s32 $0x1  }
0x16: {  	[sflag:s6] =	ssyncpa.u1 $0x0;
	s7 =	simm.s32 $0x2;
	s9 =	simm.s32 @!p0 $0x0  }
0x17: {  	[sflag:s7] =	ssyncpa.u1 $0x0;
	p0 =	por $0x0, $0x0;
	s8 =	sadd.s32 s8, s9  }
0x18: {  	vm0 =	vmmov $0xff;
	vm1 =	vcmask $0x3F20;
	s9 =	sadd.s32 $0x4E200, s4;
	[sflag:s10] =	ssyncpa.u1 $0x0;
	s10 =	sadd.s32 $0x1, s8  }
.LBB2_6:
0x19: {  	[hbm:s17] =	stream.linear.scatter [tilespmem:s14], [sflag:$0x3], $0x400, $0x38;
	[tilespmem:$0x19320] =	vst v63  }
.LBB2_7:
0x1a: {  	s13 =	sadd.s32 $0x190, s11  }
0x1b: {  	s15 =	smov.u32 s1;
	p2 =	slt.s32 s13, s3  }
0x1c: {  	s15 =	smov.u32 @p2 s13;
	p2 =	sne.s32 s12, s10  }
.Ltmp1:
0x1d: {  	p1 =	slt.u32 s12, $0x2;
	(pc) =	sbr.rel @!p2 .LBB2_8-.Ltmp1, $4  }
0x1e: {  	s14 =	simm.s32 @!p1 $0x3  }
0x1f: {  	s16 =	sadd.s32 $0x1, s12;
	_ =	swait.ge @!p1 [sflag:s14], $0xC800  }
0x20: {  	p0 =	por !p0, !p0;
	s13 =	smov.u32 s11;
	[sflag:s14] =	ssyncset.done @!p1 $0x0  }
0x21: {  	s12 =	smov.u32 s16;
	s11 =	smov.u32 s15;
	[sflag:s14] =	ssyncadd.s32 @!p1 $0xFFFF3800  }
.LBB2_1:
0x22: {  	p1 =	sge.u32 s12, s8  }
0x23: {  	s14 =	sxor.u32 @!p1 $0xFFFFFFFF, s12  }
0x24: {  	s14 =	sand.u32 @!p1 $0x1, s14  }
0x25: {  	s14 =	smul.u32 @!p1 $0x640, s14  }
0x26: {  	s31 =	sadd.s32 $0xFFFFFFFF, s12;
	s15 =	sshrl.u32 @!p1 s11, $0x3  }
0x27: {  	s16 =	sand.u32 @!p1 $0x7, s11;
	s15 =	sadd.s32 @!p1 s5, s15;
	s14 =	sshrl.u32 @!p1 s14, $0x2  }
0x28: {  	[tilespmem:s14], [sflag:$0x2] =	stream.linear.gather @!p1 [hbm4b:s15+s16], $0x190, $0x38;
	[tilespmem:$0x19320] =	vst v63  }
0x29: {  	p1 =	sge.u32 s31, s8  }
.Ltmp2:
0x2a: {  	_ = 	snop;
	(pc) =	sbr.rel @p1 .LBB2_7-.Ltmp2, $1  }
0x2b: {  	_ =	sdelay $0x3  }
0x2c: {  	s14 =	simm.s32 $0x1  }
0x2d: {  	s14 =	simm.s32 @!p0 $0x0  }
0x2e: {  	s15 =	smul.u32 $0x640, s14  }
0x2f: {  	_ =	swait.ge [sflag:s7], $0x190  }
0x30: {  	[sflag:s7] =	ssyncset.done $0x0;
	s16 =	sshrl.u32 s15, $0x2  }
0x31: {  	[sflag:s7] =	ssyncadd.s32 $0xFFFFFE70;
	s15 =	sadd.s32 $0x0, s16  }
0x32: {  	v0 =	vld.msk [tilespmem:s15+$0x0 ss:$0x1], $0xffff;
	_ =	sdelay $0x4  }
0x33: {  	v1 =	vand.u32 $0x3, v0;
	v2 =	vshll.u32 v0, $0x5  }
0x34: {  	vm2 =	veq.s32 v0, $0x80000000;
	v0 =	vmul.u32 $0x9C400, v1;
	v1 =	vand.u32 $0xFFF80, v2  }
0x35: {  	v1 =	vsel vm2, $0xFFFFFF80, v1  }
0x36: {  	v0 =	vsel vm2, $0xFFF63C00, v0;
	v2 =	vand.u32 $0xFFFFFC00, v1  }
0x37: {  	v1 =	vand.u32 $0x380, v1;
	v0 =	vadd.s32 v0, v2  }
0x38: {  	v0 =	vor.u32 v1, v0  }
0x39: {  	v0 =	vshrl.u32 v0, $0x3  }
0x3a: {  	s14 =	smul.u32 $0x32000, s14;
	_ =	sdelay $0x1  }
0x3b: {  	s14 =	sshrl.u32 s14, $0x2  }
0x3c: {  	s14 =	sor.u32 $0x320, s14  }
0x3d: {  	[tilespmem:s14], [sflag:$0x1] =	stream.indirect_vreg.gather [hbm:s4], $0x80, v0, vm0, $0x38;
	[tilespmem:$0x19320] =	vst v63  }
0x3e: {  	s17 =	sadd.s32 $0x10, s16;
	s15 =	sadd.s32 $0x400, s14  }
0x3f: {  	[tilespmem:s15], [sflag:$0x1] =	stream.indirect_vreg.gather [hbm:s4], $0x80, v0, vm1, $0x38;
	[tilespmem:$0x19320] =	vst v63  }
0x40: {  	s18 =	simm.s32 $0x80;
	v0 =	vld.msk [tilespmem:s17+$0x0 ss:$0x1], $0xffff;
	s17 =	smov.u32 s14  }
.LBB2_3:
0x41: {  	p1 =	sne.s32 s18, $0x600;
	_ =	sdelay $0x4  }
0x42: {  	v1 =	vand.u32 $0x3, v0;
	v2 =	vshll.u32 v0, $0x5  }
0x43: {  	vm2 =	veq.s32 v0, $0x80000000;
	v0 =	vmul.u32 $0x9C400, v1;
	v1 =	vand.u32 $0xFFF80, v2  }
0x44: {  	v1 =	vsel vm2, $0xFFFFFF80, v1  }
0x45: {  	v0 =	vsel vm2, $0xFFF63C00, v0;
	v2 =	vand.u32 $0xFFFFFC00, v1  }
0x46: {  	v1 =	vand.u32 $0x380, v1;
	v0 =	vadd.s32 v0, v2  }
0x47: {  	v0 =	vor.u32 v1, v0  }
0x48: {  	v0 =	vshrl.u32 v0, $0x3;
	_ =	sdelay $0x3  }
.Ltmp3:
0x49: {  	s19 =	sshra.s32 s18, $0x2;
	s17 =	sadd.s32 $0x800, s17;
	(pc) =	sbr.rel @p1 .LBB2_3-.Ltmp3, $4  }
0x4a: {  	[tilespmem:s17], [sflag:$0x1] =	stream.indirect_vreg.gather [hbm:s4], $0x80, v0, vm0, $0x38;
	[tilespmem:$0x19320] =	vst v63  }
0x4b: {  	s19 =	sadd.s32 s19, s16;
	s20 =	sadd.s32 $0x400, s17  }
0x4c: {  	[tilespmem:s20], [sflag:$0x1] =	stream.indirect_vreg.gather [hbm:s4], $0x80, v0, vm1, $0x38;
	[tilespmem:$0x19320] =	vst v63  }
0x4d: {  	s18 =	sadd.s32 $0x40, s18;
	v0 =	vld.msk [tilespmem:s19+$0x0 ss:$0x1], $0xffff  }
0x4e: {  	_ =	sdelay $0x3  }
0x4f: {  	v1 =	vand.u32 $0x3, v0;
	v2 =	vshll.u32 v0, $0x5  }
0x50: {  	vm2 =	veq.s32 v0, $0x80000000;
	v61 =	vmul.u32 $0x9C400, v1;
	v62 =	vand.u32 $0xFFF80, v2  }
0x51: {  	v1 =	vsel vm2, $0xFFFFFF80, v62  }
0x52: {  	v0 =	vsel vm2, $0xFFF63C00, v61;
	v63 =	vand.u32 $0xFFFFFC00, v1  }
0x53: {  	v1 =	vand.u32 $0x380, v1;
	v0 =	vadd.s32 v0, v63  }
0x54: {  	v0 =	vor.u32 v1, v0  }
0x55: {  	v0 =	vshrl.u32 v0, $0x3;
	_ =	sdelay $0x3  }
0x56: {  	s16 =	sadd.s32 $0x800, s17  }
0x57: {  	[tilespmem:s16], [sflag:$0x1] =	stream.indirect_vreg.gather [hbm:s4], $0x80, v0, vm0, $0x38;
	[tilespmem:$0x19320] =	vst v63  }
0x58: {  	s16 =	sadd.s32 $0x400, s16  }
0x59: {  	[tilespmem:s16], [sflag:$0x1] =	stream.indirect_vreg.gather [hbm:s4], $0x80, v0, vm1, $0x38;
	[tilespmem:$0x19320] =	vst v63  }
0x5a: {  	s13 =	sshll.u32 s13, $0x4;
	_ =	swait.ge [sflag:s6], $0xC800  }
0x5b: {  	s13 =	sadd.s32 s13, s9;
	[sflag:s6] =	ssyncset.done $0x0  }
0x5c: {  	s17 =	sadd.s32 $0x0, s13;
	s16 =	simm.s32 $0x80;
	[sflag:s6] =	ssyncadd.s32 $0xFFFF3800  }
.LBB2_5:
0x5d: {  	[hbm:s17] =	stream.linear.scatter [tilespmem:s14], [sflag:$0x3], $0x400, $0x38;
	[tilespmem:$0x19320] =	vst v63  }
0x5e: {  	s17 =	smov.u32 s16;
	s14 =	smov.u32 s15;
	p1 =	sne.s32 s16, $0x1880  }
.Ltmp4:
0x5f: {  	s16 =	sadd.s32 $0x80, s16;
	(pc) =	sbr.rel @p1 .LBB2_5-.Ltmp4, $2  }
0x60: {  	_ =	sdelay $0x2  }
0x61: {  	s15 =	sadd.s32 $0x400, s15;
	s17 =	sadd.s32 s17, s13  }
.Ltmp5:
0x62: {  	_ = 	snop;
	(pc) =	sbr.rel .LBB2_6-.Ltmp5, $1  }
0x63: {  	_ =	sdelay $0x3  }
.LBB2_8:
0x64: {  	_ =	sfence.sel $0x180000  }
0x65: {  	s1 =	simm.s32 $0x2;
	[bflag:$0x0] =	sbarrier.arrive $0xFFFF  }
0x66: {  	s30 =	simm.s32 $0x3;
	[sflag:s1] =	ssyncpa.u1 $0x1  }
0x67: {  	s31 =	simm.s32 $0x1;
	[sflag:s30] =	ssyncpa.u1 $0x1  }
0x68: {  	[sflag:s31] =	ssyncpa.u1 $0x1  }
0x69: {  	p0 =	sne.s32 s0, $0x0;
	_ =	strace $0x9000004D  }
0x6a: {  	s0 =	sadd.s32 @!p0 $0x100000, s2;
	[bflag:$0x2] =	sbarrier.arrive $0xFFFF  }
0x6b: {  	[sflag:s0] =	ssyncadd.tile.s32 @!p0 $0x1;
	_ =	shalt  }
.Lfunc_end2:
_tile_overlayer_lowered:
.L_overlay_start_2:
0x6c: {  	(tag) =	ssettag $0x2  }
0x6d: {  	s0 =	rddreg [dreg:$0x0];
	s2 =	stileid.u32  }
0x6e: {  	s1 =	rddreg [dreg:$0x1];
	p0 =	sne.s32 s2, $0x0  }
0x6f: {  	s3 =	rddreg [dreg:$0x2];
	[bflag:$0x3] =	sbarrier.arrive $0xFFFF;
	s2 =	simm.s32 @!p0 $0x1C01  }
0x70: {  	[timem:s3], [sflag:s2] =	dma.local @!p0 [hbm:s0], s1  }
0x71: {  	s0 =	simm.s32 @!p0 $0x1  }
0x72: {  	_ =	swait.ge @!p0 [sflag:s0], s1  }
0x73: {  	s1 =	ssub.s32 @!p0 $0x0, s1;
	[sflag:s0] =	ssyncset.done @!p0 $0x0  }
0x74: {  	[sflag:s0] =	ssyncadd.s32 @!p0 s1  }
0x75: {  	[bflag:$0x3] =	sbarrier.arrive $0xFFFF  }
0x76: {  	_ =	shalt  }

// kernel: gather_offload_async_start
scs
__scs_entry_jumppad:
0x0: {  	(pc) =	sbr.rel $0x88, $3  }
0x1: {  	(tag) =	ssettag $0x0;
	lr =	simm.s32 $0x1  }
0x2: {  	[smem:$0x3F9F] =	sst lr;
	_ =	strace $0xD0000000  }
0x3: {  	_ = 	snop  }
0x4: {  	_ = 	snop  }
0x5: {  	_ = 	snop  }
0x6: {  	_ = 	snop  }
0x7: {  	_ = 	snop  }
__scs_overlays_trampoline_lowered:
0x8: {  	[smem:$0x3FAE] =	sst s0  }
0x9: {  	[smem:$0x3FAF] =	sst s1  }
0xa: {  	[smem:$0x3FB0] =	sst s2  }
0xb: {  	[smem:$0x3FB1] =	sst s3  }
0xc: {  	[smem:$0x3FB2] =	sst s4  }
0xd: {  	[smem:$0x3FB3] =	sst s5  }
0xe: {  	[smem:$0x3FB4] =	sst s6  }
0xf: {  	[smem:$0x3FB5] =	sst s7  }
0x10: {  	[smem:$0x3FB6] =	sst s8  }
0x11: {  	[smem:$0x3FB7] =	sst s9;
	s0 =	simm.s32 @!p0 $0x0  }
0x12: {  	s1 =	sld [smem:$0x3F9D];
	s0 =	simm.s32 @p0 $0x1  }
0x13: {  	[smem:$0x3FB8] =	sst s0;
	s0 =	simm.s32 @!p1 $0x0  }
0x14: {  	s2 =	sld [smem:$0x3F9C];
	s0 =	simm.s32 @p1 $0x1  }
0x15: {  	[smem:$0x3FB9] =	sst s0;
	s0 =	simm.s32 @!p2 $0x0  }
0x16: {  	s3 =	sld [smem:$0x3FDB];
	s0 =	simm.s32 @p2 $0x1  }
0x17: {  	s4 =	simm.s32 $0x1BF5;
	[smem:$0x3FBB] =	sst s0  }
0x18: {  	s0 =	sld [smem:$0x3F9E];
	_ =	swait.ge [sflag:s4], $0x0  }
0x19: {  	s7 =	sld [smem:$0x3F9F]  }
0x1a: {  	s8 =	sadd.s32 $0xFFFFE003, lr  }
0x1b: {  	s9 =	sadd.s32 $0xFFFFFEF7, lr;
	s5 =	simm.s32 $0xFFFFFFFF;
	p2 =	slt.u32 s8, $0xFFFFF086  }
0x1c: {  	p1 =	slt.u32 s9, $0xF7A;
	s5 =	simm.s32 @!p2 $0x0  }
0x1d: {  	s5 =	simm.s32 @p1 $0x1;
	p0 =	seq.s32 s7, s2  }
0x1e: {  	s7 =	smul.u32 @!p0 $0xF7A, s2;
	p2 =	seq.s32 @!p0 s5, $0x0  }
0x1f: {  	s9 =	smul.u32 $0xF7A, s1;
	s8 =	simm.s32 @!p0 $0x1BF5;
	p2 =	por !p2, p0  }
0x20: {  	[sflag:s8] =	ssyncset.s32 @!p0 $0xFFFFF086;
	s6 =	sadd.s32 @!p0 s3, s7;
	s7 =	simm.s32 @!p0 $0x108  }
0x21: {  	s3 =	sadd.s32 s3, s9;
	s6 =	sadd.s32 @!p0 $0x88, s6;
	s7 =	simm.s32 @p2 $0x1082  }
0x22: {  	[simem:s7], [sflag:s8] =	dma.local @!p0 [hbm:s6], $0xF7A  }
0x23: {  	s9 =	sor.u32 $0xD0000000, s2;
	s6 =	simm.s32 $0x108;
	_ =	swait.ge @!p0 [sflag:s8], $0x0  }
0x24: {  	s3 =	sadd.s32 $0x88, s3;
	s6 =	simm.s32 @!p1 $0x1082;
	[sflag:s4] =	ssyncset.s32 $0xFFFFF086  }
0x25: {  	[simem:s6], [sflag:s4] =	dma.local [hbm:s3], $0xF7A  }
0x26: {  	[smem:$0x3F9F] =	sst s1;
	(tag) =	ssettag s2;
	_ =	strace s9  }
0x27: {  	s1 =	sld [smem:$0x3FAF]  }
0x28: {  	s2 =	sld [smem:$0x3FB0]  }
0x29: {  	s4 =	sld [smem:$0x3FB2]  }
0x2a: {  	p0 =	seq.s32 s5, $0x0;
	s5 =	sld [smem:$0x3FB3]  }
0x2b: {  	s6 =	sld [smem:$0x3FB4]  }
0x2c: {  	s7 =	sld [smem:$0x3FB5]  }
0x2d: {  	s3 =	simm.s32 $0x108;
	s8 =	sld [smem:$0x3FB6]  }
0x2e: {  	s3 =	simm.s32 @!p0 $0x1082;
	s9 =	sld [smem:$0x3FB7]  }
0x2f: {  	lr =	sadd.s32 s0, s3;
	s0 =	sld [smem:$0x3FAE]  }
0x30: {  	s3 =	sld [smem:$0x3FB1]  }
0x31: {  	[smem:$0x3FBA] =	sst s10  }
0x32: {  	s10 =	sld [smem:$0x3FB8];
	_ =	sdelay $0x3  }
0x33: {  	p0 =	seq.s32 s10, $0x1;
	s10 =	sld [smem:$0x3FBA];
	_ =	sdelay $0x3  }
0x34: {  	[smem:$0x3FBA] =	sst s10  }
0x35: {  	s10 =	sld [smem:$0x3FB9];
	_ =	sdelay $0x3  }
0x36: {  	p1 =	seq.s32 s10, $0x1;
	s10 =	sld [smem:$0x3FBA];
	_ =	sdelay $0x3  }
0x37: {  	[smem:$0x3FBA] =	sst s10  }
0x38: {  	s10 =	sld [smem:$0x3FBB]  }
0x39: {  	_ = 	snop;
	(pc) =	sbr.ind lr, $3  }
0x3a: {  	_ = 	snop  }
0x3b: {  	_ = 	snop  }
0x3c: {  	p2 =	seq.s32 s10, $0x1;
	s10 =	sld [smem:$0x3FBA]  }
0x3d: {  	_ =	shalt  }
0x3e: {  	_ =	shalt  }
0x3f: {  	_ =	shalt  }
0x40: {  	_ =	shalt  }
0x41: {  	_ =	shalt  }
0x42: {  	_ =	shalt  }
0x43: {  	_ =	shalt  }
0x44: {  	_ =	shalt  }
0x45: {  	_ =	shalt  }
0x46: {  	_ =	shalt  }
0x47: {  	_ =	shalt  }
0x48: {  	_ =	shalt  }
0x49: {  	_ =	shalt  }
0x4a: {  	_ =	shalt  }
0x4b: {  	_ =	shalt  }
0x4c: {  	_ =	shalt  }
0x4d: {  	_ =	shalt  }
0x4e: {  	_ =	shalt  }
0x4f: {  	_ =	shalt  }
0x50: {  	_ =	shalt  }
0x51: {  	_ =	shalt  }
0x52: {  	_ =	shalt  }
0x53: {  	_ =	shalt  }
0x54: {  	_ =	shalt  }
0x55: {  	_ =	shalt  }
0x56: {  	_ =	shalt  }
0x57: {  	_ =	shalt  }
0x58: {  	_ =	shalt  }
0x59: {  	_ =	shalt  }
0x5a: {  	_ =	shalt  }
0x5b: {  	_ =	shalt  }
0x5c: {  	_ =	shalt  }
0x5d: {  	_ =	shalt  }
0x5e: {  	_ =	shalt  }
0x5f: {  	_ =	shalt  }
0x60: {  	_ =	shalt  }
0x61: {  	_ =	shalt  }
0x62: {  	_ =	shalt  }
0x63: {  	_ =	shalt  }
0x64: {  	_ =	shalt  }
0x65: {  	_ =	shalt  }
0x66: {  	_ =	shalt  }
0x67: {  	_ =	shalt  }
0x68: {  	_ =	shalt  }
0x69: {  	_ =	shalt  }
0x6a: {  	_ =	shalt  }
0x6b: {  	_ =	shalt  }
0x6c: {  	_ =	shalt  }
0x6d: {  	_ =	shalt  }
0x6e: {  	_ =	shalt  }
0x6f: {  	_ =	shalt  }
0x70: {  	_ =	shalt  }
0x71: {  	_ =	shalt  }
0x72: {  	_ =	shalt  }
0x73: {  	_ =	shalt  }
0x74: {  	_ =	shalt  }
0x75: {  	_ =	shalt  }
0x76: {  	_ =	shalt  }
0x77: {  	_ =	shalt  }
0x78: {  	_ =	shalt  }
0x79: {  	_ =	shalt  }
0x7a: {  	_ =	shalt  }
0x7b: {  	_ =	shalt  }
0x7c: {  	_ =	shalt  }
0x7d: {  	_ =	shalt  }
0x7e: {  	_ =	shalt  }
0x7f: {  	_ =	shalt  }
0x80: {  	_ =	shalt  }
0x81: {  	_ =	shalt  }
0x82: {  	_ =	shalt  }
0x83: {  	_ =	shalt  }
0x84: {  	_ =	shalt  }
0x85: {  	_ =	shalt  }
0x86: {  	_ =	shalt  }
0x87: {  	_ =	shalt  }
.Lfunc_end0:
.L_simem_size_0:
called_computation_lowered:
.L_overlay_start_0:
0x88: {  	s0 =	sld [smem:$0x3FD9]  }
0x89: {  	s1 =	sld [smem:$0x3FFE];
	_ =	sdelay $0x3  }
0x8a: {  	s0 =	sadd.s32 s1, s0  }
0x8b: {  	[smem:$0x3FC6] =	sst s0  }
0x8c: {  	_ = 	snop  }
0x8d: {  	(tm) =	ssettm $0x1  }
0x8e: {  	s15 =	sld [smem:$0x3FFB];
	_ =	sdelay $0x3  }
0x8f: {  	_ =	strace s15  }
0x90: {  	s0 =	sld [smem:$0x3FFC];
	_ =	sdelay $0x3  }
0x91: {  	_ =	strace s0  }
0x92: {  	s0 =	sld [smem:$0x3FFD];
	_ =	sdelay $0x3  }
0x93: {  	_ =	strace s0  }
0x94: {  	_ =	strace $0x8FFFFFFF  }
0x95: {  	s16 =	sld [smem:$0x3FDB];
	_ =	sdelay $0x1  }
0x96: {  	s17 =	simm.s32 $_scs_section_size  }
0x97: {  	s2 =	simm.s32 $_size__tile_overlayer_lowered;
	s3 =	simm.s32 $_tile_overlayer_lowered  }
0x98: {  	s20 =	simm.s32 $0x1BFF;
	s19 =	sshll.u32 s3, $0x1;
	s0 =	sadd.s32 s17, s16  }
0x99: {  	s4 =	simm.s32 $0x0;
	s18 =	sshll.u32 s2, $0x1;
	s2 =	sadd.s32 s19, s0  }
0x9a: {  	[timem:s4], [sflag:s20] =	dma.local [hbm:s2], s18  }
0x9b: {  	_ =	swait.ge [sflag:s20], s18  }
0x9c: {  	s1 =	ssub.s32 $0x0, s18;
	[sflag:s20] =	ssyncset.done $0x0  }
0x9d: {  	[sflag:s20] =	ssyncadd.s32 s1;
	_ =	sdelay $0x1  }
0x9e: {  	s21 =	simm.s32 $0x1B8B  }
0x9f: {  	_ =	swait.ge [sflag:s21], $0x1  }
0xa0: {  	[sflag:s21] =	ssyncset.done $0x0  }
0xa1: {  	s23 =	simm.s32 $0x1B8E;
	s22 =	sld [smem:$0x3FFE];
	[sflag:s21] =	ssyncadd.s32 $0xFFFFFFFF  }
0xa2: {  	s24 =	simm.s32 $execute0_lowered;
	[smem:$0x3FD2] =	sst s23  }
0xa3: {  	s2 =	sshll.u32 s24, $0x1;
	_ =	strace $0x80000049;
	[dreg:$0x1] =	wrdreg $0xFFFFFFFF  }
0xa4: {  	s25 =	simm.s32 $_size_execute0_lowered;
	s0 =	sadd.s32 s0, s2;
	[dreg:$0x0] =	wrdreg $0x0  }
0xa5: {  	s2 =	sshll.u32 s25, $0x1;
	[dreg:$0x2] =	wrdreg s0  }
0xa6: {  	[dreg:$0x3] =	wrdreg s2  }
0xa7: {  	[dreg:$0x4] =	wrdreg $0xC0  }
0xa8: {  	_ =	task [dreg:s4], $0x5FFFF  }
0xa9: {  	[dreg:$0x1] =	wrdreg $0xFFFFFFFF  }
0xaa: {  	[dreg:$0x0] =	wrdreg $0x60  }
0xab: {  	[dreg:$0x2] =	wrdreg s22  }
0xac: {  	[dreg:$0x3] =	wrdreg $0x9  }
0xad: {  	_ =	task.clear_ibuf [dreg:s4], $0x4FFFF;
	_ =	strace $0x90000049  }
0xae: {  	s26 =	simm.s32 $0x9;
	_ =	strace $0x8000004B  }
0xaf: {  	_ =	swait.ge [sflag:s26], $0x1  }
0xb0: {  	[sflag:s26] =	ssyncadd.s32 $0xFFFFFFFF  }
0xb1: {  	_ =	strace $0x9000004B  }
0xb2: {  	_ =	sfence  }
0xb3: {  	s28 =	sld [smem:$0x0];
	_ =	sdelay $0x1  }
0xb4: {  	s29 =	srdreg.scid  }
0xb5: {  	s30 =	sshll.u32 s29, $0xD;
	s31 =	sshrl.u32 s29, $0x2  }
0xb6: {  	s1 =	sand.u32 $0x1, s29;
	s2 =	sand.u32 $0x4000, s30;
	s0 =	sadd.s32 s31, s28  }
0xb7: {  	s1 =	sor.u32 s2, s1;
	s0 =	sshll.u32 s0, $0x11  }
0xb8: {  	s0 =	sor.u32 s0, s1  }
0xb9: {  	s0 =	sadd.s32 $0x8F2B, s0  }
0xba: {  	[sflag:s0] =	ssyncadd.remote.s32 $0x1  }
0xbb: {  	_ =	sfence.sel $0xFFFF  }
0xbc: {  	[dreg:$0x0] =	wrdreg $0xFFFFFFFF;
	(pc) =	sbr.abs _section_cstart, $3  }
0xbd: {  	[dreg:$0x1] =	wrdreg $0xFFFFFFFF  }
0xbe: {  	_ =	task.clear_ibuf [dreg:s4], $0x2FFFF;
	_ =	strace $0x9FFFFFFF  }
0xbf: {  	(tm) =	ssettm $0x7FFFFFFF  }
tec
execute0_lowered:
.L_overlay_start_1:
0x0: {  	(tag) =	ssettag $0x1  }
0x1: {  	s0 =	stileid.u32;
	s3 =	simm.s32 $0x600;
	s6 =	rddreg [dreg:$0x0]  }
0x2: {  	s7 =	simm.s32 $0x1;
	s8 =	simm.s32 $0x3;
	s10 =	simm.s32 $0x4  }
0x3: {  	s11 =	simm.s32 $0x0;
	s12 =	simm.s32 $0xFFFFF800;
	s1 =	smin.u32 s0, $0x8  }
0x4: {  	s2 =	sshll.u32 s0, $0xA;
	p0 =	slt.u32 s0, $0x8;
	s1 =	sshll.u32 s1, $0x9  }
0x5: {  	s13 =	simm.s32 $0xFFFFFE00;
	s3 =	simm.s32 @!p0 $0x400;
	s2 =	sadd.s32 s2, s1  }
0x6: {  	s14 =	simm.s32 $0xFFFFFFFF;
	s18 =	simm.s32 $0x0;
	s3 =	sadd.s32 s3, s2  }
0x7: {  	s15 =	simm.s32 $0x0;
	s17 =	simm.s32 $0x0;
	s3 =	smin.u32 s3, $0x4E20  }
0x8: {  	s4 =	sadd.s32 $0x4E200, s6;
	s1 =	rddreg [dreg:$0x1];
	s9 =	ssub.s32 s3, s2  }
.Ltmp0:
0x9: {  	_ =	strace $0x8000004A;
	p0 =	sgt.s32 s9, $0x0;
	(pc) =	sbr.rel .LBB2_1-.Ltmp0, $4  }
0xa: {  	[sflag:s7] =	ssyncpa.u1 $0x0;
	s7 =	simm.s32 $0x2;
	s9 =	simm.s32 @!p0 $0x0  }
0xb: {  	s5 =	sadd.s32 $0x4E600, s6;
	[sflag:s7] =	ssyncpa.u1 $0x0;
	s9 =	sadd.s32 $0x1FF, s9  }
0xc: {  	s6 =	sadd.s32 $0x4F000, s6;
	[sflag:s8] =	ssyncpa.u1 $0x0;
	s9 =	sshrl.u32 s9, $0x9  }
0xd: {  	v0 =	vlaneseq.u32;
	vm0 =	vmmov $0xffff;
	s16 =	smov.u32 s2;
	[sflag:s10] =	ssyncpa.u1 $0x0;
	s10 =	sadd.s32 $0x2, s9  }
.LBB2_7:
0xe: {  	p0 =	slt.u32 s17, $0x3  }
0xf: {  	s18 =	simm.s32 @!p0 $0x4  }
0x10: {  	_ =	swait.ge @!p0 [sflag:s18], $0x80  }
0x11: {  	s19 =	sadd.s32 $0x200, s16;
	[sflag:s18] =	ssyncset.done @!p0 $0x0  }
0x12: {  	s20 =	smov.u32 s2;
	[sflag:s18] =	ssyncadd.s32 @!p0 $0xFFFFFF80;
	p0 =	slt.s32 s19, s3  }
0x13: {  	s20 =	smov.u32 @p0 s19;
	p0 =	sne.s32 s17, s10  }
.Ltmp1:
0x14: {  	_ = 	snop;
	(pc) =	sbr.rel @!p0 .LBB2_8-.Ltmp1, $4  }
0x15: {  	_ = 	snop  }
0x16: {  	s31 =	sadd.s32 $0x1, s17;
	s12 =	sadd.s32 $0x800, s12  }
0x17: {  	s13 =	sadd.s32 $0x200, s13;
	s14 =	sadd.s32 $0x1, s14;
	s18 =	smov.u32 s15  }
0x18: {  	s15 =	smov.u32 s16;
	s17 =	smov.u32 s31;
	s16 =	smov.u32 s20  }
.LBB2_1:
0x19: {  	p0 =	sge.u32 s17, s9  }
0x1a: {  	s19 =	smulhi.u32 @!p0 $0xAAAAAAAB, s17;
	_ =	sdelay $0x1  }
0x1b: {  	s19 =	sshrl.u32 @!p0 s19, $0x1  }
0x1c: {  	s19 =	smul.u32 @!p0 $0x3, s19;
	_ =	sdelay $0x1  }
0x1d: {  	s31 =	sadd.s32 $0xFFFFFFFF, s17;
	s20 =	sshrl.u32 @!p0 s16, $0x3;
	s19 =	ssub.s32 @!p0 s17, s19  }
0x1e: {  	s21 =	sand.u32 @!p0 $0x7, s16;
	s20 =	sadd.s32 @!p0 s5, s20;
	s19 =	sshll.u32 @!p0 s19, $0x9  }
0x1f: {  	[tilespmem:s19], [sflag:$0x2] =	stream.linear.gather @!p0 [hbm4b:s20+s21], $0x200, $0x38;
	[tilespmem:$0xB00] =	vst v63  }
0x20: {  	p0 =	sge.u32 s31, s9  }
.Ltmp2:
0x21: {  	_ = 	snop;
	(pc) =	sbr.rel @p0 .LBB2_5-.Ltmp2, $1  }
0x22: {  	_ =	sdelay $0x3  }
0x23: {  	s19 =	smulhi.u32 $0xAAAAAAAB, s14;
	_ =	sdelay $0x1  }
0x24: {  	s19 =	sshrl.u32 s19, $0x1  }
0x25: {  	s19 =	smul.u32 $0xFFFFE800, s19;
	_ =	sdelay $0x1  }
0x26: {  	_ =	swait.ge [sflag:s7], $0x200;
	s19 =	sshra.s32 s19, $0x2  }
0x27: {  	[sflag:s7] =	ssyncset.done $0x0;
	s20 =	sadd.s32 s19, s13  }
0x28: {  	[sflag:s7] =	ssyncadd.s32 $0xFFFFFE00;
	(ifvalue) =	ssetifvalue $0x7FFFFFFF;
	s19 =	ssub.s32 $0x4E20, s15;
	v1 =	vld.msk [tilespmem:s20+$0x0 ss:$0x1], $0xffff  }
0x29: {  	p0 =	slt.s32 s19, $0x200  }
0x2a: {  	s19 =	simm.s32 @!p0 $0x200  }
0x2b: {  	p0 =	sgt.s32 s19, $0x0  }
0x2c: {  	s25 =	sadd.s32 $0x10, s20;
	s21 =	sadd.s32 $0xFFFFFFF0, s19;
	s19 =	simm.s32 @!p0 $0x0  }
0x2d: {  	v2 =	vld.msk [tilespmem:s25+$0x0 ss:$0x1], $0xffff;
	p0 =	sgt.s32 s21, $0x0;
	s19 =	smin.u32 s19, $0x10;
	vm1 =	veq.s32 v1, $0x80000000;
	v3 =	vand.u32 $0x3, v1  }
0x2e: {  	s22 =	sadd.s32 $0xFFFFFFF0, s21;
	s21 =	simm.s32 @!p0 $0x0;
	v4 =	vmov s19;
	v3 =	vsel vm1, $0xFFFFFFFF, v3  }
0x2f: {  	v1 =	vand.u32 $0x7FFC, v1;
	s31 =	smin.u32 s21, $0x10;
	vm2 =	vgt.u32 v4, v0;
	v4 =	vshrl.u32 v3, $0x2  }
0x30: {  	v1 =	vsel vm1, $0xFFFFFFFC, v1;
	v5 =	vmov s31;
	v4 =	vmul.u32 $0x5000, v4  }
0x31: {  	v6 =	vand.u32 $0xFFFFFE00, v1;
	vm3 =	vgt.u32 v5, v0;
	vm1 =	vmmov vm2  }
0x32: {  	s19 =	sadd.s32 $0x10, s25;
	v5 =	vand.u32 $0x7FFC, v2;
	v1 =	vand.u32 $0x1FC, v1;
	v4 =	vadd.s32 v6, v4  }
0x33: {  	p0 =	sgt.s32 s22, $0x0;
	s21 =	smov.u32 s22;
	vm2 =	veq.s32 v2, $0x80000000;
	v2 =	vand.u32 $0x3, v2;
	v6 =	vld.msk [tilespmem:s19+$0x0 ss:$0x1], $0xffff;
	v1 =	vor.u32 v1, v4  }
0x34: {  	s21 =	simm.s32 @!p0 $0x0;
	v3 =	vand.u32 $0x3, v3;
	v2 =	vsel vm2, $0xFFFFFFFF, v2;
	v1 =	vshrl.u32 v1, $0x2  }
0x35: {  	s23 =	sshrl.u32 s12, $0x2;
	s26 =	sadd.s32 $0xFFFFFFF0, s22;
	s21 =	smin.u32 s21, $0x10;
	v4 =	vsel vm2, $0xFFFFFFFC, v5;
	v5 =	vshrl.u32 v2, $0x2;
	v1 =	vnsel vm1, $0x7FFFFFFF, v1  }
0x36: {  	s24 =	sand.u32 $0x200, s23;
	s23 =	smov.u32 s26;
	[tilespmem:s20+$0x0] =	vst v3;
	v3 =	vmov s21;
	v2 =	vand.u32 $0x3, v2;
	v5 =	vmul.u32 $0x5000, v5  }
0x37: {  	s22 =	sadd.s32 $0x600, s24;
	s24 =	simm.s32 $0x30;
	p0 =	sgt.s32 s26, $0x0;
	vm2 =	vmmov vm3;
	v7 =	vand.u32 $0xFFFFFE00, v4;
	v4 =	vand.u32 $0x1FC, v4  }
0x38: {  	s23 =	simm.s32 @!p0 $0x0;
	s20 =	sadd.s32 $0x10, s19;
	(ifvalue) =	ssetifvalue $0x7FFFFFFF;
	vm1 =	vgt.u32 v3, v0;
	v7 =	vadd.s32 v7, v5;
	v3 =	vand.u32 $0x7FFC, v6  }
0x39: {  	s21 =	sadd.s32 $0x10, s22;
	[tilespmem:s25+$0x0] =	vst v2;
	v2 =	vld.msk [tilespmem:s20+$0x0 ss:$0x1], $0xffff;
	(ifvalue) =	ssetifvalue $0x7FFFFFFF;
	s25 =	sadd.s32 $0xFFFFFFF0, s26;
	vm3 =	veq.s32 v6, $0x80000000;
	v5 =	vand.u32 $0x3, v6;
	v4 =	vor.u32 v4, v7  }
.LBB2_3:
0x3a: {  	[tilespmem:s22], [sflag:$0x3] =	stream.indirect_vreg.gather [hbm4b:s4+s11], $0x1, v1, vm0, $0x4038;
	[tilespmem:$0xB00] =	vst v63  }
0x3b: {  	p0 =	sgt.s32 s25, $0x0  }
0x3c: {  	s22 =	smin.u32 s23, $0x10;
	s23 =	smov.u32 s25;
	s24 =	sadd.s32 $0x10, s24  }
0x3d: {  	v5 =	vsel vm3, $0xFFFFFFFF, v5;
	v6 =	vsel vm3, $0xFFFFFFFC, v3;
	v3 =	vshrl.u32 v4, $0x2;
	s23 =	simm.s32 @!p0 $0x0;
	p0 =	slt.u32 s24, $0x1F0  }
.Ltmp3:
0x3e: {  	v4 =	vshrl.u32 v5, $0x2;
	v7 =	vand.u32 $0xFFFFFE00, v6;
	v1 =	vnsel vm2, $0x7FFFFFFF, v3;
	(pc) =	sbr.rel @p0 .LBB2_3-.Ltmp3, $4  }
0x3f: {  	v3 =	vmov s22;
	v8 =	vand.u32 $0x3, v5;
	s22 =	smov.u32 s21;
	v4 =	vmul.u32 $0x5000, v4  }
0x40: {  	vm2 =	vmmov vm1;
	vm1 =	vgt.u32 v3, v0;
	[tilespmem:s19+$0x0] =	vst v8;
	s19 =	smov.u32 s20;
	s20 =	sadd.s32 $0x10, s20  }
0x41: {  	v6 =	vand.u32 $0x1FC, v6;
	v3 =	vand.u32 $0x7FFC, v2;
	v5 =	vmovc v2;
	v4 =	vadd.s32 v7, v4;
	(ifvalue) =	ssetifvalue $0x7FFFFFFF;
	v2 =	vld.msk [tilespmem:s20+$0x0 ss:$0x1], $0xffff  }
0x42: {  	s25 =	sadd.s32 $0xFFFFFFF0, s25;
	s21 =	sadd.s32 $0x10, s21;
	vm3 =	veq.s32 v5, $0x80000000;
	v5 =	vand.u32 $0x3, v5;
	v4 =	vor.u32 v6, v4  }
0x43: {  	_ = 	snop  }
0x44: {  	v5 =	vsel vm3, $0xFFFFFFFF, v5;
	v3 =	vsel vm3, $0xFFFFFFFC, v3  }
0x45: {  	v4 =	vshrl.u32 v4, $0x2;
	s23 =	smin.u32 s23, $0x10;
	vm1 =	vmmov vm1;
	v6 =	vshrl.u32 v5, $0x2  }
0x46: {  	v8 =	vmov s23;
	vm3 =	veq.s32 v2, $0x80000000;
	v7 =	vand.u32 $0x3, v2  }
0x47: {  	v61 =	vand.u32 $0xFFFFFE00, v3;
	v6 =	vmul.u32 $0x5000, v6;
	v7 =	vsel vm3, $0xFFFFFFFF, v7  }
0x48: {  	v3 =	vand.u32 $0x1FC, v3;
	v2 =	vand.u32 $0x7FFC, v2;
	v9 =	vshrl.u32 v7, $0x2  }
0x49: {  	v2 =	vsel vm3, $0xFFFFFFFC, v2;
	v6 =	vadd.s32 v61, v6;
	v9 =	vmul.u32 $0x5000, v9  }
0x4a: {  	v4 =	vnsel vm2, $0x7FFFFFFF, v4;
	v62 =	vand.u32 $0xFFFFFE00, v2;
	v3 =	vor.u32 v3, v6  }
0x4b: {  	v2 =	vand.u32 $0x1FC, v2;
	v3 =	vshrl.u32 v3, $0x2;
	v63 =	vadd.s32 v62, v9  }
0x4c: {  	vm3 =	vgt.u32 v8, v0;
	v3 =	vnsel vm1, $0x7FFFFFFF, v3;
	v2 =	vor.u32 v2, v63  }
0x4d: {  	[tilespmem:s22], [sflag:$0x3] =	stream.indirect_vreg.gather [hbm4b:s4+s11], $0x1, v1, vm0, $0x4038;
	v5 =	vand.u32 $0x3, v5;
	vm1 =	vmmov vm3;
	v1 =	vshrl.u32 v2, $0x2;
	[tilespmem:$0xB00] =	vst v63  }
0x4e: {  	[tilespmem:s19+$0x0] =	vst v5;
	(ifvalue) =	ssetifvalue $0x7FFFFFFF;
	v1 =	vnsel vm1, $0x7FFFFFFF, v1  }
0x4f: {  	[tilespmem:s21], [sflag:$0x3] =	stream.indirect_vreg.gather [hbm4b:s4+s11], $0x1, v4, vm0, $0x4038;
	v2 =	vand.u32 $0x3, v7;
	[tilespmem:$0xB00] =	vst v63  }
0x50: {  	s31 =	sadd.s32 $0x10, s21;
	[tilespmem:s20+$0x0] =	vst v2;
	(ifvalue) =	ssetifvalue $0x7FFFFFFF  }
0x51: {  	[tilespmem:s31], [sflag:$0x3] =	stream.indirect_vreg.gather [hbm4b:s4+s11], $0x1, v3, vm0, $0x4038;
	[tilespmem:$0xB00] =	vst v63  }
0x52: {  	s19 =	sadd.s32 $0x10, s31  }
0x53: {  	[tilespmem:s19], [sflag:$0x3] =	stream.indirect_vreg.gather [hbm4b:s4+s11], $0x1, v1, vm0, $0x4038;
	[tilespmem:$0xB00] =	vst v63  }
.LBB2_5:
0x54: {  	p0 =	slt.u32 s17, $0x2  }
0x55: {  	p1 =	sge.u32 @!p0 s17, s10  }
0x56: {  	p0 =	por p0, p1  }
.Ltmp4:
0x57: {  	_ = 	snop;
	(pc) =	sbr.rel @p0 .LBB2_7-.Ltmp4, $1  }
0x58: {  	_ =	sdelay $0x3  }
0x59: {  	s19 =	sadd.s32 $0xFFFFFFFE, s17  }
0x5a: {  	s20 =	smulhi.u32 $0xAAAAAAAB, s19  }
0x5b: {  	_ =	swait.ge [sflag:s8], $0x200  }
0x5c: {  	s21 =	sand.u32 $0x1, s17;
	[sflag:s8] =	ssyncset.done $0x0;
	s20 =	sshrl.u32 s20, $0x1  }
0x5d: {  	s28 =	sshll.u32 s21, $0x9;
	[sflag:s8] =	ssyncadd.s32 $0xFFFFFE00;
	s20 =	smul.u32 $0x3, s20  }
0x5e: {  	v1 =	vld [tilespmem:s28+$0x600]  }
0x5f: {  	v3 =	vld [tilespmem:s28+$0x680];
	s20 =	ssub.s32 s19, s20  }
0x60: {  	v6 =	vld [tilespmem:s28+$0x700];
	s20 =	sshll.u32 s20, $0x9  }
0x61: {  	v2 =	vld [tilespmem:s20+$0x0]  }
0x62: {  	v4 =	vld [tilespmem:s20+$0x80]  }
0x63: {  	v5 =	vld [tilespmem:s20+$0x100]  }
0x64: {  	v7 =	vld [tilespmem:s20+$0x180];
	_ =	sdelay $0x1  }
0x65: {  	v8 =	vld [tilespmem:s28+$0x780]  }
0x66: {  	v2 =	vshll.u32 v2, $0x3;
	v4 =	vshll.u32 v4, $0x3  }
0x67: {  	v1 =	vshrl.u32 v1, v2;
	v2 =	vshrl.u32 v3, v4;
	v3 =	vshll.u32 v5, $0x3  }
0x68: {  	v21 =	vshll.u32 v7, $0x3;
	v2 =	vshll.u32 v2, $0x8;
	v3 =	vshrl.u32 v6, v3  }
0x69: {  	v1 =	vand.u32 $0xFF, v1;
	v2 =	vand.u32 $0xFF00, v2;
	v3 =	vshll.u32 v3, $0x10  }
0x6a: {  	v1 =	vor.u32 v1, v2;
	v2 =	vand.u32 $0xFF0000, v3;
	v3 =	vshrl.u32 v8, v21  }
0x6b: {  	v1 =	vor.u32 v2, v1;
	v2 =	vshll.u32 v3, $0x18  }
0x6c: {  	s21 =	sshll.u32 s21, $0x7;
	v1 =	vor.u32 v2, v1  }
0x6d: {  	[tilespmem:s21+$0xA00] =	vst v1  }
0x6e: {  	v1 =	vld [tilespmem:s28+$0x610]  }
0x6f: {  	v2 =	vld [tilespmem:s20+$0x10]  }
0x70: {  	v3 =	vld [tilespmem:s28+$0x690]  }
0x71: {  	v22 =	vld [tilespmem:s20+$0x90]  }
0x72: {  	v23 =	vld [tilespmem:s20+$0x110]  }
0x73: {  	v24 =	vld [tilespmem:s28+$0x710]  }
0x74: {  	v25 =	vld [tilespmem:s20+$0x190];
	_ =	sdelay $0x1  }
0x75: {  	v26 =	vld [tilespmem:s28+$0x790]  }
0x76: {  	v2 =	vshll.u32 v2, $0x3;
	v4 =	vshll.u32 v22, $0x3  }
0x77: {  	v1 =	vshrl.u32 v1, v2;
	v2 =	vshrl.u32 v3, v4;
	v3 =	vshll.u32 v23, $0x3  }
0x78: {  	v27 =	vshll.u32 v25, $0x3;
	v2 =	vshll.u32 v2, $0x8;
	v3 =	vshrl.u32 v24, v3  }
0x79: {  	v1 =	vand.u32 $0xFF, v1;
	v2 =	vand.u32 $0xFF00, v2;
	v3 =	vshll.u32 v3, $0x10  }
0x7a: {  	v1 =	vor.u32 v1, v2;
	v2 =	vand.u32 $0xFF0000, v3;
	v3 =	vshrl.u32 v26, v27  }
0x7b: {  	v1 =	vor.u32 v2, v1;
	v2 =	vshll.u32 v3, $0x18  }
0x7c: {  	v1 =	vor.u32 v2, v1  }
0x7d: {  	[tilespmem:s21+$0xA10] =	vst v1  }
0x7e: {  	v1 =	vld [tilespmem:s28+$0x620]  }
0x7f: {  	v2 =	vld [tilespmem:s20+$0x20]  }
0x80: {  	v3 =	vld [tilespmem:s28+$0x6A0]  }
0x81: {  	v28 =	vld [tilespmem:s20+$0xA0]  }
0x82: {  	v29 =	vld [tilespmem:s20+$0x120]  }
0x83: {  	v30 =	vld [tilespmem:s28+$0x720]  }
0x84: {  	v31 =	vld [tilespmem:s20+$0x1A0];
	_ =	sdelay $0x1  }
0x85: {  	v32 =	vld [tilespmem:s28+$0x7A0]  }
0x86: {  	v2 =	vshll.u32 v2, $0x3;
	v4 =	vshll.u32 v28, $0x3  }
0x87: {  	v1 =	vshrl.u32 v1, v2;
	v2 =	vshrl.u32 v3, v4;
	v3 =	vshll.u32 v29, $0x3  }
0x88: {  	v33 =	vshll.u32 v31, $0x3;
	v2 =	vshll.u32 v2, $0x8;
	v3 =	vshrl.u32 v30, v3  }
0x89: {  	v1 =	vand.u32 $0xFF, v1;
	v2 =	vand.u32 $0xFF00, v2;
	v3 =	vshll.u32 v3, $0x10  }
0x8a: {  	v1 =	vor.u32 v1, v2;
	v2 =	vand.u32 $0xFF0000, v3;
	v3 =	vshrl.u32 v32, v33  }
0x8b: {  	v1 =	vor.u32 v2, v1;
	v2 =	vshll.u32 v3, $0x18  }
0x8c: {  	v1 =	vor.u32 v2, v1  }
0x8d: {  	[tilespmem:s21+$0xA20] =	vst v1  }
0x8e: {  	v1 =	vld [tilespmem:s28+$0x630]  }
0x8f: {  	v2 =	vld [tilespmem:s20+$0x30]  }
0x90: {  	v3 =	vld [tilespmem:s28+$0x6B0]  }
0x91: {  	v34 =	vld [tilespmem:s20+$0xB0]  }
0x92: {  	v35 =	vld [tilespmem:s20+$0x130]  }
0x93: {  	v36 =	vld [tilespmem:s28+$0x730]  }
0x94: {  	v37 =	vld [tilespmem:s20+$0x1B0];
	_ =	sdelay $0x1  }
0x95: {  	v38 =	vld [tilespmem:s28+$0x7B0]  }
0x96: {  	v2 =	vshll.u32 v2, $0x3;
	v4 =	vshll.u32 v34, $0x3  }
0x97: {  	v1 =	vshrl.u32 v1, v2;
	v2 =	vshrl.u32 v3, v4;
	v3 =	vshll.u32 v35, $0x3  }
0x98: {  	v39 =	vshll.u32 v37, $0x3;
	v2 =	vshll.u32 v2, $0x8;
	v3 =	vshrl.u32 v36, v3  }
0x99: {  	v1 =	vand.u32 $0xFF, v1;
	v2 =	vand.u32 $0xFF00, v2;
	v3 =	vshll.u32 v3, $0x10  }
0x9a: {  	v1 =	vor.u32 v1, v2;
	v2 =	vand.u32 $0xFF0000, v3;
	v3 =	vshrl.u32 v38, v39  }
0x9b: {  	v1 =	vor.u32 v2, v1;
	v2 =	vshll.u32 v3, $0x18  }
0x9c: {  	v1 =	vor.u32 v2, v1  }
0x9d: {  	[tilespmem:s21+$0xA30] =	vst v1  }
0x9e: {  	v1 =	vld [tilespmem:s28+$0x640]  }
0x9f: {  	v2 =	vld [tilespmem:s20+$0x40]  }
0xa0: {  	v3 =	vld [tilespmem:s28+$0x6C0]  }
0xa1: {  	v40 =	vld [tilespmem:s20+$0xC0]  }
0xa2: {  	v41 =	vld [tilespmem:s20+$0x140]  }
0xa3: {  	v42 =	vld [tilespmem:s28+$0x740]  }
0xa4: {  	v43 =	vld [tilespmem:s20+$0x1C0];
	_ =	sdelay $0x1  }
0xa5: {  	v44 =	vld [tilespmem:s28+$0x7C0]  }
0xa6: {  	v2 =	vshll.u32 v2, $0x3;
	v4 =	vshll.u32 v40, $0x3  }
0xa7: {  	v1 =	vshrl.u32 v1, v2;
	v2 =	vshrl.u32 v3, v4;
	v3 =	vshll.u32 v41, $0x3  }
0xa8: {  	v45 =	vshll.u32 v43, $0x3;
	v2 =	vshll.u32 v2, $0x8;
	v3 =	vshrl.u32 v42, v3  }
0xa9: {  	v1 =	vand.u32 $0xFF, v1;
	v2 =	vand.u32 $0xFF00, v2;
	v3 =	vshll.u32 v3, $0x10  }
0xaa: {  	v1 =	vor.u32 v1, v2;
	v2 =	vand.u32 $0xFF0000, v3;
	v3 =	vshrl.u32 v44, v45  }
0xab: {  	v1 =	vor.u32 v2, v1;
	v2 =	vshll.u32 v3, $0x18  }
0xac: {  	v1 =	vor.u32 v2, v1  }
0xad: {  	[tilespmem:s21+$0xA40] =	vst v1  }
0xae: {  	v1 =	vld [tilespmem:s28+$0x650]  }
0xaf: {  	v2 =	vld [tilespmem:s20+$0x50]  }
0xb0: {  	v3 =	vld [tilespmem:s28+$0x6D0]  }
0xb1: {  	v46 =	vld [tilespmem:s20+$0xD0]  }
0xb2: {  	v47 =	vld [tilespmem:s20+$0x150]  }
0xb3: {  	v48 =	vld [tilespmem:s28+$0x750]  }
0xb4: {  	v49 =	vld [tilespmem:s20+$0x1D0];
	_ =	sdelay $0x1  }
0xb5: {  	v50 =	vld [tilespmem:s28+$0x7D0]  }
0xb6: {  	v2 =	vshll.u32 v2, $0x3;
	v4 =	vshll.u32 v46, $0x3  }
0xb7: {  	v1 =	vshrl.u32 v1, v2;
	v2 =	vshrl.u32 v3, v4;
	v3 =	vshll.u32 v47, $0x3  }
0xb8: {  	v51 =	vshll.u32 v49, $0x3;
	v2 =	vshll.u32 v2, $0x8;
	v3 =	vshrl.u32 v48, v3  }
0xb9: {  	v1 =	vand.u32 $0xFF, v1;
	v2 =	vand.u32 $0xFF00, v2;
	v3 =	vshll.u32 v3, $0x10  }
0xba: {  	v1 =	vor.u32 v1, v2;
	v2 =	vand.u32 $0xFF0000, v3;
	v3 =	vshrl.u32 v50, v51  }
0xbb: {  	v1 =	vor.u32 v2, v1;
	v2 =	vshll.u32 v3, $0x18  }
0xbc: {  	v1 =	vor.u32 v2, v1  }
0xbd: {  	[tilespmem:s21+$0xA50] =	vst v1  }
0xbe: {  	v1 =	vld [tilespmem:s28+$0x660]  }
0xbf: {  	v2 =	vld [tilespmem:s20+$0x60]  }
0xc0: {  	v3 =	vld [tilespmem:s28+$0x6E0]  }
0xc1: {  	v52 =	vld [tilespmem:s20+$0xE0]  }
0xc2: {  	v53 =	vld [tilespmem:s20+$0x160]  }
0xc3: {  	v54 =	vld [tilespmem:s28+$0x760]  }
0xc4: {  	v55 =	vld [tilespmem:s20+$0x1E0];
	_ =	sdelay $0x1  }
0xc5: {  	v56 =	vld [tilespmem:s28+$0x7E0]  }
0xc6: {  	v2 =	vshll.u32 v2, $0x3;
	v4 =	vshll.u32 v52, $0x3  }
0xc7: {  	v1 =	vshrl.u32 v1, v2;
	v2 =	vshrl.u32 v3, v4;
	v3 =	vshll.u32 v53, $0x3  }
0xc8: {  	v57 =	vshll.u32 v55, $0x3;
	v2 =	vshll.u32 v2, $0x8;
	v3 =	vshrl.u32 v54, v3  }
0xc9: {  	v1 =	vand.u32 $0xFF, v1;
	v2 =	vand.u32 $0xFF00, v2;
	v3 =	vshll.u32 v3, $0x10  }
0xca: {  	v1 =	vor.u32 v1, v2;
	v2 =	vand.u32 $0xFF0000, v3;
	v3 =	vshrl.u32 v56, v57  }
0xcb: {  	v1 =	vor.u32 v2, v1;
	v2 =	vshll.u32 v3, $0x18  }
0xcc: {  	v1 =	vor.u32 v2, v1  }
0xcd: {  	[tilespmem:s21+$0xA60] =	vst v1  }
0xce: {  	v1 =	vld [tilespmem:s28+$0x670]  }
0xcf: {  	v2 =	vld [tilespmem:s20+$0x70]  }
0xd0: {  	v3 =	vld [tilespmem:s28+$0x6F0]  }
0xd1: {  	v58 =	vld [tilespmem:s20+$0xF0]  }
0xd2: {  	v59 =	vld [tilespmem:s20+$0x170]  }
0xd3: {  	v60 =	vld [tilespmem:s28+$0x770]  }
0xd4: {  	v61 =	vld [tilespmem:s20+$0x1F0];
	_ =	sdelay $0x1  }
0xd5: {  	v62 =	vld [tilespmem:s28+$0x7F0]  }
0xd6: {  	v2 =	vshll.u32 v2, $0x3;
	v4 =	vshll.u32 v58, $0x3  }
0xd7: {  	v1 =	vshrl.u32 v1, v2;
	v2 =	vshrl.u32 v3, v4;
	v3 =	vshll.u32 v59, $0x3  }
0xd8: {  	v63 =	vshll.u32 v61, $0x3;
	v3 =	vshrl.u32 v60, v3;
	v2 =	vshll.u32 v2, $0x8  }
0xd9: {  	v1 =	vand.u32 $0xFF, v1;
	v2 =	vand.u32 $0xFF00, v2;
	v3 =	vshll.u32 v3, $0x10  }
.Ltmp5:
0xda: {  	v1 =	vor.u32 v1, v2;
	v2 =	vshrl.u32 v62, v63;
	v3 =	vand.u32 $0xFF0000, v3;
	(pc) =	sbr.rel .LBB2_7-.Ltmp5, $4  }
0xdb: {  	v1 =	vor.u32 v3, v1;
	v2 =	vshll.u32 v2, $0x18  }
0xdc: {  	s29 =	sshrl.u32 s18, $0x2;
	s30 =	sshrl.u32 s18, $0x5;
	v1 =	vor.u32 v2, v1  }
0xdd: {  	s18 =	sadd.s32 s30, s6;
	s31 =	sor.u32 $0xA00, s21;
	s19 =	sand.u32 $0x7, s29;
	[tilespmem:s21+$0xA70] =	vst v1  }
0xde: {  	[hbm4b:s18+s19] =	stream.linear.scatter [tilespmem:s31], [sflag:$0x4], $0x80, $0x38;
	[tilespmem:$0xB00] =	vst v63  }
.LBB2_8:
0xdf: {  	_ =	sfence.sel $0x180000  }
0xe0: {  	s2 =	simm.s32 $0x2;
	[bflag:$0x0] =	sbarrier.arrive $0xFFFF  }
0xe1: {  	s29 =	simm.s32 $0x3;
	[sflag:s2] =	ssyncpa.u1 $0x1  }
0xe2: {  	s30 =	simm.s32 $0x4;
	[sflag:s29] =	ssyncpa.u1 $0x1  }
0xe3: {  	s31 =	simm.s32 $0x1;
	[sflag:s30] =	ssyncpa.u1 $0x1  }
0xe4: {  	[sflag:s31] =	ssyncpa.u1 $0x1  }
0xe5: {  	p0 =	sne.s32 s0, $0x0;
	_ =	strace $0x9000004A  }
0xe6: {  	s0 =	sadd.s32 @!p0 $0x100000, s1;
	[bflag:$0x2] =	sbarrier.arrive $0xFFFF  }
0xe7: {  	[sflag:s0] =	ssyncadd.tile.s32 @!p0 $0x1;
	_ =	shalt  }
.Lfunc_end2:
_tile_overlayer_lowered:
.L_overlay_start_2:
0xe8: {  	(tag) =	ssettag $0x2  }
0xe9: {  	s0 =	rddreg [dreg:$0x0];
	s2 =	stileid.u32  }
0xea: {  	s1 =	rddreg [dreg:$0x1];
	p0 =	sne.s32 s2, $0x0  }
0xeb: {  	s3 =	rddreg [dreg:$0x2];
	[bflag:$0x3] =	sbarrier.arrive $0xFFFF;
	s2 =	simm.s32 @!p0 $0x1C01  }
0xec: {  	[timem:s3], [sflag:s2] =	dma.local @!p0 [hbm:s0], s1  }
0xed: {  	s0 =	simm.s32 @!p0 $0x1  }
0xee: {  	_ =	swait.ge @!p0 [sflag:s0], s1  }
0xef: {  	s1 =	ssub.s32 @!p0 $0x0, s1;
	[sflag:s0] =	ssyncset.done @!p0 $0x0  }
0xf0: {  	[sflag:s0] =	ssyncadd.s32 @!p0 s1  }
0xf1: {  	[bflag:$0x3] =	sbarrier.arrive $0xFFFF  }
0xf2: {  	_ =	shalt  }

</sc_bundles>
